<compile_context>
chip_gen: v7x
topology: tpu7x:2x2x1
jax: 0.10.2.dev20260603
libtpu: 0.0.44.dev20260713+nightly
codegen_flags: <defaults>
</compile_context>

<pallas_src>
import jax
import jax.numpy as jnp
from jax import lax
from jax.experimental import pallas as pl
from jax.experimental.pallas import tpu as pltpu
from jax.experimental.pallas import tpu_sc as plsc

N_NODES = 10000
N_EDGES = 320000
D_FEAT = 128
D_EDGE = 16
LATENT = 32
OUT_F = 16

_NC = 2
_NS = 16
_NW = _NC * _NS
_EDGES_PER_W = N_EDGES // _NW
_K = 400
_CHUNKS = _EDGES_PER_W // _K

_BE = 12800
_NBLK = N_EDGES // _BE


def _tile4(w, bm, bn):
    t = jnp.tile(w, (4, 4))
    ii = lax.broadcasted_iota(jnp.int32, (4 * bm, 4 * bn), 0)
    jj = lax.broadcasted_iota(jnp.int32, (4 * bm, 4 * bn), 1)
    return jnp.where(ii // bm == jj // bn, t, 0.0)


def _prep_body(node4_ref, w1_ref, g_ref, b1_ref, w2_ref, b2_ref,
               p4_ref, q4_ref, c4_ref, w1e4_ref, w24_ref, b24_ref):
    n4 = node4_ref[...]
    ws = w1_ref[D_EDGE:D_EDGE + D_FEAT, :]
    wr = w1_ref[D_EDGE + D_FEAT:D_EDGE + 2 * D_FEAT, :]
    wg = w1_ref[D_EDGE + 2 * D_FEAT:, :]
    w1e = w1_ref[:D_EDGE, :]
    p4_ref[...] = jnp.dot(n4, _tile4(ws, D_FEAT, LATENT),
                          preferred_element_type=jnp.float32)
    q4_ref[...] = jnp.dot(n4, _tile4(wr, D_FEAT, LATENT),
                          preferred_element_type=jnp.float32)
    c = (jnp.dot(g_ref[...], wg, preferred_element_type=jnp.float32)
         + b1_ref[...])
    c4_ref[...] = jnp.tile(c, (1, 4))
    w1e4_ref[...] = _tile4(w1e, D_EDGE, LATENT)
    w24_ref[...] = _tile4(w2_ref[...], LATENT, OUT_F)
    b24_ref[...] = jnp.tile(b2_ref[...], (1, 4))


def _gather_body(p_hbm, q_hbm, ei_hbm, gs_hbm, gr_hbm,
                 p_sh, q_sh, sidx_v, ridx_v, rp_v, rq_v, gsem, ssem):
    sid = lax.axis_index("s")
    wid = sid * _NC + lax.axis_index("c")
    base = wid * _EDGES_PER_W

    @pl.when(sid == 0)
    def _():
        pltpu.sync_copy(p_hbm, p_sh)
        pltpu.sync_copy(q_hbm, q_sh)

    pltpu.sync_copy(ei_hbm.at[pl.ds(base, _EDGES_PER_W)], sidx_v)
    pltpu.sync_copy(ei_hbm.at[pl.ds(N_EDGES + base, _EDGES_PER_W)], ridx_v)
    plsc.subcore_barrier()

    gw = {}
    sw = {}
    for i in range(_CHUNKS):
        b = i % 2
        if i >= 2:
            sw[i - 2][0].wait()
            sw[i - 2][1].wait()
        gw[i] = (
            pltpu.async_copy(p_sh.at[sidx_v.at[pl.ds(i * _K, _K)]],
                             rp_v[b], gsem[b]),
            pltpu.async_copy(q_sh.at[ridx_v.at[pl.ds(i * _K, _K)]],
                             rq_v[b], gsem[b]),
        )
        if i >= 1:
            pb = (i - 1) % 2
            gw[i - 1][0].wait()
            gw[i - 1][1].wait()
            off = base + (i - 1) * _K
            sw[i - 1] = (
                pltpu.async_copy(rp_v[pb], gs_hbm.at[pl.ds(off, _K)], ssem[pb]),
                pltpu.async_copy(rq_v[pb], gr_hbm.at[pl.ds(off, _K)], ssem[pb]),
            )
    last = _CHUNKS - 1
    lb = last % 2
    gw[last][0].wait()
    gw[last][1].wait()
    off = base + last * _K
    sw[last] = (
        pltpu.async_copy(rp_v[lb], gs_hbm.at[pl.ds(off, _K)], ssem[lb]),
        pltpu.async_copy(rq_v[lb], gr_hbm.at[pl.ds(off, _K)], ssem[lb]),
    )
    sw[last - 1][0].wait()
    sw[last - 1][1].wait()
    sw[last][0].wait()
    sw[last][1].wait()


def _mlp_body(e4in_ref, gs4_ref, gr4_ref, w1e4_ref, c4_ref,
              w24_ref, b24_ref, o_ref):
    epre = (jnp.dot(e4in_ref[...], w1e4_ref[...],
                    preferred_element_type=jnp.float32)
            + c4_ref[...])
    h = epre + gs4_ref[...] + gr4_ref[...]
    h = jnp.maximum(h, 0.0)
    o_ref[...] = (
        jnp.dot(h, w24_ref[...], preferred_element_type=jnp.float32)
        + b24_ref[...]
    )


def kernel(node_attr, edge_index, edge_attr, global_attr, W1, b1, W2, b2):
    b1r = b1.reshape(1, LATENT)
    b2r = b2.reshape(1, OUT_F)
    node4 = node_attr.reshape(N_NODES // 4, 4 * D_FEAT)
    ei_flat = edge_index.astype(jnp.int32).reshape(2 * N_EDGES)

    p4, q4, c4, w1e4, w24, b24 = pl.pallas_call(
        _prep_body,
        out_shape=[
            jax.ShapeDtypeStruct((N_NODES // 4, 4 * LATENT), jnp.float32),
            jax.ShapeDtypeStruct((N_NODES // 4, 4 * LATENT), jnp.float32),
            jax.ShapeDtypeStruct((1, 4 * LATENT), jnp.float32),
            jax.ShapeDtypeStruct((4 * D_EDGE, 4 * LATENT), jnp.float32),
            jax.ShapeDtypeStruct((4 * LATENT, 4 * OUT_F), jnp.float32),
            jax.ShapeDtypeStruct((1, 4 * OUT_F), jnp.float32),
        ],
    )(node4, W1, global_attr, b1r, W2, b2r)

    e4in = jnp.transpose(
        jnp.transpose(edge_attr).reshape(D_EDGE, N_EDGES // 4, 4),
        (1, 2, 0),
    ).reshape(N_EDGES // 4, 4 * D_EDGE)

    sc_gather = pl.kernel(
        _gather_body,
        out_type=[
            jax.ShapeDtypeStruct((N_EDGES, LATENT), jnp.float32),
            jax.ShapeDtypeStruct((N_EDGES, LATENT), jnp.float32),
        ],
        mesh=plsc.VectorSubcoreMesh(core_axis_name="c", subcore_axis_name="s"),
        compiler_params=pltpu.CompilerParams(use_tc_tiling_on_sc=False),
        scratch_types=[
            pltpu.VMEM_SHARED((N_NODES, LATENT), jnp.float32),
            pltpu.VMEM_SHARED((N_NODES, LATENT), jnp.float32),
            pltpu.VMEM((_EDGES_PER_W,), jnp.int32),
            pltpu.VMEM((_EDGES_PER_W,), jnp.int32),
            [pltpu.VMEM((_K, LATENT), jnp.float32) for _ in range(2)],
            [pltpu.VMEM((_K, LATENT), jnp.float32) for _ in range(2)],
            [pltpu.SemaphoreType.DMA for _ in range(2)],
            [pltpu.SemaphoreType.DMA for _ in range(2)],
        ],
    )
    gs, gr = sc_gather(p4.reshape(N_NODES, LATENT),
                       q4.reshape(N_NODES, LATENT),
                       ei_flat)
    gs4 = gs.reshape(N_EDGES // 4, 4 * LATENT)
    gr4 = gr.reshape(N_EDGES // 4, 4 * LATENT)

    ot = pl.pallas_call(
        _mlp_body,
        grid=(_NBLK,),
        in_specs=[
            pl.BlockSpec((_BE // 4, 4 * D_EDGE), lambda i: (i, 0)),
            pl.BlockSpec((_BE // 4, 4 * LATENT), lambda i: (i, 0)),
            pl.BlockSpec((_BE // 4, 4 * LATENT), lambda i: (i, 0)),
            pl.BlockSpec((4 * D_EDGE, 4 * LATENT), lambda i: (0, 0)),
            pl.BlockSpec((1, 4 * LATENT), lambda i: (0, 0)),
            pl.BlockSpec((4 * LATENT, 4 * OUT_F), lambda i: (0, 0)),
            pl.BlockSpec((1, 4 * OUT_F), lambda i: (0, 0)),
        ],
        out_specs=pl.BlockSpec((_BE // 4, 4 * OUT_F), lambda i: (i, 0)),
        out_shape=jax.ShapeDtypeStruct((N_EDGES // 4, 4 * OUT_F),
                                       jnp.float32),
    )(e4in, gs4, gr4, w1e4, c4, w24, b24)

    ott = jnp.transpose(ot.reshape(N_EDGES // 4, 4, OUT_F),
                        (2, 0, 1)).reshape(OUT_F, N_EDGES)
    return jnp.transpose(ott)

# --- scband reference (transcript-rebuilt; emitter-appended) ---
"""Pipeline reference for scband-edge-block-17729624998201 (READ-ONLY COPY).

The authoritative reference and input builder live on the scoring server;
editing this copy changes nothing except your own understanding.
"""

import jax, jax.numpy as jnp
import numpy as np

LATENT_SIZE = 32
N_NODES = 10000
N_EDGES = 320000
D_FEAT = 128
D_EDGE = 16
D_GLOBAL = 128
IN_FEATURES = D_EDGE + D_FEAT + D_FEAT + D_GLOBAL  # 400
OUT_FEATURES = 16


def setup_inputs(seed: int = 0) -> dict:
    key = jax.random.key(seed)
    k_node, k_edge_idx, k_edge_attr, k_glob, k_w1, k_b1, k_w2, k_b2 = jax.random.split(key, 8)
    node_attr = jax.random.normal(k_node, (N_NODES, D_FEAT), dtype=jnp.float32)
    edge_index = jax.random.randint(k_edge_idx, (2, N_EDGES), 0, N_NODES, dtype=jnp.int64 if jax.config.jax_enable_x64 else jnp.int32)
    edge_attr = jax.random.normal(k_edge_attr, (N_EDGES, D_EDGE), dtype=jnp.float32)
    global_attr = jax.random.normal(k_glob, (1, D_GLOBAL), dtype=jnp.float32)
    # MLP params: Linear(400, 32) -> ReLU -> Linear(32, 16)
    W1 = jax.random.normal(k_w1, (IN_FEATURES, LATENT_SIZE), dtype=jnp.float32) * (1.0 / np.sqrt(IN_FEATURES))
    b1 = jax.random.normal(k_b1, (LATENT_SIZE,), dtype=jnp.float32) * 0.01
    W2 = jax.random.normal(k_w2, (LATENT_SIZE, OUT_FEATURES), dtype=jnp.float32) * (1.0 / np.sqrt(LATENT_SIZE))
    b2 = jax.random.normal(k_b2, (OUT_FEATURES,), dtype=jnp.float32) * 0.01
    return {
        "node_attr": node_attr,
        "edge_index": edge_index,
        "edge_attr": edge_attr,
        "global_attr": global_attr,
        "W1": W1,
        "b1": b1,
        "W2": W2,
        "b2": b2,
    }


def reference(node_attr, edge_index, edge_attr, global_attr, W1, b1, W2, b2):
    # EdgeBlock forward: gather sender/receiver node features, broadcast globals,
    # concatenate with edge features, then apply MLP (Linear -> ReLU -> Linear).
    senders_idx = edge_index[0]
    receivers_idx = edge_index[1]
    num_edges = edge_attr.shape[0]
    senders_attr = jnp.take(node_attr, senders_idx, axis=0)
    receivers_attr = jnp.take(node_attr, receivers_idx, axis=0)
    expanded_global_attr = jnp.broadcast_to(global_attr, (num_edges, global_attr.shape[1]))
    collected_edges = jnp.concatenate(
        [edge_attr, senders_attr, receivers_attr, expanded_global_attr], axis=-1
    )
    h = jnp.maximum(collected_edges @ W1 + b1, 0.0)
    new_edge_attr = h @ W2 + b2
    return new_edge_attr

if __name__ == "__main__":
    import jax
    _d = setup_inputs()
    print(jax.jit(kernel)(*tuple(_d.values())))

</pallas_src>

<mosaic_0001>
#map = affine_map<(d0, d1) -> (0, 0)>
#map1 = affine_map<(d0, d1) -> (0)>
module attributes {stable_mosaic.version = 14 : i64} {
  func.func @_gather_body(%arg0: i32, %arg1: i32, %arg2: memref<10000x32xf32, #tpu.memory_space<hbm>>, %arg3: memref<10000x32xf32, #tpu.memory_space<hbm>>, %arg4: memref<640000xi32, #tpu.memory_space<hbm>>, %arg5: memref<320000x32xf32, #tpu.memory_space<hbm>>, %arg6: memref<320000x32xf32, #tpu.memory_space<hbm>>, %arg7: memref<10000x32xf32, #tpu.memory_space<vmem_shared>>, %arg8: memref<10000x32xf32, #tpu.memory_space<vmem_shared>>, %arg9: memref<10000xi32, #tpu.memory_space<vmem>>, %arg10: memref<10000xi32, #tpu.memory_space<vmem>>, %arg11: memref<400x32xf32, #tpu.memory_space<vmem>>, %arg12: memref<400x32xf32, #tpu.memory_space<vmem>>, %arg13: memref<400x32xf32, #tpu.memory_space<vmem>>, %arg14: memref<400x32xf32, #tpu.memory_space<vmem>>, %arg15: memref<!tpu.dma_semaphore, #tpu.memory_space<semaphore_mem>>, %arg16: memref<!tpu.dma_semaphore, #tpu.memory_space<semaphore_mem>>, %arg17: memref<!tpu.dma_semaphore, #tpu.memory_space<semaphore_mem>>, %arg18: memref<!tpu.dma_semaphore, #tpu.memory_space<semaphore_mem>>) attributes {dimension_semantics = [#tpu.dimension_semantics<core_parallel>, #tpu.dimension_semantics<subcore_parallel>], iteration_bounds = array<i64: 2, 16>, scalar_prefetch = 0 : i64, scratch_operands = 12 : i64, tpu.core_type = #tpu.core_type<sc_vector_subcore>, window_params = [{transform_indices = #map}, {transform_indices = #map}, {transform_indices = #map1}, {transform_indices = #map}, {transform_indices = #map}]} {
    %mul3A = arith.constant 2 : i32
    %mul3A_0 = arith.muli %arg1, %mul3A : i32
    %add3A = arith.addi %mul3A_0, %arg0 : i32
    %mul3A_1 = arith.constant 10000 : i32
    %mul3A_2 = arith.muli %add3A, %mul3A_1 : i32
    %eq3A = arith.constant 0 : i32
    %eq3A_3 = arith.cmpi eq, %arg1, %eq3A : i32
    %convert_element_type3A = arith.extui %eq3A_3 : i1 to i32
    %cond3A = arith.constant 0 : i32
    %cond3A_4 = arith.cmpi ne, %convert_element_type3A, %cond3A : i32
    scf.if %cond3A_4 {
      "tpu.region"() ({
        %run_scoped3A = tpu.sem_alloc : memref<!tpu.dma_semaphore, #tpu.memory_space<semaphore_mem>>
        tpu.enqueue_dma source(%arg2 : memref<10000x32xf32, #tpu.memory_space<hbm>>) target(%arg7 : memref<10000x32xf32, #tpu.memory_space<vmem_shared>>) target_semaphore(%run_scoped3A : memref<!tpu.dma_semaphore, #tpu.memory_space<semaphore_mem>>)
        tpu.wait_dma2 semaphore(%run_scoped3A : memref<!tpu.dma_semaphore, #tpu.memory_space<semaphore_mem>>) src(%arg2 : memref<10000x32xf32, #tpu.memory_space<hbm>>) dst(%arg7 : memref<10000x32xf32, #tpu.memory_space<vmem_shared>>)
        tpu.yield
      }) : () -> ()
      "tpu.region"() ({
        %run_scoped3A = tpu.sem_alloc : memref<!tpu.dma_semaphore, #tpu.memory_space<semaphore_mem>>
        tpu.enqueue_dma source(%arg3 : memref<10000x32xf32, #tpu.memory_space<hbm>>) target(%arg8 : memref<10000x32xf32, #tpu.memory_space<vmem_shared>>) target_semaphore(%run_scoped3A : memref<!tpu.dma_semaphore, #tpu.memory_space<semaphore_mem>>)
        tpu.wait_dma2 semaphore(%run_scoped3A : memref<!tpu.dma_semaphore, #tpu.memory_space<semaphore_mem>>) src(%arg3 : memref<10000x32xf32, #tpu.memory_space<hbm>>) dst(%arg8 : memref<10000x32xf32, #tpu.memory_space<vmem_shared>>)
        tpu.yield
      }) : () -> ()
    } else {
    }
    "tpu.region"() ({
      %run_scoped3A = tpu.sem_alloc : memref<!tpu.dma_semaphore, #tpu.memory_space<semaphore_mem>>
      %dma_start3A_955 = tpu.memref_slice %arg4[%mul3A_2] : memref<640000xi32, #tpu.memory_space<hbm>> -> memref<10000xi32, #tpu.memory_space<hbm>>
      %dma_start3A_956 = tpu.memref_slice %arg4[%mul3A_2] : memref<640000xi32, #tpu.memory_space<hbm>> -> memref<10000xi32, #tpu.memory_space<hbm>>
      tpu.enqueue_dma source(%dma_start3A_956 : memref<10000xi32, #tpu.memory_space<hbm>>) target(%arg9 : memref<10000xi32, #tpu.memory_space<vmem>>) target_semaphore(%run_scoped3A : memref<!tpu.dma_semaphore, #tpu.memory_space<semaphore_mem>>)
      %dma_wait3A_957 = tpu.memref_slice %arg4[%mul3A_2] : memref<640000xi32, #tpu.memory_space<hbm>> -> memref<10000xi32, #tpu.memory_space<hbm>>
      %dma_wait3A_958 = tpu.memref_slice %arg4[%mul3A_2] : memref<640000xi32, #tpu.memory_space<hbm>> -> memref<10000xi32, #tpu.memory_space<hbm>>
      tpu.wait_dma2 semaphore(%run_scoped3A : memref<!tpu.dma_semaphore, #tpu.memory_space<semaphore_mem>>) src(%dma_wait3A_958 : memref<10000xi32, #tpu.memory_space<hbm>>) dst(%arg9 : memref<10000xi32, #tpu.memory_space<vmem>>)
      tpu.yield
    }) : () -> ()
    %add3A_5 = arith.constant 320000 : i32
    %add3A_6 = arith.addi %add3A_5, %mul3A_2 : i32
    "tpu.region"() ({
      %run_scoped3A = tpu.sem_alloc : memref<!tpu.dma_semaphore, #tpu.memory_space<semaphore_mem>>
      %dma_start3A_955 = tpu.memref_slice %arg4[%add3A_6] : memref<640000xi32, #tpu.memory_space<hbm>> -> memref<10000xi32, #tpu.memory_space<hbm>>
      %dma_start3A_956 = tpu.memref_slice %arg4[%add3A_6] : memref<640000xi32, #tpu.memory_space<hbm>> -> memref<10000xi32, #tpu.memory_space<hbm>>
      tpu.enqueue_dma source(%dma_start3A_956 : memref<10000xi32, #tpu.memory_space<hbm>>) target(%arg10 : memref<10000xi32, #tpu.memory_space<vmem>>) target_semaphore(%run_scoped3A : memref<!tpu.dma_semaphore, #tpu.memory_space<semaphore_mem>>)
      %dma_wait3A_957 = tpu.memref_slice %arg4[%add3A_6] : memref<640000xi32, #tpu.memory_space<hbm>> -> memref<10000xi32, #tpu.memory_space<hbm>>
      %dma_wait3A_958 = tpu.memref_slice %arg4[%add3A_6] : memref<640000xi32, #tpu.memory_space<hbm>> -> memref<10000xi32, #tpu.memory_space<hbm>>
      tpu.wait_dma2 semaphore(%run_scoped3A : memref<!tpu.dma_semaphore, #tpu.memory_space<semaphore_mem>>) src(%dma_wait3A_958 : memref<10000xi32, #tpu.memory_space<hbm>>) dst(%arg10 : memref<10000xi32, #tpu.memory_space<vmem>>)
      tpu.yield
    }) : () -> ()
    %barrier3A = arith.constant 0 : index
    tpu.barrier barrier_id(%barrier3A)
    %dma_start3A = arith.constant 0 : i32
    %dma_start3A_7 = tpu.memref_slice %arg9[%dma_start3A] : memref<10000xi32, #tpu.memory_space<vmem>> -> memref<400xi32, #tpu.memory_space<vmem>>
    %dma_start3A_8 = arith.constant 0 : i32
    %dma_start3A_9 = arith.constant 0 : i32
    %dma_start3A_10 = tpu.memref_slice %arg7[%dma_start3A_8, %dma_start3A_9] : memref<10000x32xf32, #tpu.memory_space<vmem_shared>> -> memref<10000x32xf32, #tpu.memory_space<vmem_shared>>
    tpu.enqueue_indirect_dma source(%dma_start3A_10 : memref<10000x32xf32, #tpu.memory_space<vmem_shared>>) target(%arg11 : memref<400x32xf32, #tpu.memory_space<vmem>>) offsets(%dma_start3A_7 : memref<400xi32, #tpu.memory_space<vmem>>) semaphore(%arg15 : memref<!tpu.dma_semaphore, #tpu.memory_space<semaphore_mem>>)
    %dma_start3A_11 = arith.constant 0 : i32
    %dma_start3A_12 = tpu.memref_slice %arg10[%dma_start3A_11] : memref<10000xi32, #tpu.memory_space<vmem>> -> memref<400xi32, #tpu.memory_space<vmem>>
    %dma_start3A_13 = arith.constant 0 : i32
    %dma_start3A_14 = arith.constant 0 : i32
    %dma_start3A_15 = tpu.memref_slice %arg8[%dma_start3A_13, %dma_start3A_14] : memref<10000x32xf32, #tpu.memory_space<vmem_shared>> -> memref<10000x32xf32, #tpu.memory_space<vmem_shared>>
    tpu.enqueue_indirect_dma source(%dma_start3A_15 : memref<10000x32xf32, #tpu.memory_space<vmem_shared>>) target(%arg13 : memref<400x32xf32, #tpu.memory_space<vmem>>) offsets(%dma_start3A_12 : memref<400xi32, #tpu.memory_space<vmem>>) semaphore(%arg15 : memref<!tpu.dma_semaphore, #tpu.memory_space<semaphore_mem>>)
    %dma_start3A_16 = arith.constant 400 : i32
    %dma_start3A_17 = tpu.memref_slice %arg9[%dma_start3A_16] : memref<10000xi32, #tpu.memory_space<vmem>> -> memref<400xi32, #tpu.memory_space<vmem>>
    %dma_start3A_18 = arith.constant 0 : i32
    %dma_start3A_19 = arith.constant 0 : i32
    %dma_start3A_20 = tpu.memref_slice %arg7[%dma_start3A_18, %dma_start3A_19] : memref<10000x32xf32, #tpu.memory_space<vmem_shared>> -> memref<10000x32xf32, #tpu.memory_space<vmem_shared>>
    tpu.enqueue_indirect_dma source(%dma_start3A_20 : memref<10000x32xf32, #tpu.memory_space<vmem_shared>>) target(%arg12 : memref<400x32xf32, #tpu.memory_space<vmem>>) offsets(%dma_start3A_17 : memref<400xi32, #tpu.memory_space<vmem>>) semaphore(%arg16 : memref<!tpu.dma_semaphore, #tpu.memory_space<semaphore_mem>>)
    %dma_start3A_21 = arith.constant 400 : i32
    %dma_start3A_22 = tpu.memref_slice %arg10[%dma_start3A_21] : memref<10000xi32, #tpu.memory_space<vmem>> -> memref<400xi32, #tpu.memory_space<vmem>>
    %dma_start3A_23 = arith.constant 0 : i32
    %dma_start3A_24 = arith.constant 0 : i32
    %dma_start3A_25 = tpu.memref_slice %arg8[%dma_start3A_23, %dma_start3A_24] : memref<10000x32xf32, #tpu.memory_space<vmem_shared>> -> memref<10000x32xf32, #tpu.memory_space<vmem_shared>>
    tpu.enqueue_indirect_dma source(%dma_start3A_25 : memref<10000x32xf32, #tpu.memory_space<vmem_shared>>) target(%arg14 : memref<400x32xf32, #tpu.memory_space<vmem>>) offsets(%dma_start3A_22 : memref<400xi32, #tpu.memory_space<vmem>>) semaphore(%arg16 : memref<!tpu.dma_semaphore, #tpu.memory_space<semaphore_mem>>)
    %dma_wait3A = arith.constant 0 : i32
    %dma_wait3A_26 = tpu.memref_slice %arg9[%dma_wait3A] : memref<10000xi32, #tpu.memory_space<vmem>> -> memref<400xi32, #tpu.memory_space<vmem>>
    %dma_wait3A_27 = arith.constant 0 : i32
    %dma_wait3A_28 = arith.constant 0 : i32
    %dma_wait3A_29 = tpu.memref_slice %arg7[%dma_wait3A_27, %dma_wait3A_28] : memref<10000x32xf32, #tpu.memory_space<vmem_shared>> -> memref<10000x32xf32, #tpu.memory_space<vmem_shared>>
    tpu.wait_indirect_dma semaphore(%arg15 : memref<!tpu.dma_semaphore, #tpu.memory_space<semaphore_mem>>) src(%dma_wait3A_29 : memref<10000x32xf32, #tpu.memory_space<vmem_shared>>) dst(%arg11 : memref<400x32xf32, #tpu.memory_space<vmem>>)
    %dma_wait3A_30 = arith.constant 0 : i32
    %dma_wait3A_31 = tpu.memref_slice %arg10[%dma_wait3A_30] : memref<10000xi32, #tpu.memory_space<vmem>> -> memref<400xi32, #tpu.memory_space<vmem>>
    %dma_wait3A_32 = arith.constant 0 : i32
    %dma_wait3A_33 = arith.constant 0 : i32
    %dma_wait3A_34 = tpu.memref_slice %arg8[%dma_wait3A_32, %dma_wait3A_33] : memref<10000x32xf32, #tpu.memory_space<vmem_shared>> -> memref<10000x32xf32, #tpu.memory_space<vmem_shared>>
    tpu.wait_indirect_dma semaphore(%arg15 : memref<!tpu.dma_semaphore, #tpu.memory_space<semaphore_mem>>) src(%dma_wait3A_34 : memref<10000x32xf32, #tpu.memory_space<vmem_shared>>) dst(%arg13 : memref<400x32xf32, #tpu.memory_space<vmem>>)
    %add3A_35 = arith.constant 0 : i32
    %add3A_36 = arith.addi %mul3A_2, %add3A_35 : i32
    %dma_start3A_37 = arith.constant 0 : i32
    %dma_start3A_38 = tpu.memref_slice %arg5[%add3A_36, %dma_start3A_37] : memref<320000x32xf32, #tpu.memory_space<hbm>> -> memref<400x32xf32, #tpu.memory_space<hbm>>
    %dma_start3A_39 = arith.constant 0 : i32
    %dma_start3A_40 = tpu.memref_slice %arg5[%add3A_36, %dma_start3A_39] : memref<320000x32xf32, #tpu.memory_space<hbm>> -> memref<400x32xf32, #tpu.memory_space<hbm>>
    tpu.enqueue_dma source(%arg11 : memref<400x32xf32, #tpu.memory_space<vmem>>) target(%dma_start3A_40 : memref<400x32xf32, #tpu.memory_space<hbm>>) target_semaphore(%arg17 : memref<!tpu.dma_semaphore, #tpu.memory_space<semaphore_mem>>)
    %dma_start3A_41 = arith.constant 0 : i32
    %dma_start3A_42 = tpu.memref_slice %arg6[%add3A_36, %dma_start3A_41] : memref<320000x32xf32, #tpu.memory_space<hbm>> -> memref<400x32xf32, #tpu.memory_space<hbm>>
    %dma_start3A_43 = arith.constant 0 : i32
    %dma_start3A_44 = tpu.memref_slice %arg6[%add3A_36, %dma_start3A_43] : memref<320000x32xf32, #tpu.memory_space<hbm>> -> memref<400x32xf32, #tpu.memory_space<hbm>>
    tpu.enqueue_dma source(%arg13 : memref<400x32xf32, #tpu.memory_space<vmem>>) target(%dma_start3A_44 : memref<400x32xf32, #tpu.memory_space<hbm>>) target_semaphore(%arg17 : memref<!tpu.dma_semaphore, #tpu.memory_space<semaphore_mem>>)
    %dma_wait3A_45 = arith.constant 0 : i32
    %dma_wait3A_46 = tpu.memref_slice %arg5[%add3A_36, %dma_wait3A_45] : memref<320000x32xf32, #tpu.memory_space<hbm>> -> memref<400x32xf32, #tpu.memory_space<hbm>>
    %dma_wait3A_47 = arith.constant 0 : i32
    %dma_wait3A_48 = tpu.memref_slice %arg5[%add3A_36, %dma_wait3A_47] : memref<320000x32xf32, #tpu.memory_space<hbm>> -> memref<400x32xf32, #tpu.memory_space<hbm>>
    tpu.wait_dma2 semaphore(%arg17 : memref<!tpu.dma_semaphore, #tpu.memory_space<semaphore_mem>>) src(%arg11 : memref<400x32xf32, #tpu.memory_space<vmem>>) dst(%dma_wait3A_48 : memref<400x32xf32, #tpu.memory_space<hbm>>)
    %dma_wait3A_49 = arith.constant 0 : i32
    %dma_wait3A_50 = tpu.memref_slice %arg6[%add3A_36, %dma_wait3A_49] : memref<320000x32xf32, #tpu.memory_space<hbm>> -> memref<400x32xf32, #tpu.memory_space<hbm>>
    %dma_wait3A_51 = arith.constant 0 : i32
    %dma_wait3A_52 = tpu.memref_slice %arg6[%add3A_36, %dma_wait3A_51] : memref<320000x32xf32, #tpu.memory_space<hbm>> -> memref<400x32xf32, #tpu.memory_space<hbm>>
    tpu.wait_dma2 semaphore(%arg17 : memref<!tpu.dma_semaphore, #tpu.memory_space<semaphore_mem>>) src(%arg13 : memref<400x32xf32, #tpu.memory_space<vmem>>) dst(%dma_wait3A_52 : memref<400x32xf32, #tpu.memory_space<hbm>>)
    %dma_start3A_53 = arith.constant 800 : i32
    %dma_start3A_54 = tpu.memref_slice %arg9[%dma_start3A_53] : memref<10000xi32, #tpu.memory_space<vmem>> -> memref<400xi32, #tpu.memory_space<vmem>>
    %dma_start3A_55 = arith.constant 0 : i32
    %dma_start3A_56 = arith.constant 0 : i32
    %dma_start3A_57 = tpu.memref_slice %arg7[%dma_start3A_55, %dma_start3A_56] : memref<10000x32xf32, #tpu.memory_space<vmem_shared>> -> memref<10000x32xf32, #tpu.memory_space<vmem_shared>>
    tpu.enqueue_indirect_dma source(%dma_start3A_57 : memref<10000x32xf32, #tpu.memory_space<vmem_shared>>) target(%arg11 : memref<400x32xf32, #tpu.memory_space<vmem>>) offsets(%dma_start3A_54 : memref<400xi32, #tpu.memory_space<vmem>>) semaphore(%arg15 : memref<!tpu.dma_semaphore, #tpu.memory_space<semaphore_mem>>)
    %dma_start3A_58 = arith.constant 800 : i32
    %dma_start3A_59 = tpu.memref_slice %arg10[%dma_start3A_58] : memref<10000xi32, #tpu.memory_space<vmem>> -> memref<400xi32, #tpu.memory_space<vmem>>
    %dma_start3A_60 = arith.constant 0 : i32
    %dma_start3A_61 = arith.constant 0 : i32
    %dma_start3A_62 = tpu.memref_slice %arg8[%dma_start3A_60, %dma_start3A_61] : memref<10000x32xf32, #tpu.memory_space<vmem_shared>> -> memref<10000x32xf32, #tpu.memory_space<vmem_shared>>
    tpu.enqueue_indirect_dma source(%dma_start3A_62 : memref<10000x32xf32, #tpu.memory_space<vmem_shared>>) target(%arg13 : memref<400x32xf32, #tpu.memory_space<vmem>>) offsets(%dma_start3A_59 : memref<400xi32, #tpu.memory_space<vmem>>) semaphore(%arg15 : memref<!tpu.dma_semaphore, #tpu.memory_space<semaphore_mem>>)
    %dma_wait3A_63 = arith.constant 400 : i32
    %dma_wait3A_64 = tpu.memref_slice %arg9[%dma_wait3A_63] : memref<10000xi32, #tpu.memory_space<vmem>> -> memref<400xi32, #tpu.memory_space<vmem>>
    %dma_wait3A_65 = arith.constant 0 : i32
    %dma_wait3A_66 = arith.constant 0 : i32
    %dma_wait3A_67 = tpu.memref_slice %arg7[%dma_wait3A_65, %dma_wait3A_66] : memref<10000x32xf32, #tpu.memory_space<vmem_shared>> -> memref<10000x32xf32, #tpu.memory_space<vmem_shared>>
    tpu.wait_indirect_dma semaphore(%arg16 : memref<!tpu.dma_semaphore, #tpu.memory_space<semaphore_mem>>) src(%dma_wait3A_67 : memref<10000x32xf32, #tpu.memory_space<vmem_shared>>) dst(%arg12 : memref<400x32xf32, #tpu.memory_space<vmem>>)
    %dma_wait3A_68 = arith.constant 400 : i32
    %dma_wait3A_69 = tpu.memref_slice %arg10[%dma_wait3A_68] : memref<10000xi32, #tpu.memory_space<vmem>> -> memref<400xi32, #tpu.memory_space<vmem>>
    %dma_wait3A_70 = arith.constant 0 : i32
    %dma_wait3A_71 = arith.constant 0 : i32
    %dma_wait3A_72 = tpu.memref_slice %arg8[%dma_wait3A_70, %dma_wait3A_71] : memref<10000x32xf32, #tpu.memory_space<vmem_shared>> -> memref<10000x32xf32, #tpu.memory_space<vmem_shared>>
    tpu.wait_indirect_dma semaphore(%arg16 : memref<!tpu.dma_semaphore, #tpu.memory_space<semaphore_mem>>) src(%dma_wait3A_72 : memref<10000x32xf32, #tpu.memory_space<vmem_shared>>) dst(%arg14 : memref<400x32xf32, #tpu.memory_space<vmem>>)
    %add3A_73 = arith.constant 400 : i32
    %add3A_74 = arith.addi %mul3A_2, %add3A_73 : i32
    %dma_start3A_75 = arith.constant 0 : i32
    %dma_start3A_76 = tpu.memref_slice %arg5[%add3A_74, %dma_start3A_75] : memref<320000x32xf32, #tpu.memory_space<hbm>> -> memref<400x32xf32, #tpu.memory_space<hbm>>
    %dma_start3A_77 = arith.constant 0 : i32
    %dma_start3A_78 = tpu.memref_slice %arg5[%add3A_74, %dma_start3A_77] : memref<320000x32xf32, #tpu.memory_space<hbm>> -> memref<400x32xf32, #tpu.memory_space<hbm>>
    tpu.enqueue_dma source(%arg12 : memref<400x32xf32, #tpu.memory_space<vmem>>) target(%dma_start3A_78 : memref<400x32xf32, #tpu.memory_space<hbm>>) target_semaphore(%arg18 : memref<!tpu.dma_semaphore, #tpu.memory_space<semaphore_mem>>)
    %dma_start3A_79 = arith.constant 0 : i32
    %dma_start3A_80 = tpu.memref_slice %arg6[%add3A_74, %dma_start3A_79] : memref<320000x32xf32, #tpu.memory_space<hbm>> -> memref<400x32xf32, #tpu.memory_space<hbm>>
    %dma_start3A_81 = arith.constant 0 : i32
    %dma_start3A_82 = tpu.memref_slice %arg6[%add3A_74, %dma_start3A_81] : memref<320000x32xf32, #tpu.memory_space<hbm>> -> memref<400x32xf32, #tpu.memory_space<hbm>>
    tpu.enqueue_dma source(%arg14 : memref<400x32xf32, #tpu.memory_space<vmem>>) target(%dma_start3A_82 : memref<400x32xf32, #tpu.memory_space<hbm>>) target_semaphore(%arg18 : memref<!tpu.dma_semaphore, #tpu.memory_space<semaphore_mem>>)
    %dma_wait3A_83 = arith.constant 0 : i32
    %dma_wait3A_84 = tpu.memref_slice %arg5[%add3A_74, %dma_wait3A_83] : memref<320000x32xf32, #tpu.memory_space<hbm>> -> memref<400x32xf32, #tpu.memory_space<hbm>>
    %dma_wait3A_85 = arith.constant 0 : i32
    %dma_wait3A_86 = tpu.memref_slice %arg5[%add3A_74, %dma_wait3A_85] : memref<320000x32xf32, #tpu.memory_space<hbm>> -> memref<400x32xf32, #tpu.memory_space<hbm>>
    tpu.wait_dma2 semaphore(%arg18 : memref<!tpu.dma_semaphore, #tpu.memory_space<semaphore_mem>>) src(%arg12 : memref<400x32xf32, #tpu.memory_space<vmem>>) dst(%dma_wait3A_86 : memref<400x32xf32, #tpu.memory_space<hbm>>)
    %dma_wait3A_87 = arith.constant 0 : i32
    %dma_wait3A_88 = tpu.memref_slice %arg6[%add3A_74, %dma_wait3A_87] : memref<320000x32xf32, #tpu.memory_space<hbm>> -> memref<400x32xf32, #tpu.memory_space<hbm>>
    %dma_wait3A_89 = arith.constant 0 : i32
    %dma_wait3A_90 = tpu.memref_slice %arg6[%add3A_74, %dma_wait3A_89] : memref<320000x32xf32, #tpu.memory_space<hbm>> -> memref<400x32xf32, #tpu.memory_space<hbm>>
    tpu.wait_dma2 semaphore(%arg18 : memref<!tpu.dma_semaphore, #tpu.memory_space<semaphore_mem>>) src(%arg14 : memref<400x32xf32, #tpu.memory_space<vmem>>) dst(%dma_wait3A_90 : memref<400x32xf32, #tpu.memory_space<hbm>>)
    %dma_start3A_91 = arith.constant 1200 : i32
    %dma_start3A_92 = tpu.memref_slice %arg9[%dma_start3A_91] : memref<10000xi32, #tpu.memory_space<vmem>> -> memref<400xi32, #tpu.memory_space<vmem>>
    %dma_start3A_93 = arith.constant 0 : i32
    %dma_start3A_94 = arith.constant 0 : i32
    %dma_start3A_95 = tpu.memref_slice %arg7[%dma_start3A_93, %dma_start3A_94] : memref<10000x32xf32, #tpu.memory_space<vmem_shared>> -> memref<10000x32xf32, #tpu.memory_space<vmem_shared>>
    tpu.enqueue_indirect_dma source(%dma_start3A_95 : memref<10000x32xf32, #tpu.memory_space<vmem_shared>>) target(%arg12 : memref<400x32xf32, #tpu.memory_space<vmem>>) offsets(%dma_start3A_92 : memref<400xi32, #tpu.memory_space<vmem>>) semaphore(%arg16 : memref<!tpu.dma_semaphore, #tpu.memory_space<semaphore_mem>>)
    %dma_start3A_96 = arith.constant 1200 : i32
    %dma_start3A_97 = tpu.memref_slice %arg10[%dma_start3A_96] : memref<10000xi32, #tpu.memory_space<vmem>> -> memref<400xi32, #tpu.memory_space<vmem>>
    %dma_start3A_98 = arith.constant 0 : i32
    %dma_start3A_99 = arith.constant 0 : i32
    %dma_start3A_100 = tpu.memref_slice %arg8[%dma_start3A_98, %dma_start3A_99] : memref<10000x32xf32, #tpu.memory_space<vmem_shared>> -> memref<10000x32xf32, #tpu.memory_space<vmem_shared>>
    tpu.enqueue_indirect_dma source(%dma_start3A_100 : memref<10000x32xf32, #tpu.memory_space<vmem_shared>>) target(%arg14 : memref<400x32xf32, #tpu.memory_space<vmem>>) offsets(%dma_start3A_97 : memref<400xi32, #tpu.memory_space<vmem>>) semaphore(%arg16 : memref<!tpu.dma_semaphore, #tpu.memory_space<semaphore_mem>>)
    %dma_wait3A_101 = arith.constant 800 : i32
    %dma_wait3A_102 = tpu.memref_slice %arg9[%dma_wait3A_101] : memref<10000xi32, #tpu.memory_space<vmem>> -> memref<400xi32, #tpu.memory_space<vmem>>
    %dma_wait3A_103 = arith.constant 0 : i32
    %dma_wait3A_104 = arith.constant 0 : i32
    %dma_wait3A_105 = tpu.memref_slice %arg7[%dma_wait3A_103, %dma_wait3A_104] : memref<10000x32xf32, #tpu.memory_space<vmem_shared>> -> memref<10000x32xf32, #tpu.memory_space<vmem_shared>>
    tpu.wait_indirect_dma semaphore(%arg15 : memref<!tpu.dma_semaphore, #tpu.memory_space<semaphore_mem>>) src(%dma_wait3A_105 : memref<10000x32xf32, #tpu.memory_space<vmem_shared>>) dst(%arg11 : memref<400x32xf32, #tpu.memory_space<vmem>>)
    %dma_wait3A_106 = arith.constant 800 : i32
    %dma_wait3A_107 = tpu.memref_slice %arg10[%dma_wait3A_106] : memref<10000xi32, #tpu.memory_space<vmem>> -> memref<400xi32, #tpu.memory_space<vmem>>
    %dma_wait3A_108 = arith.constant 0 : i32
    %dma_wait3A_109 = arith.constant 0 : i32
    %dma_wait3A_110 = tpu.memref_slice %arg8[%dma_wait3A_108, %dma_wait3A_109] : memref<10000x32xf32, #tpu.memory_space<vmem_shared>> -> memref<10000x32xf32, #tpu.memory_space<vmem_shared>>
    tpu.wait_indirect_dma semaphore(%arg15 : memref<!tpu.dma_semaphore, #tpu.memory_space<semaphore_mem>>) src(%dma_wait3A_110 : memref<10000x32xf32, #tpu.memory_space<vmem_shared>>) dst(%arg13 : memref<400x32xf32, #tpu.memory_space<vmem>>)
    %add3A_111 = arith.constant 800 : i32
    %add3A_112 = arith.addi %mul3A_2, %add3A_111 : i32
    %dma_start3A_113 = arith.constant 0 : i32
    %dma_start3A_114 = tpu.memref_slice %arg5[%add3A_112, %dma_start3A_113] : memref<320000x32xf32, #tpu.memory_space<hbm>> -> memref<400x32xf32, #tpu.memory_space<hbm>>
    %dma_start3A_115 = arith.constant 0 : i32
    %dma_start3A_116 = tpu.memref_slice %arg5[%add3A_112, %dma_start3A_115] : memref<320000x32xf32, #tpu.memory_space<hbm>> -> memref<400x32xf32, #tpu.memory_space<hbm>>
    tpu.enqueue_dma source(%arg11 : memref<400x32xf32, #tpu.memory_space<vmem>>) target(%dma_start3A_116 : memref<400x32xf32, #tpu.memory_space<hbm>>) target_semaphore(%arg17 : memref<!tpu.dma_semaphore, #tpu.memory_space<semaphore_mem>>)
    %dma_start3A_117 = arith.constant 0 : i32
    %dma_start3A_118 = tpu.memref_slice %arg6[%add3A_112, %dma_start3A_117] : memref<320000x32xf32, #tpu.memory_space<hbm>> -> memref<400x32xf32, #tpu.memory_space<hbm>>
    %dma_start3A_119 = arith.constant 0 : i32
    %dma_start3A_120 = tpu.memref_slice %arg6[%add3A_112, %dma_start3A_119] : memref<320000x32xf32, #tpu.memory_space<hbm>> -> memref<400x32xf32, #tpu.memory_space<hbm>>
    tpu.enqueue_dma source(%arg13 : memref<400x32xf32, #tpu.memory_space<vmem>>) target(%dma_start3A_120 : memref<400x32xf32, #tpu.memory_space<hbm>>) target_semaphore(%arg17 : memref<!tpu.dma_semaphore, #tpu.memory_space<semaphore_mem>>)
    %dma_wait3A_121 = arith.constant 0 : i32
    %dma_wait3A_122 = tpu.memref_slice %arg5[%add3A_112, %dma_wait3A_121] : memref<320000x32xf32, #tpu.memory_space<hbm>> -> memref<400x32xf32, #tpu.memory_space<hbm>>
    %dma_wait3A_123 = arith.constant 0 : i32
    %dma_wait3A_124 = tpu.memref_slice %arg5[%add3A_112, %dma_wait3A_123] : memref<320000x32xf32, #tpu.memory_space<hbm>> -> memref<400x32xf32, #tpu.memory_space<hbm>>
    tpu.wait_dma2 semaphore(%arg17 : memref<!tpu.dma_semaphore, #tpu.memory_space<semaphore_mem>>) src(%arg11 : memref<400x32xf32, #tpu.memory_space<vmem>>) dst(%dma_wait3A_124 : memref<400x32xf32, #tpu.memory_space<hbm>>)
    %dma_wait3A_125 = arith.constant 0 : i32
    %dma_wait3A_126 = tpu.memref_slice %arg6[%add3A_112, %dma_wait3A_125] : memref<320000x32xf32, #tpu.memory_space<hbm>> -> memref<400x32xf32, #tpu.memory_space<hbm>>
    %dma_wait3A_127 = arith.constant 0 : i32
    %dma_wait3A_128 = tpu.memref_slice %arg6[%add3A_112, %dma_wait3A_127] : memref<320000x32xf32, #tpu.memory_space<hbm>> -> memref<400x32xf32, #tpu.memory_space<hbm>>
    tpu.wait_dma2 semaphore(%arg17 : memref<!tpu.dma_semaphore, #tpu.memory_space<semaphore_mem>>) src(%arg13 : memref<400x32xf32, #tpu.memory_space<vmem>>) dst(%dma_wait3A_128 : memref<400x32xf32, #tpu.memory_space<hbm>>)
    %dma_start3A_129 = arith.constant 1600 : i32
    %dma_start3A_130 = tpu.memref_slice %arg9[%dma_start3A_129] : memref<10000xi32, #tpu.memory_space<vmem>> -> memref<400xi32, #tpu.memory_space<vmem>>
    %dma_start3A_131 = arith.constant 0 : i32
    %dma_start3A_132 = arith.constant 0 : i32
    %dma_start3A_133 = tpu.memref_slice %arg7[%dma_start3A_131, %dma_start3A_132] : memref<10000x32xf32, #tpu.memory_space<vmem_shared>> -> memref<10000x32xf32, #tpu.memory_space<vmem_shared>>
    tpu.enqueue_indirect_dma source(%dma_start3A_133 : memref<10000x32xf32, #tpu.memory_space<vmem_shared>>) target(%arg11 : memref<400x32xf32, #tpu.memory_space<vmem>>) offsets(%dma_start3A_130 : memref<400xi32, #tpu.memory_space<vmem>>) semaphore(%arg15 : memref<!tpu.dma_semaphore, #tpu.memory_space<semaphore_mem>>)
    %dma_start3A_134 = arith.constant 1600 : i32
    %dma_start3A_135 = tpu.memref_slice %arg10[%dma_start3A_134] : memref<10000xi32, #tpu.memory_space<vmem>> -> memref<400xi32, #tpu.memory_space<vmem>>
    %dma_start3A_136 = arith.constant 0 : i32
    %dma_start3A_137 = arith.constant 0 : i32
    %dma_start3A_138 = tpu.memref_slice %arg8[%dma_start3A_136, %dma_start3A_137] : memref<10000x32xf32, #tpu.memory_space<vmem_shared>> -> memref<10000x32xf32, #tpu.memory_space<vmem_shared>>
    tpu.enqueue_indirect_dma source(%dma_start3A_138 : memref<10000x32xf32, #tpu.memory_space<vmem_shared>>) target(%arg13 : memref<400x32xf32, #tpu.memory_space<vmem>>) offsets(%dma_start3A_135 : memref<400xi32, #tpu.memory_space<vmem>>) semaphore(%arg15 : memref<!tpu.dma_semaphore, #tpu.memory_space<semaphore_mem>>)
    %dma_wait3A_139 = arith.constant 1200 : i32
    %dma_wait3A_140 = tpu.memref_slice %arg9[%dma_wait3A_139] : memref<10000xi32, #tpu.memory_space<vmem>> -> memref<400xi32, #tpu.memory_space<vmem>>
    %dma_wait3A_141 = arith.constant 0 : i32
    %dma_wait3A_142 = arith.constant 0 : i32
    %dma_wait3A_143 = tpu.memref_slice %arg7[%dma_wait3A_141, %dma_wait3A_142] : memref<10000x32xf32, #tpu.memory_space<vmem_shared>> -> memref<10000x32xf32, #tpu.memory_space<vmem_shared>>
    tpu.wait_indirect_dma semaphore(%arg16 : memref<!tpu.dma_semaphore, #tpu.memory_space<semaphore_mem>>) src(%dma_wait3A_143 : memref<10000x32xf32, #tpu.memory_space<vmem_shared>>) dst(%arg12 : memref<400x32xf32, #tpu.memory_space<vmem>>)
    %dma_wait3A_144 = arith.constant 1200 : i32
    %dma_wait3A_145 = tpu.memref_slice %arg10[%dma_wait3A_144] : memref<10000xi32, #tpu.memory_space<vmem>> -> memref<400xi32, #tpu.memory_space<vmem>>
    %dma_wait3A_146 = arith.constant 0 : i32
    %dma_wait3A_147 = arith.constant 0 : i32
    %dma_wait3A_148 = tpu.memref_slice %arg8[%dma_wait3A_146, %dma_wait3A_147] : memref<10000x32xf32, #tpu.memory_space<vmem_shared>> -> memref<10000x32xf32, #tpu.memory_space<vmem_shared>>
    tpu.wait_indirect_dma semaphore(%arg16 : memref<!tpu.dma_semaphore, #tpu.memory_space<semaphore_mem>>) src(%dma_wait3A_148 : memref<10000x32xf32, #tpu.memory_space<vmem_shared>>) dst(%arg14 : memref<400x32xf32, #tpu.memory_space<vmem>>)
    %add3A_149 = arith.constant 1200 : i32
    %add3A_150 = arith.addi %mul3A_2, %add3A_149 : i32
    %dma_start3A_151 = arith.constant 0 : i32
    %dma_start3A_152 = tpu.memref_slice %arg5[%add3A_150, %dma_start3A_151] : memref<320000x32xf32, #tpu.memory_space<hbm>> -> memref<400x32xf32, #tpu.memory_space<hbm>>
    %dma_start3A_153 = arith.constant 0 : i32
    %dma_start3A_154 = tpu.memref_slice %arg5[%add3A_150, %dma_start3A_153] : memref<320000x32xf32, #tpu.memory_space<hbm>> -> memref<400x32xf32, #tpu.memory_space<hbm>>
    tpu.enqueue_dma source(%arg12 : memref<400x32xf32, #tpu.memory_space<vmem>>) target(%dma_start3A_154 : memref<400x32xf32, #tpu.memory_space<hbm>>) target_semaphore(%arg18 : memref<!tpu.dma_semaphore, #tpu.memory_space<semaphore_mem>>)
    %dma_start3A_155 = arith.constant 0 : i32
    %dma_start3A_156 = tpu.memref_slice %arg6[%add3A_150, %dma_start3A_155] : memref<320000x32xf32, #tpu.memory_space<hbm>> -> memref<400x32xf32, #tpu.memory_space<hbm>>
    %dma_start3A_157 = arith.constant 0 : i32
    %dma_start3A_158 = tpu.memref_slice %arg6[%add3A_150, %dma_start3A_157] : memref<320000x32xf32, #tpu.memory_space<hbm>> -> memref<400x32xf32, #tpu.memory_space<hbm>>
    tpu.enqueue_dma source(%arg14 : memref<400x32xf32, #tpu.memory_space<vmem>>) target(%dma_start3A_158 : memref<400x32xf32, #tpu.memory_space<hbm>>) target_semaphore(%arg18 : memref<!tpu.dma_semaphore, #tpu.memory_space<semaphore_mem>>)
    %dma_wait3A_159 = arith.constant 0 : i32
    %dma_wait3A_160 = tpu.memref_slice %arg5[%add3A_150, %dma_wait3A_159] : memref<320000x32xf32, #tpu.memory_space<hbm>> -> memref<400x32xf32, #tpu.memory_space<hbm>>
    %dma_wait3A_161 = arith.constant 0 : i32
    %dma_wait3A_162 = tpu.memref_slice %arg5[%add3A_150, %dma_wait3A_161] : memref<320000x32xf32, #tpu.memory_space<hbm>> -> memref<400x32xf32, #tpu.memory_space<hbm>>
    tpu.wait_dma2 semaphore(%arg18 : memref<!tpu.dma_semaphore, #tpu.memory_space<semaphore_mem>>) src(%arg12 : memref<400x32xf32, #tpu.memory_space<vmem>>) dst(%dma_wait3A_162 : memref<400x32xf32, #tpu.memory_space<hbm>>)
    %dma_wait3A_163 = arith.constant 0 : i32
    %dma_wait3A_164 = tpu.memref_slice %arg6[%add3A_150, %dma_wait3A_163] : memref<320000x32xf32, #tpu.memory_space<hbm>> -> memref<400x32xf32, #tpu.memory_space<hbm>>
    %dma_wait3A_165 = arith.constant 0 : i32
    %dma_wait3A_166 = tpu.memref_slice %arg6[%add3A_150, %dma_wait3A_165] : memref<320000x32xf32, #tpu.memory_space<hbm>> -> memref<400x32xf32, #tpu.memory_space<hbm>>
    tpu.wait_dma2 semaphore(%arg18 : memref<!tpu.dma_semaphore, #tpu.memory_space<semaphore_mem>>) src(%arg14 : memref<400x32xf32, #tpu.memory_space<vmem>>) dst(%dma_wait3A_166 : memref<400x32xf32, #tpu.memory_space<hbm>>)
    %dma_start3A_167 = arith.constant 2000 : i32
    %dma_start3A_168 = tpu.memref_slice %arg9[%dma_start3A_167] : memref<10000xi32, #tpu.memory_space<vmem>> -> memref<400xi32, #tpu.memory_space<vmem>>
    %dma_start3A_169 = arith.constant 0 : i32
    %dma_start3A_170 = arith.constant 0 : i32
    %dma_start3A_171 = tpu.memref_slice %arg7[%dma_start3A_169, %dma_start3A_170] : memref<10000x32xf32, #tpu.memory_space<vmem_shared>> -> memref<10000x32xf32, #tpu.memory_space<vmem_shared>>
    tpu.enqueue_indirect_dma source(%dma_start3A_171 : memref<10000x32xf32, #tpu.memory_space<vmem_shared>>) target(%arg12 : memref<400x32xf32, #tpu.memory_space<vmem>>) offsets(%dma_start3A_168 : memref<400xi32, #tpu.memory_space<vmem>>) semaphore(%arg16 : memref<!tpu.dma_semaphore, #tpu.memory_space<semaphore_mem>>)
    %dma_start3A_172 = arith.constant 2000 : i32
    %dma_start3A_173 = tpu.memref_slice %arg10[%dma_start3A_172] : memref<10000xi32, #tpu.memory_space<vmem>> -> memref<400xi32, #tpu.memory_space<vmem>>
    %dma_start3A_174 = arith.constant 0 : i32
    %dma_start3A_175 = arith.constant 0 : i32
    %dma_start3A_176 = tpu.memref_slice %arg8[%dma_start3A_174, %dma_start3A_175] : memref<10000x32xf32, #tpu.memory_space<vmem_shared>> -> memref<10000x32xf32, #tpu.memory_space<vmem_shared>>
    tpu.enqueue_indirect_dma source(%dma_start3A_176 : memref<10000x32xf32, #tpu.memory_space<vmem_shared>>) target(%arg14 : memref<400x32xf32, #tpu.memory_space<vmem>>) offsets(%dma_start3A_173 : memref<400xi32, #tpu.memory_space<vmem>>) semaphore(%arg16 : memref<!tpu.dma_semaphore, #tpu.memory_space<semaphore_mem>>)
    %dma_wait3A_177 = arith.constant 1600 : i32
    %dma_wait3A_178 = tpu.memref_slice %arg9[%dma_wait3A_177] : memref<10000xi32, #tpu.memory_space<vmem>> -> memref<400xi32, #tpu.memory_space<vmem>>
    %dma_wait3A_179 = arith.constant 0 : i32
    %dma_wait3A_180 = arith.constant 0 : i32
    %dma_wait3A_181 = tpu.memref_slice %arg7[%dma_wait3A_179, %dma_wait3A_180] : memref<10000x32xf32, #tpu.memory_space<vmem_shared>> -> memref<10000x32xf32, #tpu.memory_space<vmem_shared>>
    tpu.wait_indirect_dma semaphore(%arg15 : memref<!tpu.dma_semaphore, #tpu.memory_space<semaphore_mem>>) src(%dma_wait3A_181 : memref<10000x32xf32, #tpu.memory_space<vmem_shared>>) dst(%arg11 : memref<400x32xf32, #tpu.memory_space<vmem>>)
    %dma_wait3A_182 = arith.constant 1600 : i32
    %dma_wait3A_183 = tpu.memref_slice %arg10[%dma_wait3A_182] : memref<10000xi32, #tpu.memory_space<vmem>> -> memref<400xi32, #tpu.memory_space<vmem>>
    %dma_wait3A_184 = arith.constant 0 : i32
    %dma_wait3A_185 = arith.constant 0 : i32
    %dma_wait3A_186 = tpu.memref_slice %arg8[%dma_wait3A_184, %dma_wait3A_185] : memref<10000x32xf32, #tpu.memory_space<vmem_shared>> -> memref<10000x32xf32, #tpu.memory_space<vmem_shared>>
    tpu.wait_indirect_dma semaphore(%arg15 : memref<!tpu.dma_semaphore, #tpu.memory_space<semaphore_mem>>) src(%dma_wait3A_186 : memref<10000x32xf32, #tpu.memory_space<vmem_shared>>) dst(%arg13 : memref<400x32xf32, #tpu.memory_space<vmem>>)
    %add3A_187 = arith.constant 1600 : i32
    %add3A_188 = arith.addi %mul3A_2, %add3A_187 : i32
    %dma_start3A_189 = arith.constant 0 : i32
    %dma_start3A_190 = tpu.memref_slice %arg5[%add3A_188, %dma_start3A_189] : memref<320000x32xf32, #tpu.memory_space<hbm>> -> memref<400x32xf32, #tpu.memory_space<hbm>>
    %dma_start3A_191 = arith.constant 0 : i32
    %dma_start3A_192 = tpu.memref_slice %arg5[%add3A_188, %dma_start3A_191] : memref<320000x32xf32, #tpu.memory_space<hbm>> -> memref<400x32xf32, #tpu.memory_space<hbm>>
    tpu.enqueue_dma source(%arg11 : memref<400x32xf32, #tpu.memory_space<vmem>>) target(%dma_start3A_192 : memref<400x32xf32, #tpu.memory_space<hbm>>) target_semaphore(%arg17 : memref<!tpu.dma_semaphore, #tpu.memory_space<semaphore_mem>>)
    %dma_start3A_193 = arith.constant 0 : i32
    %dma_start3A_194 = tpu.memref_slice %arg6[%add3A_188, %dma_start3A_193] : memref<320000x32xf32, #tpu.memory_space<hbm>> -> memref<400x32xf32, #tpu.memory_space<hbm>>
    %dma_start3A_195 = arith.constant 0 : i32
    %dma_start3A_196 = tpu.memref_slice %arg6[%add3A_188, %dma_start3A_195] : memref<320000x32xf32, #tpu.memory_space<hbm>> -> memref<400x32xf32, #tpu.memory_space<hbm>>
    tpu.enqueue_dma source(%arg13 : memref<400x32xf32, #tpu.memory_space<vmem>>) target(%dma_start3A_196 : memref<400x32xf32, #tpu.memory_space<hbm>>) target_semaphore(%arg17 : memref<!tpu.dma_semaphore, #tpu.memory_space<semaphore_mem>>)
    %dma_wait3A_197 = arith.constant 0 : i32
    %dma_wait3A_198 = tpu.memref_slice %arg5[%add3A_188, %dma_wait3A_197] : memref<320000x32xf32, #tpu.memory_space<hbm>> -> memref<400x32xf32, #tpu.memory_space<hbm>>
    %dma_wait3A_199 = arith.constant 0 : i32
    %dma_wait3A_200 = tpu.memref_slice %arg5[%add3A_188, %dma_wait3A_199] : memref<320000x32xf32, #tpu.memory_space<hbm>> -> memref<400x32xf32, #tpu.memory_space<hbm>>
    tpu.wait_dma2 semaphore(%arg17 : memref<!tpu.dma_semaphore, #tpu.memory_space<semaphore_mem>>) src(%arg11 : memref<400x32xf32, #tpu.memory_space<vmem>>) dst(%dma_wait3A_200 : memref<400x32xf32, #tpu.memory_space<hbm>>)
    %dma_wait3A_201 = arith.constant 0 : i32
    %dma_wait3A_202 = tpu.memref_slice %arg6[%add3A_188, %dma_wait3A_201] : memref<320000x32xf32, #tpu.memory_space<hbm>> -> memref<400x32xf32, #tpu.memory_space<hbm>>
    %dma_wait3A_203 = arith.constant 0 : i32
    %dma_wait3A_204 = tpu.memref_slice %arg6[%add3A_188, %dma_wait3A_203] : memref<320000x32xf32, #tpu.memory_space<hbm>> -> memref<400x32xf32, #tpu.memory_space<hbm>>
    tpu.wait_dma2 semaphore(%arg17 : memref<!tpu.dma_semaphore, #tpu.memory_space<semaphore_mem>>) src(%arg13 : memref<400x32xf32, #tpu.memory_space<vmem>>) dst(%dma_wait3A_204 : memref<400x32xf32, #tpu.memory_space<hbm>>)
    %dma_start3A_205 = arith.constant 2400 : i32
    %dma_start3A_206 = tpu.memref_slice %arg9[%dma_start3A_205] : memref<10000xi32, #tpu.memory_space<vmem>> -> memref<400xi32, #tpu.memory_space<vmem>>
    %dma_start3A_207 = arith.constant 0 : i32
    %dma_start3A_208 = arith.constant 0 : i32
    %dma_start3A_209 = tpu.memref_slice %arg7[%dma_start3A_207, %dma_start3A_208] : memref<10000x32xf32, #tpu.memory_space<vmem_shared>> -> memref<10000x32xf32, #tpu.memory_space<vmem_shared>>
    tpu.enqueue_indirect_dma source(%dma_start3A_209 : memref<10000x32xf32, #tpu.memory_space<vmem_shared>>) target(%arg11 : memref<400x32xf32, #tpu.memory_space<vmem>>) offsets(%dma_start3A_206 : memref<400xi32, #tpu.memory_space<vmem>>) semaphore(%arg15 : memref<!tpu.dma_semaphore, #tpu.memory_space<semaphore_mem>>)
    %dma_start3A_210 = arith.constant 2400 : i32
    %dma_start3A_211 = tpu.memref_slice %arg10[%dma_start3A_210] : memref<10000xi32, #tpu.memory_space<vmem>> -> memref<400xi32, #tpu.memory_space<vmem>>
    %dma_start3A_212 = arith.constant 0 : i32
    %dma_start3A_213 = arith.constant 0 : i32
    %dma_start3A_214 = tpu.memref_slice %arg8[%dma_start3A_212, %dma_start3A_213] : memref<10000x32xf32, #tpu.memory_space<vmem_shared>> -> memref<10000x32xf32, #tpu.memory_space<vmem_shared>>
    tpu.enqueue_indirect_dma source(%dma_start3A_214 : memref<10000x32xf32, #tpu.memory_space<vmem_shared>>) target(%arg13 : memref<400x32xf32, #tpu.memory_space<vmem>>) offsets(%dma_start3A_211 : memref<400xi32, #tpu.memory_space<vmem>>) semaphore(%arg15 : memref<!tpu.dma_semaphore, #tpu.memory_space<semaphore_mem>>)
    %dma_wait3A_215 = arith.constant 2000 : i32
    %dma_wait3A_216 = tpu.memref_slice %arg9[%dma_wait3A_215] : memref<10000xi32, #tpu.memory_space<vmem>> -> memref<400xi32, #tpu.memory_space<vmem>>
    %dma_wait3A_217 = arith.constant 0 : i32
    %dma_wait3A_218 = arith.constant 0 : i32
    %dma_wait3A_219 = tpu.memref_slice %arg7[%dma_wait3A_217, %dma_wait3A_218] : memref<10000x32xf32, #tpu.memory_space<vmem_shared>> -> memref<10000x32xf32, #tpu.memory_space<vmem_shared>>
    tpu.wait_indirect_dma semaphore(%arg16 : memref<!tpu.dma_semaphore, #tpu.memory_space<semaphore_mem>>) src(%dma_wait3A_219 : memref<10000x32xf32, #tpu.memory_space<vmem_shared>>) dst(%arg12 : memref<400x32xf32, #tpu.memory_space<vmem>>)
    %dma_wait3A_220 = arith.constant 2000 : i32
    %dma_wait3A_221 = tpu.memref_slice %arg10[%dma_wait3A_220] : memref<10000xi32, #tpu.memory_space<vmem>> -> memref<400xi32, #tpu.memory_space<vmem>>
    %dma_wait3A_222 = arith.constant 0 : i32
    %dma_wait3A_223 = arith.constant 0 : i32
    %dma_wait3A_224 = tpu.memref_slice %arg8[%dma_wait3A_222, %dma_wait3A_223] : memref<10000x32xf32, #tpu.memory_space<vmem_shared>> -> memref<10000x32xf32, #tpu.memory_space<vmem_shared>>
    tpu.wait_indirect_dma semaphore(%arg16 : memref<!tpu.dma_semaphore, #tpu.memory_space<semaphore_mem>>) src(%dma_wait3A_224 : memref<10000x32xf32, #tpu.memory_space<vmem_shared>>) dst(%arg14 : memref<400x32xf32, #tpu.memory_space<vmem>>)
    %add3A_225 = arith.constant 2000 : i32
    %add3A_226 = arith.addi %mul3A_2, %add3A_225 : i32
    %dma_start3A_227 = arith.constant 0 : i32
    %dma_start3A_228 = tpu.memref_slice %arg5[%add3A_226, %dma_start3A_227] : memref<320000x32xf32, #tpu.memory_space<hbm>> -> memref<400x32xf32, #tpu.memory_space<hbm>>
    %dma_start3A_229 = arith.constant 0 : i32
    %dma_start3A_230 = tpu.memref_slice %arg5[%add3A_226, %dma_start3A_229] : memref<320000x32xf32, #tpu.memory_space<hbm>> -> memref<400x32xf32, #tpu.memory_space<hbm>>
    tpu.enqueue_dma source(%arg12 : memref<400x32xf32, #tpu.memory_space<vmem>>) target(%dma_start3A_230 : memref<400x32xf32, #tpu.memory_space<hbm>>) target_semaphore(%arg18 : memref<!tpu.dma_semaphore, #tpu.memory_space<semaphore_mem>>)
    %dma_start3A_231 = arith.constant 0 : i32
    %dma_start3A_232 = tpu.memref_slice %arg6[%add3A_226, %dma_start3A_231] : memref<320000x32xf32, #tpu.memory_space<hbm>> -> memref<400x32xf32, #tpu.memory_space<hbm>>
    %dma_start3A_233 = arith.constant 0 : i32
    %dma_start3A_234 = tpu.memref_slice %arg6[%add3A_226, %dma_start3A_233] : memref<320000x32xf32, #tpu.memory_space<hbm>> -> memref<400x32xf32, #tpu.memory_space<hbm>>
    tpu.enqueue_dma source(%arg14 : memref<400x32xf32, #tpu.memory_space<vmem>>) target(%dma_start3A_234 : memref<400x32xf32, #tpu.memory_space<hbm>>) target_semaphore(%arg18 : memref<!tpu.dma_semaphore, #tpu.memory_space<semaphore_mem>>)
    %dma_wait3A_235 = arith.constant 0 : i32
    %dma_wait3A_236 = tpu.memref_slice %arg5[%add3A_226, %dma_wait3A_235] : memref<320000x32xf32, #tpu.memory_space<hbm>> -> memref<400x32xf32, #tpu.memory_space<hbm>>
    %dma_wait3A_237 = arith.constant 0 : i32
    %dma_wait3A_238 = tpu.memref_slice %arg5[%add3A_226, %dma_wait3A_237] : memref<320000x32xf32, #tpu.memory_space<hbm>> -> memref<400x32xf32, #tpu.memory_space<hbm>>
    tpu.wait_dma2 semaphore(%arg18 : memref<!tpu.dma_semaphore, #tpu.memory_space<semaphore_mem>>) src(%arg12 : memref<400x32xf32, #tpu.memory_space<vmem>>) dst(%dma_wait3A_238 : memref<400x32xf32, #tpu.memory_space<hbm>>)
    %dma_wait3A_239 = arith.constant 0 : i32
    %dma_wait3A_240 = tpu.memref_slice %arg6[%add3A_226, %dma_wait3A_239] : memref<320000x32xf32, #tpu.memory_space<hbm>> -> memref<400x32xf32, #tpu.memory_space<hbm>>
    %dma_wait3A_241 = arith.constant 0 : i32
    %dma_wait3A_242 = tpu.memref_slice %arg6[%add3A_226, %dma_wait3A_241] : memref<320000x32xf32, #tpu.memory_space<hbm>> -> memref<400x32xf32, #tpu.memory_space<hbm>>
    tpu.wait_dma2 semaphore(%arg18 : memref<!tpu.dma_semaphore, #tpu.memory_space<semaphore_mem>>) src(%arg14 : memref<400x32xf32, #tpu.memory_space<vmem>>) dst(%dma_wait3A_242 : memref<400x32xf32, #tpu.memory_space<hbm>>)
    %dma_start3A_243 = arith.constant 2800 : i32
    %dma_start3A_244 = tpu.memref_slice %arg9[%dma_start3A_243] : memref<10000xi32, #tpu.memory_space<vmem>> -> memref<400xi32, #tpu.memory_space<vmem>>
    %dma_start3A_245 = arith.constant 0 : i32
    %dma_start3A_246 = arith.constant 0 : i32
    %dma_start3A_247 = tpu.memref_slice %arg7[%dma_start3A_245, %dma_start3A_246] : memref<10000x32xf32, #tpu.memory_space<vmem_shared>> -> memref<10000x32xf32, #tpu.memory_space<vmem_shared>>
    tpu.enqueue_indirect_dma source(%dma_start3A_247 : memref<10000x32xf32, #tpu.memory_space<vmem_shared>>) target(%arg12 : memref<400x32xf32, #tpu.memory_space<vmem>>) offsets(%dma_start3A_244 : memref<400xi32, #tpu.memory_space<vmem>>) semaphore(%arg16 : memref<!tpu.dma_semaphore, #tpu.memory_space<semaphore_mem>>)
    %dma_start3A_248 = arith.constant 2800 : i32
    %dma_start3A_249 = tpu.memref_slice %arg10[%dma_start3A_248] : memref<10000xi32, #tpu.memory_space<vmem>> -> memref<400xi32, #tpu.memory_space<vmem>>
    %dma_start3A_250 = arith.constant 0 : i32
    %dma_start3A_251 = arith.constant 0 : i32
    %dma_start3A_252 = tpu.memref_slice %arg8[%dma_start3A_250, %dma_start3A_251] : memref<10000x32xf32, #tpu.memory_space<vmem_shared>> -> memref<10000x32xf32, #tpu.memory_space<vmem_shared>>
    tpu.enqueue_indirect_dma source(%dma_start3A_252 : memref<10000x32xf32, #tpu.memory_space<vmem_shared>>) target(%arg14 : memref<400x32xf32, #tpu.memory_space<vmem>>) offsets(%dma_start3A_249 : memref<400xi32, #tpu.memory_space<vmem>>) semaphore(%arg16 : memref<!tpu.dma_semaphore, #tpu.memory_space<semaphore_mem>>)
    %dma_wait3A_253 = arith.constant 2400 : i32
    %dma_wait3A_254 = tpu.memref_slice %arg9[%dma_wait3A_253] : memref<10000xi32, #tpu.memory_space<vmem>> -> memref<400xi32, #tpu.memory_space<vmem>>
    %dma_wait3A_255 = arith.constant 0 : i32
    %dma_wait3A_256 = arith.constant 0 : i32
    %dma_wait3A_257 = tpu.memref_slice %arg7[%dma_wait3A_255, %dma_wait3A_256] : memref<10000x32xf32, #tpu.memory_space<vmem_shared>> -> memref<10000x32xf32, #tpu.memory_space<vmem_shared>>
    tpu.wait_indirect_dma semaphore(%arg15 : memref<!tpu.dma_semaphore, #tpu.memory_space<semaphore_mem>>) src(%dma_wait3A_257 : memref<10000x32xf32, #tpu.memory_space<vmem_shared>>) dst(%arg11 : memref<400x32xf32, #tpu.memory_space<vmem>>)
    %dma_wait3A_258 = arith.constant 2400 : i32
    %dma_wait3A_259 = tpu.memref_slice %arg10[%dma_wait3A_258] : memref<10000xi32, #tpu.memory_space<vmem>> -> memref<400xi32, #tpu.memory_space<vmem>>
    %dma_wait3A_260 = arith.constant 0 : i32
    %dma_wait3A_261 = arith.constant 0 : i32
    %dma_wait3A_262 = tpu.memref_slice %arg8[%dma_wait3A_260, %dma_wait3A_261] : memref<10000x32xf32, #tpu.memory_space<vmem_shared>> -> memref<10000x32xf32, #tpu.memory_space<vmem_shared>>
    tpu.wait_indirect_dma semaphore(%arg15 : memref<!tpu.dma_semaphore, #tpu.memory_space<semaphore_mem>>) src(%dma_wait3A_262 : memref<10000x32xf32, #tpu.memory_space<vmem_shared>>) dst(%arg13 : memref<400x32xf32, #tpu.memory_space<vmem>>)
    %add3A_263 = arith.constant 2400 : i32
    %add3A_264 = arith.addi %mul3A_2, %add3A_263 : i32
    %dma_start3A_265 = arith.constant 0 : i32
    %dma_start3A_266 = tpu.memref_slice %arg5[%add3A_264, %dma_start3A_265] : memref<320000x32xf32, #tpu.memory_space<hbm>> -> memref<400x32xf32, #tpu.memory_space<hbm>>
    %dma_start3A_267 = arith.constant 0 : i32
    %dma_start3A_268 = tpu.memref_slice %arg5[%add3A_264, %dma_start3A_267] : memref<320000x32xf32, #tpu.memory_space<hbm>> -> memref<400x32xf32, #tpu.memory_space<hbm>>
    tpu.enqueue_dma source(%arg11 : memref<400x32xf32, #tpu.memory_space<vmem>>) target(%dma_start3A_268 : memref<400x32xf32, #tpu.memory_space<hbm>>) target_semaphore(%arg17 : memref<!tpu.dma_semaphore, #tpu.memory_space<semaphore_mem>>)
    %dma_start3A_269 = arith.constant 0 : i32
    %dma_start3A_270 = tpu.memref_slice %arg6[%add3A_264, %dma_start3A_269] : memref<320000x32xf32, #tpu.memory_space<hbm>> -> memref<400x32xf32, #tpu.memory_space<hbm>>
    %dma_start3A_271 = arith.constant 0 : i32
    %dma_start3A_272 = tpu.memref_slice %arg6[%add3A_264, %dma_start3A_271] : memref<320000x32xf32, #tpu.memory_space<hbm>> -> memref<400x32xf32, #tpu.memory_space<hbm>>
    tpu.enqueue_dma source(%arg13 : memref<400x32xf32, #tpu.memory_space<vmem>>) target(%dma_start3A_272 : memref<400x32xf32, #tpu.memory_space<hbm>>) target_semaphore(%arg17 : memref<!tpu.dma_semaphore, #tpu.memory_space<semaphore_mem>>)
    %dma_wait3A_273 = arith.constant 0 : i32
    %dma_wait3A_274 = tpu.memref_slice %arg5[%add3A_264, %dma_wait3A_273] : memref<320000x32xf32, #tpu.memory_space<hbm>> -> memref<400x32xf32, #tpu.memory_space<hbm>>
    %dma_wait3A_275 = arith.constant 0 : i32
    %dma_wait3A_276 = tpu.memref_slice %arg5[%add3A_264, %dma_wait3A_275] : memref<320000x32xf32, #tpu.memory_space<hbm>> -> memref<400x32xf32, #tpu.memory_space<hbm>>
    tpu.wait_dma2 semaphore(%arg17 : memref<!tpu.dma_semaphore, #tpu.memory_space<semaphore_mem>>) src(%arg11 : memref<400x32xf32, #tpu.memory_space<vmem>>) dst(%dma_wait3A_276 : memref<400x32xf32, #tpu.memory_space<hbm>>)
    %dma_wait3A_277 = arith.constant 0 : i32
    %dma_wait3A_278 = tpu.memref_slice %arg6[%add3A_264, %dma_wait3A_277] : memref<320000x32xf32, #tpu.memory_space<hbm>> -> memref<400x32xf32, #tpu.memory_space<hbm>>
    %dma_wait3A_279 = arith.constant 0 : i32
    %dma_wait3A_280 = tpu.memref_slice %arg6[%add3A_264, %dma_wait3A_279] : memref<320000x32xf32, #tpu.memory_space<hbm>> -> memref<400x32xf32, #tpu.memory_space<hbm>>
    tpu.wait_dma2 semaphore(%arg17 : memref<!tpu.dma_semaphore, #tpu.memory_space<semaphore_mem>>) src(%arg13 : memref<400x32xf32, #tpu.memory_space<vmem>>) dst(%dma_wait3A_280 : memref<400x32xf32, #tpu.memory_space<hbm>>)
    %dma_start3A_281 = arith.constant 3200 : i32
    %dma_start3A_282 = tpu.memref_slice %arg9[%dma_start3A_281] : memref<10000xi32, #tpu.memory_space<vmem>> -> memref<400xi32, #tpu.memory_space<vmem>>
    %dma_start3A_283 = arith.constant 0 : i32
    %dma_start3A_284 = arith.constant 0 : i32
    %dma_start3A_285 = tpu.memref_slice %arg7[%dma_start3A_283, %dma_start3A_284] : memref<10000x32xf32, #tpu.memory_space<vmem_shared>> -> memref<10000x32xf32, #tpu.memory_space<vmem_shared>>
    tpu.enqueue_indirect_dma source(%dma_start3A_285 : memref<10000x32xf32, #tpu.memory_space<vmem_shared>>) target(%arg11 : memref<400x32xf32, #tpu.memory_space<vmem>>) offsets(%dma_start3A_282 : memref<400xi32, #tpu.memory_space<vmem>>) semaphore(%arg15 : memref<!tpu.dma_semaphore, #tpu.memory_space<semaphore_mem>>)
    %dma_start3A_286 = arith.constant 3200 : i32
    %dma_start3A_287 = tpu.memref_slice %arg10[%dma_start3A_286] : memref<10000xi32, #tpu.memory_space<vmem>> -> memref<400xi32, #tpu.memory_space<vmem>>
    %dma_start3A_288 = arith.constant 0 : i32
    %dma_start3A_289 = arith.constant 0 : i32
    %dma_start3A_290 = tpu.memref_slice %arg8[%dma_start3A_288, %dma_start3A_289] : memref<10000x32xf32, #tpu.memory_space<vmem_shared>> -> memref<10000x32xf32, #tpu.memory_space<vmem_shared>>
    tpu.enqueue_indirect_dma source(%dma_start3A_290 : memref<10000x32xf32, #tpu.memory_space<vmem_shared>>) target(%arg13 : memref<400x32xf32, #tpu.memory_space<vmem>>) offsets(%dma_start3A_287 : memref<400xi32, #tpu.memory_space<vmem>>) semaphore(%arg15 : memref<!tpu.dma_semaphore, #tpu.memory_space<semaphore_mem>>)
    %dma_wait3A_291 = arith.constant 2800 : i32
    %dma_wait3A_292 = tpu.memref_slice %arg9[%dma_wait3A_291] : memref<10000xi32, #tpu.memory_space<vmem>> -> memref<400xi32, #tpu.memory_space<vmem>>
    %dma_wait3A_293 = arith.constant 0 : i32
    %dma_wait3A_294 = arith.constant 0 : i32
    %dma_wait3A_295 = tpu.memref_slice %arg7[%dma_wait3A_293, %dma_wait3A_294] : memref<10000x32xf32, #tpu.memory_space<vmem_shared>> -> memref<10000x32xf32, #tpu.memory_space<vmem_shared>>
    tpu.wait_indirect_dma semaphore(%arg16 : memref<!tpu.dma_semaphore, #tpu.memory_space<semaphore_mem>>) src(%dma_wait3A_295 : memref<10000x32xf32, #tpu.memory_space<vmem_shared>>) dst(%arg12 : memref<400x32xf32, #tpu.memory_space<vmem>>)
    %dma_wait3A_296 = arith.constant 2800 : i32
    %dma_wait3A_297 = tpu.memref_slice %arg10[%dma_wait3A_296] : memref<10000xi32, #tpu.memory_space<vmem>> -> memref<400xi32, #tpu.memory_space<vmem>>
    %dma_wait3A_298 = arith.constant 0 : i32
    %dma_wait3A_299 = arith.constant 0 : i32
    %dma_wait3A_300 = tpu.memref_slice %arg8[%dma_wait3A_298, %dma_wait3A_299] : memref<10000x32xf32, #tpu.memory_space<vmem_shared>> -> memref<10000x32xf32, #tpu.memory_space<vmem_shared>>
    tpu.wait_indirect_dma semaphore(%arg16 : memref<!tpu.dma_semaphore, #tpu.memory_space<semaphore_mem>>) src(%dma_wait3A_300 : memref<10000x32xf32, #tpu.memory_space<vmem_shared>>) dst(%arg14 : memref<400x32xf32, #tpu.memory_space<vmem>>)
    %add3A_301 = arith.constant 2800 : i32
    %add3A_302 = arith.addi %mul3A_2, %add3A_301 : i32
    %dma_start3A_303 = arith.constant 0 : i32
    %dma_start3A_304 = tpu.memref_slice %arg5[%add3A_302, %dma_start3A_303] : memref<320000x32xf32, #tpu.memory_space<hbm>> -> memref<400x32xf32, #tpu.memory_space<hbm>>
    %dma_start3A_305 = arith.constant 0 : i32
    %dma_start3A_306 = tpu.memref_slice %arg5[%add3A_302, %dma_start3A_305] : memref<320000x32xf32, #tpu.memory_space<hbm>> -> memref<400x32xf32, #tpu.memory_space<hbm>>
    tpu.enqueue_dma source(%arg12 : memref<400x32xf32, #tpu.memory_space<vmem>>) target(%dma_start3A_306 : memref<400x32xf32, #tpu.memory_space<hbm>>) target_semaphore(%arg18 : memref<!tpu.dma_semaphore, #tpu.memory_space<semaphore_mem>>)
    %dma_start3A_307 = arith.constant 0 : i32
    %dma_start3A_308 = tpu.memref_slice %arg6[%add3A_302, %dma_start3A_307] : memref<320000x32xf32, #tpu.memory_space<hbm>> -> memref<400x32xf32, #tpu.memory_space<hbm>>
    %dma_start3A_309 = arith.constant 0 : i32
    %dma_start3A_310 = tpu.memref_slice %arg6[%add3A_302, %dma_start3A_309] : memref<320000x32xf32, #tpu.memory_space<hbm>> -> memref<400x32xf32, #tpu.memory_space<hbm>>
    tpu.enqueue_dma source(%arg14 : memref<400x32xf32, #tpu.memory_space<vmem>>) target(%dma_start3A_310 : memref<400x32xf32, #tpu.memory_space<hbm>>) target_semaphore(%arg18 : memref<!tpu.dma_semaphore, #tpu.memory_space<semaphore_mem>>)
    %dma_wait3A_311 = arith.constant 0 : i32
    %dma_wait3A_312 = tpu.memref_slice %arg5[%add3A_302, %dma_wait3A_311] : memref<320000x32xf32, #tpu.memory_space<hbm>> -> memref<400x32xf32, #tpu.memory_space<hbm>>
    %dma_wait3A_313 = arith.constant 0 : i32
    %dma_wait3A_314 = tpu.memref_slice %arg5[%add3A_302, %dma_wait3A_313] : memref<320000x32xf32, #tpu.memory_space<hbm>> -> memref<400x32xf32, #tpu.memory_space<hbm>>
    tpu.wait_dma2 semaphore(%arg18 : memref<!tpu.dma_semaphore, #tpu.memory_space<semaphore_mem>>) src(%arg12 : memref<400x32xf32, #tpu.memory_space<vmem>>) dst(%dma_wait3A_314 : memref<400x32xf32, #tpu.memory_space<hbm>>)
    %dma_wait3A_315 = arith.constant 0 : i32
    %dma_wait3A_316 = tpu.memref_slice %arg6[%add3A_302, %dma_wait3A_315] : memref<320000x32xf32, #tpu.memory_space<hbm>> -> memref<400x32xf32, #tpu.memory_space<hbm>>
    %dma_wait3A_317 = arith.constant 0 : i32
    %dma_wait3A_318 = tpu.memref_slice %arg6[%add3A_302, %dma_wait3A_317] : memref<320000x32xf32, #tpu.memory_space<hbm>> -> memref<400x32xf32, #tpu.memory_space<hbm>>
    tpu.wait_dma2 semaphore(%arg18 : memref<!tpu.dma_semaphore, #tpu.memory_space<semaphore_mem>>) src(%arg14 : memref<400x32xf32, #tpu.memory_space<vmem>>) dst(%dma_wait3A_318 : memref<400x32xf32, #tpu.memory_space<hbm>>)
    %dma_start3A_319 = arith.constant 3600 : i32
    %dma_start3A_320 = tpu.memref_slice %arg9[%dma_start3A_319] : memref<10000xi32, #tpu.memory_space<vmem>> -> memref<400xi32, #tpu.memory_space<vmem>>
    %dma_start3A_321 = arith.constant 0 : i32
    %dma_start3A_322 = arith.constant 0 : i32
    %dma_start3A_323 = tpu.memref_slice %arg7[%dma_start3A_321, %dma_start3A_322] : memref<10000x32xf32, #tpu.memory_space<vmem_shared>> -> memref<10000x32xf32, #tpu.memory_space<vmem_shared>>
    tpu.enqueue_indirect_dma source(%dma_start3A_323 : memref<10000x32xf32, #tpu.memory_space<vmem_shared>>) target(%arg12 : memref<400x32xf32, #tpu.memory_space<vmem>>) offsets(%dma_start3A_320 : memref<400xi32, #tpu.memory_space<vmem>>) semaphore(%arg16 : memref<!tpu.dma_semaphore, #tpu.memory_space<semaphore_mem>>)
    %dma_start3A_324 = arith.constant 3600 : i32
    %dma_start3A_325 = tpu.memref_slice %arg10[%dma_start3A_324] : memref<10000xi32, #tpu.memory_space<vmem>> -> memref<400xi32, #tpu.memory_space<vmem>>
    %dma_start3A_326 = arith.constant 0 : i32
    %dma_start3A_327 = arith.constant 0 : i32
    %dma_start3A_328 = tpu.memref_slice %arg8[%dma_start3A_326, %dma_start3A_327] : memref<10000x32xf32, #tpu.memory_space<vmem_shared>> -> memref<10000x32xf32, #tpu.memory_space<vmem_shared>>
    tpu.enqueue_indirect_dma source(%dma_start3A_328 : memref<10000x32xf32, #tpu.memory_space<vmem_shared>>) target(%arg14 : memref<400x32xf32, #tpu.memory_space<vmem>>) offsets(%dma_start3A_325 : memref<400xi32, #tpu.memory_space<vmem>>) semaphore(%arg16 : memref<!tpu.dma_semaphore, #tpu.memory_space<semaphore_mem>>)
    %dma_wait3A_329 = arith.constant 3200 : i32
    %dma_wait3A_330 = tpu.memref_slice %arg9[%dma_wait3A_329] : memref<10000xi32, #tpu.memory_space<vmem>> -> memref<400xi32, #tpu.memory_space<vmem>>
    %dma_wait3A_331 = arith.constant 0 : i32
    %dma_wait3A_332 = arith.constant 0 : i32
    %dma_wait3A_333 = tpu.memref_slice %arg7[%dma_wait3A_331, %dma_wait3A_332] : memref<10000x32xf32, #tpu.memory_space<vmem_shared>> -> memref<10000x32xf32, #tpu.memory_space<vmem_shared>>
    tpu.wait_indirect_dma semaphore(%arg15 : memref<!tpu.dma_semaphore, #tpu.memory_space<semaphore_mem>>) src(%dma_wait3A_333 : memref<10000x32xf32, #tpu.memory_space<vmem_shared>>) dst(%arg11 : memref<400x32xf32, #tpu.memory_space<vmem>>)
    %dma_wait3A_334 = arith.constant 3200 : i32
    %dma_wait3A_335 = tpu.memref_slice %arg10[%dma_wait3A_334] : memref<10000xi32, #tpu.memory_space<vmem>> -> memref<400xi32, #tpu.memory_space<vmem>>
    %dma_wait3A_336 = arith.constant 0 : i32
    %dma_wait3A_337 = arith.constant 0 : i32
    %dma_wait3A_338 = tpu.memref_slice %arg8[%dma_wait3A_336, %dma_wait3A_337] : memref<10000x32xf32, #tpu.memory_space<vmem_shared>> -> memref<10000x32xf32, #tpu.memory_space<vmem_shared>>
    tpu.wait_indirect_dma semaphore(%arg15 : memref<!tpu.dma_semaphore, #tpu.memory_space<semaphore_mem>>) src(%dma_wait3A_338 : memref<10000x32xf32, #tpu.memory_space<vmem_shared>>) dst(%arg13 : memref<400x32xf32, #tpu.memory_space<vmem>>)
    %add3A_339 = arith.constant 3200 : i32
    %add3A_340 = arith.addi %mul3A_2, %add3A_339 : i32
    %dma_start3A_341 = arith.constant 0 : i32
    %dma_start3A_342 = tpu.memref_slice %arg5[%add3A_340, %dma_start3A_341] : memref<320000x32xf32, #tpu.memory_space<hbm>> -> memref<400x32xf32, #tpu.memory_space<hbm>>
    %dma_start3A_343 = arith.constant 0 : i32
    %dma_start3A_344 = tpu.memref_slice %arg5[%add3A_340, %dma_start3A_343] : memref<320000x32xf32, #tpu.memory_space<hbm>> -> memref<400x32xf32, #tpu.memory_space<hbm>>
    tpu.enqueue_dma source(%arg11 : memref<400x32xf32, #tpu.memory_space<vmem>>) target(%dma_start3A_344 : memref<400x32xf32, #tpu.memory_space<hbm>>) target_semaphore(%arg17 : memref<!tpu.dma_semaphore, #tpu.memory_space<semaphore_mem>>)
    %dma_start3A_345 = arith.constant 0 : i32
    %dma_start3A_346 = tpu.memref_slice %arg6[%add3A_340, %dma_start3A_345] : memref<320000x32xf32, #tpu.memory_space<hbm>> -> memref<400x32xf32, #tpu.memory_space<hbm>>
    %dma_start3A_347 = arith.constant 0 : i32
    %dma_start3A_348 = tpu.memref_slice %arg6[%add3A_340, %dma_start3A_347] : memref<320000x32xf32, #tpu.memory_space<hbm>> -> memref<400x32xf32, #tpu.memory_space<hbm>>
    tpu.enqueue_dma source(%arg13 : memref<400x32xf32, #tpu.memory_space<vmem>>) target(%dma_start3A_348 : memref<400x32xf32, #tpu.memory_space<hbm>>) target_semaphore(%arg17 : memref<!tpu.dma_semaphore, #tpu.memory_space<semaphore_mem>>)
    %dma_wait3A_349 = arith.constant 0 : i32
    %dma_wait3A_350 = tpu.memref_slice %arg5[%add3A_340, %dma_wait3A_349] : memref<320000x32xf32, #tpu.memory_space<hbm>> -> memref<400x32xf32, #tpu.memory_space<hbm>>
    %dma_wait3A_351 = arith.constant 0 : i32
    %dma_wait3A_352 = tpu.memref_slice %arg5[%add3A_340, %dma_wait3A_351] : memref<320000x32xf32, #tpu.memory_space<hbm>> -> memref<400x32xf32, #tpu.memory_space<hbm>>
    tpu.wait_dma2 semaphore(%arg17 : memref<!tpu.dma_semaphore, #tpu.memory_space<semaphore_mem>>) src(%arg11 : memref<400x32xf32, #tpu.memory_space<vmem>>) dst(%dma_wait3A_352 : memref<400x32xf32, #tpu.memory_space<hbm>>)
    %dma_wait3A_353 = arith.constant 0 : i32
    %dma_wait3A_354 = tpu.memref_slice %arg6[%add3A_340, %dma_wait3A_353] : memref<320000x32xf32, #tpu.memory_space<hbm>> -> memref<400x32xf32, #tpu.memory_space<hbm>>
    %dma_wait3A_355 = arith.constant 0 : i32
    %dma_wait3A_356 = tpu.memref_slice %arg6[%add3A_340, %dma_wait3A_355] : memref<320000x32xf32, #tpu.memory_space<hbm>> -> memref<400x32xf32, #tpu.memory_space<hbm>>
    tpu.wait_dma2 semaphore(%arg17 : memref<!tpu.dma_semaphore, #tpu.memory_space<semaphore_mem>>) src(%arg13 : memref<400x32xf32, #tpu.memory_space<vmem>>) dst(%dma_wait3A_356 : memref<400x32xf32, #tpu.memory_space<hbm>>)
    %dma_start3A_357 = arith.constant 4000 : i32
    %dma_start3A_358 = tpu.memref_slice %arg9[%dma_start3A_357] : memref<10000xi32, #tpu.memory_space<vmem>> -> memref<400xi32, #tpu.memory_space<vmem>>
    %dma_start3A_359 = arith.constant 0 : i32
    %dma_start3A_360 = arith.constant 0 : i32
    %dma_start3A_361 = tpu.memref_slice %arg7[%dma_start3A_359, %dma_start3A_360] : memref<10000x32xf32, #tpu.memory_space<vmem_shared>> -> memref<10000x32xf32, #tpu.memory_space<vmem_shared>>
    tpu.enqueue_indirect_dma source(%dma_start3A_361 : memref<10000x32xf32, #tpu.memory_space<vmem_shared>>) target(%arg11 : memref<400x32xf32, #tpu.memory_space<vmem>>) offsets(%dma_start3A_358 : memref<400xi32, #tpu.memory_space<vmem>>) semaphore(%arg15 : memref<!tpu.dma_semaphore, #tpu.memory_space<semaphore_mem>>)
    %dma_start3A_362 = arith.constant 4000 : i32
    %dma_start3A_363 = tpu.memref_slice %arg10[%dma_start3A_362] : memref<10000xi32, #tpu.memory_space<vmem>> -> memref<400xi32, #tpu.memory_space<vmem>>
    %dma_start3A_364 = arith.constant 0 : i32
    %dma_start3A_365 = arith.constant 0 : i32
    %dma_start3A_366 = tpu.memref_slice %arg8[%dma_start3A_364, %dma_start3A_365] : memref<10000x32xf32, #tpu.memory_space<vmem_shared>> -> memref<10000x32xf32, #tpu.memory_space<vmem_shared>>
    tpu.enqueue_indirect_dma source(%dma_start3A_366 : memref<10000x32xf32, #tpu.memory_space<vmem_shared>>) target(%arg13 : memref<400x32xf32, #tpu.memory_space<vmem>>) offsets(%dma_start3A_363 : memref<400xi32, #tpu.memory_space<vmem>>) semaphore(%arg15 : memref<!tpu.dma_semaphore, #tpu.memory_space<semaphore_mem>>)
    %dma_wait3A_367 = arith.constant 3600 : i32
    %dma_wait3A_368 = tpu.memref_slice %arg9[%dma_wait3A_367] : memref<10000xi32, #tpu.memory_space<vmem>> -> memref<400xi32, #tpu.memory_space<vmem>>
    %dma_wait3A_369 = arith.constant 0 : i32
    %dma_wait3A_370 = arith.constant 0 : i32
    %dma_wait3A_371 = tpu.memref_slice %arg7[%dma_wait3A_369, %dma_wait3A_370] : memref<10000x32xf32, #tpu.memory_space<vmem_shared>> -> memref<10000x32xf32, #tpu.memory_space<vmem_shared>>
    tpu.wait_indirect_dma semaphore(%arg16 : memref<!tpu.dma_semaphore, #tpu.memory_space<semaphore_mem>>) src(%dma_wait3A_371 : memref<10000x32xf32, #tpu.memory_space<vmem_shared>>) dst(%arg12 : memref<400x32xf32, #tpu.memory_space<vmem>>)
    %dma_wait3A_372 = arith.constant 3600 : i32
    %dma_wait3A_373 = tpu.memref_slice %arg10[%dma_wait3A_372] : memref<10000xi32, #tpu.memory_space<vmem>> -> memref<400xi32, #tpu.memory_space<vmem>>
    %dma_wait3A_374 = arith.constant 0 : i32
    %dma_wait3A_375 = arith.constant 0 : i32
    %dma_wait3A_376 = tpu.memref_slice %arg8[%dma_wait3A_374, %dma_wait3A_375] : memref<10000x32xf32, #tpu.memory_space<vmem_shared>> -> memref<10000x32xf32, #tpu.memory_space<vmem_shared>>
    tpu.wait_indirect_dma semaphore(%arg16 : memref<!tpu.dma_semaphore, #tpu.memory_space<semaphore_mem>>) src(%dma_wait3A_376 : memref<10000x32xf32, #tpu.memory_space<vmem_shared>>) dst(%arg14 : memref<400x32xf32, #tpu.memory_space<vmem>>)
    %add3A_377 = arith.constant 3600 : i32
    %add3A_378 = arith.addi %mul3A_2, %add3A_377 : i32
    %dma_start3A_379 = arith.constant 0 : i32
    %dma_start3A_380 = tpu.memref_slice %arg5[%add3A_378, %dma_start3A_379] : memref<320000x32xf32, #tpu.memory_space<hbm>> -> memref<400x32xf32, #tpu.memory_space<hbm>>
    %dma_start3A_381 = arith.constant 0 : i32
    %dma_start3A_382 = tpu.memref_slice %arg5[%add3A_378, %dma_start3A_381] : memref<320000x32xf32, #tpu.memory_space<hbm>> -> memref<400x32xf32, #tpu.memory_space<hbm>>
    tpu.enqueue_dma source(%arg12 : memref<400x32xf32, #tpu.memory_space<vmem>>) target(%dma_start3A_382 : memref<400x32xf32, #tpu.memory_space<hbm>>) target_semaphore(%arg18 : memref<!tpu.dma_semaphore, #tpu.memory_space<semaphore_mem>>)
    %dma_start3A_383 = arith.constant 0 : i32
    %dma_start3A_384 = tpu.memref_slice %arg6[%add3A_378, %dma_start3A_383] : memref<320000x32xf32, #tpu.memory_space<hbm>> -> memref<400x32xf32, #tpu.memory_space<hbm>>
    %dma_start3A_385 = arith.constant 0 : i32
    %dma_start3A_386 = tpu.memref_slice %arg6[%add3A_378, %dma_start3A_385] : memref<320000x32xf32, #tpu.memory_space<hbm>> -> memref<400x32xf32, #tpu.memory_space<hbm>>
    tpu.enqueue_dma source(%arg14 : memref<400x32xf32, #tpu.memory_space<vmem>>) target(%dma_start3A_386 : memref<400x32xf32, #tpu.memory_space<hbm>>) target_semaphore(%arg18 : memref<!tpu.dma_semaphore, #tpu.memory_space<semaphore_mem>>)
    %dma_wait3A_387 = arith.constant 0 : i32
    %dma_wait3A_388 = tpu.memref_slice %arg5[%add3A_378, %dma_wait3A_387] : memref<320000x32xf32, #tpu.memory_space<hbm>> -> memref<400x32xf32, #tpu.memory_space<hbm>>
    %dma_wait3A_389 = arith.constant 0 : i32
    %dma_wait3A_390 = tpu.memref_slice %arg5[%add3A_378, %dma_wait3A_389] : memref<320000x32xf32, #tpu.memory_space<hbm>> -> memref<400x32xf32, #tpu.memory_space<hbm>>
    tpu.wait_dma2 semaphore(%arg18 : memref<!tpu.dma_semaphore, #tpu.memory_space<semaphore_mem>>) src(%arg12 : memref<400x32xf32, #tpu.memory_space<vmem>>) dst(%dma_wait3A_390 : memref<400x32xf32, #tpu.memory_space<hbm>>)
    %dma_wait3A_391 = arith.constant 0 : i32
    %dma_wait3A_392 = tpu.memref_slice %arg6[%add3A_378, %dma_wait3A_391] : memref<320000x32xf32, #tpu.memory_space<hbm>> -> memref<400x32xf32, #tpu.memory_space<hbm>>
    %dma_wait3A_393 = arith.constant 0 : i32
    %dma_wait3A_394 = tpu.memref_slice %arg6[%add3A_378, %dma_wait3A_393] : memref<320000x32xf32, #tpu.memory_space<hbm>> -> memref<400x32xf32, #tpu.memory_space<hbm>>
    tpu.wait_dma2 semaphore(%arg18 : memref<!tpu.dma_semaphore, #tpu.memory_space<semaphore_mem>>) src(%arg14 : memref<400x32xf32, #tpu.memory_space<vmem>>) dst(%dma_wait3A_394 : memref<400x32xf32, #tpu.memory_space<hbm>>)
    %dma_start3A_395 = arith.constant 4400 : i32
    %dma_start3A_396 = tpu.memref_slice %arg9[%dma_start3A_395] : memref<10000xi32, #tpu.memory_space<vmem>> -> memref<400xi32, #tpu.memory_space<vmem>>
    %dma_start3A_397 = arith.constant 0 : i32
    %dma_start3A_398 = arith.constant 0 : i32
    %dma_start3A_399 = tpu.memref_slice %arg7[%dma_start3A_397, %dma_start3A_398] : memref<10000x32xf32, #tpu.memory_space<vmem_shared>> -> memref<10000x32xf32, #tpu.memory_space<vmem_shared>>
    tpu.enqueue_indirect_dma source(%dma_start3A_399 : memref<10000x32xf32, #tpu.memory_space<vmem_shared>>) target(%arg12 : memref<400x32xf32, #tpu.memory_space<vmem>>) offsets(%dma_start3A_396 : memref<400xi32, #tpu.memory_space<vmem>>) semaphore(%arg16 : memref<!tpu.dma_semaphore, #tpu.memory_space<semaphore_mem>>)
    %dma_start3A_400 = arith.constant 4400 : i32
    %dma_start3A_401 = tpu.memref_slice %arg10[%dma_start3A_400] : memref<10000xi32, #tpu.memory_space<vmem>> -> memref<400xi32, #tpu.memory_space<vmem>>
    %dma_start3A_402 = arith.constant 0 : i32
    %dma_start3A_403 = arith.constant 0 : i32
    %dma_start3A_404 = tpu.memref_slice %arg8[%dma_start3A_402, %dma_start3A_403] : memref<10000x32xf32, #tpu.memory_space<vmem_shared>> -> memref<10000x32xf32, #tpu.memory_space<vmem_shared>>
    tpu.enqueue_indirect_dma source(%dma_start3A_404 : memref<10000x32xf32, #tpu.memory_space<vmem_shared>>) target(%arg14 : memref<400x32xf32, #tpu.memory_space<vmem>>) offsets(%dma_start3A_401 : memref<400xi32, #tpu.memory_space<vmem>>) semaphore(%arg16 : memref<!tpu.dma_semaphore, #tpu.memory_space<semaphore_mem>>)
    %dma_wait3A_405 = arith.constant 4000 : i32
    %dma_wait3A_406 = tpu.memref_slice %arg9[%dma_wait3A_405] : memref<10000xi32, #tpu.memory_space<vmem>> -> memref<400xi32, #tpu.memory_space<vmem>>
    %dma_wait3A_407 = arith.constant 0 : i32
    %dma_wait3A_408 = arith.constant 0 : i32
    %dma_wait3A_409 = tpu.memref_slice %arg7[%dma_wait3A_407, %dma_wait3A_408] : memref<10000x32xf32, #tpu.memory_space<vmem_shared>> -> memref<10000x32xf32, #tpu.memory_space<vmem_shared>>
    tpu.wait_indirect_dma semaphore(%arg15 : memref<!tpu.dma_semaphore, #tpu.memory_space<semaphore_mem>>) src(%dma_wait3A_409 : memref<10000x32xf32, #tpu.memory_space<vmem_shared>>) dst(%arg11 : memref<400x32xf32, #tpu.memory_space<vmem>>)
    %dma_wait3A_410 = arith.constant 4000 : i32
    %dma_wait3A_411 = tpu.memref_slice %arg10[%dma_wait3A_410] : memref<10000xi32, #tpu.memory_space<vmem>> -> memref<400xi32, #tpu.memory_space<vmem>>
    %dma_wait3A_412 = arith.constant 0 : i32
    %dma_wait3A_413 = arith.constant 0 : i32
    %dma_wait3A_414 = tpu.memref_slice %arg8[%dma_wait3A_412, %dma_wait3A_413] : memref<10000x32xf32, #tpu.memory_space<vmem_shared>> -> memref<10000x32xf32, #tpu.memory_space<vmem_shared>>
    tpu.wait_indirect_dma semaphore(%arg15 : memref<!tpu.dma_semaphore, #tpu.memory_space<semaphore_mem>>) src(%dma_wait3A_414 : memref<10000x32xf32, #tpu.memory_space<vmem_shared>>) dst(%arg13 : memref<400x32xf32, #tpu.memory_space<vmem>>)
    %add3A_415 = arith.constant 4000 : i32
    %add3A_416 = arith.addi %mul3A_2, %add3A_415 : i32
    %dma_start3A_417 = arith.constant 0 : i32
    %dma_start3A_418 = tpu.memref_slice %arg5[%add3A_416, %dma_start3A_417] : memref<320000x32xf32, #tpu.memory_space<hbm>> -> memref<400x32xf32, #tpu.memory_space<hbm>>
    %dma_start3A_419 = arith.constant 0 : i32
    %dma_start3A_420 = tpu.memref_slice %arg5[%add3A_416, %dma_start3A_419] : memref<320000x32xf32, #tpu.memory_space<hbm>> -> memref<400x32xf32, #tpu.memory_space<hbm>>
    tpu.enqueue_dma source(%arg11 : memref<400x32xf32, #tpu.memory_space<vmem>>) target(%dma_start3A_420 : memref<400x32xf32, #tpu.memory_space<hbm>>) target_semaphore(%arg17 : memref<!tpu.dma_semaphore, #tpu.memory_space<semaphore_mem>>)
    %dma_start3A_421 = arith.constant 0 : i32
    %dma_start3A_422 = tpu.memref_slice %arg6[%add3A_416, %dma_start3A_421] : memref<320000x32xf32, #tpu.memory_space<hbm>> -> memref<400x32xf32, #tpu.memory_space<hbm>>
    %dma_start3A_423 = arith.constant 0 : i32
    %dma_start3A_424 = tpu.memref_slice %arg6[%add3A_416, %dma_start3A_423] : memref<320000x32xf32, #tpu.memory_space<hbm>> -> memref<400x32xf32, #tpu.memory_space<hbm>>
    tpu.enqueue_dma source(%arg13 : memref<400x32xf32, #tpu.memory_space<vmem>>) target(%dma_start3A_424 : memref<400x32xf32, #tpu.memory_space<hbm>>) target_semaphore(%arg17 : memref<!tpu.dma_semaphore, #tpu.memory_space<semaphore_mem>>)
    %dma_wait3A_425 = arith.constant 0 : i32
    %dma_wait3A_426 = tpu.memref_slice %arg5[%add3A_416, %dma_wait3A_425] : memref<320000x32xf32, #tpu.memory_space<hbm>> -> memref<400x32xf32, #tpu.memory_space<hbm>>
    %dma_wait3A_427 = arith.constant 0 : i32
    %dma_wait3A_428 = tpu.memref_slice %arg5[%add3A_416, %dma_wait3A_427] : memref<320000x32xf32, #tpu.memory_space<hbm>> -> memref<400x32xf32, #tpu.memory_space<hbm>>
    tpu.wait_dma2 semaphore(%arg17 : memref<!tpu.dma_semaphore, #tpu.memory_space<semaphore_mem>>) src(%arg11 : memref<400x32xf32, #tpu.memory_space<vmem>>) dst(%dma_wait3A_428 : memref<400x32xf32, #tpu.memory_space<hbm>>)
    %dma_wait3A_429 = arith.constant 0 : i32
    %dma_wait3A_430 = tpu.memref_slice %arg6[%add3A_416, %dma_wait3A_429] : memref<320000x32xf32, #tpu.memory_space<hbm>> -> memref<400x32xf32, #tpu.memory_space<hbm>>
    %dma_wait3A_431 = arith.constant 0 : i32
    %dma_wait3A_432 = tpu.memref_slice %arg6[%add3A_416, %dma_wait3A_431] : memref<320000x32xf32, #tpu.memory_space<hbm>> -> memref<400x32xf32, #tpu.memory_space<hbm>>
    tpu.wait_dma2 semaphore(%arg17 : memref<!tpu.dma_semaphore, #tpu.memory_space<semaphore_mem>>) src(%arg13 : memref<400x32xf32, #tpu.memory_space<vmem>>) dst(%dma_wait3A_432 : memref<400x32xf32, #tpu.memory_space<hbm>>)
    %dma_start3A_433 = arith.constant 4800 : i32
    %dma_start3A_434 = tpu.memref_slice %arg9[%dma_start3A_433] : memref<10000xi32, #tpu.memory_space<vmem>> -> memref<400xi32, #tpu.memory_space<vmem>>
    %dma_start3A_435 = arith.constant 0 : i32
    %dma_start3A_436 = arith.constant 0 : i32
    %dma_start3A_437 = tpu.memref_slice %arg7[%dma_start3A_435, %dma_start3A_436] : memref<10000x32xf32, #tpu.memory_space<vmem_shared>> -> memref<10000x32xf32, #tpu.memory_space<vmem_shared>>
    tpu.enqueue_indirect_dma source(%dma_start3A_437 : memref<10000x32xf32, #tpu.memory_space<vmem_shared>>) target(%arg11 : memref<400x32xf32, #tpu.memory_space<vmem>>) offsets(%dma_start3A_434 : memref<400xi32, #tpu.memory_space<vmem>>) semaphore(%arg15 : memref<!tpu.dma_semaphore, #tpu.memory_space<semaphore_mem>>)
    %dma_start3A_438 = arith.constant 4800 : i32
    %dma_start3A_439 = tpu.memref_slice %arg10[%dma_start3A_438] : memref<10000xi32, #tpu.memory_space<vmem>> -> memref<400xi32, #tpu.memory_space<vmem>>
    %dma_start3A_440 = arith.constant 0 : i32
    %dma_start3A_441 = arith.constant 0 : i32
    %dma_start3A_442 = tpu.memref_slice %arg8[%dma_start3A_440, %dma_start3A_441] : memref<10000x32xf32, #tpu.memory_space<vmem_shared>> -> memref<10000x32xf32, #tpu.memory_space<vmem_shared>>
    tpu.enqueue_indirect_dma source(%dma_start3A_442 : memref<10000x32xf32, #tpu.memory_space<vmem_shared>>) target(%arg13 : memref<400x32xf32, #tpu.memory_space<vmem>>) offsets(%dma_start3A_439 : memref<400xi32, #tpu.memory_space<vmem>>) semaphore(%arg15 : memref<!tpu.dma_semaphore, #tpu.memory_space<semaphore_mem>>)
    %dma_wait3A_443 = arith.constant 4400 : i32
    %dma_wait3A_444 = tpu.memref_slice %arg9[%dma_wait3A_443] : memref<10000xi32, #tpu.memory_space<vmem>> -> memref<400xi32, #tpu.memory_space<vmem>>
    %dma_wait3A_445 = arith.constant 0 : i32
    %dma_wait3A_446 = arith.constant 0 : i32
    %dma_wait3A_447 = tpu.memref_slice %arg7[%dma_wait3A_445, %dma_wait3A_446] : memref<10000x32xf32, #tpu.memory_space<vmem_shared>> -> memref<10000x32xf32, #tpu.memory_space<vmem_shared>>
    tpu.wait_indirect_dma semaphore(%arg16 : memref<!tpu.dma_semaphore, #tpu.memory_space<semaphore_mem>>) src(%dma_wait3A_447 : memref<10000x32xf32, #tpu.memory_space<vmem_shared>>) dst(%arg12 : memref<400x32xf32, #tpu.memory_space<vmem>>)
    %dma_wait3A_448 = arith.constant 4400 : i32
    %dma_wait3A_449 = tpu.memref_slice %arg10[%dma_wait3A_448] : memref<10000xi32, #tpu.memory_space<vmem>> -> memref<400xi32, #tpu.memory_space<vmem>>
    %dma_wait3A_450 = arith.constant 0 : i32
    %dma_wait3A_451 = arith.constant 0 : i32
    %dma_wait3A_452 = tpu.memref_slice %arg8[%dma_wait3A_450, %dma_wait3A_451] : memref<10000x32xf32, #tpu.memory_space<vmem_shared>> -> memref<10000x32xf32, #tpu.memory_space<vmem_shared>>
    tpu.wait_indirect_dma semaphore(%arg16 : memref<!tpu.dma_semaphore, #tpu.memory_space<semaphore_mem>>) src(%dma_wait3A_452 : memref<10000x32xf32, #tpu.memory_space<vmem_shared>>) dst(%arg14 : memref<400x32xf32, #tpu.memory_space<vmem>>)
    %add3A_453 = arith.constant 4400 : i32
    %add3A_454 = arith.addi %mul3A_2, %add3A_453 : i32
    %dma_start3A_455 = arith.constant 0 : i32
    %dma_start3A_456 = tpu.memref_slice %arg5[%add3A_454, %dma_start3A_455] : memref<320000x32xf32, #tpu.memory_space<hbm>> -> memref<400x32xf32, #tpu.memory_space<hbm>>
    %dma_start3A_457 = arith.constant 0 : i32
    %dma_start3A_458 = tpu.memref_slice %arg5[%add3A_454, %dma_start3A_457] : memref<320000x32xf32, #tpu.memory_space<hbm>> -> memref<400x32xf32, #tpu.memory_space<hbm>>
    tpu.enqueue_dma source(%arg12 : memref<400x32xf32, #tpu.memory_space<vmem>>) target(%dma_start3A_458 : memref<400x32xf32, #tpu.memory_space<hbm>>) target_semaphore(%arg18 : memref<!tpu.dma_semaphore, #tpu.memory_space<semaphore_mem>>)
    %dma_start3A_459 = arith.constant 0 : i32
    %dma_start3A_460 = tpu.memref_slice %arg6[%add3A_454, %dma_start3A_459] : memref<320000x32xf32, #tpu.memory_space<hbm>> -> memref<400x32xf32, #tpu.memory_space<hbm>>
    %dma_start3A_461 = arith.constant 0 : i32
    %dma_start3A_462 = tpu.memref_slice %arg6[%add3A_454, %dma_start3A_461] : memref<320000x32xf32, #tpu.memory_space<hbm>> -> memref<400x32xf32, #tpu.memory_space<hbm>>
    tpu.enqueue_dma source(%arg14 : memref<400x32xf32, #tpu.memory_space<vmem>>) target(%dma_start3A_462 : memref<400x32xf32, #tpu.memory_space<hbm>>) target_semaphore(%arg18 : memref<!tpu.dma_semaphore, #tpu.memory_space<semaphore_mem>>)
    %dma_wait3A_463 = arith.constant 0 : i32
    %dma_wait3A_464 = tpu.memref_slice %arg5[%add3A_454, %dma_wait3A_463] : memref<320000x32xf32, #tpu.memory_space<hbm>> -> memref<400x32xf32, #tpu.memory_space<hbm>>
    %dma_wait3A_465 = arith.constant 0 : i32
    %dma_wait3A_466 = tpu.memref_slice %arg5[%add3A_454, %dma_wait3A_465] : memref<320000x32xf32, #tpu.memory_space<hbm>> -> memref<400x32xf32, #tpu.memory_space<hbm>>
    tpu.wait_dma2 semaphore(%arg18 : memref<!tpu.dma_semaphore, #tpu.memory_space<semaphore_mem>>) src(%arg12 : memref<400x32xf32, #tpu.memory_space<vmem>>) dst(%dma_wait3A_466 : memref<400x32xf32, #tpu.memory_space<hbm>>)
    %dma_wait3A_467 = arith.constant 0 : i32
    %dma_wait3A_468 = tpu.memref_slice %arg6[%add3A_454, %dma_wait3A_467] : memref<320000x32xf32, #tpu.memory_space<hbm>> -> memref<400x32xf32, #tpu.memory_space<hbm>>
    %dma_wait3A_469 = arith.constant 0 : i32
    %dma_wait3A_470 = tpu.memref_slice %arg6[%add3A_454, %dma_wait3A_469] : memref<320000x32xf32, #tpu.memory_space<hbm>> -> memref<400x32xf32, #tpu.memory_space<hbm>>
    tpu.wait_dma2 semaphore(%arg18 : memref<!tpu.dma_semaphore, #tpu.memory_space<semaphore_mem>>) src(%arg14 : memref<400x32xf32, #tpu.memory_space<vmem>>) dst(%dma_wait3A_470 : memref<400x32xf32, #tpu.memory_space<hbm>>)
    %dma_start3A_471 = arith.constant 5200 : i32
    %dma_start3A_472 = tpu.memref_slice %arg9[%dma_start3A_471] : memref<10000xi32, #tpu.memory_space<vmem>> -> memref<400xi32, #tpu.memory_space<vmem>>
    %dma_start3A_473 = arith.constant 0 : i32
    %dma_start3A_474 = arith.constant 0 : i32
    %dma_start3A_475 = tpu.memref_slice %arg7[%dma_start3A_473, %dma_start3A_474] : memref<10000x32xf32, #tpu.memory_space<vmem_shared>> -> memref<10000x32xf32, #tpu.memory_space<vmem_shared>>
    tpu.enqueue_indirect_dma source(%dma_start3A_475 : memref<10000x32xf32, #tpu.memory_space<vmem_shared>>) target(%arg12 : memref<400x32xf32, #tpu.memory_space<vmem>>) offsets(%dma_start3A_472 : memref<400xi32, #tpu.memory_space<vmem>>) semaphore(%arg16 : memref<!tpu.dma_semaphore, #tpu.memory_space<semaphore_mem>>)
    %dma_start3A_476 = arith.constant 5200 : i32
    %dma_start3A_477 = tpu.memref_slice %arg10[%dma_start3A_476] : memref<10000xi32, #tpu.memory_space<vmem>> -> memref<400xi32, #tpu.memory_space<vmem>>
    %dma_start3A_478 = arith.constant 0 : i32
    %dma_start3A_479 = arith.constant 0 : i32
    %dma_start3A_480 = tpu.memref_slice %arg8[%dma_start3A_478, %dma_start3A_479] : memref<10000x32xf32, #tpu.memory_space<vmem_shared>> -> memref<10000x32xf32, #tpu.memory_space<vmem_shared>>
    tpu.enqueue_indirect_dma source(%dma_start3A_480 : memref<10000x32xf32, #tpu.memory_space<vmem_shared>>) target(%arg14 : memref<400x32xf32, #tpu.memory_space<vmem>>) offsets(%dma_start3A_477 : memref<400xi32, #tpu.memory_space<vmem>>) semaphore(%arg16 : memref<!tpu.dma_semaphore, #tpu.memory_space<semaphore_mem>>)
    %dma_wait3A_481 = arith.constant 4800 : i32
    %dma_wait3A_482 = tpu.memref_slice %arg9[%dma_wait3A_481] : memref<10000xi32, #tpu.memory_space<vmem>> -> memref<400xi32, #tpu.memory_space<vmem>>
    %dma_wait3A_483 = arith.constant 0 : i32
    %dma_wait3A_484 = arith.constant 0 : i32
    %dma_wait3A_485 = tpu.memref_slice %arg7[%dma_wait3A_483, %dma_wait3A_484] : memref<10000x32xf32, #tpu.memory_space<vmem_shared>> -> memref<10000x32xf32, #tpu.memory_space<vmem_shared>>
    tpu.wait_indirect_dma semaphore(%arg15 : memref<!tpu.dma_semaphore, #tpu.memory_space<semaphore_mem>>) src(%dma_wait3A_485 : memref<10000x32xf32, #tpu.memory_space<vmem_shared>>) dst(%arg11 : memref<400x32xf32, #tpu.memory_space<vmem>>)
    %dma_wait3A_486 = arith.constant 4800 : i32
    %dma_wait3A_487 = tpu.memref_slice %arg10[%dma_wait3A_486] : memref<10000xi32, #tpu.memory_space<vmem>> -> memref<400xi32, #tpu.memory_space<vmem>>
    %dma_wait3A_488 = arith.constant 0 : i32
    %dma_wait3A_489 = arith.constant 0 : i32
    %dma_wait3A_490 = tpu.memref_slice %arg8[%dma_wait3A_488, %dma_wait3A_489] : memref<10000x32xf32, #tpu.memory_space<vmem_shared>> -> memref<10000x32xf32, #tpu.memory_space<vmem_shared>>
    tpu.wait_indirect_dma semaphore(%arg15 : memref<!tpu.dma_semaphore, #tpu.memory_space<semaphore_mem>>) src(%dma_wait3A_490 : memref<10000x32xf32, #tpu.memory_space<vmem_shared>>) dst(%arg13 : memref<400x32xf32, #tpu.memory_space<vmem>>)
    %add3A_491 = arith.constant 4800 : i32
    %add3A_492 = arith.addi %mul3A_2, %add3A_491 : i32
    %dma_start3A_493 = arith.constant 0 : i32
    %dma_start3A_494 = tpu.memref_slice %arg5[%add3A_492, %dma_start3A_493] : memref<320000x32xf32, #tpu.memory_space<hbm>> -> memref<400x32xf32, #tpu.memory_space<hbm>>
    %dma_start3A_495 = arith.constant 0 : i32
    %dma_start3A_496 = tpu.memref_slice %arg5[%add3A_492, %dma_start3A_495] : memref<320000x32xf32, #tpu.memory_space<hbm>> -> memref<400x32xf32, #tpu.memory_space<hbm>>
    tpu.enqueue_dma source(%arg11 : memref<400x32xf32, #tpu.memory_space<vmem>>) target(%dma_start3A_496 : memref<400x32xf32, #tpu.memory_space<hbm>>) target_semaphore(%arg17 : memref<!tpu.dma_semaphore, #tpu.memory_space<semaphore_mem>>)
    %dma_start3A_497 = arith.constant 0 : i32
    %dma_start3A_498 = tpu.memref_slice %arg6[%add3A_492, %dma_start3A_497] : memref<320000x32xf32, #tpu.memory_space<hbm>> -> memref<400x32xf32, #tpu.memory_space<hbm>>
    %dma_start3A_499 = arith.constant 0 : i32
    %dma_start3A_500 = tpu.memref_slice %arg6[%add3A_492, %dma_start3A_499] : memref<320000x32xf32, #tpu.memory_space<hbm>> -> memref<400x32xf32, #tpu.memory_space<hbm>>
    tpu.enqueue_dma source(%arg13 : memref<400x32xf32, #tpu.memory_space<vmem>>) target(%dma_start3A_500 : memref<400x32xf32, #tpu.memory_space<hbm>>) target_semaphore(%arg17 : memref<!tpu.dma_semaphore, #tpu.memory_space<semaphore_mem>>)
    %dma_wait3A_501 = arith.constant 0 : i32
    %dma_wait3A_502 = tpu.memref_slice %arg5[%add3A_492, %dma_wait3A_501] : memref<320000x32xf32, #tpu.memory_space<hbm>> -> memref<400x32xf32, #tpu.memory_space<hbm>>
    %dma_wait3A_503 = arith.constant 0 : i32
    %dma_wait3A_504 = tpu.memref_slice %arg5[%add3A_492, %dma_wait3A_503] : memref<320000x32xf32, #tpu.memory_space<hbm>> -> memref<400x32xf32, #tpu.memory_space<hbm>>
    tpu.wait_dma2 semaphore(%arg17 : memref<!tpu.dma_semaphore, #tpu.memory_space<semaphore_mem>>) src(%arg11 : memref<400x32xf32, #tpu.memory_space<vmem>>) dst(%dma_wait3A_504 : memref<400x32xf32, #tpu.memory_space<hbm>>)
    %dma_wait3A_505 = arith.constant 0 : i32
    %dma_wait3A_506 = tpu.memref_slice %arg6[%add3A_492, %dma_wait3A_505] : memref<320000x32xf32, #tpu.memory_space<hbm>> -> memref<400x32xf32, #tpu.memory_space<hbm>>
    %dma_wait3A_507 = arith.constant 0 : i32
    %dma_wait3A_508 = tpu.memref_slice %arg6[%add3A_492, %dma_wait3A_507] : memref<320000x32xf32, #tpu.memory_space<hbm>> -> memref<400x32xf32, #tpu.memory_space<hbm>>
    tpu.wait_dma2 semaphore(%arg17 : memref<!tpu.dma_semaphore, #tpu.memory_space<semaphore_mem>>) src(%arg13 : memref<400x32xf32, #tpu.memory_space<vmem>>) dst(%dma_wait3A_508 : memref<400x32xf32, #tpu.memory_space<hbm>>)
    %dma_start3A_509 = arith.constant 5600 : i32
    %dma_start3A_510 = tpu.memref_slice %arg9[%dma_start3A_509] : memref<10000xi32, #tpu.memory_space<vmem>> -> memref<400xi32, #tpu.memory_space<vmem>>
    %dma_start3A_511 = arith.constant 0 : i32
    %dma_start3A_512 = arith.constant 0 : i32
    %dma_start3A_513 = tpu.memref_slice %arg7[%dma_start3A_511, %dma_start3A_512] : memref<10000x32xf32, #tpu.memory_space<vmem_shared>> -> memref<10000x32xf32, #tpu.memory_space<vmem_shared>>
    tpu.enqueue_indirect_dma source(%dma_start3A_513 : memref<10000x32xf32, #tpu.memory_space<vmem_shared>>) target(%arg11 : memref<400x32xf32, #tpu.memory_space<vmem>>) offsets(%dma_start3A_510 : memref<400xi32, #tpu.memory_space<vmem>>) semaphore(%arg15 : memref<!tpu.dma_semaphore, #tpu.memory_space<semaphore_mem>>)
    %dma_start3A_514 = arith.constant 5600 : i32
    %dma_start3A_515 = tpu.memref_slice %arg10[%dma_start3A_514] : memref<10000xi32, #tpu.memory_space<vmem>> -> memref<400xi32, #tpu.memory_space<vmem>>
    %dma_start3A_516 = arith.constant 0 : i32
    %dma_start3A_517 = arith.constant 0 : i32
    %dma_start3A_518 = tpu.memref_slice %arg8[%dma_start3A_516, %dma_start3A_517] : memref<10000x32xf32, #tpu.memory_space<vmem_shared>> -> memref<10000x32xf32, #tpu.memory_space<vmem_shared>>
    tpu.enqueue_indirect_dma source(%dma_start3A_518 : memref<10000x32xf32, #tpu.memory_space<vmem_shared>>) target(%arg13 : memref<400x32xf32, #tpu.memory_space<vmem>>) offsets(%dma_start3A_515 : memref<400xi32, #tpu.memory_space<vmem>>) semaphore(%arg15 : memref<!tpu.dma_semaphore, #tpu.memory_space<semaphore_mem>>)
    %dma_wait3A_519 = arith.constant 5200 : i32
    %dma_wait3A_520 = tpu.memref_slice %arg9[%dma_wait3A_519] : memref<10000xi32, #tpu.memory_space<vmem>> -> memref<400xi32, #tpu.memory_space<vmem>>
    %dma_wait3A_521 = arith.constant 0 : i32
    %dma_wait3A_522 = arith.constant 0 : i32
    %dma_wait3A_523 = tpu.memref_slice %arg7[%dma_wait3A_521, %dma_wait3A_522] : memref<10000x32xf32, #tpu.memory_space<vmem_shared>> -> memref<10000x32xf32, #tpu.memory_space<vmem_shared>>
    tpu.wait_indirect_dma semaphore(%arg16 : memref<!tpu.dma_semaphore, #tpu.memory_space<semaphore_mem>>) src(%dma_wait3A_523 : memref<10000x32xf32, #tpu.memory_space<vmem_shared>>) dst(%arg12 : memref<400x32xf32, #tpu.memory_space<vmem>>)
    %dma_wait3A_524 = arith.constant 5200 : i32
    %dma_wait3A_525 = tpu.memref_slice %arg10[%dma_wait3A_524] : memref<10000xi32, #tpu.memory_space<vmem>> -> memref<400xi32, #tpu.memory_space<vmem>>
    %dma_wait3A_526 = arith.constant 0 : i32
    %dma_wait3A_527 = arith.constant 0 : i32
    %dma_wait3A_528 = tpu.memref_slice %arg8[%dma_wait3A_526, %dma_wait3A_527] : memref<10000x32xf32, #tpu.memory_space<vmem_shared>> -> memref<10000x32xf32, #tpu.memory_space<vmem_shared>>
    tpu.wait_indirect_dma semaphore(%arg16 : memref<!tpu.dma_semaphore, #tpu.memory_space<semaphore_mem>>) src(%dma_wait3A_528 : memref<10000x32xf32, #tpu.memory_space<vmem_shared>>) dst(%arg14 : memref<400x32xf32, #tpu.memory_space<vmem>>)
    %add3A_529 = arith.constant 5200 : i32
    %add3A_530 = arith.addi %mul3A_2, %add3A_529 : i32
    %dma_start3A_531 = arith.constant 0 : i32
    %dma_start3A_532 = tpu.memref_slice %arg5[%add3A_530, %dma_start3A_531] : memref<320000x32xf32, #tpu.memory_space<hbm>> -> memref<400x32xf32, #tpu.memory_space<hbm>>
    %dma_start3A_533 = arith.constant 0 : i32
    %dma_start3A_534 = tpu.memref_slice %arg5[%add3A_530, %dma_start3A_533] : memref<320000x32xf32, #tpu.memory_space<hbm>> -> memref<400x32xf32, #tpu.memory_space<hbm>>
    tpu.enqueue_dma source(%arg12 : memref<400x32xf32, #tpu.memory_space<vmem>>) target(%dma_start3A_534 : memref<400x32xf32, #tpu.memory_space<hbm>>) target_semaphore(%arg18 : memref<!tpu.dma_semaphore, #tpu.memory_space<semaphore_mem>>)
    %dma_start3A_535 = arith.constant 0 : i32
    %dma_start3A_536 = tpu.memref_slice %arg6[%add3A_530, %dma_start3A_535] : memref<320000x32xf32, #tpu.memory_space<hbm>> -> memref<400x32xf32, #tpu.memory_space<hbm>>
    %dma_start3A_537 = arith.constant 0 : i32
    %dma_start3A_538 = tpu.memref_slice %arg6[%add3A_530, %dma_start3A_537] : memref<320000x32xf32, #tpu.memory_space<hbm>> -> memref<400x32xf32, #tpu.memory_space<hbm>>
    tpu.enqueue_dma source(%arg14 : memref<400x32xf32, #tpu.memory_space<vmem>>) target(%dma_start3A_538 : memref<400x32xf32, #tpu.memory_space<hbm>>) target_semaphore(%arg18 : memref<!tpu.dma_semaphore, #tpu.memory_space<semaphore_mem>>)
    %dma_wait3A_539 = arith.constant 0 : i32
    %dma_wait3A_540 = tpu.memref_slice %arg5[%add3A_530, %dma_wait3A_539] : memref<320000x32xf32, #tpu.memory_space<hbm>> -> memref<400x32xf32, #tpu.memory_space<hbm>>
    %dma_wait3A_541 = arith.constant 0 : i32
    %dma_wait3A_542 = tpu.memref_slice %arg5[%add3A_530, %dma_wait3A_541] : memref<320000x32xf32, #tpu.memory_space<hbm>> -> memref<400x32xf32, #tpu.memory_space<hbm>>
    tpu.wait_dma2 semaphore(%arg18 : memref<!tpu.dma_semaphore, #tpu.memory_space<semaphore_mem>>) src(%arg12 : memref<400x32xf32, #tpu.memory_space<vmem>>) dst(%dma_wait3A_542 : memref<400x32xf32, #tpu.memory_space<hbm>>)
    %dma_wait3A_543 = arith.constant 0 : i32
    %dma_wait3A_544 = tpu.memref_slice %arg6[%add3A_530, %dma_wait3A_543] : memref<320000x32xf32, #tpu.memory_space<hbm>> -> memref<400x32xf32, #tpu.memory_space<hbm>>
    %dma_wait3A_545 = arith.constant 0 : i32
    %dma_wait3A_546 = tpu.memref_slice %arg6[%add3A_530, %dma_wait3A_545] : memref<320000x32xf32, #tpu.memory_space<hbm>> -> memref<400x32xf32, #tpu.memory_space<hbm>>
    tpu.wait_dma2 semaphore(%arg18 : memref<!tpu.dma_semaphore, #tpu.memory_space<semaphore_mem>>) src(%arg14 : memref<400x32xf32, #tpu.memory_space<vmem>>) dst(%dma_wait3A_546 : memref<400x32xf32, #tpu.memory_space<hbm>>)
    %dma_start3A_547 = arith.constant 6000 : i32
    %dma_start3A_548 = tpu.memref_slice %arg9[%dma_start3A_547] : memref<10000xi32, #tpu.memory_space<vmem>> -> memref<400xi32, #tpu.memory_space<vmem>>
    %dma_start3A_549 = arith.constant 0 : i32
    %dma_start3A_550 = arith.constant 0 : i32
    %dma_start3A_551 = tpu.memref_slice %arg7[%dma_start3A_549, %dma_start3A_550] : memref<10000x32xf32, #tpu.memory_space<vmem_shared>> -> memref<10000x32xf32, #tpu.memory_space<vmem_shared>>
    tpu.enqueue_indirect_dma source(%dma_start3A_551 : memref<10000x32xf32, #tpu.memory_space<vmem_shared>>) target(%arg12 : memref<400x32xf32, #tpu.memory_space<vmem>>) offsets(%dma_start3A_548 : memref<400xi32, #tpu.memory_space<vmem>>) semaphore(%arg16 : memref<!tpu.dma_semaphore, #tpu.memory_space<semaphore_mem>>)
    %dma_start3A_552 = arith.constant 6000 : i32
    %dma_start3A_553 = tpu.memref_slice %arg10[%dma_start3A_552] : memref<10000xi32, #tpu.memory_space<vmem>> -> memref<400xi32, #tpu.memory_space<vmem>>
    %dma_start3A_554 = arith.constant 0 : i32
    %dma_start3A_555 = arith.constant 0 : i32
    %dma_start3A_556 = tpu.memref_slice %arg8[%dma_start3A_554, %dma_start3A_555] : memref<10000x32xf32, #tpu.memory_space<vmem_shared>> -> memref<10000x32xf32, #tpu.memory_space<vmem_shared>>
    tpu.enqueue_indirect_dma source(%dma_start3A_556 : memref<10000x32xf32, #tpu.memory_space<vmem_shared>>) target(%arg14 : memref<400x32xf32, #tpu.memory_space<vmem>>) offsets(%dma_start3A_553 : memref<400xi32, #tpu.memory_space<vmem>>) semaphore(%arg16 : memref<!tpu.dma_semaphore, #tpu.memory_space<semaphore_mem>>)
    %dma_wait3A_557 = arith.constant 5600 : i32
    %dma_wait3A_558 = tpu.memref_slice %arg9[%dma_wait3A_557] : memref<10000xi32, #tpu.memory_space<vmem>> -> memref<400xi32, #tpu.memory_space<vmem>>
    %dma_wait3A_559 = arith.constant 0 : i32
    %dma_wait3A_560 = arith.constant 0 : i32
    %dma_wait3A_561 = tpu.memref_slice %arg7[%dma_wait3A_559, %dma_wait3A_560] : memref<10000x32xf32, #tpu.memory_space<vmem_shared>> -> memref<10000x32xf32, #tpu.memory_space<vmem_shared>>
    tpu.wait_indirect_dma semaphore(%arg15 : memref<!tpu.dma_semaphore, #tpu.memory_space<semaphore_mem>>) src(%dma_wait3A_561 : memref<10000x32xf32, #tpu.memory_space<vmem_shared>>) dst(%arg11 : memref<400x32xf32, #tpu.memory_space<vmem>>)
    %dma_wait3A_562 = arith.constant 5600 : i32
    %dma_wait3A_563 = tpu.memref_slice %arg10[%dma_wait3A_562] : memref<10000xi32, #tpu.memory_space<vmem>> -> memref<400xi32, #tpu.memory_space<vmem>>
    %dma_wait3A_564 = arith.constant 0 : i32
    %dma_wait3A_565 = arith.constant 0 : i32
    %dma_wait3A_566 = tpu.memref_slice %arg8[%dma_wait3A_564, %dma_wait3A_565] : memref<10000x32xf32, #tpu.memory_space<vmem_shared>> -> memref<10000x32xf32, #tpu.memory_space<vmem_shared>>
    tpu.wait_indirect_dma semaphore(%arg15 : memref<!tpu.dma_semaphore, #tpu.memory_space<semaphore_mem>>) src(%dma_wait3A_566 : memref<10000x32xf32, #tpu.memory_space<vmem_shared>>) dst(%arg13 : memref<400x32xf32, #tpu.memory_space<vmem>>)
    %add3A_567 = arith.constant 5600 : i32
    %add3A_568 = arith.addi %mul3A_2, %add3A_567 : i32
    %dma_start3A_569 = arith.constant 0 : i32
    %dma_start3A_570 = tpu.memref_slice %arg5[%add3A_568, %dma_start3A_569] : memref<320000x32xf32, #tpu.memory_space<hbm>> -> memref<400x32xf32, #tpu.memory_space<hbm>>
    %dma_start3A_571 = arith.constant 0 : i32
    %dma_start3A_572 = tpu.memref_slice %arg5[%add3A_568, %dma_start3A_571] : memref<320000x32xf32, #tpu.memory_space<hbm>> -> memref<400x32xf32, #tpu.memory_space<hbm>>
    tpu.enqueue_dma source(%arg11 : memref<400x32xf32, #tpu.memory_space<vmem>>) target(%dma_start3A_572 : memref<400x32xf32, #tpu.memory_space<hbm>>) target_semaphore(%arg17 : memref<!tpu.dma_semaphore, #tpu.memory_space<semaphore_mem>>)
    %dma_start3A_573 = arith.constant 0 : i32
    %dma_start3A_574 = tpu.memref_slice %arg6[%add3A_568, %dma_start3A_573] : memref<320000x32xf32, #tpu.memory_space<hbm>> -> memref<400x32xf32, #tpu.memory_space<hbm>>
    %dma_start3A_575 = arith.constant 0 : i32
    %dma_start3A_576 = tpu.memref_slice %arg6[%add3A_568, %dma_start3A_575] : memref<320000x32xf32, #tpu.memory_space<hbm>> -> memref<400x32xf32, #tpu.memory_space<hbm>>
    tpu.enqueue_dma source(%arg13 : memref<400x32xf32, #tpu.memory_space<vmem>>) target(%dma_start3A_576 : memref<400x32xf32, #tpu.memory_space<hbm>>) target_semaphore(%arg17 : memref<!tpu.dma_semaphore, #tpu.memory_space<semaphore_mem>>)
    %dma_wait3A_577 = arith.constant 0 : i32
    %dma_wait3A_578 = tpu.memref_slice %arg5[%add3A_568, %dma_wait3A_577] : memref<320000x32xf32, #tpu.memory_space<hbm>> -> memref<400x32xf32, #tpu.memory_space<hbm>>
    %dma_wait3A_579 = arith.constant 0 : i32
    %dma_wait3A_580 = tpu.memref_slice %arg5[%add3A_568, %dma_wait3A_579] : memref<320000x32xf32, #tpu.memory_space<hbm>> -> memref<400x32xf32, #tpu.memory_space<hbm>>
    tpu.wait_dma2 semaphore(%arg17 : memref<!tpu.dma_semaphore, #tpu.memory_space<semaphore_mem>>) src(%arg11 : memref<400x32xf32, #tpu.memory_space<vmem>>) dst(%dma_wait3A_580 : memref<400x32xf32, #tpu.memory_space<hbm>>)
    %dma_wait3A_581 = arith.constant 0 : i32
    %dma_wait3A_582 = tpu.memref_slice %arg6[%add3A_568, %dma_wait3A_581] : memref<320000x32xf32, #tpu.memory_space<hbm>> -> memref<400x32xf32, #tpu.memory_space<hbm>>
    %dma_wait3A_583 = arith.constant 0 : i32
    %dma_wait3A_584 = tpu.memref_slice %arg6[%add3A_568, %dma_wait3A_583] : memref<320000x32xf32, #tpu.memory_space<hbm>> -> memref<400x32xf32, #tpu.memory_space<hbm>>
    tpu.wait_dma2 semaphore(%arg17 : memref<!tpu.dma_semaphore, #tpu.memory_space<semaphore_mem>>) src(%arg13 : memref<400x32xf32, #tpu.memory_space<vmem>>) dst(%dma_wait3A_584 : memref<400x32xf32, #tpu.memory_space<hbm>>)
    %dma_start3A_585 = arith.constant 6400 : i32
    %dma_start3A_586 = tpu.memref_slice %arg9[%dma_start3A_585] : memref<10000xi32, #tpu.memory_space<vmem>> -> memref<400xi32, #tpu.memory_space<vmem>>
    %dma_start3A_587 = arith.constant 0 : i32
    %dma_start3A_588 = arith.constant 0 : i32
    %dma_start3A_589 = tpu.memref_slice %arg7[%dma_start3A_587, %dma_start3A_588] : memref<10000x32xf32, #tpu.memory_space<vmem_shared>> -> memref<10000x32xf32, #tpu.memory_space<vmem_shared>>
    tpu.enqueue_indirect_dma source(%dma_start3A_589 : memref<10000x32xf32, #tpu.memory_space<vmem_shared>>) target(%arg11 : memref<400x32xf32, #tpu.memory_space<vmem>>) offsets(%dma_start3A_586 : memref<400xi32, #tpu.memory_space<vmem>>) semaphore(%arg15 : memref<!tpu.dma_semaphore, #tpu.memory_space<semaphore_mem>>)
    %dma_start3A_590 = arith.constant 6400 : i32
    %dma_start3A_591 = tpu.memref_slice %arg10[%dma_start3A_590] : memref<10000xi32, #tpu.memory_space<vmem>> -> memref<400xi32, #tpu.memory_space<vmem>>
    %dma_start3A_592 = arith.constant 0 : i32
    %dma_start3A_593 = arith.constant 0 : i32
    %dma_start3A_594 = tpu.memref_slice %arg8[%dma_start3A_592, %dma_start3A_593] : memref<10000x32xf32, #tpu.memory_space<vmem_shared>> -> memref<10000x32xf32, #tpu.memory_space<vmem_shared>>
    tpu.enqueue_indirect_dma source(%dma_start3A_594 : memref<10000x32xf32, #tpu.memory_space<vmem_shared>>) target(%arg13 : memref<400x32xf32, #tpu.memory_space<vmem>>) offsets(%dma_start3A_591 : memref<400xi32, #tpu.memory_space<vmem>>) semaphore(%arg15 : memref<!tpu.dma_semaphore, #tpu.memory_space<semaphore_mem>>)
    %dma_wait3A_595 = arith.constant 6000 : i32
    %dma_wait3A_596 = tpu.memref_slice %arg9[%dma_wait3A_595] : memref<10000xi32, #tpu.memory_space<vmem>> -> memref<400xi32, #tpu.memory_space<vmem>>
    %dma_wait3A_597 = arith.constant 0 : i32
    %dma_wait3A_598 = arith.constant 0 : i32
    %dma_wait3A_599 = tpu.memref_slice %arg7[%dma_wait3A_597, %dma_wait3A_598] : memref<10000x32xf32, #tpu.memory_space<vmem_shared>> -> memref<10000x32xf32, #tpu.memory_space<vmem_shared>>
    tpu.wait_indirect_dma semaphore(%arg16 : memref<!tpu.dma_semaphore, #tpu.memory_space<semaphore_mem>>) src(%dma_wait3A_599 : memref<10000x32xf32, #tpu.memory_space<vmem_shared>>) dst(%arg12 : memref<400x32xf32, #tpu.memory_space<vmem>>)
    %dma_wait3A_600 = arith.constant 6000 : i32
    %dma_wait3A_601 = tpu.memref_slice %arg10[%dma_wait3A_600] : memref<10000xi32, #tpu.memory_space<vmem>> -> memref<400xi32, #tpu.memory_space<vmem>>
    %dma_wait3A_602 = arith.constant 0 : i32
    %dma_wait3A_603 = arith.constant 0 : i32
    %dma_wait3A_604 = tpu.memref_slice %arg8[%dma_wait3A_602, %dma_wait3A_603] : memref<10000x32xf32, #tpu.memory_space<vmem_shared>> -> memref<10000x32xf32, #tpu.memory_space<vmem_shared>>
    tpu.wait_indirect_dma semaphore(%arg16 : memref<!tpu.dma_semaphore, #tpu.memory_space<semaphore_mem>>) src(%dma_wait3A_604 : memref<10000x32xf32, #tpu.memory_space<vmem_shared>>) dst(%arg14 : memref<400x32xf32, #tpu.memory_space<vmem>>)
    %add3A_605 = arith.constant 6000 : i32
    %add3A_606 = arith.addi %mul3A_2, %add3A_605 : i32
    %dma_start3A_607 = arith.constant 0 : i32
    %dma_start3A_608 = tpu.memref_slice %arg5[%add3A_606, %dma_start3A_607] : memref<320000x32xf32, #tpu.memory_space<hbm>> -> memref<400x32xf32, #tpu.memory_space<hbm>>
    %dma_start3A_609 = arith.constant 0 : i32
    %dma_start3A_610 = tpu.memref_slice %arg5[%add3A_606, %dma_start3A_609] : memref<320000x32xf32, #tpu.memory_space<hbm>> -> memref<400x32xf32, #tpu.memory_space<hbm>>
    tpu.enqueue_dma source(%arg12 : memref<400x32xf32, #tpu.memory_space<vmem>>) target(%dma_start3A_610 : memref<400x32xf32, #tpu.memory_space<hbm>>) target_semaphore(%arg18 : memref<!tpu.dma_semaphore, #tpu.memory_space<semaphore_mem>>)
    %dma_start3A_611 = arith.constant 0 : i32
    %dma_start3A_612 = tpu.memref_slice %arg6[%add3A_606, %dma_start3A_611] : memref<320000x32xf32, #tpu.memory_space<hbm>> -> memref<400x32xf32, #tpu.memory_space<hbm>>
    %dma_start3A_613 = arith.constant 0 : i32
    %dma_start3A_614 = tpu.memref_slice %arg6[%add3A_606, %dma_start3A_613] : memref<320000x32xf32, #tpu.memory_space<hbm>> -> memref<400x32xf32, #tpu.memory_space<hbm>>
    tpu.enqueue_dma source(%arg14 : memref<400x32xf32, #tpu.memory_space<vmem>>) target(%dma_start3A_614 : memref<400x32xf32, #tpu.memory_space<hbm>>) target_semaphore(%arg18 : memref<!tpu.dma_semaphore, #tpu.memory_space<semaphore_mem>>)
    %dma_wait3A_615 = arith.constant 0 : i32
    %dma_wait3A_616 = tpu.memref_slice %arg5[%add3A_606, %dma_wait3A_615] : memref<320000x32xf32, #tpu.memory_space<hbm>> -> memref<400x32xf32, #tpu.memory_space<hbm>>
    %dma_wait3A_617 = arith.constant 0 : i32
    %dma_wait3A_618 = tpu.memref_slice %arg5[%add3A_606, %dma_wait3A_617] : memref<320000x32xf32, #tpu.memory_space<hbm>> -> memref<400x32xf32, #tpu.memory_space<hbm>>
    tpu.wait_dma2 semaphore(%arg18 : memref<!tpu.dma_semaphore, #tpu.memory_space<semaphore_mem>>) src(%arg12 : memref<400x32xf32, #tpu.memory_space<vmem>>) dst(%dma_wait3A_618 : memref<400x32xf32, #tpu.memory_space<hbm>>)
    %dma_wait3A_619 = arith.constant 0 : i32
    %dma_wait3A_620 = tpu.memref_slice %arg6[%add3A_606, %dma_wait3A_619] : memref<320000x32xf32, #tpu.memory_space<hbm>> -> memref<400x32xf32, #tpu.memory_space<hbm>>
    %dma_wait3A_621 = arith.constant 0 : i32
    %dma_wait3A_622 = tpu.memref_slice %arg6[%add3A_606, %dma_wait3A_621] : memref<320000x32xf32, #tpu.memory_space<hbm>> -> memref<400x32xf32, #tpu.memory_space<hbm>>
    tpu.wait_dma2 semaphore(%arg18 : memref<!tpu.dma_semaphore, #tpu.memory_space<semaphore_mem>>) src(%arg14 : memref<400x32xf32, #tpu.memory_space<vmem>>) dst(%dma_wait3A_622 : memref<400x32xf32, #tpu.memory_space<hbm>>)
    %dma_start3A_623 = arith.constant 6800 : i32
    %dma_start3A_624 = tpu.memref_slice %arg9[%dma_start3A_623] : memref<10000xi32, #tpu.memory_space<vmem>> -> memref<400xi32, #tpu.memory_space<vmem>>
    %dma_start3A_625 = arith.constant 0 : i32
    %dma_start3A_626 = arith.constant 0 : i32
    %dma_start3A_627 = tpu.memref_slice %arg7[%dma_start3A_625, %dma_start3A_626] : memref<10000x32xf32, #tpu.memory_space<vmem_shared>> -> memref<10000x32xf32, #tpu.memory_space<vmem_shared>>
    tpu.enqueue_indirect_dma source(%dma_start3A_627 : memref<10000x32xf32, #tpu.memory_space<vmem_shared>>) target(%arg12 : memref<400x32xf32, #tpu.memory_space<vmem>>) offsets(%dma_start3A_624 : memref<400xi32, #tpu.memory_space<vmem>>) semaphore(%arg16 : memref<!tpu.dma_semaphore, #tpu.memory_space<semaphore_mem>>)
    %dma_start3A_628 = arith.constant 6800 : i32
    %dma_start3A_629 = tpu.memref_slice %arg10[%dma_start3A_628] : memref<10000xi32, #tpu.memory_space<vmem>> -> memref<400xi32, #tpu.memory_space<vmem>>
    %dma_start3A_630 = arith.constant 0 : i32
    %dma_start3A_631 = arith.constant 0 : i32
    %dma_start3A_632 = tpu.memref_slice %arg8[%dma_start3A_630, %dma_start3A_631] : memref<10000x32xf32, #tpu.memory_space<vmem_shared>> -> memref<10000x32xf32, #tpu.memory_space<vmem_shared>>
    tpu.enqueue_indirect_dma source(%dma_start3A_632 : memref<10000x32xf32, #tpu.memory_space<vmem_shared>>) target(%arg14 : memref<400x32xf32, #tpu.memory_space<vmem>>) offsets(%dma_start3A_629 : memref<400xi32, #tpu.memory_space<vmem>>) semaphore(%arg16 : memref<!tpu.dma_semaphore, #tpu.memory_space<semaphore_mem>>)
    %dma_wait3A_633 = arith.constant 6400 : i32
    %dma_wait3A_634 = tpu.memref_slice %arg9[%dma_wait3A_633] : memref<10000xi32, #tpu.memory_space<vmem>> -> memref<400xi32, #tpu.memory_space<vmem>>
    %dma_wait3A_635 = arith.constant 0 : i32
    %dma_wait3A_636 = arith.constant 0 : i32
    %dma_wait3A_637 = tpu.memref_slice %arg7[%dma_wait3A_635, %dma_wait3A_636] : memref<10000x32xf32, #tpu.memory_space<vmem_shared>> -> memref<10000x32xf32, #tpu.memory_space<vmem_shared>>
    tpu.wait_indirect_dma semaphore(%arg15 : memref<!tpu.dma_semaphore, #tpu.memory_space<semaphore_mem>>) src(%dma_wait3A_637 : memref<10000x32xf32, #tpu.memory_space<vmem_shared>>) dst(%arg11 : memref<400x32xf32, #tpu.memory_space<vmem>>)
    %dma_wait3A_638 = arith.constant 6400 : i32
    %dma_wait3A_639 = tpu.memref_slice %arg10[%dma_wait3A_638] : memref<10000xi32, #tpu.memory_space<vmem>> -> memref<400xi32, #tpu.memory_space<vmem>>
    %dma_wait3A_640 = arith.constant 0 : i32
    %dma_wait3A_641 = arith.constant 0 : i32
    %dma_wait3A_642 = tpu.memref_slice %arg8[%dma_wait3A_640, %dma_wait3A_641] : memref<10000x32xf32, #tpu.memory_space<vmem_shared>> -> memref<10000x32xf32, #tpu.memory_space<vmem_shared>>
    tpu.wait_indirect_dma semaphore(%arg15 : memref<!tpu.dma_semaphore, #tpu.memory_space<semaphore_mem>>) src(%dma_wait3A_642 : memref<10000x32xf32, #tpu.memory_space<vmem_shared>>) dst(%arg13 : memref<400x32xf32, #tpu.memory_space<vmem>>)
    %add3A_643 = arith.constant 6400 : i32
    %add3A_644 = arith.addi %mul3A_2, %add3A_643 : i32
    %dma_start3A_645 = arith.constant 0 : i32
    %dma_start3A_646 = tpu.memref_slice %arg5[%add3A_644, %dma_start3A_645] : memref<320000x32xf32, #tpu.memory_space<hbm>> -> memref<400x32xf32, #tpu.memory_space<hbm>>
    %dma_start3A_647 = arith.constant 0 : i32
    %dma_start3A_648 = tpu.memref_slice %arg5[%add3A_644, %dma_start3A_647] : memref<320000x32xf32, #tpu.memory_space<hbm>> -> memref<400x32xf32, #tpu.memory_space<hbm>>
    tpu.enqueue_dma source(%arg11 : memref<400x32xf32, #tpu.memory_space<vmem>>) target(%dma_start3A_648 : memref<400x32xf32, #tpu.memory_space<hbm>>) target_semaphore(%arg17 : memref<!tpu.dma_semaphore, #tpu.memory_space<semaphore_mem>>)
    %dma_start3A_649 = arith.constant 0 : i32
    %dma_start3A_650 = tpu.memref_slice %arg6[%add3A_644, %dma_start3A_649] : memref<320000x32xf32, #tpu.memory_space<hbm>> -> memref<400x32xf32, #tpu.memory_space<hbm>>
    %dma_start3A_651 = arith.constant 0 : i32
    %dma_start3A_652 = tpu.memref_slice %arg6[%add3A_644, %dma_start3A_651] : memref<320000x32xf32, #tpu.memory_space<hbm>> -> memref<400x32xf32, #tpu.memory_space<hbm>>
    tpu.enqueue_dma source(%arg13 : memref<400x32xf32, #tpu.memory_space<vmem>>) target(%dma_start3A_652 : memref<400x32xf32, #tpu.memory_space<hbm>>) target_semaphore(%arg17 : memref<!tpu.dma_semaphore, #tpu.memory_space<semaphore_mem>>)
    %dma_wait3A_653 = arith.constant 0 : i32
    %dma_wait3A_654 = tpu.memref_slice %arg5[%add3A_644, %dma_wait3A_653] : memref<320000x32xf32, #tpu.memory_space<hbm>> -> memref<400x32xf32, #tpu.memory_space<hbm>>
    %dma_wait3A_655 = arith.constant 0 : i32
    %dma_wait3A_656 = tpu.memref_slice %arg5[%add3A_644, %dma_wait3A_655] : memref<320000x32xf32, #tpu.memory_space<hbm>> -> memref<400x32xf32, #tpu.memory_space<hbm>>
    tpu.wait_dma2 semaphore(%arg17 : memref<!tpu.dma_semaphore, #tpu.memory_space<semaphore_mem>>) src(%arg11 : memref<400x32xf32, #tpu.memory_space<vmem>>) dst(%dma_wait3A_656 : memref<400x32xf32, #tpu.memory_space<hbm>>)
    %dma_wait3A_657 = arith.constant 0 : i32
    %dma_wait3A_658 = tpu.memref_slice %arg6[%add3A_644, %dma_wait3A_657] : memref<320000x32xf32, #tpu.memory_space<hbm>> -> memref<400x32xf32, #tpu.memory_space<hbm>>
    %dma_wait3A_659 = arith.constant 0 : i32
    %dma_wait3A_660 = tpu.memref_slice %arg6[%add3A_644, %dma_wait3A_659] : memref<320000x32xf32, #tpu.memory_space<hbm>> -> memref<400x32xf32, #tpu.memory_space<hbm>>
    tpu.wait_dma2 semaphore(%arg17 : memref<!tpu.dma_semaphore, #tpu.memory_space<semaphore_mem>>) src(%arg13 : memref<400x32xf32, #tpu.memory_space<vmem>>) dst(%dma_wait3A_660 : memref<400x32xf32, #tpu.memory_space<hbm>>)
    %dma_start3A_661 = arith.constant 7200 : i32
    %dma_start3A_662 = tpu.memref_slice %arg9[%dma_start3A_661] : memref<10000xi32, #tpu.memory_space<vmem>> -> memref<400xi32, #tpu.memory_space<vmem>>
    %dma_start3A_663 = arith.constant 0 : i32
    %dma_start3A_664 = arith.constant 0 : i32
    %dma_start3A_665 = tpu.memref_slice %arg7[%dma_start3A_663, %dma_start3A_664] : memref<10000x32xf32, #tpu.memory_space<vmem_shared>> -> memref<10000x32xf32, #tpu.memory_space<vmem_shared>>
    tpu.enqueue_indirect_dma source(%dma_start3A_665 : memref<10000x32xf32, #tpu.memory_space<vmem_shared>>) target(%arg11 : memref<400x32xf32, #tpu.memory_space<vmem>>) offsets(%dma_start3A_662 : memref<400xi32, #tpu.memory_space<vmem>>) semaphore(%arg15 : memref<!tpu.dma_semaphore, #tpu.memory_space<semaphore_mem>>)
    %dma_start3A_666 = arith.constant 7200 : i32
    %dma_start3A_667 = tpu.memref_slice %arg10[%dma_start3A_666] : memref<10000xi32, #tpu.memory_space<vmem>> -> memref<400xi32, #tpu.memory_space<vmem>>
    %dma_start3A_668 = arith.constant 0 : i32
    %dma_start3A_669 = arith.constant 0 : i32
    %dma_start3A_670 = tpu.memref_slice %arg8[%dma_start3A_668, %dma_start3A_669] : memref<10000x32xf32, #tpu.memory_space<vmem_shared>> -> memref<10000x32xf32, #tpu.memory_space<vmem_shared>>
    tpu.enqueue_indirect_dma source(%dma_start3A_670 : memref<10000x32xf32, #tpu.memory_space<vmem_shared>>) target(%arg13 : memref<400x32xf32, #tpu.memory_space<vmem>>) offsets(%dma_start3A_667 : memref<400xi32, #tpu.memory_space<vmem>>) semaphore(%arg15 : memref<!tpu.dma_semaphore, #tpu.memory_space<semaphore_mem>>)
    %dma_wait3A_671 = arith.constant 6800 : i32
    %dma_wait3A_672 = tpu.memref_slice %arg9[%dma_wait3A_671] : memref<10000xi32, #tpu.memory_space<vmem>> -> memref<400xi32, #tpu.memory_space<vmem>>
    %dma_wait3A_673 = arith.constant 0 : i32
    %dma_wait3A_674 = arith.constant 0 : i32
    %dma_wait3A_675 = tpu.memref_slice %arg7[%dma_wait3A_673, %dma_wait3A_674] : memref<10000x32xf32, #tpu.memory_space<vmem_shared>> -> memref<10000x32xf32, #tpu.memory_space<vmem_shared>>
    tpu.wait_indirect_dma semaphore(%arg16 : memref<!tpu.dma_semaphore, #tpu.memory_space<semaphore_mem>>) src(%dma_wait3A_675 : memref<10000x32xf32, #tpu.memory_space<vmem_shared>>) dst(%arg12 : memref<400x32xf32, #tpu.memory_space<vmem>>)
    %dma_wait3A_676 = arith.constant 6800 : i32
    %dma_wait3A_677 = tpu.memref_slice %arg10[%dma_wait3A_676] : memref<10000xi32, #tpu.memory_space<vmem>> -> memref<400xi32, #tpu.memory_space<vmem>>
    %dma_wait3A_678 = arith.constant 0 : i32
    %dma_wait3A_679 = arith.constant 0 : i32
    %dma_wait3A_680 = tpu.memref_slice %arg8[%dma_wait3A_678, %dma_wait3A_679] : memref<10000x32xf32, #tpu.memory_space<vmem_shared>> -> memref<10000x32xf32, #tpu.memory_space<vmem_shared>>
    tpu.wait_indirect_dma semaphore(%arg16 : memref<!tpu.dma_semaphore, #tpu.memory_space<semaphore_mem>>) src(%dma_wait3A_680 : memref<10000x32xf32, #tpu.memory_space<vmem_shared>>) dst(%arg14 : memref<400x32xf32, #tpu.memory_space<vmem>>)
    %add3A_681 = arith.constant 6800 : i32
    %add3A_682 = arith.addi %mul3A_2, %add3A_681 : i32
    %dma_start3A_683 = arith.constant 0 : i32
    %dma_start3A_684 = tpu.memref_slice %arg5[%add3A_682, %dma_start3A_683] : memref<320000x32xf32, #tpu.memory_space<hbm>> -> memref<400x32xf32, #tpu.memory_space<hbm>>
    %dma_start3A_685 = arith.constant 0 : i32
    %dma_start3A_686 = tpu.memref_slice %arg5[%add3A_682, %dma_start3A_685] : memref<320000x32xf32, #tpu.memory_space<hbm>> -> memref<400x32xf32, #tpu.memory_space<hbm>>
    tpu.enqueue_dma source(%arg12 : memref<400x32xf32, #tpu.memory_space<vmem>>) target(%dma_start3A_686 : memref<400x32xf32, #tpu.memory_space<hbm>>) target_semaphore(%arg18 : memref<!tpu.dma_semaphore, #tpu.memory_space<semaphore_mem>>)
    %dma_start3A_687 = arith.constant 0 : i32
    %dma_start3A_688 = tpu.memref_slice %arg6[%add3A_682, %dma_start3A_687] : memref<320000x32xf32, #tpu.memory_space<hbm>> -> memref<400x32xf32, #tpu.memory_space<hbm>>
    %dma_start3A_689 = arith.constant 0 : i32
    %dma_start3A_690 = tpu.memref_slice %arg6[%add3A_682, %dma_start3A_689] : memref<320000x32xf32, #tpu.memory_space<hbm>> -> memref<400x32xf32, #tpu.memory_space<hbm>>
    tpu.enqueue_dma source(%arg14 : memref<400x32xf32, #tpu.memory_space<vmem>>) target(%dma_start3A_690 : memref<400x32xf32, #tpu.memory_space<hbm>>) target_semaphore(%arg18 : memref<!tpu.dma_semaphore, #tpu.memory_space<semaphore_mem>>)
    %dma_wait3A_691 = arith.constant 0 : i32
    %dma_wait3A_692 = tpu.memref_slice %arg5[%add3A_682, %dma_wait3A_691] : memref<320000x32xf32, #tpu.memory_space<hbm>> -> memref<400x32xf32, #tpu.memory_space<hbm>>
    %dma_wait3A_693 = arith.constant 0 : i32
    %dma_wait3A_694 = tpu.memref_slice %arg5[%add3A_682, %dma_wait3A_693] : memref<320000x32xf32, #tpu.memory_space<hbm>> -> memref<400x32xf32, #tpu.memory_space<hbm>>
    tpu.wait_dma2 semaphore(%arg18 : memref<!tpu.dma_semaphore, #tpu.memory_space<semaphore_mem>>) src(%arg12 : memref<400x32xf32, #tpu.memory_space<vmem>>) dst(%dma_wait3A_694 : memref<400x32xf32, #tpu.memory_space<hbm>>)
    %dma_wait3A_695 = arith.constant 0 : i32
    %dma_wait3A_696 = tpu.memref_slice %arg6[%add3A_682, %dma_wait3A_695] : memref<320000x32xf32, #tpu.memory_space<hbm>> -> memref<400x32xf32, #tpu.memory_space<hbm>>
    %dma_wait3A_697 = arith.constant 0 : i32
    %dma_wait3A_698 = tpu.memref_slice %arg6[%add3A_682, %dma_wait3A_697] : memref<320000x32xf32, #tpu.memory_space<hbm>> -> memref<400x32xf32, #tpu.memory_space<hbm>>
    tpu.wait_dma2 semaphore(%arg18 : memref<!tpu.dma_semaphore, #tpu.memory_space<semaphore_mem>>) src(%arg14 : memref<400x32xf32, #tpu.memory_space<vmem>>) dst(%dma_wait3A_698 : memref<400x32xf32, #tpu.memory_space<hbm>>)
    %dma_start3A_699 = arith.constant 7600 : i32
    %dma_start3A_700 = tpu.memref_slice %arg9[%dma_start3A_699] : memref<10000xi32, #tpu.memory_space<vmem>> -> memref<400xi32, #tpu.memory_space<vmem>>
    %dma_start3A_701 = arith.constant 0 : i32
    %dma_start3A_702 = arith.constant 0 : i32
    %dma_start3A_703 = tpu.memref_slice %arg7[%dma_start3A_701, %dma_start3A_702] : memref<10000x32xf32, #tpu.memory_space<vmem_shared>> -> memref<10000x32xf32, #tpu.memory_space<vmem_shared>>
    tpu.enqueue_indirect_dma source(%dma_start3A_703 : memref<10000x32xf32, #tpu.memory_space<vmem_shared>>) target(%arg12 : memref<400x32xf32, #tpu.memory_space<vmem>>) offsets(%dma_start3A_700 : memref<400xi32, #tpu.memory_space<vmem>>) semaphore(%arg16 : memref<!tpu.dma_semaphore, #tpu.memory_space<semaphore_mem>>)
    %dma_start3A_704 = arith.constant 7600 : i32
    %dma_start3A_705 = tpu.memref_slice %arg10[%dma_start3A_704] : memref<10000xi32, #tpu.memory_space<vmem>> -> memref<400xi32, #tpu.memory_space<vmem>>
    %dma_start3A_706 = arith.constant 0 : i32
    %dma_start3A_707 = arith.constant 0 : i32
    %dma_start3A_708 = tpu.memref_slice %arg8[%dma_start3A_706, %dma_start3A_707] : memref<10000x32xf32, #tpu.memory_space<vmem_shared>> -> memref<10000x32xf32, #tpu.memory_space<vmem_shared>>
    tpu.enqueue_indirect_dma source(%dma_start3A_708 : memref<10000x32xf32, #tpu.memory_space<vmem_shared>>) target(%arg14 : memref<400x32xf32, #tpu.memory_space<vmem>>) offsets(%dma_start3A_705 : memref<400xi32, #tpu.memory_space<vmem>>) semaphore(%arg16 : memref<!tpu.dma_semaphore, #tpu.memory_space<semaphore_mem>>)
    %dma_wait3A_709 = arith.constant 7200 : i32
    %dma_wait3A_710 = tpu.memref_slice %arg9[%dma_wait3A_709] : memref<10000xi32, #tpu.memory_space<vmem>> -> memref<400xi32, #tpu.memory_space<vmem>>
    %dma_wait3A_711 = arith.constant 0 : i32
    %dma_wait3A_712 = arith.constant 0 : i32
    %dma_wait3A_713 = tpu.memref_slice %arg7[%dma_wait3A_711, %dma_wait3A_712] : memref<10000x32xf32, #tpu.memory_space<vmem_shared>> -> memref<10000x32xf32, #tpu.memory_space<vmem_shared>>
    tpu.wait_indirect_dma semaphore(%arg15 : memref<!tpu.dma_semaphore, #tpu.memory_space<semaphore_mem>>) src(%dma_wait3A_713 : memref<10000x32xf32, #tpu.memory_space<vmem_shared>>) dst(%arg11 : memref<400x32xf32, #tpu.memory_space<vmem>>)
    %dma_wait3A_714 = arith.constant 7200 : i32
    %dma_wait3A_715 = tpu.memref_slice %arg10[%dma_wait3A_714] : memref<10000xi32, #tpu.memory_space<vmem>> -> memref<400xi32, #tpu.memory_space<vmem>>
    %dma_wait3A_716 = arith.constant 0 : i32
    %dma_wait3A_717 = arith.constant 0 : i32
    %dma_wait3A_718 = tpu.memref_slice %arg8[%dma_wait3A_716, %dma_wait3A_717] : memref<10000x32xf32, #tpu.memory_space<vmem_shared>> -> memref<10000x32xf32, #tpu.memory_space<vmem_shared>>
    tpu.wait_indirect_dma semaphore(%arg15 : memref<!tpu.dma_semaphore, #tpu.memory_space<semaphore_mem>>) src(%dma_wait3A_718 : memref<10000x32xf32, #tpu.memory_space<vmem_shared>>) dst(%arg13 : memref<400x32xf32, #tpu.memory_space<vmem>>)
    %add3A_719 = arith.constant 7200 : i32
    %add3A_720 = arith.addi %mul3A_2, %add3A_719 : i32
    %dma_start3A_721 = arith.constant 0 : i32
    %dma_start3A_722 = tpu.memref_slice %arg5[%add3A_720, %dma_start3A_721] : memref<320000x32xf32, #tpu.memory_space<hbm>> -> memref<400x32xf32, #tpu.memory_space<hbm>>
    %dma_start3A_723 = arith.constant 0 : i32
    %dma_start3A_724 = tpu.memref_slice %arg5[%add3A_720, %dma_start3A_723] : memref<320000x32xf32, #tpu.memory_space<hbm>> -> memref<400x32xf32, #tpu.memory_space<hbm>>
    tpu.enqueue_dma source(%arg11 : memref<400x32xf32, #tpu.memory_space<vmem>>) target(%dma_start3A_724 : memref<400x32xf32, #tpu.memory_space<hbm>>) target_semaphore(%arg17 : memref<!tpu.dma_semaphore, #tpu.memory_space<semaphore_mem>>)
    %dma_start3A_725 = arith.constant 0 : i32
    %dma_start3A_726 = tpu.memref_slice %arg6[%add3A_720, %dma_start3A_725] : memref<320000x32xf32, #tpu.memory_space<hbm>> -> memref<400x32xf32, #tpu.memory_space<hbm>>
    %dma_start3A_727 = arith.constant 0 : i32
    %dma_start3A_728 = tpu.memref_slice %arg6[%add3A_720, %dma_start3A_727] : memref<320000x32xf32, #tpu.memory_space<hbm>> -> memref<400x32xf32, #tpu.memory_space<hbm>>
    tpu.enqueue_dma source(%arg13 : memref<400x32xf32, #tpu.memory_space<vmem>>) target(%dma_start3A_728 : memref<400x32xf32, #tpu.memory_space<hbm>>) target_semaphore(%arg17 : memref<!tpu.dma_semaphore, #tpu.memory_space<semaphore_mem>>)
    %dma_wait3A_729 = arith.constant 0 : i32
    %dma_wait3A_730 = tpu.memref_slice %arg5[%add3A_720, %dma_wait3A_729] : memref<320000x32xf32, #tpu.memory_space<hbm>> -> memref<400x32xf32, #tpu.memory_space<hbm>>
    %dma_wait3A_731 = arith.constant 0 : i32
    %dma_wait3A_732 = tpu.memref_slice %arg5[%add3A_720, %dma_wait3A_731] : memref<320000x32xf32, #tpu.memory_space<hbm>> -> memref<400x32xf32, #tpu.memory_space<hbm>>
    tpu.wait_dma2 semaphore(%arg17 : memref<!tpu.dma_semaphore, #tpu.memory_space<semaphore_mem>>) src(%arg11 : memref<400x32xf32, #tpu.memory_space<vmem>>) dst(%dma_wait3A_732 : memref<400x32xf32, #tpu.memory_space<hbm>>)
    %dma_wait3A_733 = arith.constant 0 : i32
    %dma_wait3A_734 = tpu.memref_slice %arg6[%add3A_720, %dma_wait3A_733] : memref<320000x32xf32, #tpu.memory_space<hbm>> -> memref<400x32xf32, #tpu.memory_space<hbm>>
    %dma_wait3A_735 = arith.constant 0 : i32
    %dma_wait3A_736 = tpu.memref_slice %arg6[%add3A_720, %dma_wait3A_735] : memref<320000x32xf32, #tpu.memory_space<hbm>> -> memref<400x32xf32, #tpu.memory_space<hbm>>
    tpu.wait_dma2 semaphore(%arg17 : memref<!tpu.dma_semaphore, #tpu.memory_space<semaphore_mem>>) src(%arg13 : memref<400x32xf32, #tpu.memory_space<vmem>>) dst(%dma_wait3A_736 : memref<400x32xf32, #tpu.memory_space<hbm>>)
    %dma_start3A_737 = arith.constant 8000 : i32
    %dma_start3A_738 = tpu.memref_slice %arg9[%dma_start3A_737] : memref<10000xi32, #tpu.memory_space<vmem>> -> memref<400xi32, #tpu.memory_space<vmem>>
    %dma_start3A_739 = arith.constant 0 : i32
    %dma_start3A_740 = arith.constant 0 : i32
    %dma_start3A_741 = tpu.memref_slice %arg7[%dma_start3A_739, %dma_start3A_740] : memref<10000x32xf32, #tpu.memory_space<vmem_shared>> -> memref<10000x32xf32, #tpu.memory_space<vmem_shared>>
    tpu.enqueue_indirect_dma source(%dma_start3A_741 : memref<10000x32xf32, #tpu.memory_space<vmem_shared>>) target(%arg11 : memref<400x32xf32, #tpu.memory_space<vmem>>) offsets(%dma_start3A_738 : memref<400xi32, #tpu.memory_space<vmem>>) semaphore(%arg15 : memref<!tpu.dma_semaphore, #tpu.memory_space<semaphore_mem>>)
    %dma_start3A_742 = arith.constant 8000 : i32
    %dma_start3A_743 = tpu.memref_slice %arg10[%dma_start3A_742] : memref<10000xi32, #tpu.memory_space<vmem>> -> memref<400xi32, #tpu.memory_space<vmem>>
    %dma_start3A_744 = arith.constant 0 : i32
    %dma_start3A_745 = arith.constant 0 : i32
    %dma_start3A_746 = tpu.memref_slice %arg8[%dma_start3A_744, %dma_start3A_745] : memref<10000x32xf32, #tpu.memory_space<vmem_shared>> -> memref<10000x32xf32, #tpu.memory_space<vmem_shared>>
    tpu.enqueue_indirect_dma source(%dma_start3A_746 : memref<10000x32xf32, #tpu.memory_space<vmem_shared>>) target(%arg13 : memref<400x32xf32, #tpu.memory_space<vmem>>) offsets(%dma_start3A_743 : memref<400xi32, #tpu.memory_space<vmem>>) semaphore(%arg15 : memref<!tpu.dma_semaphore, #tpu.memory_space<semaphore_mem>>)
    %dma_wait3A_747 = arith.constant 7600 : i32
    %dma_wait3A_748 = tpu.memref_slice %arg9[%dma_wait3A_747] : memref<10000xi32, #tpu.memory_space<vmem>> -> memref<400xi32, #tpu.memory_space<vmem>>
    %dma_wait3A_749 = arith.constant 0 : i32
    %dma_wait3A_750 = arith.constant 0 : i32
    %dma_wait3A_751 = tpu.memref_slice %arg7[%dma_wait3A_749, %dma_wait3A_750] : memref<10000x32xf32, #tpu.memory_space<vmem_shared>> -> memref<10000x32xf32, #tpu.memory_space<vmem_shared>>
    tpu.wait_indirect_dma semaphore(%arg16 : memref<!tpu.dma_semaphore, #tpu.memory_space<semaphore_mem>>) src(%dma_wait3A_751 : memref<10000x32xf32, #tpu.memory_space<vmem_shared>>) dst(%arg12 : memref<400x32xf32, #tpu.memory_space<vmem>>)
    %dma_wait3A_752 = arith.constant 7600 : i32
    %dma_wait3A_753 = tpu.memref_slice %arg10[%dma_wait3A_752] : memref<10000xi32, #tpu.memory_space<vmem>> -> memref<400xi32, #tpu.memory_space<vmem>>
    %dma_wait3A_754 = arith.constant 0 : i32
    %dma_wait3A_755 = arith.constant 0 : i32
    %dma_wait3A_756 = tpu.memref_slice %arg8[%dma_wait3A_754, %dma_wait3A_755] : memref<10000x32xf32, #tpu.memory_space<vmem_shared>> -> memref<10000x32xf32, #tpu.memory_space<vmem_shared>>
    tpu.wait_indirect_dma semaphore(%arg16 : memref<!tpu.dma_semaphore, #tpu.memory_space<semaphore_mem>>) src(%dma_wait3A_756 : memref<10000x32xf32, #tpu.memory_space<vmem_shared>>) dst(%arg14 : memref<400x32xf32, #tpu.memory_space<vmem>>)
    %add3A_757 = arith.constant 7600 : i32
    %add3A_758 = arith.addi %mul3A_2, %add3A_757 : i32
    %dma_start3A_759 = arith.constant 0 : i32
    %dma_start3A_760 = tpu.memref_slice %arg5[%add3A_758, %dma_start3A_759] : memref<320000x32xf32, #tpu.memory_space<hbm>> -> memref<400x32xf32, #tpu.memory_space<hbm>>
    %dma_start3A_761 = arith.constant 0 : i32
    %dma_start3A_762 = tpu.memref_slice %arg5[%add3A_758, %dma_start3A_761] : memref<320000x32xf32, #tpu.memory_space<hbm>> -> memref<400x32xf32, #tpu.memory_space<hbm>>
    tpu.enqueue_dma source(%arg12 : memref<400x32xf32, #tpu.memory_space<vmem>>) target(%dma_start3A_762 : memref<400x32xf32, #tpu.memory_space<hbm>>) target_semaphore(%arg18 : memref<!tpu.dma_semaphore, #tpu.memory_space<semaphore_mem>>)
    %dma_start3A_763 = arith.constant 0 : i32
    %dma_start3A_764 = tpu.memref_slice %arg6[%add3A_758, %dma_start3A_763] : memref<320000x32xf32, #tpu.memory_space<hbm>> -> memref<400x32xf32, #tpu.memory_space<hbm>>
    %dma_start3A_765 = arith.constant 0 : i32
    %dma_start3A_766 = tpu.memref_slice %arg6[%add3A_758, %dma_start3A_765] : memref<320000x32xf32, #tpu.memory_space<hbm>> -> memref<400x32xf32, #tpu.memory_space<hbm>>
    tpu.enqueue_dma source(%arg14 : memref<400x32xf32, #tpu.memory_space<vmem>>) target(%dma_start3A_766 : memref<400x32xf32, #tpu.memory_space<hbm>>) target_semaphore(%arg18 : memref<!tpu.dma_semaphore, #tpu.memory_space<semaphore_mem>>)
    %dma_wait3A_767 = arith.constant 0 : i32
    %dma_wait3A_768 = tpu.memref_slice %arg5[%add3A_758, %dma_wait3A_767] : memref<320000x32xf32, #tpu.memory_space<hbm>> -> memref<400x32xf32, #tpu.memory_space<hbm>>
    %dma_wait3A_769 = arith.constant 0 : i32
    %dma_wait3A_770 = tpu.memref_slice %arg5[%add3A_758, %dma_wait3A_769] : memref<320000x32xf32, #tpu.memory_space<hbm>> -> memref<400x32xf32, #tpu.memory_space<hbm>>
    tpu.wait_dma2 semaphore(%arg18 : memref<!tpu.dma_semaphore, #tpu.memory_space<semaphore_mem>>) src(%arg12 : memref<400x32xf32, #tpu.memory_space<vmem>>) dst(%dma_wait3A_770 : memref<400x32xf32, #tpu.memory_space<hbm>>)
    %dma_wait3A_771 = arith.constant 0 : i32
    %dma_wait3A_772 = tpu.memref_slice %arg6[%add3A_758, %dma_wait3A_771] : memref<320000x32xf32, #tpu.memory_space<hbm>> -> memref<400x32xf32, #tpu.memory_space<hbm>>
    %dma_wait3A_773 = arith.constant 0 : i32
    %dma_wait3A_774 = tpu.memref_slice %arg6[%add3A_758, %dma_wait3A_773] : memref<320000x32xf32, #tpu.memory_space<hbm>> -> memref<400x32xf32, #tpu.memory_space<hbm>>
    tpu.wait_dma2 semaphore(%arg18 : memref<!tpu.dma_semaphore, #tpu.memory_space<semaphore_mem>>) src(%arg14 : memref<400x32xf32, #tpu.memory_space<vmem>>) dst(%dma_wait3A_774 : memref<400x32xf32, #tpu.memory_space<hbm>>)
    %dma_start3A_775 = arith.constant 8400 : i32
    %dma_start3A_776 = tpu.memref_slice %arg9[%dma_start3A_775] : memref<10000xi32, #tpu.memory_space<vmem>> -> memref<400xi32, #tpu.memory_space<vmem>>
    %dma_start3A_777 = arith.constant 0 : i32
    %dma_start3A_778 = arith.constant 0 : i32
    %dma_start3A_779 = tpu.memref_slice %arg7[%dma_start3A_777, %dma_start3A_778] : memref<10000x32xf32, #tpu.memory_space<vmem_shared>> -> memref<10000x32xf32, #tpu.memory_space<vmem_shared>>
    tpu.enqueue_indirect_dma source(%dma_start3A_779 : memref<10000x32xf32, #tpu.memory_space<vmem_shared>>) target(%arg12 : memref<400x32xf32, #tpu.memory_space<vmem>>) offsets(%dma_start3A_776 : memref<400xi32, #tpu.memory_space<vmem>>) semaphore(%arg16 : memref<!tpu.dma_semaphore, #tpu.memory_space<semaphore_mem>>)
    %dma_start3A_780 = arith.constant 8400 : i32
    %dma_start3A_781 = tpu.memref_slice %arg10[%dma_start3A_780] : memref<10000xi32, #tpu.memory_space<vmem>> -> memref<400xi32, #tpu.memory_space<vmem>>
    %dma_start3A_782 = arith.constant 0 : i32
    %dma_start3A_783 = arith.constant 0 : i32
    %dma_start3A_784 = tpu.memref_slice %arg8[%dma_start3A_782, %dma_start3A_783] : memref<10000x32xf32, #tpu.memory_space<vmem_shared>> -> memref<10000x32xf32, #tpu.memory_space<vmem_shared>>
    tpu.enqueue_indirect_dma source(%dma_start3A_784 : memref<10000x32xf32, #tpu.memory_space<vmem_shared>>) target(%arg14 : memref<400x32xf32, #tpu.memory_space<vmem>>) offsets(%dma_start3A_781 : memref<400xi32, #tpu.memory_space<vmem>>) semaphore(%arg16 : memref<!tpu.dma_semaphore, #tpu.memory_space<semaphore_mem>>)
    %dma_wait3A_785 = arith.constant 8000 : i32
    %dma_wait3A_786 = tpu.memref_slice %arg9[%dma_wait3A_785] : memref<10000xi32, #tpu.memory_space<vmem>> -> memref<400xi32, #tpu.memory_space<vmem>>
    %dma_wait3A_787 = arith.constant 0 : i32
    %dma_wait3A_788 = arith.constant 0 : i32
    %dma_wait3A_789 = tpu.memref_slice %arg7[%dma_wait3A_787, %dma_wait3A_788] : memref<10000x32xf32, #tpu.memory_space<vmem_shared>> -> memref<10000x32xf32, #tpu.memory_space<vmem_shared>>
    tpu.wait_indirect_dma semaphore(%arg15 : memref<!tpu.dma_semaphore, #tpu.memory_space<semaphore_mem>>) src(%dma_wait3A_789 : memref<10000x32xf32, #tpu.memory_space<vmem_shared>>) dst(%arg11 : memref<400x32xf32, #tpu.memory_space<vmem>>)
    %dma_wait3A_790 = arith.constant 8000 : i32
    %dma_wait3A_791 = tpu.memref_slice %arg10[%dma_wait3A_790] : memref<10000xi32, #tpu.memory_space<vmem>> -> memref<400xi32, #tpu.memory_space<vmem>>
    %dma_wait3A_792 = arith.constant 0 : i32
    %dma_wait3A_793 = arith.constant 0 : i32
    %dma_wait3A_794 = tpu.memref_slice %arg8[%dma_wait3A_792, %dma_wait3A_793] : memref<10000x32xf32, #tpu.memory_space<vmem_shared>> -> memref<10000x32xf32, #tpu.memory_space<vmem_shared>>
    tpu.wait_indirect_dma semaphore(%arg15 : memref<!tpu.dma_semaphore, #tpu.memory_space<semaphore_mem>>) src(%dma_wait3A_794 : memref<10000x32xf32, #tpu.memory_space<vmem_shared>>) dst(%arg13 : memref<400x32xf32, #tpu.memory_space<vmem>>)
    %add3A_795 = arith.constant 8000 : i32
    %add3A_796 = arith.addi %mul3A_2, %add3A_795 : i32
    %dma_start3A_797 = arith.constant 0 : i32
    %dma_start3A_798 = tpu.memref_slice %arg5[%add3A_796, %dma_start3A_797] : memref<320000x32xf32, #tpu.memory_space<hbm>> -> memref<400x32xf32, #tpu.memory_space<hbm>>
    %dma_start3A_799 = arith.constant 0 : i32
    %dma_start3A_800 = tpu.memref_slice %arg5[%add3A_796, %dma_start3A_799] : memref<320000x32xf32, #tpu.memory_space<hbm>> -> memref<400x32xf32, #tpu.memory_space<hbm>>
    tpu.enqueue_dma source(%arg11 : memref<400x32xf32, #tpu.memory_space<vmem>>) target(%dma_start3A_800 : memref<400x32xf32, #tpu.memory_space<hbm>>) target_semaphore(%arg17 : memref<!tpu.dma_semaphore, #tpu.memory_space<semaphore_mem>>)
    %dma_start3A_801 = arith.constant 0 : i32
    %dma_start3A_802 = tpu.memref_slice %arg6[%add3A_796, %dma_start3A_801] : memref<320000x32xf32, #tpu.memory_space<hbm>> -> memref<400x32xf32, #tpu.memory_space<hbm>>
    %dma_start3A_803 = arith.constant 0 : i32
    %dma_start3A_804 = tpu.memref_slice %arg6[%add3A_796, %dma_start3A_803] : memref<320000x32xf32, #tpu.memory_space<hbm>> -> memref<400x32xf32, #tpu.memory_space<hbm>>
    tpu.enqueue_dma source(%arg13 : memref<400x32xf32, #tpu.memory_space<vmem>>) target(%dma_start3A_804 : memref<400x32xf32, #tpu.memory_space<hbm>>) target_semaphore(%arg17 : memref<!tpu.dma_semaphore, #tpu.memory_space<semaphore_mem>>)
    %dma_wait3A_805 = arith.constant 0 : i32
    %dma_wait3A_806 = tpu.memref_slice %arg5[%add3A_796, %dma_wait3A_805] : memref<320000x32xf32, #tpu.memory_space<hbm>> -> memref<400x32xf32, #tpu.memory_space<hbm>>
    %dma_wait3A_807 = arith.constant 0 : i32
    %dma_wait3A_808 = tpu.memref_slice %arg5[%add3A_796, %dma_wait3A_807] : memref<320000x32xf32, #tpu.memory_space<hbm>> -> memref<400x32xf32, #tpu.memory_space<hbm>>
    tpu.wait_dma2 semaphore(%arg17 : memref<!tpu.dma_semaphore, #tpu.memory_space<semaphore_mem>>) src(%arg11 : memref<400x32xf32, #tpu.memory_space<vmem>>) dst(%dma_wait3A_808 : memref<400x32xf32, #tpu.memory_space<hbm>>)
    %dma_wait3A_809 = arith.constant 0 : i32
    %dma_wait3A_810 = tpu.memref_slice %arg6[%add3A_796, %dma_wait3A_809] : memref<320000x32xf32, #tpu.memory_space<hbm>> -> memref<400x32xf32, #tpu.memory_space<hbm>>
    %dma_wait3A_811 = arith.constant 0 : i32
    %dma_wait3A_812 = tpu.memref_slice %arg6[%add3A_796, %dma_wait3A_811] : memref<320000x32xf32, #tpu.memory_space<hbm>> -> memref<400x32xf32, #tpu.memory_space<hbm>>
    tpu.wait_dma2 semaphore(%arg17 : memref<!tpu.dma_semaphore, #tpu.memory_space<semaphore_mem>>) src(%arg13 : memref<400x32xf32, #tpu.memory_space<vmem>>) dst(%dma_wait3A_812 : memref<400x32xf32, #tpu.memory_space<hbm>>)
    %dma_start3A_813 = arith.constant 8800 : i32
    %dma_start3A_814 = tpu.memref_slice %arg9[%dma_start3A_813] : memref<10000xi32, #tpu.memory_space<vmem>> -> memref<400xi32, #tpu.memory_space<vmem>>
    %dma_start3A_815 = arith.constant 0 : i32
    %dma_start3A_816 = arith.constant 0 : i32
    %dma_start3A_817 = tpu.memref_slice %arg7[%dma_start3A_815, %dma_start3A_816] : memref<10000x32xf32, #tpu.memory_space<vmem_shared>> -> memref<10000x32xf32, #tpu.memory_space<vmem_shared>>
    tpu.enqueue_indirect_dma source(%dma_start3A_817 : memref<10000x32xf32, #tpu.memory_space<vmem_shared>>) target(%arg11 : memref<400x32xf32, #tpu.memory_space<vmem>>) offsets(%dma_start3A_814 : memref<400xi32, #tpu.memory_space<vmem>>) semaphore(%arg15 : memref<!tpu.dma_semaphore, #tpu.memory_space<semaphore_mem>>)
    %dma_start3A_818 = arith.constant 8800 : i32
    %dma_start3A_819 = tpu.memref_slice %arg10[%dma_start3A_818] : memref<10000xi32, #tpu.memory_space<vmem>> -> memref<400xi32, #tpu.memory_space<vmem>>
    %dma_start3A_820 = arith.constant 0 : i32
    %dma_start3A_821 = arith.constant 0 : i32
    %dma_start3A_822 = tpu.memref_slice %arg8[%dma_start3A_820, %dma_start3A_821] : memref<10000x32xf32, #tpu.memory_space<vmem_shared>> -> memref<10000x32xf32, #tpu.memory_space<vmem_shared>>
    tpu.enqueue_indirect_dma source(%dma_start3A_822 : memref<10000x32xf32, #tpu.memory_space<vmem_shared>>) target(%arg13 : memref<400x32xf32, #tpu.memory_space<vmem>>) offsets(%dma_start3A_819 : memref<400xi32, #tpu.memory_space<vmem>>) semaphore(%arg15 : memref<!tpu.dma_semaphore, #tpu.memory_space<semaphore_mem>>)
    %dma_wait3A_823 = arith.constant 8400 : i32
    %dma_wait3A_824 = tpu.memref_slice %arg9[%dma_wait3A_823] : memref<10000xi32, #tpu.memory_space<vmem>> -> memref<400xi32, #tpu.memory_space<vmem>>
    %dma_wait3A_825 = arith.constant 0 : i32
    %dma_wait3A_826 = arith.constant 0 : i32
    %dma_wait3A_827 = tpu.memref_slice %arg7[%dma_wait3A_825, %dma_wait3A_826] : memref<10000x32xf32, #tpu.memory_space<vmem_shared>> -> memref<10000x32xf32, #tpu.memory_space<vmem_shared>>
    tpu.wait_indirect_dma semaphore(%arg16 : memref<!tpu.dma_semaphore, #tpu.memory_space<semaphore_mem>>) src(%dma_wait3A_827 : memref<10000x32xf32, #tpu.memory_space<vmem_shared>>) dst(%arg12 : memref<400x32xf32, #tpu.memory_space<vmem>>)
    %dma_wait3A_828 = arith.constant 8400 : i32
    %dma_wait3A_829 = tpu.memref_slice %arg10[%dma_wait3A_828] : memref<10000xi32, #tpu.memory_space<vmem>> -> memref<400xi32, #tpu.memory_space<vmem>>
    %dma_wait3A_830 = arith.constant 0 : i32
    %dma_wait3A_831 = arith.constant 0 : i32
    %dma_wait3A_832 = tpu.memref_slice %arg8[%dma_wait3A_830, %dma_wait3A_831] : memref<10000x32xf32, #tpu.memory_space<vmem_shared>> -> memref<10000x32xf32, #tpu.memory_space<vmem_shared>>
    tpu.wait_indirect_dma semaphore(%arg16 : memref<!tpu.dma_semaphore, #tpu.memory_space<semaphore_mem>>) src(%dma_wait3A_832 : memref<10000x32xf32, #tpu.memory_space<vmem_shared>>) dst(%arg14 : memref<400x32xf32, #tpu.memory_space<vmem>>)
    %add3A_833 = arith.constant 8400 : i32
    %add3A_834 = arith.addi %mul3A_2, %add3A_833 : i32
    %dma_start3A_835 = arith.constant 0 : i32
    %dma_start3A_836 = tpu.memref_slice %arg5[%add3A_834, %dma_start3A_835] : memref<320000x32xf32, #tpu.memory_space<hbm>> -> memref<400x32xf32, #tpu.memory_space<hbm>>
    %dma_start3A_837 = arith.constant 0 : i32
    %dma_start3A_838 = tpu.memref_slice %arg5[%add3A_834, %dma_start3A_837] : memref<320000x32xf32, #tpu.memory_space<hbm>> -> memref<400x32xf32, #tpu.memory_space<hbm>>
    tpu.enqueue_dma source(%arg12 : memref<400x32xf32, #tpu.memory_space<vmem>>) target(%dma_start3A_838 : memref<400x32xf32, #tpu.memory_space<hbm>>) target_semaphore(%arg18 : memref<!tpu.dma_semaphore, #tpu.memory_space<semaphore_mem>>)
    %dma_start3A_839 = arith.constant 0 : i32
    %dma_start3A_840 = tpu.memref_slice %arg6[%add3A_834, %dma_start3A_839] : memref<320000x32xf32, #tpu.memory_space<hbm>> -> memref<400x32xf32, #tpu.memory_space<hbm>>
    %dma_start3A_841 = arith.constant 0 : i32
    %dma_start3A_842 = tpu.memref_slice %arg6[%add3A_834, %dma_start3A_841] : memref<320000x32xf32, #tpu.memory_space<hbm>> -> memref<400x32xf32, #tpu.memory_space<hbm>>
    tpu.enqueue_dma source(%arg14 : memref<400x32xf32, #tpu.memory_space<vmem>>) target(%dma_start3A_842 : memref<400x32xf32, #tpu.memory_space<hbm>>) target_semaphore(%arg18 : memref<!tpu.dma_semaphore, #tpu.memory_space<semaphore_mem>>)
    %dma_wait3A_843 = arith.constant 0 : i32
    %dma_wait3A_844 = tpu.memref_slice %arg5[%add3A_834, %dma_wait3A_843] : memref<320000x32xf32, #tpu.memory_space<hbm>> -> memref<400x32xf32, #tpu.memory_space<hbm>>
    %dma_wait3A_845 = arith.constant 0 : i32
    %dma_wait3A_846 = tpu.memref_slice %arg5[%add3A_834, %dma_wait3A_845] : memref<320000x32xf32, #tpu.memory_space<hbm>> -> memref<400x32xf32, #tpu.memory_space<hbm>>
    tpu.wait_dma2 semaphore(%arg18 : memref<!tpu.dma_semaphore, #tpu.memory_space<semaphore_mem>>) src(%arg12 : memref<400x32xf32, #tpu.memory_space<vmem>>) dst(%dma_wait3A_846 : memref<400x32xf32, #tpu.memory_space<hbm>>)
    %dma_wait3A_847 = arith.constant 0 : i32
    %dma_wait3A_848 = tpu.memref_slice %arg6[%add3A_834, %dma_wait3A_847] : memref<320000x32xf32, #tpu.memory_space<hbm>> -> memref<400x32xf32, #tpu.memory_space<hbm>>
    %dma_wait3A_849 = arith.constant 0 : i32
    %dma_wait3A_850 = tpu.memref_slice %arg6[%add3A_834, %dma_wait3A_849] : memref<320000x32xf32, #tpu.memory_space<hbm>> -> memref<400x32xf32, #tpu.memory_space<hbm>>
    tpu.wait_dma2 semaphore(%arg18 : memref<!tpu.dma_semaphore, #tpu.memory_space<semaphore_mem>>) src(%arg14 : memref<400x32xf32, #tpu.memory_space<vmem>>) dst(%dma_wait3A_850 : memref<400x32xf32, #tpu.memory_space<hbm>>)
    %dma_start3A_851 = arith.constant 9200 : i32
    %dma_start3A_852 = tpu.memref_slice %arg9[%dma_start3A_851] : memref<10000xi32, #tpu.memory_space<vmem>> -> memref<400xi32, #tpu.memory_space<vmem>>
    %dma_start3A_853 = arith.constant 0 : i32
    %dma_start3A_854 = arith.constant 0 : i32
    %dma_start3A_855 = tpu.memref_slice %arg7[%dma_start3A_853, %dma_start3A_854] : memref<10000x32xf32, #tpu.memory_space<vmem_shared>> -> memref<10000x32xf32, #tpu.memory_space<vmem_shared>>
    tpu.enqueue_indirect_dma source(%dma_start3A_855 : memref<10000x32xf32, #tpu.memory_space<vmem_shared>>) target(%arg12 : memref<400x32xf32, #tpu.memory_space<vmem>>) offsets(%dma_start3A_852 : memref<400xi32, #tpu.memory_space<vmem>>) semaphore(%arg16 : memref<!tpu.dma_semaphore, #tpu.memory_space<semaphore_mem>>)
    %dma_start3A_856 = arith.constant 9200 : i32
    %dma_start3A_857 = tpu.memref_slice %arg10[%dma_start3A_856] : memref<10000xi32, #tpu.memory_space<vmem>> -> memref<400xi32, #tpu.memory_space<vmem>>
    %dma_start3A_858 = arith.constant 0 : i32
    %dma_start3A_859 = arith.constant 0 : i32
    %dma_start3A_860 = tpu.memref_slice %arg8[%dma_start3A_858, %dma_start3A_859] : memref<10000x32xf32, #tpu.memory_space<vmem_shared>> -> memref<10000x32xf32, #tpu.memory_space<vmem_shared>>
    tpu.enqueue_indirect_dma source(%dma_start3A_860 : memref<10000x32xf32, #tpu.memory_space<vmem_shared>>) target(%arg14 : memref<400x32xf32, #tpu.memory_space<vmem>>) offsets(%dma_start3A_857 : memref<400xi32, #tpu.memory_space<vmem>>) semaphore(%arg16 : memref<!tpu.dma_semaphore, #tpu.memory_space<semaphore_mem>>)
    %dma_wait3A_861 = arith.constant 8800 : i32
    %dma_wait3A_862 = tpu.memref_slice %arg9[%dma_wait3A_861] : memref<10000xi32, #tpu.memory_space<vmem>> -> memref<400xi32, #tpu.memory_space<vmem>>
    %dma_wait3A_863 = arith.constant 0 : i32
    %dma_wait3A_864 = arith.constant 0 : i32
    %dma_wait3A_865 = tpu.memref_slice %arg7[%dma_wait3A_863, %dma_wait3A_864] : memref<10000x32xf32, #tpu.memory_space<vmem_shared>> -> memref<10000x32xf32, #tpu.memory_space<vmem_shared>>
    tpu.wait_indirect_dma semaphore(%arg15 : memref<!tpu.dma_semaphore, #tpu.memory_space<semaphore_mem>>) src(%dma_wait3A_865 : memref<10000x32xf32, #tpu.memory_space<vmem_shared>>) dst(%arg11 : memref<400x32xf32, #tpu.memory_space<vmem>>)
    %dma_wait3A_866 = arith.constant 8800 : i32
    %dma_wait3A_867 = tpu.memref_slice %arg10[%dma_wait3A_866] : memref<10000xi32, #tpu.memory_space<vmem>> -> memref<400xi32, #tpu.memory_space<vmem>>
    %dma_wait3A_868 = arith.constant 0 : i32
    %dma_wait3A_869 = arith.constant 0 : i32
    %dma_wait3A_870 = tpu.memref_slice %arg8[%dma_wait3A_868, %dma_wait3A_869] : memref<10000x32xf32, #tpu.memory_space<vmem_shared>> -> memref<10000x32xf32, #tpu.memory_space<vmem_shared>>
    tpu.wait_indirect_dma semaphore(%arg15 : memref<!tpu.dma_semaphore, #tpu.memory_space<semaphore_mem>>) src(%dma_wait3A_870 : memref<10000x32xf32, #tpu.memory_space<vmem_shared>>) dst(%arg13 : memref<400x32xf32, #tpu.memory_space<vmem>>)
    %add3A_871 = arith.constant 8800 : i32
    %add3A_872 = arith.addi %mul3A_2, %add3A_871 : i32
    %dma_start3A_873 = arith.constant 0 : i32
    %dma_start3A_874 = tpu.memref_slice %arg5[%add3A_872, %dma_start3A_873] : memref<320000x32xf32, #tpu.memory_space<hbm>> -> memref<400x32xf32, #tpu.memory_space<hbm>>
    %dma_start3A_875 = arith.constant 0 : i32
    %dma_start3A_876 = tpu.memref_slice %arg5[%add3A_872, %dma_start3A_875] : memref<320000x32xf32, #tpu.memory_space<hbm>> -> memref<400x32xf32, #tpu.memory_space<hbm>>
    tpu.enqueue_dma source(%arg11 : memref<400x32xf32, #tpu.memory_space<vmem>>) target(%dma_start3A_876 : memref<400x32xf32, #tpu.memory_space<hbm>>) target_semaphore(%arg17 : memref<!tpu.dma_semaphore, #tpu.memory_space<semaphore_mem>>)
    %dma_start3A_877 = arith.constant 0 : i32
    %dma_start3A_878 = tpu.memref_slice %arg6[%add3A_872, %dma_start3A_877] : memref<320000x32xf32, #tpu.memory_space<hbm>> -> memref<400x32xf32, #tpu.memory_space<hbm>>
    %dma_start3A_879 = arith.constant 0 : i32
    %dma_start3A_880 = tpu.memref_slice %arg6[%add3A_872, %dma_start3A_879] : memref<320000x32xf32, #tpu.memory_space<hbm>> -> memref<400x32xf32, #tpu.memory_space<hbm>>
    tpu.enqueue_dma source(%arg13 : memref<400x32xf32, #tpu.memory_space<vmem>>) target(%dma_start3A_880 : memref<400x32xf32, #tpu.memory_space<hbm>>) target_semaphore(%arg17 : memref<!tpu.dma_semaphore, #tpu.memory_space<semaphore_mem>>)
    %dma_wait3A_881 = arith.constant 0 : i32
    %dma_wait3A_882 = tpu.memref_slice %arg5[%add3A_872, %dma_wait3A_881] : memref<320000x32xf32, #tpu.memory_space<hbm>> -> memref<400x32xf32, #tpu.memory_space<hbm>>
    %dma_wait3A_883 = arith.constant 0 : i32
    %dma_wait3A_884 = tpu.memref_slice %arg5[%add3A_872, %dma_wait3A_883] : memref<320000x32xf32, #tpu.memory_space<hbm>> -> memref<400x32xf32, #tpu.memory_space<hbm>>
    tpu.wait_dma2 semaphore(%arg17 : memref<!tpu.dma_semaphore, #tpu.memory_space<semaphore_mem>>) src(%arg11 : memref<400x32xf32, #tpu.memory_space<vmem>>) dst(%dma_wait3A_884 : memref<400x32xf32, #tpu.memory_space<hbm>>)
    %dma_wait3A_885 = arith.constant 0 : i32
    %dma_wait3A_886 = tpu.memref_slice %arg6[%add3A_872, %dma_wait3A_885] : memref<320000x32xf32, #tpu.memory_space<hbm>> -> memref<400x32xf32, #tpu.memory_space<hbm>>
    %dma_wait3A_887 = arith.constant 0 : i32
    %dma_wait3A_888 = tpu.memref_slice %arg6[%add3A_872, %dma_wait3A_887] : memref<320000x32xf32, #tpu.memory_space<hbm>> -> memref<400x32xf32, #tpu.memory_space<hbm>>
    tpu.wait_dma2 semaphore(%arg17 : memref<!tpu.dma_semaphore, #tpu.memory_space<semaphore_mem>>) src(%arg13 : memref<400x32xf32, #tpu.memory_space<vmem>>) dst(%dma_wait3A_888 : memref<400x32xf32, #tpu.memory_space<hbm>>)
    %dma_start3A_889 = arith.constant 9600 : i32
    %dma_start3A_890 = tpu.memref_slice %arg9[%dma_start3A_889] : memref<10000xi32, #tpu.memory_space<vmem>> -> memref<400xi32, #tpu.memory_space<vmem>>
    %dma_start3A_891 = arith.constant 0 : i32
    %dma_start3A_892 = arith.constant 0 : i32
    %dma_start3A_893 = tpu.memref_slice %arg7[%dma_start3A_891, %dma_start3A_892] : memref<10000x32xf32, #tpu.memory_space<vmem_shared>> -> memref<10000x32xf32, #tpu.memory_space<vmem_shared>>
    tpu.enqueue_indirect_dma source(%dma_start3A_893 : memref<10000x32xf32, #tpu.memory_space<vmem_shared>>) target(%arg11 : memref<400x32xf32, #tpu.memory_space<vmem>>) offsets(%dma_start3A_890 : memref<400xi32, #tpu.memory_space<vmem>>) semaphore(%arg15 : memref<!tpu.dma_semaphore, #tpu.memory_space<semaphore_mem>>)
    %dma_start3A_894 = arith.constant 9600 : i32
    %dma_start3A_895 = tpu.memref_slice %arg10[%dma_start3A_894] : memref<10000xi32, #tpu.memory_space<vmem>> -> memref<400xi32, #tpu.memory_space<vmem>>
    %dma_start3A_896 = arith.constant 0 : i32
    %dma_start3A_897 = arith.constant 0 : i32
    %dma_start3A_898 = tpu.memref_slice %arg8[%dma_start3A_896, %dma_start3A_897] : memref<10000x32xf32, #tpu.memory_space<vmem_shared>> -> memref<10000x32xf32, #tpu.memory_space<vmem_shared>>
    tpu.enqueue_indirect_dma source(%dma_start3A_898 : memref<10000x32xf32, #tpu.memory_space<vmem_shared>>) target(%arg13 : memref<400x32xf32, #tpu.memory_space<vmem>>) offsets(%dma_start3A_895 : memref<400xi32, #tpu.memory_space<vmem>>) semaphore(%arg15 : memref<!tpu.dma_semaphore, #tpu.memory_space<semaphore_mem>>)
    %dma_wait3A_899 = arith.constant 9200 : i32
    %dma_wait3A_900 = tpu.memref_slice %arg9[%dma_wait3A_899] : memref<10000xi32, #tpu.memory_space<vmem>> -> memref<400xi32, #tpu.memory_space<vmem>>
    %dma_wait3A_901 = arith.constant 0 : i32
    %dma_wait3A_902 = arith.constant 0 : i32
    %dma_wait3A_903 = tpu.memref_slice %arg7[%dma_wait3A_901, %dma_wait3A_902] : memref<10000x32xf32, #tpu.memory_space<vmem_shared>> -> memref<10000x32xf32, #tpu.memory_space<vmem_shared>>
    tpu.wait_indirect_dma semaphore(%arg16 : memref<!tpu.dma_semaphore, #tpu.memory_space<semaphore_mem>>) src(%dma_wait3A_903 : memref<10000x32xf32, #tpu.memory_space<vmem_shared>>) dst(%arg12 : memref<400x32xf32, #tpu.memory_space<vmem>>)
    %dma_wait3A_904 = arith.constant 9200 : i32
    %dma_wait3A_905 = tpu.memref_slice %arg10[%dma_wait3A_904] : memref<10000xi32, #tpu.memory_space<vmem>> -> memref<400xi32, #tpu.memory_space<vmem>>
    %dma_wait3A_906 = arith.constant 0 : i32
    %dma_wait3A_907 = arith.constant 0 : i32
    %dma_wait3A_908 = tpu.memref_slice %arg8[%dma_wait3A_906, %dma_wait3A_907] : memref<10000x32xf32, #tpu.memory_space<vmem_shared>> -> memref<10000x32xf32, #tpu.memory_space<vmem_shared>>
    tpu.wait_indirect_dma semaphore(%arg16 : memref<!tpu.dma_semaphore, #tpu.memory_space<semaphore_mem>>) src(%dma_wait3A_908 : memref<10000x32xf32, #tpu.memory_space<vmem_shared>>) dst(%arg14 : memref<400x32xf32, #tpu.memory_space<vmem>>)
    %add3A_909 = arith.constant 9200 : i32
    %add3A_910 = arith.addi %mul3A_2, %add3A_909 : i32
    %dma_start3A_911 = arith.constant 0 : i32
    %dma_start3A_912 = tpu.memref_slice %arg5[%add3A_910, %dma_start3A_911] : memref<320000x32xf32, #tpu.memory_space<hbm>> -> memref<400x32xf32, #tpu.memory_space<hbm>>
    %dma_start3A_913 = arith.constant 0 : i32
    %dma_start3A_914 = tpu.memref_slice %arg5[%add3A_910, %dma_start3A_913] : memref<320000x32xf32, #tpu.memory_space<hbm>> -> memref<400x32xf32, #tpu.memory_space<hbm>>
    tpu.enqueue_dma source(%arg12 : memref<400x32xf32, #tpu.memory_space<vmem>>) target(%dma_start3A_914 : memref<400x32xf32, #tpu.memory_space<hbm>>) target_semaphore(%arg18 : memref<!tpu.dma_semaphore, #tpu.memory_space<semaphore_mem>>)
    %dma_start3A_915 = arith.constant 0 : i32
    %dma_start3A_916 = tpu.memref_slice %arg6[%add3A_910, %dma_start3A_915] : memref<320000x32xf32, #tpu.memory_space<hbm>> -> memref<400x32xf32, #tpu.memory_space<hbm>>
    %dma_start3A_917 = arith.constant 0 : i32
    %dma_start3A_918 = tpu.memref_slice %arg6[%add3A_910, %dma_start3A_917] : memref<320000x32xf32, #tpu.memory_space<hbm>> -> memref<400x32xf32, #tpu.memory_space<hbm>>
    tpu.enqueue_dma source(%arg14 : memref<400x32xf32, #tpu.memory_space<vmem>>) target(%dma_start3A_918 : memref<400x32xf32, #tpu.memory_space<hbm>>) target_semaphore(%arg18 : memref<!tpu.dma_semaphore, #tpu.memory_space<semaphore_mem>>)
    %dma_wait3A_919 = arith.constant 9600 : i32
    %dma_wait3A_920 = tpu.memref_slice %arg9[%dma_wait3A_919] : memref<10000xi32, #tpu.memory_space<vmem>> -> memref<400xi32, #tpu.memory_space<vmem>>
    %dma_wait3A_921 = arith.constant 0 : i32
    %dma_wait3A_922 = arith.constant 0 : i32
    %dma_wait3A_923 = tpu.memref_slice %arg7[%dma_wait3A_921, %dma_wait3A_922] : memref<10000x32xf32, #tpu.memory_space<vmem_shared>> -> memref<10000x32xf32, #tpu.memory_space<vmem_shared>>
    tpu.wait_indirect_dma semaphore(%arg15 : memref<!tpu.dma_semaphore, #tpu.memory_space<semaphore_mem>>) src(%dma_wait3A_923 : memref<10000x32xf32, #tpu.memory_space<vmem_shared>>) dst(%arg11 : memref<400x32xf32, #tpu.memory_space<vmem>>)
    %dma_wait3A_924 = arith.constant 9600 : i32
    %dma_wait3A_925 = tpu.memref_slice %arg10[%dma_wait3A_924] : memref<10000xi32, #tpu.memory_space<vmem>> -> memref<400xi32, #tpu.memory_space<vmem>>
    %dma_wait3A_926 = arith.constant 0 : i32
    %dma_wait3A_927 = arith.constant 0 : i32
    %dma_wait3A_928 = tpu.memref_slice %arg8[%dma_wait3A_926, %dma_wait3A_927] : memref<10000x32xf32, #tpu.memory_space<vmem_shared>> -> memref<10000x32xf32, #tpu.memory_space<vmem_shared>>
    tpu.wait_indirect_dma semaphore(%arg15 : memref<!tpu.dma_semaphore, #tpu.memory_space<semaphore_mem>>) src(%dma_wait3A_928 : memref<10000x32xf32, #tpu.memory_space<vmem_shared>>) dst(%arg13 : memref<400x32xf32, #tpu.memory_space<vmem>>)
    %add3A_929 = arith.constant 9600 : i32
    %add3A_930 = arith.addi %mul3A_2, %add3A_929 : i32
    %dma_start3A_931 = arith.constant 0 : i32
    %dma_start3A_932 = tpu.memref_slice %arg5[%add3A_930, %dma_start3A_931] : memref<320000x32xf32, #tpu.memory_space<hbm>> -> memref<400x32xf32, #tpu.memory_space<hbm>>
    %dma_start3A_933 = arith.constant 0 : i32
    %dma_start3A_934 = tpu.memref_slice %arg5[%add3A_930, %dma_start3A_933] : memref<320000x32xf32, #tpu.memory_space<hbm>> -> memref<400x32xf32, #tpu.memory_space<hbm>>
    tpu.enqueue_dma source(%arg11 : memref<400x32xf32, #tpu.memory_space<vmem>>) target(%dma_start3A_934 : memref<400x32xf32, #tpu.memory_space<hbm>>) target_semaphore(%arg17 : memref<!tpu.dma_semaphore, #tpu.memory_space<semaphore_mem>>)
    %dma_start3A_935 = arith.constant 0 : i32
    %dma_start3A_936 = tpu.memref_slice %arg6[%add3A_930, %dma_start3A_935] : memref<320000x32xf32, #tpu.memory_space<hbm>> -> memref<400x32xf32, #tpu.memory_space<hbm>>
    %dma_start3A_937 = arith.constant 0 : i32
    %dma_start3A_938 = tpu.memref_slice %arg6[%add3A_930, %dma_start3A_937] : memref<320000x32xf32, #tpu.memory_space<hbm>> -> memref<400x32xf32, #tpu.memory_space<hbm>>
    tpu.enqueue_dma source(%arg13 : memref<400x32xf32, #tpu.memory_space<vmem>>) target(%dma_start3A_938 : memref<400x32xf32, #tpu.memory_space<hbm>>) target_semaphore(%arg17 : memref<!tpu.dma_semaphore, #tpu.memory_space<semaphore_mem>>)
    %dma_wait3A_939 = arith.constant 0 : i32
    %dma_wait3A_940 = tpu.memref_slice %arg5[%add3A_910, %dma_wait3A_939] : memref<320000x32xf32, #tpu.memory_space<hbm>> -> memref<400x32xf32, #tpu.memory_space<hbm>>
    %dma_wait3A_941 = arith.constant 0 : i32
    %dma_wait3A_942 = tpu.memref_slice %arg5[%add3A_910, %dma_wait3A_941] : memref<320000x32xf32, #tpu.memory_space<hbm>> -> memref<400x32xf32, #tpu.memory_space<hbm>>
    tpu.wait_dma2 semaphore(%arg18 : memref<!tpu.dma_semaphore, #tpu.memory_space<semaphore_mem>>) src(%arg12 : memref<400x32xf32, #tpu.memory_space<vmem>>) dst(%dma_wait3A_942 : memref<400x32xf32, #tpu.memory_space<hbm>>)
    %dma_wait3A_943 = arith.constant 0 : i32
    %dma_wait3A_944 = tpu.memref_slice %arg6[%add3A_910, %dma_wait3A_943] : memref<320000x32xf32, #tpu.memory_space<hbm>> -> memref<400x32xf32, #tpu.memory_space<hbm>>
    %dma_wait3A_945 = arith.constant 0 : i32
    %dma_wait3A_946 = tpu.memref_slice %arg6[%add3A_910, %dma_wait3A_945] : memref<320000x32xf32, #tpu.memory_space<hbm>> -> memref<400x32xf32, #tpu.memory_space<hbm>>
    tpu.wait_dma2 semaphore(%arg18 : memref<!tpu.dma_semaphore, #tpu.memory_space<semaphore_mem>>) src(%arg14 : memref<400x32xf32, #tpu.memory_space<vmem>>) dst(%dma_wait3A_946 : memref<400x32xf32, #tpu.memory_space<hbm>>)
    %dma_wait3A_947 = arith.constant 0 : i32
    %dma_wait3A_948 = tpu.memref_slice %arg5[%add3A_930, %dma_wait3A_947] : memref<320000x32xf32, #tpu.memory_space<hbm>> -> memref<400x32xf32, #tpu.memory_space<hbm>>
    %dma_wait3A_949 = arith.constant 0 : i32
    %dma_wait3A_950 = tpu.memref_slice %arg5[%add3A_930, %dma_wait3A_949] : memref<320000x32xf32, #tpu.memory_space<hbm>> -> memref<400x32xf32, #tpu.memory_space<hbm>>
    tpu.wait_dma2 semaphore(%arg17 : memref<!tpu.dma_semaphore, #tpu.memory_space<semaphore_mem>>) src(%arg11 : memref<400x32xf32, #tpu.memory_space<vmem>>) dst(%dma_wait3A_950 : memref<400x32xf32, #tpu.memory_space<hbm>>)
    %dma_wait3A_951 = arith.constant 0 : i32
    %dma_wait3A_952 = tpu.memref_slice %arg6[%add3A_930, %dma_wait3A_951] : memref<320000x32xf32, #tpu.memory_space<hbm>> -> memref<400x32xf32, #tpu.memory_space<hbm>>
    %dma_wait3A_953 = arith.constant 0 : i32
    %dma_wait3A_954 = tpu.memref_slice %arg6[%add3A_930, %dma_wait3A_953] : memref<320000x32xf32, #tpu.memory_space<hbm>> -> memref<400x32xf32, #tpu.memory_space<hbm>>
    tpu.wait_dma2 semaphore(%arg17 : memref<!tpu.dma_semaphore, #tpu.memory_space<semaphore_mem>>) src(%arg13 : memref<400x32xf32, #tpu.memory_space<vmem>>) dst(%dma_wait3A_954 : memref<400x32xf32, #tpu.memory_space<hbm>>)
    return
  }
}

module attributes {stable_mosaic.version = 14 : i64} {
  func.func @_prep_body(%arg0: memref<2500x512xf32, #tpu.memory_space<vmem>>, %arg1: memref<400x32xf32, #tpu.memory_space<vmem>>, %arg2: memref<1x128xf32, #tpu.memory_space<vmem>>, %arg3: memref<1x32xf32, #tpu.memory_space<vmem>>, %arg4: memref<32x16xf32, #tpu.memory_space<vmem>>, %arg5: memref<1x16xf32, #tpu.memory_space<vmem>>, %arg6: memref<2500x128xf32, #tpu.memory_space<vmem>>, %arg7: memref<2500x128xf32, #tpu.memory_space<vmem>>, %arg8: memref<1x128xf32, #tpu.memory_space<vmem>>, %arg9: memref<64x128xf32, #tpu.memory_space<vmem>>, %arg10: memref<128x64xf32, #tpu.memory_space<vmem>>, %arg11: memref<1x64xf32, #tpu.memory_space<vmem>>) attributes {dimension_semantics = [], scalar_prefetch = 0 : i64, scratch_operands = 0 : i64, tpu.core_type = #tpu.core_type<tc>} {
    %get3A = arith.constant 0 : index
    %get3A_0 = arith.constant 0 : index
    %get3A_1 = vector.load %arg0[%get3A, %get3A_0] : memref<2500x512xf32, #tpu.memory_space<vmem>>, vector<2500x512xf32>
    %get3A_2 = arith.constant 16 : index
    %get3A_3 = arith.constant 0 : index
    %get3A_4 = vector.load %arg1[%get3A_2, %get3A_3] : memref<400x32xf32, #tpu.memory_space<vmem>>, vector<128x32xf32>
    %get3A_5 = arith.constant 144 : index
    %get3A_6 = arith.constant 0 : index
    %get3A_7 = vector.load %arg1[%get3A_5, %get3A_6] : memref<400x32xf32, #tpu.memory_space<vmem>>, vector<128x32xf32>
    %get3A_8 = arith.constant 272 : index
    %get3A_9 = arith.constant 0 : index
    %get3A_10 = vector.load %arg1[%get3A_8, %get3A_9] : memref<400x32xf32, #tpu.memory_space<vmem>>, vector<128x32xf32>
    %get3A_11 = arith.constant 0 : index
    %get3A_12 = arith.constant 0 : index
    %get3A_13 = vector.load %arg1[%get3A_11, %get3A_12] : memref<400x32xf32, #tpu.memory_space<vmem>>, vector<16x32xf32>
    %tile3A = tpu.concatenate %get3A_4, %get3A_4, %get3A_4, %get3A_4 in 0 : vector<128x32xf32>, vector<128x32xf32>, vector<128x32xf32>, vector<128x32xf32> -> vector<512x32xf32>
    %tile3A_14 = tpu.concatenate %tile3A, %tile3A, %tile3A, %tile3A in 1 : vector<512x32xf32>, vector<512x32xf32>, vector<512x32xf32>, vector<512x32xf32> -> vector<512x128xf32>
    %iota3A = tpu.iota {dimensions = array<i32: 0>} : vector<512x128xi32>
    %iota3A_15 = tpu.iota {dimensions = array<i32: 1>} : vector<512x128xi32>
    %jit3A = arith.constant 128 : i32
    %div3A = vector.broadcast %jit3A : i32 to vector<512x128xi32>
    %div3A_16 = arith.divsi %iota3A, %div3A : vector<512x128xi32>
    %sign3A = arith.constant 0 : i32
    %sign3A_17 = vector.broadcast %sign3A : i32 to vector<512x128xi32>
    %sign3A_18 = arith.cmpi sgt, %iota3A, %sign3A_17 : vector<512x128xi32>
    %sign3A_19 = arith.extui %sign3A_18 : vector<512x128xi1> to vector<512x128xi32>
    %sign3A_20 = arith.constant 0 : i32
    %sign3A_21 = vector.broadcast %sign3A_20 : i32 to vector<512x128xi32>
    %sign3A_22 = arith.cmpi slt, %iota3A, %sign3A_21 : vector<512x128xi32>
    %sign3A_23 = arith.extui %sign3A_22 : vector<512x128xi1> to vector<512x128xi32>
    %sign3A_24 = arith.subi %sign3A_19, %sign3A_23 : vector<512x128xi32>
    %sign3A_25 = arith.constant 0 : i32
    %sign3A_26 = arith.cmpi sgt, %jit3A, %sign3A_25 : i32
    %sign3A_27 = arith.extui %sign3A_26 : i1 to i32
    %sign3A_28 = arith.constant 0 : i32
    %sign3A_29 = arith.cmpi slt, %jit3A, %sign3A_28 : i32
    %sign3A_30 = arith.extui %sign3A_29 : i1 to i32
    %sign3A_31 = arith.subi %sign3A_27, %sign3A_30 : i32
    %ne3A = vector.broadcast %sign3A_31 : i32 to vector<512x128xi32>
    %ne3A_32 = arith.cmpi ne, %sign3A_24, %ne3A : vector<512x128xi32>
    %rem3A = vector.broadcast %jit3A : i32 to vector<512x128xi32>
    %rem3A_33 = arith.remsi %iota3A, %rem3A : vector<512x128xi32>
    %ne3A_34 = arith.constant 0 : i32
    %ne3A_35 = vector.broadcast %ne3A_34 : i32 to vector<512x128xi32>
    %ne3A_36 = arith.cmpi ne, %rem3A_33, %ne3A_35 : vector<512x128xi32>
    %and3A = arith.andi %ne3A_32, %ne3A_36 : vector<512x128xi1>
    %sub3A = arith.constant 1 : i32
    %sub3A_37 = vector.broadcast %sub3A : i32 to vector<512x128xi32>
    %sub3A_38 = arith.subi %div3A_16, %sub3A_37 : vector<512x128xi32>
    %select_n3A = arith.select %and3A, %sub3A_38, %div3A_16 : vector<512x128xi1>, vector<512x128xi32>
    %jit3A_39 = arith.constant 32 : i32
    %div3A_40 = vector.broadcast %jit3A_39 : i32 to vector<512x128xi32>
    %div3A_41 = arith.divsi %iota3A_15, %div3A_40 : vector<512x128xi32>
    %sign3A_42 = arith.constant 0 : i32
    %sign3A_43 = vector.broadcast %sign3A_42 : i32 to vector<512x128xi32>
    %sign3A_44 = arith.cmpi sgt, %iota3A_15, %sign3A_43 : vector<512x128xi32>
    %sign3A_45 = arith.extui %sign3A_44 : vector<512x128xi1> to vector<512x128xi32>
    %sign3A_46 = arith.constant 0 : i32
    %sign3A_47 = vector.broadcast %sign3A_46 : i32 to vector<512x128xi32>
    %sign3A_48 = arith.cmpi slt, %iota3A_15, %sign3A_47 : vector<512x128xi32>
    %sign3A_49 = arith.extui %sign3A_48 : vector<512x128xi1> to vector<512x128xi32>
    %sign3A_50 = arith.subi %sign3A_45, %sign3A_49 : vector<512x128xi32>
    %sign3A_51 = arith.constant 0 : i32
    %sign3A_52 = arith.cmpi sgt, %jit3A_39, %sign3A_51 : i32
    %sign3A_53 = arith.extui %sign3A_52 : i1 to i32
    %sign3A_54 = arith.constant 0 : i32
    %sign3A_55 = arith.cmpi slt, %jit3A_39, %sign3A_54 : i32
    %sign3A_56 = arith.extui %sign3A_55 : i1 to i32
    %sign3A_57 = arith.subi %sign3A_53, %sign3A_56 : i32
    %ne3A_58 = vector.broadcast %sign3A_57 : i32 to vector<512x128xi32>
    %ne3A_59 = arith.cmpi ne, %sign3A_50, %ne3A_58 : vector<512x128xi32>
    %rem3A_60 = vector.broadcast %jit3A_39 : i32 to vector<512x128xi32>
    %rem3A_61 = arith.remsi %iota3A_15, %rem3A_60 : vector<512x128xi32>
    %ne3A_62 = arith.constant 0 : i32
    %ne3A_63 = vector.broadcast %ne3A_62 : i32 to vector<512x128xi32>
    %ne3A_64 = arith.cmpi ne, %rem3A_61, %ne3A_63 : vector<512x128xi32>
    %and3A_65 = arith.andi %ne3A_59, %ne3A_64 : vector<512x128xi1>
    %sub3A_66 = arith.constant 1 : i32
    %sub3A_67 = vector.broadcast %sub3A_66 : i32 to vector<512x128xi32>
    %sub3A_68 = arith.subi %div3A_41, %sub3A_67 : vector<512x128xi32>
    %select_n3A_69 = arith.select %and3A_65, %sub3A_68, %div3A_41 : vector<512x128xi1>, vector<512x128xi32>
    %eq3A = arith.cmpi eq, %select_n3A, %select_n3A_69 : vector<512x128xi32>
    %jit3A_70 = arith.constant 0.000000e+00 : f32
    %broadcast_in_dim3A = vector.broadcast %jit3A_70 : f32 to vector<512x128xf32>
    %select_n3A_71 = arith.select %eq3A, %tile3A_14, %broadcast_in_dim3A : vector<512x128xi1>, vector<512x128xf32>
    %dot_general3A = arith.constant dense<0.000000e+00> : vector<2500x128xf32>
    %dot_general3A_72 = tpu.matmul %get3A_1, %select_n3A_71, %dot_general3A {dimension_numbers = #tpu.dot_dimension_numbers<[1], [0], [0], [1], [0, 0, 1, 1], [], []>, transpose_lhs_hint = false} : vector<2500x512xf32>, vector<512x128xf32>, vector<2500x128xf32> -> vector<2500x128xf32>
    %swap3A = arith.constant 0 : index
    %swap3A_73 = arith.constant 0 : index
    %swap3A_74 = vector.load %arg6[%swap3A, %swap3A_73] : memref<2500x128xf32, #tpu.memory_space<vmem>>, vector<2500x128xf32>
    tpu.vector_store %arg6[%swap3A, %swap3A_73], %dot_general3A_72 {strides = array<i32>} : memref<2500x128xf32, #tpu.memory_space<vmem>>, vector<2500x128xf32>,
    %tile3A_75 = tpu.concatenate %get3A_7, %get3A_7, %get3A_7, %get3A_7 in 0 : vector<128x32xf32>, vector<128x32xf32>, vector<128x32xf32>, vector<128x32xf32> -> vector<512x32xf32>
    %tile3A_76 = tpu.concatenate %tile3A_75, %tile3A_75, %tile3A_75, %tile3A_75 in 1 : vector<512x32xf32>, vector<512x32xf32>, vector<512x32xf32>, vector<512x32xf32> -> vector<512x128xf32>
    %iota3A_77 = tpu.iota {dimensions = array<i32: 0>} : vector<512x128xi32>
    %iota3A_78 = tpu.iota {dimensions = array<i32: 1>} : vector<512x128xi32>
    %jit3A_79 = arith.constant 128 : i32
    %div3A_80 = vector.broadcast %jit3A_79 : i32 to vector<512x128xi32>
    %div3A_81 = arith.divsi %iota3A_77, %div3A_80 : vector<512x128xi32>
    %sign3A_82 = arith.constant 0 : i32
    %sign3A_83 = vector.broadcast %sign3A_82 : i32 to vector<512x128xi32>
    %sign3A_84 = arith.cmpi sgt, %iota3A_77, %sign3A_83 : vector<512x128xi32>
    %sign3A_85 = arith.extui %sign3A_84 : vector<512x128xi1> to vector<512x128xi32>
    %sign3A_86 = arith.constant 0 : i32
    %sign3A_87 = vector.broadcast %sign3A_86 : i32 to vector<512x128xi32>
    %sign3A_88 = arith.cmpi slt, %iota3A_77, %sign3A_87 : vector<512x128xi32>
    %sign3A_89 = arith.extui %sign3A_88 : vector<512x128xi1> to vector<512x128xi32>
    %sign3A_90 = arith.subi %sign3A_85, %sign3A_89 : vector<512x128xi32>
    %sign3A_91 = arith.constant 0 : i32
    %sign3A_92 = arith.cmpi sgt, %jit3A_79, %sign3A_91 : i32
    %sign3A_93 = arith.extui %sign3A_92 : i1 to i32
    %sign3A_94 = arith.constant 0 : i32
    %sign3A_95 = arith.cmpi slt, %jit3A_79, %sign3A_94 : i32
    %sign3A_96 = arith.extui %sign3A_95 : i1 to i32
    %sign3A_97 = arith.subi %sign3A_93, %sign3A_96 : i32
    %ne3A_98 = vector.broadcast %sign3A_97 : i32 to vector<512x128xi32>
    %ne3A_99 = arith.cmpi ne, %sign3A_90, %ne3A_98 : vector<512x128xi32>
    %rem3A_100 = vector.broadcast %jit3A_79 : i32 to vector<512x128xi32>
    %rem3A_101 = arith.remsi %iota3A_77, %rem3A_100 : vector<512x128xi32>
    %ne3A_102 = arith.constant 0 : i32
    %ne3A_103 = vector.broadcast %ne3A_102 : i32 to vector<512x128xi32>
    %ne3A_104 = arith.cmpi ne, %rem3A_101, %ne3A_103 : vector<512x128xi32>
    %and3A_105 = arith.andi %ne3A_99, %ne3A_104 : vector<512x128xi1>
    %sub3A_106 = arith.constant 1 : i32
    %sub3A_107 = vector.broadcast %sub3A_106 : i32 to vector<512x128xi32>
    %sub3A_108 = arith.subi %div3A_81, %sub3A_107 : vector<512x128xi32>
    %select_n3A_109 = arith.select %and3A_105, %sub3A_108, %div3A_81 : vector<512x128xi1>, vector<512x128xi32>
    %jit3A_110 = arith.constant 32 : i32
    %div3A_111 = vector.broadcast %jit3A_110 : i32 to vector<512x128xi32>
    %div3A_112 = arith.divsi %iota3A_78, %div3A_111 : vector<512x128xi32>
    %sign3A_113 = arith.constant 0 : i32
    %sign3A_114 = vector.broadcast %sign3A_113 : i32 to vector<512x128xi32>
    %sign3A_115 = arith.cmpi sgt, %iota3A_78, %sign3A_114 : vector<512x128xi32>
    %sign3A_116 = arith.extui %sign3A_115 : vector<512x128xi1> to vector<512x128xi32>
    %sign3A_117 = arith.constant 0 : i32
    %sign3A_118 = vector.broadcast %sign3A_117 : i32 to vector<512x128xi32>
    %sign3A_119 = arith.cmpi slt, %iota3A_78, %sign3A_118 : vector<512x128xi32>
    %sign3A_120 = arith.extui %sign3A_119 : vector<512x128xi1> to vector<512x128xi32>
    %sign3A_121 = arith.subi %sign3A_116, %sign3A_120 : vector<512x128xi32>
    %sign3A_122 = arith.constant 0 : i32
    %sign3A_123 = arith.cmpi sgt, %jit3A_110, %sign3A_122 : i32
    %sign3A_124 = arith.extui %sign3A_123 : i1 to i32
    %sign3A_125 = arith.constant 0 : i32
    %sign3A_126 = arith.cmpi slt, %jit3A_110, %sign3A_125 : i32
    %sign3A_127 = arith.extui %sign3A_126 : i1 to i32
    %sign3A_128 = arith.subi %sign3A_124, %sign3A_127 : i32
    %ne3A_129 = vector.broadcast %sign3A_128 : i32 to vector<512x128xi32>
    %ne3A_130 = arith.cmpi ne, %sign3A_121, %ne3A_129 : vector<512x128xi32>
    %rem3A_131 = vector.broadcast %jit3A_110 : i32 to vector<512x128xi32>
    %rem3A_132 = arith.remsi %iota3A_78, %rem3A_131 : vector<512x128xi32>
    %ne3A_133 = arith.constant 0 : i32
    %ne3A_134 = vector.broadcast %ne3A_133 : i32 to vector<512x128xi32>
    %ne3A_135 = arith.cmpi ne, %rem3A_132, %ne3A_134 : vector<512x128xi32>
    %and3A_136 = arith.andi %ne3A_130, %ne3A_135 : vector<512x128xi1>
    %sub3A_137 = arith.constant 1 : i32
    %sub3A_138 = vector.broadcast %sub3A_137 : i32 to vector<512x128xi32>
    %sub3A_139 = arith.subi %div3A_112, %sub3A_138 : vector<512x128xi32>
    %select_n3A_140 = arith.select %and3A_136, %sub3A_139, %div3A_112 : vector<512x128xi1>, vector<512x128xi32>
    %eq3A_141 = arith.cmpi eq, %select_n3A_109, %select_n3A_140 : vector<512x128xi32>
    %jit3A_142 = arith.constant 0.000000e+00 : f32
    %broadcast_in_dim3A_143 = vector.broadcast %jit3A_142 : f32 to vector<512x128xf32>
    %select_n3A_144 = arith.select %eq3A_141, %tile3A_76, %broadcast_in_dim3A_143 : vector<512x128xi1>, vector<512x128xf32>
    %dot_general3A_145 = arith.constant dense<0.000000e+00> : vector<2500x128xf32>
    %dot_general3A_146 = tpu.matmul %get3A_1, %select_n3A_144, %dot_general3A_145 {dimension_numbers = #tpu.dot_dimension_numbers<[1], [0], [0], [1], [0, 0, 1, 1], [], []>, transpose_lhs_hint = false} : vector<2500x512xf32>, vector<512x128xf32>, vector<2500x128xf32> -> vector<2500x128xf32>
    %swap3A_147 = arith.constant 0 : index
    %swap3A_148 = arith.constant 0 : index
    %swap3A_149 = vector.load %arg7[%swap3A_147, %swap3A_148] : memref<2500x128xf32, #tpu.memory_space<vmem>>, vector<2500x128xf32>
    tpu.vector_store %arg7[%swap3A_147, %swap3A_148], %dot_general3A_146 {strides = array<i32>} : memref<2500x128xf32, #tpu.memory_space<vmem>>, vector<2500x128xf32>,
    %get3A_150 = arith.constant 0 : index
    %get3A_151 = arith.constant 0 : index
    %get3A_152 = vector.load %arg2[%get3A_150, %get3A_151] : memref<1x128xf32, #tpu.memory_space<vmem>>, vector<1x128xf32>
    %dot_general3A_153 = arith.constant dense<0.000000e+00> : vector<1x32xf32>
    %dot_general3A_154 = tpu.matmul %get3A_152, %get3A_10, %dot_general3A_153 {dimension_numbers = #tpu.dot_dimension_numbers<[1], [0], [0], [1], [0, 0, 1, 1], [], []>, transpose_lhs_hint = false} : vector<1x128xf32>, vector<128x32xf32>, vector<1x32xf32> -> vector<1x32xf32>
    %get3A_155 = arith.constant 0 : index
    %get3A_156 = arith.constant 0 : index
    %get3A_157 = vector.load %arg3[%get3A_155, %get3A_156] : memref<1x32xf32, #tpu.memory_space<vmem>>, vector<1x32xf32>
    %add3A = arith.addf %dot_general3A_154, %get3A_157 : vector<1x32xf32>
    %tile3A_158 = tpu.concatenate %add3A, %add3A, %add3A, %add3A in 1 : vector<1x32xf32>, vector<1x32xf32>, vector<1x32xf32>, vector<1x32xf32> -> vector<1x128xf32>
    %swap3A_159 = arith.constant 0 : index
    %swap3A_160 = arith.constant 0 : index
    %swap3A_161 = vector.load %arg8[%swap3A_159, %swap3A_160] : memref<1x128xf32, #tpu.memory_space<vmem>>, vector<1x128xf32>
    tpu.vector_store %arg8[%swap3A_159, %swap3A_160], %tile3A_158 {strides = array<i32>} : memref<1x128xf32, #tpu.memory_space<vmem>>, vector<1x128xf32>,
    %tile3A_162 = tpu.concatenate %get3A_13, %get3A_13, %get3A_13, %get3A_13 in 0 : vector<16x32xf32>, vector<16x32xf32>, vector<16x32xf32>, vector<16x32xf32> -> vector<64x32xf32>
    %tile3A_163 = tpu.concatenate %tile3A_162, %tile3A_162, %tile3A_162, %tile3A_162 in 1 : vector<64x32xf32>, vector<64x32xf32>, vector<64x32xf32>, vector<64x32xf32> -> vector<64x128xf32>
    %iota3A_164 = tpu.iota {dimensions = array<i32: 0>} : vector<64x128xi32>
    %iota3A_165 = tpu.iota {dimensions = array<i32: 1>} : vector<64x128xi32>
    %jit3A_166 = arith.constant 16 : i32
    %div3A_167 = vector.broadcast %jit3A_166 : i32 to vector<64x128xi32>
    %div3A_168 = arith.divsi %iota3A_164, %div3A_167 : vector<64x128xi32>
    %sign3A_169 = arith.constant 0 : i32
    %sign3A_170 = vector.broadcast %sign3A_169 : i32 to vector<64x128xi32>
    %sign3A_171 = arith.cmpi sgt, %iota3A_164, %sign3A_170 : vector<64x128xi32>
    %sign3A_172 = arith.extui %sign3A_171 : vector<64x128xi1> to vector<64x128xi32>
    %sign3A_173 = arith.constant 0 : i32
    %sign3A_174 = vector.broadcast %sign3A_173 : i32 to vector<64x128xi32>
    %sign3A_175 = arith.cmpi slt, %iota3A_164, %sign3A_174 : vector<64x128xi32>
    %sign3A_176 = arith.extui %sign3A_175 : vector<64x128xi1> to vector<64x128xi32>
    %sign3A_177 = arith.subi %sign3A_172, %sign3A_176 : vector<64x128xi32>
    %sign3A_178 = arith.constant 0 : i32
    %sign3A_179 = arith.cmpi sgt, %jit3A_166, %sign3A_178 : i32
    %sign3A_180 = arith.extui %sign3A_179 : i1 to i32
    %sign3A_181 = arith.constant 0 : i32
    %sign3A_182 = arith.cmpi slt, %jit3A_166, %sign3A_181 : i32
    %sign3A_183 = arith.extui %sign3A_182 : i1 to i32
    %sign3A_184 = arith.subi %sign3A_180, %sign3A_183 : i32
    %ne3A_185 = vector.broadcast %sign3A_184 : i32 to vector<64x128xi32>
    %ne3A_186 = arith.cmpi ne, %sign3A_177, %ne3A_185 : vector<64x128xi32>
    %rem3A_187 = vector.broadcast %jit3A_166 : i32 to vector<64x128xi32>
    %rem3A_188 = arith.remsi %iota3A_164, %rem3A_187 : vector<64x128xi32>
    %ne3A_189 = arith.constant 0 : i32
    %ne3A_190 = vector.broadcast %ne3A_189 : i32 to vector<64x128xi32>
    %ne3A_191 = arith.cmpi ne, %rem3A_188, %ne3A_190 : vector<64x128xi32>
    %and3A_192 = arith.andi %ne3A_186, %ne3A_191 : vector<64x128xi1>
    %sub3A_193 = arith.constant 1 : i32
    %sub3A_194 = vector.broadcast %sub3A_193 : i32 to vector<64x128xi32>
    %sub3A_195 = arith.subi %div3A_168, %sub3A_194 : vector<64x128xi32>
    %select_n3A_196 = arith.select %and3A_192, %sub3A_195, %div3A_168 : vector<64x128xi1>, vector<64x128xi32>
    %jit3A_197 = arith.constant 32 : i32
    %div3A_198 = vector.broadcast %jit3A_197 : i32 to vector<64x128xi32>
    %div3A_199 = arith.divsi %iota3A_165, %div3A_198 : vector<64x128xi32>
    %sign3A_200 = arith.constant 0 : i32
    %sign3A_201 = vector.broadcast %sign3A_200 : i32 to vector<64x128xi32>
    %sign3A_202 = arith.cmpi sgt, %iota3A_165, %sign3A_201 : vector<64x128xi32>
    %sign3A_203 = arith.extui %sign3A_202 : vector<64x128xi1> to vector<64x128xi32>
    %sign3A_204 = arith.constant 0 : i32
    %sign3A_205 = vector.broadcast %sign3A_204 : i32 to vector<64x128xi32>
    %sign3A_206 = arith.cmpi slt, %iota3A_165, %sign3A_205 : vector<64x128xi32>
    %sign3A_207 = arith.extui %sign3A_206 : vector<64x128xi1> to vector<64x128xi32>
    %sign3A_208 = arith.subi %sign3A_203, %sign3A_207 : vector<64x128xi32>
    %sign3A_209 = arith.constant 0 : i32
    %sign3A_210 = arith.cmpi sgt, %jit3A_197, %sign3A_209 : i32
    %sign3A_211 = arith.extui %sign3A_210 : i1 to i32
    %sign3A_212 = arith.constant 0 : i32
    %sign3A_213 = arith.cmpi slt, %jit3A_197, %sign3A_212 : i32
    %sign3A_214 = arith.extui %sign3A_213 : i1 to i32
    %sign3A_215 = arith.subi %sign3A_211, %sign3A_214 : i32
    %ne3A_216 = vector.broadcast %sign3A_215 : i32 to vector<64x128xi32>
    %ne3A_217 = arith.cmpi ne, %sign3A_208, %ne3A_216 : vector<64x128xi32>
    %rem3A_218 = vector.broadcast %jit3A_197 : i32 to vector<64x128xi32>
    %rem3A_219 = arith.remsi %iota3A_165, %rem3A_218 : vector<64x128xi32>
    %ne3A_220 = arith.constant 0 : i32
    %ne3A_221 = vector.broadcast %ne3A_220 : i32 to vector<64x128xi32>
    %ne3A_222 = arith.cmpi ne, %rem3A_219, %ne3A_221 : vector<64x128xi32>
    %and3A_223 = arith.andi %ne3A_217, %ne3A_222 : vector<64x128xi1>
    %sub3A_224 = arith.constant 1 : i32
    %sub3A_225 = vector.broadcast %sub3A_224 : i32 to vector<64x128xi32>
    %sub3A_226 = arith.subi %div3A_199, %sub3A_225 : vector<64x128xi32>
    %select_n3A_227 = arith.select %and3A_223, %sub3A_226, %div3A_199 : vector<64x128xi1>, vector<64x128xi32>
    %eq3A_228 = arith.cmpi eq, %select_n3A_196, %select_n3A_227 : vector<64x128xi32>
    %jit3A_229 = arith.constant 0.000000e+00 : f32
    %broadcast_in_dim3A_230 = vector.broadcast %jit3A_229 : f32 to vector<64x128xf32>
    %select_n3A_231 = arith.select %eq3A_228, %tile3A_163, %broadcast_in_dim3A_230 : vector<64x128xi1>, vector<64x128xf32>
    %swap3A_232 = arith.constant 0 : index
    %swap3A_233 = arith.constant 0 : index
    %swap3A_234 = vector.load %arg9[%swap3A_232, %swap3A_233] : memref<64x128xf32, #tpu.memory_space<vmem>>, vector<64x128xf32>
    tpu.vector_store %arg9[%swap3A_232, %swap3A_233], %select_n3A_231 {strides = array<i32>} : memref<64x128xf32, #tpu.memory_space<vmem>>, vector<64x128xf32>,
    %get3A_235 = arith.constant 0 : index
    %get3A_236 = arith.constant 0 : index
    %get3A_237 = vector.load %arg4[%get3A_235, %get3A_236] : memref<32x16xf32, #tpu.memory_space<vmem>>, vector<32x16xf32>
    %tile3A_238 = tpu.concatenate %get3A_237, %get3A_237, %get3A_237, %get3A_237 in 0 : vector<32x16xf32>, vector<32x16xf32>, vector<32x16xf32>, vector<32x16xf32> -> vector<128x16xf32>
    %tile3A_239 = tpu.concatenate %tile3A_238, %tile3A_238, %tile3A_238, %tile3A_238 in 1 : vector<128x16xf32>, vector<128x16xf32>, vector<128x16xf32>, vector<128x16xf32> -> vector<128x64xf32>
    %iota3A_240 = tpu.iota {dimensions = array<i32: 0>} : vector<128x64xi32>
    %iota3A_241 = tpu.iota {dimensions = array<i32: 1>} : vector<128x64xi32>
    %jit3A_242 = arith.constant 32 : i32
    %div3A_243 = vector.broadcast %jit3A_242 : i32 to vector<128x64xi32>
    %div3A_244 = arith.divsi %iota3A_240, %div3A_243 : vector<128x64xi32>
    %sign3A_245 = arith.constant 0 : i32
    %sign3A_246 = vector.broadcast %sign3A_245 : i32 to vector<128x64xi32>
    %sign3A_247 = arith.cmpi sgt, %iota3A_240, %sign3A_246 : vector<128x64xi32>
    %sign3A_248 = arith.extui %sign3A_247 : vector<128x64xi1> to vector<128x64xi32>
    %sign3A_249 = arith.constant 0 : i32
    %sign3A_250 = vector.broadcast %sign3A_249 : i32 to vector<128x64xi32>
    %sign3A_251 = arith.cmpi slt, %iota3A_240, %sign3A_250 : vector<128x64xi32>
    %sign3A_252 = arith.extui %sign3A_251 : vector<128x64xi1> to vector<128x64xi32>
    %sign3A_253 = arith.subi %sign3A_248, %sign3A_252 : vector<128x64xi32>
    %sign3A_254 = arith.constant 0 : i32
    %sign3A_255 = arith.cmpi sgt, %jit3A_242, %sign3A_254 : i32
    %sign3A_256 = arith.extui %sign3A_255 : i1 to i32
    %sign3A_257 = arith.constant 0 : i32
    %sign3A_258 = arith.cmpi slt, %jit3A_242, %sign3A_257 : i32
    %sign3A_259 = arith.extui %sign3A_258 : i1 to i32
    %sign3A_260 = arith.subi %sign3A_256, %sign3A_259 : i32
    %ne3A_261 = vector.broadcast %sign3A_260 : i32 to vector<128x64xi32>
    %ne3A_262 = arith.cmpi ne, %sign3A_253, %ne3A_261 : vector<128x64xi32>
    %rem3A_263 = vector.broadcast %jit3A_242 : i32 to vector<128x64xi32>
    %rem3A_264 = arith.remsi %iota3A_240, %rem3A_263 : vector<128x64xi32>
    %ne3A_265 = arith.constant 0 : i32
    %ne3A_266 = vector.broadcast %ne3A_265 : i32 to vector<128x64xi32>
    %ne3A_267 = arith.cmpi ne, %rem3A_264, %ne3A_266 : vector<128x64xi32>
    %and3A_268 = arith.andi %ne3A_262, %ne3A_267 : vector<128x64xi1>
    %sub3A_269 = arith.constant 1 : i32
    %sub3A_270 = vector.broadcast %sub3A_269 : i32 to vector<128x64xi32>
    %sub3A_271 = arith.subi %div3A_244, %sub3A_270 : vector<128x64xi32>
    %select_n3A_272 = arith.select %and3A_268, %sub3A_271, %div3A_244 : vector<128x64xi1>, vector<128x64xi32>
    %jit3A_273 = arith.constant 16 : i32
    %div3A_274 = vector.broadcast %jit3A_273 : i32 to vector<128x64xi32>
    %div3A_275 = arith.divsi %iota3A_241, %div3A_274 : vector<128x64xi32>
    %sign3A_276 = arith.constant 0 : i32
    %sign3A_277 = vector.broadcast %sign3A_276 : i32 to vector<128x64xi32>
    %sign3A_278 = arith.cmpi sgt, %iota3A_241, %sign3A_277 : vector<128x64xi32>
    %sign3A_279 = arith.extui %sign3A_278 : vector<128x64xi1> to vector<128x64xi32>
    %sign3A_280 = arith.constant 0 : i32
    %sign3A_281 = vector.broadcast %sign3A_280 : i32 to vector<128x64xi32>
    %sign3A_282 = arith.cmpi slt, %iota3A_241, %sign3A_281 : vector<128x64xi32>
    %sign3A_283 = arith.extui %sign3A_282 : vector<128x64xi1> to vector<128x64xi32>
    %sign3A_284 = arith.subi %sign3A_279, %sign3A_283 : vector<128x64xi32>
    %sign3A_285 = arith.constant 0 : i32
    %sign3A_286 = arith.cmpi sgt, %jit3A_273, %sign3A_285 : i32
    %sign3A_287 = arith.extui %sign3A_286 : i1 to i32
    %sign3A_288 = arith.constant 0 : i32
    %sign3A_289 = arith.cmpi slt, %jit3A_273, %sign3A_288 : i32
    %sign3A_290 = arith.extui %sign3A_289 : i1 to i32
    %sign3A_291 = arith.subi %sign3A_287, %sign3A_290 : i32
    %ne3A_292 = vector.broadcast %sign3A_291 : i32 to vector<128x64xi32>
    %ne3A_293 = arith.cmpi ne, %sign3A_284, %ne3A_292 : vector<128x64xi32>
    %rem3A_294 = vector.broadcast %jit3A_273 : i32 to vector<128x64xi32>
    %rem3A_295 = arith.remsi %iota3A_241, %rem3A_294 : vector<128x64xi32>
    %ne3A_296 = arith.constant 0 : i32
    %ne3A_297 = vector.broadcast %ne3A_296 : i32 to vector<128x64xi32>
    %ne3A_298 = arith.cmpi ne, %rem3A_295, %ne3A_297 : vector<128x64xi32>
    %and3A_299 = arith.andi %ne3A_293, %ne3A_298 : vector<128x64xi1>
    %sub3A_300 = arith.constant 1 : i32
    %sub3A_301 = vector.broadcast %sub3A_300 : i32 to vector<128x64xi32>
    %sub3A_302 = arith.subi %div3A_275, %sub3A_301 : vector<128x64xi32>
    %select_n3A_303 = arith.select %and3A_299, %sub3A_302, %div3A_275 : vector<128x64xi1>, vector<128x64xi32>
    %eq3A_304 = arith.cmpi eq, %select_n3A_272, %select_n3A_303 : vector<128x64xi32>
    %jit3A_305 = arith.constant 0.000000e+00 : f32
    %broadcast_in_dim3A_306 = vector.broadcast %jit3A_305 : f32 to vector<128x64xf32>
    %select_n3A_307 = arith.select %eq3A_304, %tile3A_239, %broadcast_in_dim3A_306 : vector<128x64xi1>, vector<128x64xf32>
    %swap3A_308 = arith.constant 0 : index
    %swap3A_309 = arith.constant 0 : index
    %swap3A_310 = vector.load %arg10[%swap3A_308, %swap3A_309] : memref<128x64xf32, #tpu.memory_space<vmem>>, vector<128x64xf32>
    tpu.vector_store %arg10[%swap3A_308, %swap3A_309], %select_n3A_307 {strides = array<i32>} : memref<128x64xf32, #tpu.memory_space<vmem>>, vector<128x64xf32>,
    %get3A_311 = arith.constant 0 : index
    %get3A_312 = arith.constant 0 : index
    %get3A_313 = vector.load %arg5[%get3A_311, %get3A_312] : memref<1x16xf32, #tpu.memory_space<vmem>>, vector<1x16xf32>
    %tile3A_314 = tpu.concatenate %get3A_313, %get3A_313, %get3A_313, %get3A_313 in 1 : vector<1x16xf32>, vector<1x16xf32>, vector<1x16xf32>, vector<1x16xf32> -> vector<1x64xf32>
    %swap3A_315 = arith.constant 0 : index
    %swap3A_316 = arith.constant 0 : index
    %swap3A_317 = vector.load %arg11[%swap3A_315, %swap3A_316] : memref<1x64xf32, #tpu.memory_space<vmem>>, vector<1x64xf32>
    tpu.vector_store %arg11[%swap3A_315, %swap3A_316], %tile3A_314 {strides = array<i32>} : memref<1x64xf32, #tpu.memory_space<vmem>>, vector<1x64xf32>,
    return
  }
}

module attributes {stable_mosaic.version = 14 : i64} {
  func.func @_mlp_body(%arg0: i32, %arg1: memref<3200x64xf32, #tpu.memory_space<vmem>>, %arg2: memref<3200x128xf32, #tpu.memory_space<vmem>>, %arg3: memref<3200x128xf32, #tpu.memory_space<vmem>>, %arg4: memref<64x128xf32, #tpu.memory_space<vmem>>, %arg5: memref<1x128xf32, #tpu.memory_space<vmem>>, %arg6: memref<128x64xf32, #tpu.memory_space<vmem>>, %arg7: memref<1x64xf32, #tpu.memory_space<vmem>>, %arg8: memref<3200x64xf32, #tpu.memory_space<vmem>>) attributes {dimension_semantics = [#tpu.dimension_semantics<arbitrary>], iteration_bounds = array<i64: 25>, scalar_prefetch = 0 : i64, scratch_operands = 0 : i64, tpu.core_type = #tpu.core_type<tc>, window_params = [{transform_indices = @transform_0, window_bounds = array<i64: 3200, 64>}, {transform_indices = @transform_1, window_bounds = array<i64: 3200, 128>}, {transform_indices = @transform_2, window_bounds = array<i64: 3200, 128>}, {pipeline_mode = #tpu.pipeline_mode<synchronous>, transform_indices = @transform_3, window_bounds = array<i64: 64, 128>}, {pipeline_mode = #tpu.pipeline_mode<synchronous>, transform_indices = @transform_4, window_bounds = array<i64: 1, 128>}, {pipeline_mode = #tpu.pipeline_mode<synchronous>, transform_indices = @transform_5, window_bounds = array<i64: 128, 64>}, {pipeline_mode = #tpu.pipeline_mode<synchronous>, transform_indices = @transform_6, window_bounds = array<i64: 1, 64>}, {transform_indices = @transform_7, window_bounds = array<i64: 3200, 64>}]} {
    %get3A = arith.constant 0 : index
    %get3A_0 = arith.constant 0 : index
    %get3A_1 = vector.load %arg1[%get3A, %get3A_0] : memref<3200x64xf32, #tpu.memory_space<vmem>>, vector<3200x64xf32>
    %get3A_2 = arith.constant 0 : index
    %get3A_3 = arith.constant 0 : index
    %get3A_4 = vector.load %arg4[%get3A_2, %get3A_3] : memref<64x128xf32, #tpu.memory_space<vmem>>, vector<64x128xf32>
    %dot_general3A = arith.constant dense<0.000000e+00> : vector<3200x128xf32>
    %dot_general3A_5 = tpu.matmul %get3A_1, %get3A_4, %dot_general3A {dimension_numbers = #tpu.dot_dimension_numbers<[1], [0], [0], [1], [0, 0, 1, 1], [], []>, transpose_lhs_hint = false} : vector<3200x64xf32>, vector<64x128xf32>, vector<3200x128xf32> -> vector<3200x128xf32>
    %get3A_6 = arith.constant 0 : index
    %get3A_7 = arith.constant 0 : index
    %get3A_8 = vector.load %arg5[%get3A_6, %get3A_7] : memref<1x128xf32, #tpu.memory_space<vmem>>, vector<1x128xf32>
    %add3A = vector.broadcast %get3A_8 : vector<1x128xf32> to vector<3200x128xf32>
    %add3A_9 = arith.addf %dot_general3A_5, %add3A : vector<3200x128xf32>
    %get3A_10 = arith.constant 0 : index
    %get3A_11 = arith.constant 0 : index
    %get3A_12 = vector.load %arg2[%get3A_10, %get3A_11] : memref<3200x128xf32, #tpu.memory_space<vmem>>, vector<3200x128xf32>
    %add3A_13 = arith.addf %add3A_9, %get3A_12 : vector<3200x128xf32>
    %get3A_14 = arith.constant 0 : index
    %get3A_15 = arith.constant 0 : index
    %get3A_16 = vector.load %arg3[%get3A_14, %get3A_15] : memref<3200x128xf32, #tpu.memory_space<vmem>>, vector<3200x128xf32>
    %add3A_17 = arith.addf %add3A_13, %get3A_16 : vector<3200x128xf32>
    %max3A = arith.constant 0.000000e+00 : f32
    %max3A_18 = vector.broadcast %max3A : f32 to vector<3200x128xf32>
    %max3A_19 = arith.maximumf %add3A_17, %max3A_18 : vector<3200x128xf32>
    %get3A_20 = arith.constant 0 : index
    %get3A_21 = arith.constant 0 : index
    %get3A_22 = vector.load %arg6[%get3A_20, %get3A_21] : memref<128x64xf32, #tpu.memory_space<vmem>>, vector<128x64xf32>
    %dot_general3A_23 = arith.constant dense<0.000000e+00> : vector<3200x64xf32>
    %dot_general3A_24 = tpu.matmul %max3A_19, %get3A_22, %dot_general3A_23 {dimension_numbers = #tpu.dot_dimension_numbers<[1], [0], [0], [1], [0, 0, 1, 1], [], []>, transpose_lhs_hint = false} : vector<3200x128xf32>, vector<128x64xf32>, vector<3200x64xf32> -> vector<3200x64xf32>
    %get3A_25 = arith.constant 0 : index
    %get3A_26 = arith.constant 0 : index
    %get3A_27 = vector.load %arg7[%get3A_25, %get3A_26] : memref<1x64xf32, #tpu.memory_space<vmem>>, vector<1x64xf32>
    %add3A_28 = vector.broadcast %get3A_27 : vector<1x64xf32> to vector<3200x64xf32>
    %add3A_29 = arith.addf %dot_general3A_24, %add3A_28 : vector<3200x64xf32>
    %swap3A = arith.constant 0 : index
    %swap3A_30 = arith.constant 0 : index
    %swap3A_31 = vector.load %arg8[%swap3A, %swap3A_30] : memref<3200x64xf32, #tpu.memory_space<vmem>>, vector<3200x64xf32>
    tpu.vector_store %arg8[%swap3A, %swap3A_30], %add3A_29 {strides = array<i32>} : memref<3200x64xf32, #tpu.memory_space<vmem>>, vector<3200x64xf32>,
    return
  }
  func.func @transform_0(%arg0: i32) -> (i32, i32) {
    %c0_i32 = arith.constant 0 : i32
    %c0_i32_0 = arith.constant 0 : i32
    return %arg0, %c0_i32 : i32, i32
  }
  func.func @transform_1(%arg0: i32) -> (i32, i32) {
    %c0_i32 = arith.constant 0 : i32
    %c0_i32_0 = arith.constant 0 : i32
    return %arg0, %c0_i32 : i32, i32
  }
  func.func @transform_2(%arg0: i32) -> (i32, i32) {
    %c0_i32 = arith.constant 0 : i32
    %c0_i32_0 = arith.constant 0 : i32
    return %arg0, %c0_i32 : i32, i32
  }
  func.func @transform_3(%arg0: i32) -> (i32, i32) {
    %c0_i32 = arith.constant 0 : i32
    %c0_i32_0 = arith.constant 0 : i32
    %c0_i32_1 = arith.constant 0 : i32
    return %c0_i32, %c0_i32_0 : i32, i32
  }
  func.func @transform_4(%arg0: i32) -> (i32, i32) {
    %c0_i32 = arith.constant 0 : i32
    %c0_i32_0 = arith.constant 0 : i32
    %c0_i32_1 = arith.constant 0 : i32
    return %c0_i32, %c0_i32_0 : i32, i32
  }
  func.func @transform_5(%arg0: i32) -> (i32, i32) {
    %c0_i32 = arith.constant 0 : i32
    %c0_i32_0 = arith.constant 0 : i32
    %c0_i32_1 = arith.constant 0 : i32
    return %c0_i32, %c0_i32_0 : i32, i32
  }
  func.func @transform_6(%arg0: i32) -> (i32, i32) {
    %c0_i32 = arith.constant 0 : i32
    %c0_i32_0 = arith.constant 0 : i32
    %c0_i32_1 = arith.constant 0 : i32
    return %c0_i32, %c0_i32_0 : i32, i32
  }
  func.func @transform_7(%arg0: i32) -> (i32, i32) {
    %c0_i32 = arith.constant 0 : i32
    %c0_i32_0 = arith.constant 0 : i32
    return %arg0, %c0_i32 : i32, i32
  }
}

</mosaic_0001>

<sc_bundles>
// kernel: kernel.5.cloned.1.call-start
scs
__scs_entry_jumppad:
0x0: {  	(pc) =	sbr.rel $0x88, $3  }
0x1: {  	(tag) =	ssettag $0x0;
	lr =	simm.s32 $0x1  }
0x2: {  	[smem:$0x3F99] =	sst lr;
	_ =	strace $0xD0000000  }
0x3: {  	_ = 	snop  }
0x4: {  	_ = 	snop  }
0x5: {  	_ = 	snop  }
0x6: {  	_ = 	snop  }
0x7: {  	_ = 	snop  }
__scs_overlays_trampoline_lowered:
0x8: {  	[smem:$0x3FA8] =	sst s0  }
0x9: {  	[smem:$0x3FA9] =	sst s1  }
0xa: {  	[smem:$0x3FAA] =	sst s2  }
0xb: {  	[smem:$0x3FAB] =	sst s3  }
0xc: {  	[smem:$0x3FAC] =	sst s4  }
0xd: {  	[smem:$0x3FAD] =	sst s5  }
0xe: {  	[smem:$0x3FAE] =	sst s6  }
0xf: {  	[smem:$0x3FAF] =	sst s7  }
0x10: {  	[smem:$0x3FB0] =	sst s8  }
0x11: {  	[smem:$0x3FB1] =	sst s9;
	s0 =	simm.s32 @!p0 $0x0  }
0x12: {  	s1 =	sld [smem:$0x3F97];
	s0 =	simm.s32 @p0 $0x1  }
0x13: {  	[smem:$0x3FB2] =	sst s0;
	s0 =	simm.s32 @!p1 $0x0  }
0x14: {  	s2 =	sld [smem:$0x3F96];
	s0 =	simm.s32 @p1 $0x1  }
0x15: {  	[smem:$0x3FB3] =	sst s0;
	s0 =	simm.s32 @!p2 $0x0  }
0x16: {  	s3 =	sld [smem:$0x3FDB];
	s0 =	simm.s32 @p2 $0x1  }
0x17: {  	s4 =	simm.s32 $0x1BF5;
	[smem:$0x3FB5] =	sst s0  }
0x18: {  	s0 =	sld [smem:$0x3F98];
	_ =	swait.ge [sflag:s4], $0x0  }
0x19: {  	s7 =	sld [smem:$0x3F99]  }
0x1a: {  	s8 =	sadd.s32 $0xFFFFE003, lr  }
0x1b: {  	s9 =	sadd.s32 $0xFFFFFEF7, lr;
	s5 =	simm.s32 $0xFFFFFFFF;
	p2 =	slt.u32 s8, $0xFFFFF086  }
0x1c: {  	p1 =	slt.u32 s9, $0xF7A;
	s5 =	simm.s32 @!p2 $0x0  }
0x1d: {  	s5 =	simm.s32 @p1 $0x1;
	p0 =	seq.s32 s7, s2  }
0x1e: {  	s7 =	smul.u32 @!p0 $0xF7A, s2;
	p2 =	seq.s32 @!p0 s5, $0x0  }
0x1f: {  	s9 =	smul.u32 $0xF7A, s1;
	s8 =	simm.s32 @!p0 $0x1BF5;
	p2 =	por !p2, p0  }
0x20: {  	[sflag:s8] =	ssyncset.s32 @!p0 $0xFFFFF086;
	s6 =	sadd.s32 @!p0 s3, s7;
	s7 =	simm.s32 @!p0 $0x108  }
0x21: {  	s3 =	sadd.s32 s3, s9;
	s6 =	sadd.s32 @!p0 $0x88, s6;
	s7 =	simm.s32 @p2 $0x1082  }
0x22: {  	[simem:s7], [sflag:s8] =	dma.local @!p0 [hbm:s6], $0xF7A  }
0x23: {  	s9 =	sor.u32 $0xD0000000, s2;
	s6 =	simm.s32 $0x108;
	_ =	swait.ge @!p0 [sflag:s8], $0x0  }
0x24: {  	s3 =	sadd.s32 $0x88, s3;
	s6 =	simm.s32 @!p1 $0x1082;
	[sflag:s4] =	ssyncset.s32 $0xFFFFF086  }
0x25: {  	[simem:s6], [sflag:s4] =	dma.local [hbm:s3], $0xF7A  }
0x26: {  	[smem:$0x3F99] =	sst s1;
	(tag) =	ssettag s2;
	_ =	strace s9  }
0x27: {  	s1 =	sld [smem:$0x3FA9]  }
0x28: {  	s2 =	sld [smem:$0x3FAA]  }
0x29: {  	s4 =	sld [smem:$0x3FAC]  }
0x2a: {  	p0 =	seq.s32 s5, $0x0;
	s5 =	sld [smem:$0x3FAD]  }
0x2b: {  	s6 =	sld [smem:$0x3FAE]  }
0x2c: {  	s7 =	sld [smem:$0x3FAF]  }
0x2d: {  	s3 =	simm.s32 $0x108;
	s8 =	sld [smem:$0x3FB0]  }
0x2e: {  	s3 =	simm.s32 @!p0 $0x1082;
	s9 =	sld [smem:$0x3FB1]  }
0x2f: {  	lr =	sadd.s32 s0, s3;
	s0 =	sld [smem:$0x3FA8]  }
0x30: {  	s3 =	sld [smem:$0x3FAB]  }
0x31: {  	[smem:$0x3FB4] =	sst s10  }
0x32: {  	s10 =	sld [smem:$0x3FB2];
	_ =	sdelay $0x3  }
0x33: {  	p0 =	seq.s32 s10, $0x1;
	s10 =	sld [smem:$0x3FB4];
	_ =	sdelay $0x3  }
0x34: {  	[smem:$0x3FB4] =	sst s10  }
0x35: {  	s10 =	sld [smem:$0x3FB3];
	_ =	sdelay $0x3  }
0x36: {  	p1 =	seq.s32 s10, $0x1;
	s10 =	sld [smem:$0x3FB4];
	_ =	sdelay $0x3  }
0x37: {  	[smem:$0x3FB4] =	sst s10  }
0x38: {  	s10 =	sld [smem:$0x3FB5]  }
0x39: {  	_ = 	snop;
	(pc) =	sbr.ind lr, $3  }
0x3a: {  	_ = 	snop  }
0x3b: {  	_ = 	snop  }
0x3c: {  	p2 =	seq.s32 s10, $0x1;
	s10 =	sld [smem:$0x3FB4]  }
0x3d: {  	_ =	shalt  }
0x3e: {  	_ =	shalt  }
0x3f: {  	_ =	shalt  }
0x40: {  	_ =	shalt  }
0x41: {  	_ =	shalt  }
0x42: {  	_ =	shalt  }
0x43: {  	_ =	shalt  }
0x44: {  	_ =	shalt  }
0x45: {  	_ =	shalt  }
0x46: {  	_ =	shalt  }
0x47: {  	_ =	shalt  }
0x48: {  	_ =	shalt  }
0x49: {  	_ =	shalt  }
0x4a: {  	_ =	shalt  }
0x4b: {  	_ =	shalt  }
0x4c: {  	_ =	shalt  }
0x4d: {  	_ =	shalt  }
0x4e: {  	_ =	shalt  }
0x4f: {  	_ =	shalt  }
0x50: {  	_ =	shalt  }
0x51: {  	_ =	shalt  }
0x52: {  	_ =	shalt  }
0x53: {  	_ =	shalt  }
0x54: {  	_ =	shalt  }
0x55: {  	_ =	shalt  }
0x56: {  	_ =	shalt  }
0x57: {  	_ =	shalt  }
0x58: {  	_ =	shalt  }
0x59: {  	_ =	shalt  }
0x5a: {  	_ =	shalt  }
0x5b: {  	_ =	shalt  }
0x5c: {  	_ =	shalt  }
0x5d: {  	_ =	shalt  }
0x5e: {  	_ =	shalt  }
0x5f: {  	_ =	shalt  }
0x60: {  	_ =	shalt  }
0x61: {  	_ =	shalt  }
0x62: {  	_ =	shalt  }
0x63: {  	_ =	shalt  }
0x64: {  	_ =	shalt  }
0x65: {  	_ =	shalt  }
0x66: {  	_ =	shalt  }
0x67: {  	_ =	shalt  }
0x68: {  	_ =	shalt  }
0x69: {  	_ =	shalt  }
0x6a: {  	_ =	shalt  }
0x6b: {  	_ =	shalt  }
0x6c: {  	_ =	shalt  }
0x6d: {  	_ =	shalt  }
0x6e: {  	_ =	shalt  }
0x6f: {  	_ =	shalt  }
0x70: {  	_ =	shalt  }
0x71: {  	_ =	shalt  }
0x72: {  	_ =	shalt  }
0x73: {  	_ =	shalt  }
0x74: {  	_ =	shalt  }
0x75: {  	_ =	shalt  }
0x76: {  	_ =	shalt  }
0x77: {  	_ =	shalt  }
0x78: {  	_ =	shalt  }
0x79: {  	_ =	shalt  }
0x7a: {  	_ =	shalt  }
0x7b: {  	_ =	shalt  }
0x7c: {  	_ =	shalt  }
0x7d: {  	_ =	shalt  }
0x7e: {  	_ =	shalt  }
0x7f: {  	_ =	shalt  }
0x80: {  	_ =	shalt  }
0x81: {  	_ =	shalt  }
0x82: {  	_ =	shalt  }
0x83: {  	_ =	shalt  }
0x84: {  	_ =	shalt  }
0x85: {  	_ =	shalt  }
0x86: {  	_ =	shalt  }
0x87: {  	_ =	shalt  }
.Lfunc_end0:
.L_simem_size_0:
called_computation_lowered:
.L_overlay_start_0:
0x88: {  	s2 =	sld [smem:$0x3FD9]  }
0x89: {  	s3 =	sld [smem:$0x3FFE];
	_ =	sdelay $0x1  }
0x8a: {  	s1 =	srdreg.scid  }
0x8b: {  	s0 =	sand.u32 $0x1, s1  }
0x8c: {  	s17 =	sshll.u32 s0, $0xA;
	s2 =	sadd.s32 s3, s2  }
0x8d: {  	s2 =	sadd.s32 s2, s17  }
0x8e: {  	[smem:$0x3FC0] =	sst s2  }
0x8f: {  	_ = 	snop  }
0x90: {  	s2 =	sld [smem:$0x3FD0];
	(tm) =	ssettm $0x1  }
0x91: {  	s18 =	sld [smem:$0x3FFB];
	_ =	sdelay $0x3  }
0x92: {  	_ =	strace s18  }
0x93: {  	s3 =	sld [smem:$0x3FFC];
	_ =	sdelay $0x3  }
0x94: {  	_ =	strace s3  }
0x95: {  	s3 =	sld [smem:$0x3FFD];
	_ =	sdelay $0x3  }
0x96: {  	_ =	strace s3  }
0x97: {  	_ =	strace $0x8FFFFFFF  }
0x98: {  	s19 =	sld [smem:$0x3FDB];
	_ =	sdelay $0x1  }
0x99: {  	s4 =	simm.s32 $_scs_section_size  }
0x9a: {  	s5 =	simm.s32 $_size__tile_overlayer_lowered;
	s6 =	simm.s32 $_tile_overlayer_lowered  }
0x9b: {  	s22 =	simm.s32 $0x1BFF;
	s21 =	sshll.u32 s6, $0x1;
	s3 =	sadd.s32 s4, s19  }
0x9c: {  	s7 =	simm.s32 $0x0;
	s20 =	sshll.u32 s5, $0x1;
	s5 =	sadd.s32 s21, s3  }
0x9d: {  	[timem:s7], [sflag:s22] =	dma.local [hbm:s5], s20  }
0x9e: {  	_ =	swait.ge [sflag:s22], s20  }
0x9f: {  	s4 =	ssub.s32 $0x0, s20;
	[sflag:s22] =	ssyncset.done $0x0  }
0xa0: {  	[sflag:s22] =	ssyncadd.s32 s4;
	_ =	sdelay $0x1  }
0xa1: {  	s23 =	simm.s32 $0x1B8B  }
0xa2: {  	_ =	swait.ge [sflag:s23], $0x1  }
0xa3: {  	[sflag:s23] =	ssyncset.done $0x0  }
0xa4: {  	s25 =	simm.s32 $0x1B8E;
	s24 =	sld [smem:$0x3FFE];
	[sflag:s23] =	ssyncadd.s32 $0xFFFFFFFF  }
0xa5: {  	s26 =	simm.s32 $execute0_lowered;
	[smem:$0x3FD2] =	sst s25  }
0xa6: {  	s5 =	sshll.u32 s26, $0x1;
	_ =	strace $0x80000046;
	[dreg:$0x1] =	wrdreg $0xFFFFFFFF  }
0xa7: {  	s28 =	simm.s32 $_size_execute0_lowered;
	s3 =	sadd.s32 s3, s5;
	[dreg:$0x0] =	wrdreg $0x0  }
0xa8: {  	s5 =	sshll.u32 s28, $0x1;
	[dreg:$0x2] =	wrdreg s3  }
0xa9: {  	[dreg:$0x3] =	wrdreg s5  }
0xaa: {  	[dreg:$0x4] =	wrdreg $0xC0  }
0xab: {  	_ =	task [dreg:s7], $0x5FFFF  }
0xac: {  	[dreg:$0x1] =	wrdreg $0xFFFFFFFF  }
0xad: {  	[dreg:$0x0] =	wrdreg $0x60  }
0xae: {  	[dreg:$0x2] =	wrdreg s24  }
0xaf: {  	[dreg:$0x3] =	wrdreg s2  }
0xb0: {  	[dreg:$0x4] =	wrdreg $0x0  }
0xb1: {  	[dreg:$0x5] =	wrdreg $0x4E200  }
0xb2: {  	[dreg:$0x6] =	wrdreg $0x9  }
0xb3: {  	_ =	task.clear_ibuf [dreg:s7], $0x7FFFF;
	_ =	strace $0x90000046  }
0xb4: {  	s29 =	simm.s32 $0x9;
	_ =	strace $0x80000048  }
0xb5: {  	_ =	swait.ge [sflag:s29], $0x1  }
0xb6: {  	[sflag:s29] =	ssyncadd.s32 $0xFFFFFFFF  }
0xb7: {  	_ =	strace $0x90000048  }
0xb8: {  	_ =	sfence  }
0xb9: {  	s30 =	sld [smem:$0x0];
	_ =	sdelay $0x2  }
0xba: {  	s31 =	sshll.u32 s1, $0xD;
	s1 =	sshrl.u32 s1, $0x2  }
0xbb: {  	s3 =	sand.u32 $0x4000, s31;
	s1 =	sadd.s32 s1, s30  }
0xbc: {  	s0 =	sor.u32 s3, s0;
	s1 =	sshll.u32 s1, $0x11  }
0xbd: {  	s0 =	sor.u32 s1, s0  }
0xbe: {  	s0 =	sadd.s32 $0x8F2B, s0  }
0xbf: {  	[sflag:s0] =	ssyncadd.remote.s32 $0x1  }
0xc0: {  	_ =	sfence.sel $0xFFFF  }
0xc1: {  	[dreg:$0x0] =	wrdreg $0xFFFFFFFF;
	(pc) =	sbr.abs _section_cstart, $3  }
0xc2: {  	[dreg:$0x1] =	wrdreg $0xFFFFFFFF  }
0xc3: {  	_ =	task.clear_ibuf [dreg:s7], $0x2FFFF;
	_ =	strace $0x9FFFFFFF  }
0xc4: {  	(tm) =	ssettm $0x7FFFFFFF  }
0xc5: {  	_ =	shalt  }
tec
execute0_lowered:
.L_overlay_start_1:
0x0: {  	(tag) =	ssettag $0x1  }
0x1: {  	s0 =	rddreg [dreg:$0x0]  }
0x2: {  	s6 =	rddreg [dreg:$0x1]  }
0x3: {  	s2 =	rddreg [dreg:$0x2]  }
0x4: {  	s5 =	srdreg.scid;
	s4 =	stileid.u32  }
0x5: {  	s3 =	rddreg [dreg:$0x3];
	s5 =	sand.u32 $0x1, s5;
	s7 =	sshll.u32 s4, $0x1  }
0x6: {  	s29 =	rddreg [dreg:$0x4];
	s1 =	simm.s32 $0x0;
	s7 =	sor.u32 s5, s7  }
0x7: {  	[smem:$0x7FF] =	sst s1;
	s8 =	sadd.s32 $0x1600, s0;
	s9 =	smul.u32 $0x2710, s7  }
0x8: {  	s26 =	sadd.s32 $0xB400, s0;
	_ =	strace $0x80000047;
	[dreg:$0x5] =	wrdreg s8  }
0x9: {  	[dreg:$0x6] =	wrdreg s26;
	s10 =	smul.u32 $0x9C40, s7;
	s9 =	sshrl.u32 s9, $0x3  }
0xa: {  	s30 =	smul.u32 $0x4E200, s7;
	s7 =	sadd.s32 $0x15200, s0;
	s22 =	sadd.s32 s6, s9  }
0xb: {  	s6 =	sadd.s32 $0x14DA00, s0;
	s9 =	sadd.s32 s7, s10;
	s0 =	rddreg [dreg:$0x5]  }
0xc: {  	s8 =	sshrl.u32 s30, $0x3;
	s31 =	sadd.s32 $0x9C40, s22;
	[dreg:$0x8] =	wrdreg s9  }
0xd: {  	s11 =	sadd.s32 $0x640, s8;
	s10 =	sadd.s32 s6, s10;
	[dreg:$0x7] =	wrdreg s31  }
0xe: {  	s12 =	sadd.s32 s7, s11;
	[dreg:$0x9] =	wrdreg s10  }
0xf: {  	s14 =	sadd.s32 $0xC80, s8;
	s13 =	sadd.s32 s6, s11;
	[dreg:$0xa] =	wrdreg s12  }
0x10: {  	s15 =	sadd.s32 s7, s14;
	[dreg:$0xb] =	wrdreg s13  }
0x11: {  	s17 =	sadd.s32 $0x12C0, s8;
	s16 =	sadd.s32 s6, s14;
	[dreg:$0xc] =	wrdreg s15  }
0x12: {  	s18 =	sadd.s32 s7, s17;
	[dreg:$0xd] =	wrdreg s16  }
0x13: {  	s20 =	sadd.s32 $0x1900, s8;
	s19 =	sadd.s32 s6, s17;
	[dreg:$0xe] =	wrdreg s18  }
0x14: {  	s21 =	sadd.s32 s7, s20;
	[dreg:$0xf] =	wrdreg s19  }
0x15: {  	s24 =	sadd.s32 $0x1F40, s8;
	s23 =	sadd.s32 s6, s20;
	[dreg:$0x10] =	wrdreg s21  }
0x16: {  	s25 =	sadd.s32 s7, s24;
	[dreg:$0x11] =	wrdreg s23  }
0x17: {  	s26 =	sadd.s32 s6, s24;
	[dreg:$0x12] =	wrdreg s25  }
0x18: {  	s30 =	sadd.s32 $0x2580, s8;
	s9 =	simm.s32 $0xC670;
	[dreg:$0x13] =	wrdreg s26  }
0x19: {  	s31 =	sadd.s32 s7, s30;
	[smem:$0x7DA] =	sst s9  }
0x1a: {  	s11 =	sadd.s32 $0x2BC0, s8;
	s10 =	sadd.s32 s6, s30;
	[dreg:$0x14] =	wrdreg s31  }
0x1b: {  	s12 =	sadd.s32 s7, s11;
	[dreg:$0x15] =	wrdreg s10  }
0x1c: {  	s14 =	sadd.s32 $0x3200, s8;
	s13 =	sadd.s32 s6, s11;
	[dreg:$0x16] =	wrdreg s12  }
0x1d: {  	s15 =	sadd.s32 s7, s14;
	[dreg:$0x17] =	wrdreg s13  }
0x1e: {  	s17 =	sadd.s32 $0x3840, s8;
	s16 =	sadd.s32 s6, s14;
	[dreg:$0x18] =	wrdreg s15  }
0x1f: {  	s18 =	sadd.s32 s7, s17;
	[dreg:$0x19] =	wrdreg s16  }
0x20: {  	s20 =	sadd.s32 $0x3E80, s8;
	s19 =	sadd.s32 s6, s17;
	[dreg:$0x1a] =	wrdreg s18  }
0x21: {  	s21 =	sadd.s32 s7, s20;
	[dreg:$0x1b] =	wrdreg s19  }
0x22: {  	s24 =	sadd.s32 $0x44C0, s8;
	s23 =	sadd.s32 s6, s20;
	[dreg:$0x1c] =	wrdreg s21  }
0x23: {  	s25 =	sadd.s32 s7, s24;
	[dreg:$0x1d] =	wrdreg s23  }
0x24: {  	s26 =	sadd.s32 s6, s24;
	s30 =	sadd.s32 $0x4B00, s8;
	[dreg:$0x1e] =	wrdreg s25  }
0x25: {  	[dreg:$0x1f] =	wrdreg s26;
	s31 =	sadd.s32 s7, s30  }
0x26: {  	s11 =	sadd.s32 $0x5140, s8;
	s10 =	sadd.s32 s6, s30;
	[smem:$0x7BD] =	sst s31  }
0x27: {  	s12 =	sadd.s32 s7, s11;
	[smem:$0x7BE] =	sst s10  }
0x28: {  	s14 =	sadd.s32 $0x5780, s8;
	s13 =	sadd.s32 s6, s11;
	[smem:$0x7BF] =	sst s12  }
0x29: {  	s15 =	sadd.s32 s7, s14;
	[smem:$0x7C0] =	sst s13  }
0x2a: {  	s17 =	sadd.s32 $0x5DC0, s8;
	s16 =	sadd.s32 s6, s14;
	[smem:$0x7C1] =	sst s15  }
0x2b: {  	s18 =	sadd.s32 s7, s17;
	[smem:$0x7C2] =	sst s16  }
0x2c: {  	s20 =	sadd.s32 $0x6400, s8;
	s19 =	sadd.s32 s6, s17;
	[smem:$0x7C3] =	sst s18  }
0x2d: {  	s21 =	sadd.s32 s7, s20;
	[smem:$0x7C4] =	sst s19  }
0x2e: {  	s24 =	sadd.s32 $0x6A40, s8;
	s23 =	sadd.s32 s6, s20;
	[smem:$0x7C5] =	sst s21  }
0x2f: {  	s25 =	sadd.s32 s7, s24;
	[smem:$0x7C6] =	sst s23  }
0x30: {  	s26 =	sadd.s32 s6, s24;
	s30 =	sadd.s32 $0x7080, s8;
	[smem:$0x7C7] =	sst s25  }
0x31: {  	[smem:$0x7C8] =	sst s26;
	s31 =	sadd.s32 s7, s30  }
0x32: {  	s11 =	sadd.s32 $0x76C0, s8;
	s10 =	sadd.s32 s6, s30;
	[smem:$0x7C9] =	sst s31  }
0x33: {  	s12 =	sadd.s32 s7, s11;
	[smem:$0x7CA] =	sst s10  }
0x34: {  	s14 =	sadd.s32 $0x7D00, s8;
	s13 =	sadd.s32 s6, s11;
	[smem:$0x7CB] =	sst s12  }
0x35: {  	s15 =	sadd.s32 s7, s14;
	[smem:$0x7CC] =	sst s13  }
0x36: {  	s17 =	sadd.s32 $0x8340, s8;
	s16 =	sadd.s32 s6, s14;
	[smem:$0x7CD] =	sst s15  }
0x37: {  	s18 =	sadd.s32 s7, s17;
	[smem:$0x7CE] =	sst s16  }
0x38: {  	s20 =	sadd.s32 $0x8980, s8;
	s19 =	sadd.s32 s6, s17;
	[smem:$0x7CF] =	sst s18  }
0x39: {  	s21 =	sadd.s32 s7, s20;
	[smem:$0x7D0] =	sst s19  }
0x3a: {  	s24 =	sadd.s32 $0x8FC0, s8;
	s23 =	sadd.s32 s6, s20;
	[smem:$0x7D1] =	sst s21  }
0x3b: {  	s25 =	sadd.s32 s7, s24;
	[smem:$0x7D2] =	sst s23  }
0x3c: {  	s8 =	sadd.s32 $0x9600, s8;
	s26 =	sadd.s32 s6, s24;
	[smem:$0x7D3] =	sst s25  }
0x3d: {  	s30 =	sadd.s32 s7, s8;
	[smem:$0x7D4] =	sst s26  }
0x3e: {  	s7 =	simm.s32 $0xC4E0;
	[smem:$0x7D5] =	sst s30  }
0x3f: {  	s11 =	simm.s32 $0xC800;
	[smem:$0x7D8] =	sst s7  }
0x40: {  	s14 =	simm.s32 $0xA410;
	[smem:$0x7DC] =	sst s11  }
0x41: {  	s17 =	simm.s32 $0xCCB0;
	[smem:$0x7DF] =	sst s14  }
0x42: {  	s20 =	simm.s32 $0xA8C0;
	[smem:$0x7E2] =	sst s17  }
0x43: {  	s24 =	simm.s32 $0xD160;
	[smem:$0x7E5] =	sst s20  }
0x44: {  	s31 =	sadd.s32 s6, s8;
	[smem:$0x7E8] =	sst s24  }
0x45: {  	s6 =	simm.s32 $0x9DD0;
	[smem:$0x7D6] =	sst s31  }
0x46: {  	s8 =	simm.s32 $0x9F60;
	[smem:$0x7D7] =	sst s6  }
0x47: {  	s10 =	simm.s32 $0xA0F0;
	[smem:$0x7D9] =	sst s8  }
0x48: {  	s12 =	simm.s32 $0xA280;
	[smem:$0x7DB] =	sst s10  }
0x49: {  	s13 =	simm.s32 $0xC990;
	[smem:$0x7DD] =	sst s12  }
0x4a: {  	s15 =	simm.s32 $0xCB20;
	[smem:$0x7DE] =	sst s13  }
0x4b: {  	s16 =	simm.s32 $0xA5A0;
	[smem:$0x7E0] =	sst s15  }
0x4c: {  	s18 =	simm.s32 $0xA730;
	[smem:$0x7E1] =	sst s16  }
0x4d: {  	s19 =	simm.s32 $0xCE40;
	[smem:$0x7E3] =	sst s18  }
0x4e: {  	s21 =	simm.s32 $0xCFD0;
	[smem:$0x7E4] =	sst s19  }
0x4f: {  	p1 =	por $0x0, $0x0;
	s23 =	simm.s32 $0xAA50;
	[smem:$0x7E6] =	sst s21  }
0x50: {  	p0 =	sne.s32 s4, $0x0;
	s25 =	simm.s32 $0xABE0;
	[smem:$0x7E7] =	sst s23  }
0x51: {  	s4 =	simm.s32 $0xEA60;
	s26 =	simm.s32 $0xD2F0;
	[smem:$0x7E9] =	sst s25  }
0x52: {  	s5 =	ssub.s32 $0x2, s5;
	s30 =	simm.s32 $0xAD70;
	[smem:$0x7EA] =	sst s26  }
0x53: {  	s28 =	sshrl.u32 @!p0 s2, $0x3;
	s7 =	simm.s32 $0xD610;
	[smem:$0x7EB] =	sst s30  }
0x54: {  	s9 =	sshrl.u32 s5, $0x1;
	s11 =	simm.s32 $0xB220;
	[smem:$0x7EE] =	sst s7  }
0x55: {  	s5 =	ssub.s32 s5, s9;
	s17 =	simm.s32 $0xDC50;
	[smem:$0x7F1] =	sst s11  }
0x56: {  	s9 =	simm.s32 $0x190;
	s20 =	simm.s32 $0xB860;
	[smem:$0x7F6] =	sst s17  }
0x57: {  	s14 =	smax.u32 s5, $0x1;
	s31 =	simm.s32 $0xD480;
	[smem:$0x7F9] =	sst s20  }
0x58: {  	s24 =	simm.s32 $0xC350;
	s6 =	simm.s32 $0xAF00;
	[smem:$0x7EC] =	sst s31  }
0x59: {  	s5 =	simm.s32 $0x14E60;
	s8 =	simm.s32 $0xB090;
	[smem:$0x7ED] =	sst s6  }
0x5a: {  	s10 =	simm.s32 $0xD7A0;
	s12 =	simm.s32 $0xD930;
	[smem:$0x7EF] =	sst s8  }
0x5b: {  	s13 =	simm.s32 $0xB3B0;
	s23 =	simm.s32 $0x9C40;
	[smem:$0x7F0] =	sst s10  }
0x5c: {  	s15 =	simm.s32 $0xDAC0;
	s25 =	simm.s32 $0x5;
	[smem:$0x7F2] =	sst s12  }
0x5d: {  	s16 =	simm.s32 $0xB540;
	s18 =	simm.s32 $0xB6D0;
	[smem:$0x7F3] =	sst s13  }
0x5e: {  	s19 =	simm.s32 $0xDDE0;
	s21 =	simm.s32 $0xDF70;
	[smem:$0x7F4] =	sst s15  }
0x5f: {  	s11 =	simm.s32 $0x18060;
	s26 =	simm.s32 $0xB9F0;
	[smem:$0x7F5] =	sst s16  }
0x60: {  	s30 =	simm.s32 $0xE100;
	s7 =	simm.s32 $0x4;
	[smem:$0x7F7] =	sst s18  }
0x61: {  	s20 =	simm.s32 $0xE420;
	[smem:$0x7F8] =	sst s19;
	s13 =	sadd.s32 $0xFFFFFFFF, s14  }
0x62: {  	s17 =	simm.s32 $0xBEA0;
	[smem:$0x7FA] =	sst s21;
	p2 =	sne.s32 s13, $0x0  }
.Ltmp0:
0x63: {  	s10 =	simm.s32 $0x11C60;
	[smem:$0x7FB] =	sst s26;
	(pc) =	sbr.rel @!p2 .LBB2_1-.Ltmp0, $4  }
0x64: {  	s8 =	simm.s32 $0x1;
	s6 =	simm.s32 $0x3;
	[smem:$0x7FC] =	sst s30  }
0x65: {  	s31 =	simm.s32 $0xBB80;
	s12 =	simm.s32 $0x2;
	s21 =	simm.s32 $0xE290  }
0x66: {  	s19 =	simm.s32 $0xBD10;
	s18 =	simm.s32 $0xE5B0;
	s15 =	simm.s32 $0xC030  }
0x67: {  	s16 =	simm.s32 $0xE740;
	s26 =	sshrl.u32 @!p0 s3, $0x3;
	[smem:$0x7FD] =	sst s31  }
0x68: {  	s29 =	simm.s32 @!p0 $0x1C05;
	s30 =	simm.s32 @!p0 $0x5  }
0x69: {  	[spmem:s28], [sflag:s29] =	dma.local @!p0 [hbm:s0], $0x9C40  }
0x6a: {  	_ =	swait.ge @!p0 [sflag:s30], $0x9C40  }
0x6b: {  	[sflag:s30] =	ssyncset.done @!p0 $0x0  }
0x6c: {  	s0 =	rddreg [dreg:$0x6];
	[sflag:s30] =	ssyncadd.s32 @!p0 $0xFFFF63C0  }
0x6d: {  	[spmem:s26], [sflag:s29] =	dma.local @!p0 [hbm:s0], $0x9C40  }
0x6e: {  	_ =	swait.ge @!p0 [sflag:s30], $0x9C40  }
0x6f: {  	[sflag:s30] =	ssyncset.done @!p0 $0x0  }
0x70: {  	[sflag:s30] =	ssyncadd.s32 @!p0 $0xFFFF63C0  }
0x71: {  	[tilespmem:s23], [sflag:$0x5] =	stream.linear.gather [hbm4b:s22+s1], $0x2710, $0x38;
	[tilespmem:$0x1B260] =	vst v63  }
0x72: {  	_ =	swait.ge [sflag:s25], $0x2710  }
0x73: {  	[sflag:s25] =	ssyncset.done $0x0  }
0x74: {  	s0 =	rddreg [dreg:$0x7];
	[sflag:s25] =	ssyncadd.s32 $0xFFFFD8F0  }
0x75: {  	[tilespmem:s24], [sflag:$0x5] =	stream.linear.gather [hbm4b:s0+s1], $0x2710, $0x38;
	[tilespmem:$0x1B260] =	vst v63  }
0x76: {  	_ =	swait.ge [sflag:s25], $0x2710  }
0x77: {  	[sflag:s25] =	ssyncset.done $0x0  }
0x78: {  	[sflag:s25] =	ssyncadd.s32 $0xFFFFD8F0  }
0x79: {  	[bflag:$0x0] =	sbarrier.arrive $0xFFFF  }
0x7a: {  	[tilespmem:s4], [sflag:$0x1] =	stream.indirect.gather [spmem:s2], $0x20, s23, s9, $0xb8;
	[tilespmem:$0x1B260] =	vst v63  }
0x7b: {  	s0 =	sld [smem:$0x7D7]  }
0x7c: {  	[tilespmem:s5], [sflag:$0x1] =	stream.indirect.gather [spmem:s3], $0x20, s24, s9, $0xb8;
	[tilespmem:$0x1B260] =	vst v63  }
0x7d: {  	s31 =	sld [smem:$0x7D8]  }
0x7e: {  	[tilespmem:s10], [sflag:$0x2] =	stream.indirect.gather [spmem:s2], $0x20, s0, s9, $0xb8;
	[tilespmem:$0x1B260] =	vst v63  }
0x7f: {  	_ = 	snop  }
0x80: {  	[tilespmem:s11], [sflag:$0x2] =	stream.indirect.gather [spmem:s3], $0x20, s31, s9, $0xb8;
	[tilespmem:$0x1B260] =	vst v63  }
0x81: {  	_ =	swait.ge [sflag:s8], $0x3200  }
0x82: {  	[sflag:s8] =	ssyncset.done $0x0  }
0x83: {  	[sflag:s8] =	ssyncadd.s32 $0xFFFFCE00  }
0x84: {  	_ =	swait.ge [sflag:s8], $0x3200  }
0x85: {  	[sflag:s8] =	ssyncset.done $0x0  }
0x86: {  	s0 =	rddreg [dreg:$0x8];
	[sflag:s8] =	ssyncadd.s32 $0xFFFFCE00  }
0x87: {  	[hbm4b:s0+s1] =	stream.linear.scatter [tilespmem:s4], [sflag:$0x3], $0x3200, $0x38;
	[tilespmem:$0x1B260] =	vst v63  }
0x88: {  	s31 =	rddreg [dreg:$0x9]  }
0x89: {  	[hbm4b:s31+s1] =	stream.linear.scatter [tilespmem:s5], [sflag:$0x3], $0x3200, $0x38;
	[tilespmem:$0x1B260] =	vst v63  }
0x8a: {  	_ =	swait.ge [sflag:s6], $0x3200  }
0x8b: {  	[sflag:s6] =	ssyncset.done $0x0  }
0x8c: {  	[sflag:s6] =	ssyncadd.s32 $0xFFFFCE00  }
0x8d: {  	_ =	swait.ge [sflag:s6], $0x3200  }
0x8e: {  	s0 =	sld [smem:$0x7D9]  }
0x8f: {  	[sflag:s6] =	ssyncset.done $0x0  }
0x90: {  	s31 =	sld [smem:$0x7DA];
	[sflag:s6] =	ssyncadd.s32 $0xFFFFCE00  }
0x91: {  	[tilespmem:s4], [sflag:$0x1] =	stream.indirect.gather [spmem:s2], $0x20, s0, s9, $0xb8;
	[tilespmem:$0x1B260] =	vst v63  }
0x92: {  	_ = 	snop  }
0x93: {  	[tilespmem:s5], [sflag:$0x1] =	stream.indirect.gather [spmem:s3], $0x20, s31, s9, $0xb8;
	[tilespmem:$0x1B260] =	vst v63  }
0x94: {  	_ =	swait.ge [sflag:s12], $0x3200  }
0x95: {  	[sflag:s12] =	ssyncset.done $0x0  }
0x96: {  	[sflag:s12] =	ssyncadd.s32 $0xFFFFCE00  }
0x97: {  	_ =	swait.ge [sflag:s12], $0x3200  }
0x98: {  	[sflag:s12] =	ssyncset.done $0x0  }
0x99: {  	s0 =	rddreg [dreg:$0xa];
	[sflag:s12] =	ssyncadd.s32 $0xFFFFCE00  }
0x9a: {  	[hbm4b:s0+s1] =	stream.linear.scatter [tilespmem:s10], [sflag:$0x4], $0x3200, $0x38;
	[tilespmem:$0x1B260] =	vst v63  }
0x9b: {  	s31 =	rddreg [dreg:$0xb]  }
0x9c: {  	[hbm4b:s31+s1] =	stream.linear.scatter [tilespmem:s11], [sflag:$0x4], $0x3200, $0x38;
	[tilespmem:$0x1B260] =	vst v63  }
0x9d: {  	_ =	swait.ge [sflag:s7], $0x3200  }
0x9e: {  	[sflag:s7] =	ssyncset.done $0x0  }
0x9f: {  	[sflag:s7] =	ssyncadd.s32 $0xFFFFCE00  }
0xa0: {  	_ =	swait.ge [sflag:s7], $0x3200  }
0xa1: {  	s0 =	sld [smem:$0x7DB]  }
0xa2: {  	[sflag:s7] =	ssyncset.done $0x0  }
0xa3: {  	s31 =	sld [smem:$0x7DC];
	[sflag:s7] =	ssyncadd.s32 $0xFFFFCE00  }
0xa4: {  	[tilespmem:s10], [sflag:$0x2] =	stream.indirect.gather [spmem:s2], $0x20, s0, s9, $0xb8;
	[tilespmem:$0x1B260] =	vst v63  }
0xa5: {  	_ = 	snop  }
0xa6: {  	[tilespmem:s11], [sflag:$0x2] =	stream.indirect.gather [spmem:s3], $0x20, s31, s9, $0xb8;
	[tilespmem:$0x1B260] =	vst v63  }
0xa7: {  	_ =	swait.ge [sflag:s8], $0x3200  }
0xa8: {  	[sflag:s8] =	ssyncset.done $0x0  }
0xa9: {  	[sflag:s8] =	ssyncadd.s32 $0xFFFFCE00  }
0xaa: {  	_ =	swait.ge [sflag:s8], $0x3200  }
0xab: {  	[sflag:s8] =	ssyncset.done $0x0  }
0xac: {  	s0 =	rddreg [dreg:$0xc];
	[sflag:s8] =	ssyncadd.s32 $0xFFFFCE00  }
0xad: {  	[hbm4b:s0+s1] =	stream.linear.scatter [tilespmem:s4], [sflag:$0x3], $0x3200, $0x38;
	[tilespmem:$0x1B260] =	vst v63  }
0xae: {  	s31 =	rddreg [dreg:$0xd]  }
0xaf: {  	[hbm4b:s31+s1] =	stream.linear.scatter [tilespmem:s5], [sflag:$0x3], $0x3200, $0x38;
	[tilespmem:$0x1B260] =	vst v63  }
0xb0: {  	_ =	swait.ge [sflag:s6], $0x3200  }
0xb1: {  	[sflag:s6] =	ssyncset.done $0x0  }
0xb2: {  	[sflag:s6] =	ssyncadd.s32 $0xFFFFCE00  }
0xb3: {  	_ =	swait.ge [sflag:s6], $0x3200  }
0xb4: {  	s0 =	sld [smem:$0x7DD]  }
0xb5: {  	[sflag:s6] =	ssyncset.done $0x0  }
0xb6: {  	s31 =	sld [smem:$0x7DE];
	[sflag:s6] =	ssyncadd.s32 $0xFFFFCE00  }
0xb7: {  	[tilespmem:s4], [sflag:$0x1] =	stream.indirect.gather [spmem:s2], $0x20, s0, s9, $0xb8;
	[tilespmem:$0x1B260] =	vst v63  }
0xb8: {  	_ = 	snop  }
0xb9: {  	[tilespmem:s5], [sflag:$0x1] =	stream.indirect.gather [spmem:s3], $0x20, s31, s9, $0xb8;
	[tilespmem:$0x1B260] =	vst v63  }
0xba: {  	_ =	swait.ge [sflag:s12], $0x3200  }
0xbb: {  	[sflag:s12] =	ssyncset.done $0x0  }
0xbc: {  	[sflag:s12] =	ssyncadd.s32 $0xFFFFCE00  }
0xbd: {  	_ =	swait.ge [sflag:s12], $0x3200  }
0xbe: {  	[sflag:s12] =	ssyncset.done $0x0  }
0xbf: {  	s0 =	rddreg [dreg:$0xe];
	[sflag:s12] =	ssyncadd.s32 $0xFFFFCE00  }
0xc0: {  	[hbm4b:s0+s1] =	stream.linear.scatter [tilespmem:s10], [sflag:$0x4], $0x3200, $0x38;
	[tilespmem:$0x1B260] =	vst v63  }
0xc1: {  	s31 =	rddreg [dreg:$0xf]  }
0xc2: {  	[hbm4b:s31+s1] =	stream.linear.scatter [tilespmem:s11], [sflag:$0x4], $0x3200, $0x38;
	[tilespmem:$0x1B260] =	vst v63  }
0xc3: {  	_ =	swait.ge [sflag:s7], $0x3200  }
0xc4: {  	[sflag:s7] =	ssyncset.done $0x0  }
0xc5: {  	[sflag:s7] =	ssyncadd.s32 $0xFFFFCE00  }
0xc6: {  	_ =	swait.ge [sflag:s7], $0x3200  }
0xc7: {  	s0 =	sld [smem:$0x7DF]  }
0xc8: {  	[sflag:s7] =	ssyncset.done $0x0  }
0xc9: {  	s31 =	sld [smem:$0x7E0];
	[sflag:s7] =	ssyncadd.s32 $0xFFFFCE00  }
0xca: {  	[tilespmem:s10], [sflag:$0x2] =	stream.indirect.gather [spmem:s2], $0x20, s0, s9, $0xb8;
	[tilespmem:$0x1B260] =	vst v63  }
0xcb: {  	_ = 	snop  }
0xcc: {  	[tilespmem:s11], [sflag:$0x2] =	stream.indirect.gather [spmem:s3], $0x20, s31, s9, $0xb8;
	[tilespmem:$0x1B260] =	vst v63  }
0xcd: {  	_ =	swait.ge [sflag:s8], $0x3200  }
0xce: {  	[sflag:s8] =	ssyncset.done $0x0  }
0xcf: {  	[sflag:s8] =	ssyncadd.s32 $0xFFFFCE00  }
0xd0: {  	_ =	swait.ge [sflag:s8], $0x3200  }
0xd1: {  	[sflag:s8] =	ssyncset.done $0x0  }
0xd2: {  	s0 =	rddreg [dreg:$0x10];
	[sflag:s8] =	ssyncadd.s32 $0xFFFFCE00  }
0xd3: {  	[hbm4b:s0+s1] =	stream.linear.scatter [tilespmem:s4], [sflag:$0x3], $0x3200, $0x38;
	[tilespmem:$0x1B260] =	vst v63  }
0xd4: {  	s31 =	rddreg [dreg:$0x11]  }
0xd5: {  	[hbm4b:s31+s1] =	stream.linear.scatter [tilespmem:s5], [sflag:$0x3], $0x3200, $0x38;
	[tilespmem:$0x1B260] =	vst v63  }
0xd6: {  	_ =	swait.ge [sflag:s6], $0x3200  }
0xd7: {  	[sflag:s6] =	ssyncset.done $0x0  }
0xd8: {  	[sflag:s6] =	ssyncadd.s32 $0xFFFFCE00  }
0xd9: {  	_ =	swait.ge [sflag:s6], $0x3200  }
0xda: {  	s0 =	sld [smem:$0x7E1]  }
0xdb: {  	[sflag:s6] =	ssyncset.done $0x0  }
0xdc: {  	s31 =	sld [smem:$0x7E2];
	[sflag:s6] =	ssyncadd.s32 $0xFFFFCE00  }
0xdd: {  	[tilespmem:s4], [sflag:$0x1] =	stream.indirect.gather [spmem:s2], $0x20, s0, s9, $0xb8;
	[tilespmem:$0x1B260] =	vst v63  }
0xde: {  	_ = 	snop  }
0xdf: {  	[tilespmem:s5], [sflag:$0x1] =	stream.indirect.gather [spmem:s3], $0x20, s31, s9, $0xb8;
	[tilespmem:$0x1B260] =	vst v63  }
0xe0: {  	_ =	swait.ge [sflag:s12], $0x3200  }
0xe1: {  	[sflag:s12] =	ssyncset.done $0x0  }
0xe2: {  	[sflag:s12] =	ssyncadd.s32 $0xFFFFCE00  }
0xe3: {  	_ =	swait.ge [sflag:s12], $0x3200  }
0xe4: {  	[sflag:s12] =	ssyncset.done $0x0  }
0xe5: {  	s0 =	rddreg [dreg:$0x12];
	[sflag:s12] =	ssyncadd.s32 $0xFFFFCE00  }
0xe6: {  	[hbm4b:s0+s1] =	stream.linear.scatter [tilespmem:s10], [sflag:$0x4], $0x3200, $0x38;
	[tilespmem:$0x1B260] =	vst v63  }
0xe7: {  	s31 =	rddreg [dreg:$0x13]  }
0xe8: {  	[hbm4b:s31+s1] =	stream.linear.scatter [tilespmem:s11], [sflag:$0x4], $0x3200, $0x38;
	[tilespmem:$0x1B260] =	vst v63  }
0xe9: {  	_ =	swait.ge [sflag:s7], $0x3200  }
0xea: {  	[sflag:s7] =	ssyncset.done $0x0  }
0xeb: {  	[sflag:s7] =	ssyncadd.s32 $0xFFFFCE00  }
0xec: {  	_ =	swait.ge [sflag:s7], $0x3200  }
0xed: {  	s0 =	sld [smem:$0x7E3]  }
0xee: {  	[sflag:s7] =	ssyncset.done $0x0  }
0xef: {  	s31 =	sld [smem:$0x7E4];
	[sflag:s7] =	ssyncadd.s32 $0xFFFFCE00  }
0xf0: {  	[tilespmem:s10], [sflag:$0x2] =	stream.indirect.gather [spmem:s2], $0x20, s0, s9, $0xb8;
	[tilespmem:$0x1B260] =	vst v63  }
0xf1: {  	_ = 	snop  }
0xf2: {  	[tilespmem:s11], [sflag:$0x2] =	stream.indirect.gather [spmem:s3], $0x20, s31, s9, $0xb8;
	[tilespmem:$0x1B260] =	vst v63  }
0xf3: {  	_ =	swait.ge [sflag:s8], $0x3200  }
0xf4: {  	[sflag:s8] =	ssyncset.done $0x0  }
0xf5: {  	[sflag:s8] =	ssyncadd.s32 $0xFFFFCE00  }
0xf6: {  	_ =	swait.ge [sflag:s8], $0x3200  }
0xf7: {  	[sflag:s8] =	ssyncset.done $0x0  }
0xf8: {  	s0 =	rddreg [dreg:$0x14];
	[sflag:s8] =	ssyncadd.s32 $0xFFFFCE00  }
0xf9: {  	[hbm4b:s0+s1] =	stream.linear.scatter [tilespmem:s4], [sflag:$0x3], $0x3200, $0x38;
	[tilespmem:$0x1B260] =	vst v63  }
0xfa: {  	s31 =	rddreg [dreg:$0x15]  }
0xfb: {  	[hbm4b:s31+s1] =	stream.linear.scatter [tilespmem:s5], [sflag:$0x3], $0x3200, $0x38;
	[tilespmem:$0x1B260] =	vst v63  }
0xfc: {  	_ =	swait.ge [sflag:s6], $0x3200  }
0xfd: {  	[sflag:s6] =	ssyncset.done $0x0  }
0xfe: {  	[sflag:s6] =	ssyncadd.s32 $0xFFFFCE00  }
0xff: {  	_ =	swait.ge [sflag:s6], $0x3200  }
0x100: {  	s0 =	sld [smem:$0x7E5]  }
0x101: {  	[sflag:s6] =	ssyncset.done $0x0  }
0x102: {  	s31 =	sld [smem:$0x7E6];
	[sflag:s6] =	ssyncadd.s32 $0xFFFFCE00  }
0x103: {  	[tilespmem:s4], [sflag:$0x1] =	stream.indirect.gather [spmem:s2], $0x20, s0, s9, $0xb8;
	[tilespmem:$0x1B260] =	vst v63  }
0x104: {  	_ = 	snop  }
0x105: {  	[tilespmem:s5], [sflag:$0x1] =	stream.indirect.gather [spmem:s3], $0x20, s31, s9, $0xb8;
	[tilespmem:$0x1B260] =	vst v63  }
0x106: {  	_ =	swait.ge [sflag:s12], $0x3200  }
0x107: {  	[sflag:s12] =	ssyncset.done $0x0  }
0x108: {  	[sflag:s12] =	ssyncadd.s32 $0xFFFFCE00  }
0x109: {  	_ =	swait.ge [sflag:s12], $0x3200  }
0x10a: {  	[sflag:s12] =	ssyncset.done $0x0  }
0x10b: {  	s0 =	rddreg [dreg:$0x16];
	[sflag:s12] =	ssyncadd.s32 $0xFFFFCE00  }
0x10c: {  	[hbm4b:s0+s1] =	stream.linear.scatter [tilespmem:s10], [sflag:$0x4], $0x3200, $0x38;
	[tilespmem:$0x1B260] =	vst v63  }
0x10d: {  	s31 =	rddreg [dreg:$0x17]  }
0x10e: {  	[hbm4b:s31+s1] =	stream.linear.scatter [tilespmem:s11], [sflag:$0x4], $0x3200, $0x38;
	[tilespmem:$0x1B260] =	vst v63  }
0x10f: {  	_ =	swait.ge [sflag:s7], $0x3200  }
0x110: {  	[sflag:s7] =	ssyncset.done $0x0  }
0x111: {  	[sflag:s7] =	ssyncadd.s32 $0xFFFFCE00  }
0x112: {  	_ =	swait.ge [sflag:s7], $0x3200  }
0x113: {  	s0 =	sld [smem:$0x7E7]  }
0x114: {  	[sflag:s7] =	ssyncset.done $0x0  }
0x115: {  	s31 =	sld [smem:$0x7E8];
	[sflag:s7] =	ssyncadd.s32 $0xFFFFCE00  }
0x116: {  	[tilespmem:s10], [sflag:$0x2] =	stream.indirect.gather [spmem:s2], $0x20, s0, s9, $0xb8;
	[tilespmem:$0x1B260] =	vst v63  }
0x117: {  	_ = 	snop  }
0x118: {  	[tilespmem:s11], [sflag:$0x2] =	stream.indirect.gather [spmem:s3], $0x20, s31, s9, $0xb8;
	[tilespmem:$0x1B260] =	vst v63  }
0x119: {  	_ =	swait.ge [sflag:s8], $0x3200  }
0x11a: {  	[sflag:s8] =	ssyncset.done $0x0  }
0x11b: {  	[sflag:s8] =	ssyncadd.s32 $0xFFFFCE00  }
0x11c: {  	_ =	swait.ge [sflag:s8], $0x3200  }
0x11d: {  	[sflag:s8] =	ssyncset.done $0x0  }
0x11e: {  	s0 =	rddreg [dreg:$0x18];
	[sflag:s8] =	ssyncadd.s32 $0xFFFFCE00  }
0x11f: {  	[hbm4b:s0+s1] =	stream.linear.scatter [tilespmem:s4], [sflag:$0x3], $0x3200, $0x38;
	[tilespmem:$0x1B260] =	vst v63  }
0x120: {  	s31 =	rddreg [dreg:$0x19]  }
0x121: {  	[hbm4b:s31+s1] =	stream.linear.scatter [tilespmem:s5], [sflag:$0x3], $0x3200, $0x38;
	[tilespmem:$0x1B260] =	vst v63  }
0x122: {  	_ =	swait.ge [sflag:s6], $0x3200  }
0x123: {  	[sflag:s6] =	ssyncset.done $0x0  }
0x124: {  	[sflag:s6] =	ssyncadd.s32 $0xFFFFCE00  }
0x125: {  	_ =	swait.ge [sflag:s6], $0x3200  }
0x126: {  	s0 =	sld [smem:$0x7E9]  }
0x127: {  	[sflag:s6] =	ssyncset.done $0x0  }
0x128: {  	s31 =	sld [smem:$0x7EA];
	[sflag:s6] =	ssyncadd.s32 $0xFFFFCE00  }
0x129: {  	[tilespmem:s4], [sflag:$0x1] =	stream.indirect.gather [spmem:s2], $0x20, s0, s9, $0xb8;
	[tilespmem:$0x1B260] =	vst v63  }
0x12a: {  	_ = 	snop  }
0x12b: {  	[tilespmem:s5], [sflag:$0x1] =	stream.indirect.gather [spmem:s3], $0x20, s31, s9, $0xb8;
	[tilespmem:$0x1B260] =	vst v63  }
0x12c: {  	_ =	swait.ge [sflag:s12], $0x3200  }
0x12d: {  	[sflag:s12] =	ssyncset.done $0x0  }
0x12e: {  	[sflag:s12] =	ssyncadd.s32 $0xFFFFCE00  }
0x12f: {  	_ =	swait.ge [sflag:s12], $0x3200  }
0x130: {  	[sflag:s12] =	ssyncset.done $0x0  }
0x131: {  	s0 =	rddreg [dreg:$0x1a];
	[sflag:s12] =	ssyncadd.s32 $0xFFFFCE00  }
0x132: {  	[hbm4b:s0+s1] =	stream.linear.scatter [tilespmem:s10], [sflag:$0x4], $0x3200, $0x38;
	[tilespmem:$0x1B260] =	vst v63  }
0x133: {  	s31 =	rddreg [dreg:$0x1b]  }
0x134: {  	[hbm4b:s31+s1] =	stream.linear.scatter [tilespmem:s11], [sflag:$0x4], $0x3200, $0x38;
	[tilespmem:$0x1B260] =	vst v63  }
0x135: {  	_ =	swait.ge [sflag:s7], $0x3200  }
0x136: {  	[sflag:s7] =	ssyncset.done $0x0  }
0x137: {  	[sflag:s7] =	ssyncadd.s32 $0xFFFFCE00  }
0x138: {  	_ =	swait.ge [sflag:s7], $0x3200  }
0x139: {  	s0 =	sld [smem:$0x7EB]  }
0x13a: {  	[sflag:s7] =	ssyncset.done $0x0  }
0x13b: {  	s31 =	sld [smem:$0x7EC];
	[sflag:s7] =	ssyncadd.s32 $0xFFFFCE00  }
0x13c: {  	[tilespmem:s10], [sflag:$0x2] =	stream.indirect.gather [spmem:s2], $0x20, s0, s9, $0xb8;
	[tilespmem:$0x1B260] =	vst v63  }
0x13d: {  	_ = 	snop  }
0x13e: {  	[tilespmem:s11], [sflag:$0x2] =	stream.indirect.gather [spmem:s3], $0x20, s31, s9, $0xb8;
	[tilespmem:$0x1B260] =	vst v63  }
0x13f: {  	_ =	swait.ge [sflag:s8], $0x3200  }
0x140: {  	[sflag:s8] =	ssyncset.done $0x0  }
0x141: {  	[sflag:s8] =	ssyncadd.s32 $0xFFFFCE00  }
0x142: {  	_ =	swait.ge [sflag:s8], $0x3200  }
0x143: {  	[sflag:s8] =	ssyncset.done $0x0  }
0x144: {  	s0 =	rddreg [dreg:$0x1c];
	[sflag:s8] =	ssyncadd.s32 $0xFFFFCE00  }
0x145: {  	[hbm4b:s0+s1] =	stream.linear.scatter [tilespmem:s4], [sflag:$0x3], $0x3200, $0x38;
	[tilespmem:$0x1B260] =	vst v63  }
0x146: {  	s31 =	rddreg [dreg:$0x1d]  }
0x147: {  	[hbm4b:s31+s1] =	stream.linear.scatter [tilespmem:s5], [sflag:$0x3], $0x3200, $0x38;
	[tilespmem:$0x1B260] =	vst v63  }
0x148: {  	_ =	swait.ge [sflag:s6], $0x3200  }
0x149: {  	[sflag:s6] =	ssyncset.done $0x0  }
0x14a: {  	[sflag:s6] =	ssyncadd.s32 $0xFFFFCE00  }
0x14b: {  	_ =	swait.ge [sflag:s6], $0x3200  }
0x14c: {  	s0 =	sld [smem:$0x7ED]  }
0x14d: {  	[sflag:s6] =	ssyncset.done $0x0  }
0x14e: {  	s31 =	sld [smem:$0x7EE];
	[sflag:s6] =	ssyncadd.s32 $0xFFFFCE00  }
0x14f: {  	[tilespmem:s4], [sflag:$0x1] =	stream.indirect.gather [spmem:s2], $0x20, s0, s9, $0xb8;
	[tilespmem:$0x1B260] =	vst v63  }
0x150: {  	_ = 	snop  }
0x151: {  	[tilespmem:s5], [sflag:$0x1] =	stream.indirect.gather [spmem:s3], $0x20, s31, s9, $0xb8;
	[tilespmem:$0x1B260] =	vst v63  }
0x152: {  	_ =	swait.ge [sflag:s12], $0x3200  }
0x153: {  	[sflag:s12] =	ssyncset.done $0x0  }
0x154: {  	[sflag:s12] =	ssyncadd.s32 $0xFFFFCE00  }
0x155: {  	_ =	swait.ge [sflag:s12], $0x3200  }
0x156: {  	[sflag:s12] =	ssyncset.done $0x0  }
0x157: {  	s0 =	rddreg [dreg:$0x1e];
	[sflag:s12] =	ssyncadd.s32 $0xFFFFCE00  }
0x158: {  	[hbm4b:s0+s1] =	stream.linear.scatter [tilespmem:s10], [sflag:$0x4], $0x3200, $0x38;
	[tilespmem:$0x1B260] =	vst v63  }
0x159: {  	s31 =	rddreg [dreg:$0x1f]  }
0x15a: {  	[hbm4b:s31+s1] =	stream.linear.scatter [tilespmem:s11], [sflag:$0x4], $0x3200, $0x38;
	[tilespmem:$0x1B260] =	vst v63  }
0x15b: {  	_ =	swait.ge [sflag:s7], $0x3200  }
0x15c: {  	[sflag:s7] =	ssyncset.done $0x0  }
0x15d: {  	[sflag:s7] =	ssyncadd.s32 $0xFFFFCE00  }
0x15e: {  	_ =	swait.ge [sflag:s7], $0x3200  }
0x15f: {  	s0 =	sld [smem:$0x7EF]  }
0x160: {  	[sflag:s7] =	ssyncset.done $0x0  }
0x161: {  	s31 =	sld [smem:$0x7F0];
	[sflag:s7] =	ssyncadd.s32 $0xFFFFCE00  }
0x162: {  	[tilespmem:s10], [sflag:$0x2] =	stream.indirect.gather [spmem:s2], $0x20, s0, s9, $0xb8;
	[tilespmem:$0x1B260] =	vst v63  }
0x163: {  	_ = 	snop  }
0x164: {  	[tilespmem:s11], [sflag:$0x2] =	stream.indirect.gather [spmem:s3], $0x20, s31, s9, $0xb8;
	[tilespmem:$0x1B260] =	vst v63  }
0x165: {  	_ =	swait.ge [sflag:s8], $0x3200  }
0x166: {  	[sflag:s8] =	ssyncset.done $0x0  }
0x167: {  	[sflag:s8] =	ssyncadd.s32 $0xFFFFCE00  }
0x168: {  	_ =	swait.ge [sflag:s8], $0x3200  }
0x169: {  	s0 =	sld [smem:$0x7BD]  }
0x16a: {  	[sflag:s8] =	ssyncset.done $0x0  }
0x16b: {  	s31 =	sld [smem:$0x7BE];
	[sflag:s8] =	ssyncadd.s32 $0xFFFFCE00  }
0x16c: {  	[hbm4b:s0+s1] =	stream.linear.scatter [tilespmem:s4], [sflag:$0x3], $0x3200, $0x38;
	[tilespmem:$0x1B260] =	vst v63  }
0x16d: {  	_ = 	snop  }
0x16e: {  	[hbm4b:s31+s1] =	stream.linear.scatter [tilespmem:s5], [sflag:$0x3], $0x3200, $0x38;
	[tilespmem:$0x1B260] =	vst v63  }
0x16f: {  	_ =	swait.ge [sflag:s6], $0x3200  }
0x170: {  	[sflag:s6] =	ssyncset.done $0x0  }
0x171: {  	[sflag:s6] =	ssyncadd.s32 $0xFFFFCE00  }
0x172: {  	_ =	swait.ge [sflag:s6], $0x3200  }
0x173: {  	s0 =	sld [smem:$0x7F1]  }
0x174: {  	[sflag:s6] =	ssyncset.done $0x0  }
0x175: {  	s31 =	sld [smem:$0x7F2];
	[sflag:s6] =	ssyncadd.s32 $0xFFFFCE00  }
0x176: {  	[tilespmem:s4], [sflag:$0x1] =	stream.indirect.gather [spmem:s2], $0x20, s0, s9, $0xb8;
	[tilespmem:$0x1B260] =	vst v63  }
0x177: {  	_ = 	snop  }
0x178: {  	[tilespmem:s5], [sflag:$0x1] =	stream.indirect.gather [spmem:s3], $0x20, s31, s9, $0xb8;
	[tilespmem:$0x1B260] =	vst v63  }
0x179: {  	_ =	swait.ge [sflag:s12], $0x3200  }
0x17a: {  	[sflag:s12] =	ssyncset.done $0x0  }
0x17b: {  	[sflag:s12] =	ssyncadd.s32 $0xFFFFCE00  }
0x17c: {  	_ =	swait.ge [sflag:s12], $0x3200  }
0x17d: {  	s0 =	sld [smem:$0x7BF]  }
0x17e: {  	[sflag:s12] =	ssyncset.done $0x0  }
0x17f: {  	s31 =	sld [smem:$0x7C0];
	[sflag:s12] =	ssyncadd.s32 $0xFFFFCE00  }
0x180: {  	[hbm4b:s0+s1] =	stream.linear.scatter [tilespmem:s10], [sflag:$0x4], $0x3200, $0x38;
	[tilespmem:$0x1B260] =	vst v63  }
0x181: {  	_ = 	snop  }
0x182: {  	[hbm4b:s31+s1] =	stream.linear.scatter [tilespmem:s11], [sflag:$0x4], $0x3200, $0x38;
	[tilespmem:$0x1B260] =	vst v63  }
0x183: {  	_ =	swait.ge [sflag:s7], $0x3200  }
0x184: {  	[sflag:s7] =	ssyncset.done $0x0  }
0x185: {  	[sflag:s7] =	ssyncadd.s32 $0xFFFFCE00  }
0x186: {  	_ =	swait.ge [sflag:s7], $0x3200  }
0x187: {  	s0 =	sld [smem:$0x7F3]  }
0x188: {  	[sflag:s7] =	ssyncset.done $0x0  }
0x189: {  	s31 =	sld [smem:$0x7F4];
	[sflag:s7] =	ssyncadd.s32 $0xFFFFCE00  }
0x18a: {  	[tilespmem:s10], [sflag:$0x2] =	stream.indirect.gather [spmem:s2], $0x20, s0, s9, $0xb8;
	[tilespmem:$0x1B260] =	vst v63  }
0x18b: {  	_ = 	snop  }
0x18c: {  	[tilespmem:s11], [sflag:$0x2] =	stream.indirect.gather [spmem:s3], $0x20, s31, s9, $0xb8;
	[tilespmem:$0x1B260] =	vst v63  }
0x18d: {  	_ =	swait.ge [sflag:s8], $0x3200  }
0x18e: {  	[sflag:s8] =	ssyncset.done $0x0  }
0x18f: {  	[sflag:s8] =	ssyncadd.s32 $0xFFFFCE00  }
0x190: {  	_ =	swait.ge [sflag:s8], $0x3200  }
0x191: {  	s0 =	sld [smem:$0x7C1]  }
0x192: {  	[sflag:s8] =	ssyncset.done $0x0  }
0x193: {  	s31 =	sld [smem:$0x7C2];
	[sflag:s8] =	ssyncadd.s32 $0xFFFFCE00  }
0x194: {  	[hbm4b:s0+s1] =	stream.linear.scatter [tilespmem:s4], [sflag:$0x3], $0x3200, $0x38;
	[tilespmem:$0x1B260] =	vst v63  }
0x195: {  	_ = 	snop  }
0x196: {  	[hbm4b:s31+s1] =	stream.linear.scatter [tilespmem:s5], [sflag:$0x3], $0x3200, $0x38;
	[tilespmem:$0x1B260] =	vst v63  }
0x197: {  	_ =	swait.ge [sflag:s6], $0x3200  }
0x198: {  	[sflag:s6] =	ssyncset.done $0x0  }
0x199: {  	[sflag:s6] =	ssyncadd.s32 $0xFFFFCE00  }
0x19a: {  	_ =	swait.ge [sflag:s6], $0x3200  }
0x19b: {  	s0 =	sld [smem:$0x7F5]  }
0x19c: {  	[sflag:s6] =	ssyncset.done $0x0  }
0x19d: {  	s31 =	sld [smem:$0x7F6];
	[sflag:s6] =	ssyncadd.s32 $0xFFFFCE00  }
0x19e: {  	[tilespmem:s4], [sflag:$0x1] =	stream.indirect.gather [spmem:s2], $0x20, s0, s9, $0xb8;
	[tilespmem:$0x1B260] =	vst v63  }
0x19f: {  	_ = 	snop  }
0x1a0: {  	[tilespmem:s5], [sflag:$0x1] =	stream.indirect.gather [spmem:s3], $0x20, s31, s9, $0xb8;
	[tilespmem:$0x1B260] =	vst v63  }
0x1a1: {  	_ =	swait.ge [sflag:s12], $0x3200  }
0x1a2: {  	[sflag:s12] =	ssyncset.done $0x0  }
0x1a3: {  	[sflag:s12] =	ssyncadd.s32 $0xFFFFCE00  }
0x1a4: {  	_ =	swait.ge [sflag:s12], $0x3200  }
0x1a5: {  	s0 =	sld [smem:$0x7C3]  }
0x1a6: {  	[sflag:s12] =	ssyncset.done $0x0  }
0x1a7: {  	s31 =	sld [smem:$0x7C4];
	[sflag:s12] =	ssyncadd.s32 $0xFFFFCE00  }
0x1a8: {  	[hbm4b:s0+s1] =	stream.linear.scatter [tilespmem:s10], [sflag:$0x4], $0x3200, $0x38;
	[tilespmem:$0x1B260] =	vst v63  }
0x1a9: {  	_ = 	snop  }
0x1aa: {  	[hbm4b:s31+s1] =	stream.linear.scatter [tilespmem:s11], [sflag:$0x4], $0x3200, $0x38;
	[tilespmem:$0x1B260] =	vst v63  }
0x1ab: {  	_ =	swait.ge [sflag:s7], $0x3200  }
0x1ac: {  	[sflag:s7] =	ssyncset.done $0x0  }
0x1ad: {  	[sflag:s7] =	ssyncadd.s32 $0xFFFFCE00  }
0x1ae: {  	_ =	swait.ge [sflag:s7], $0x3200  }
0x1af: {  	s0 =	sld [smem:$0x7F7]  }
0x1b0: {  	[sflag:s7] =	ssyncset.done $0x0  }
0x1b1: {  	s31 =	sld [smem:$0x7F8];
	[sflag:s7] =	ssyncadd.s32 $0xFFFFCE00  }
0x1b2: {  	[tilespmem:s10], [sflag:$0x2] =	stream.indirect.gather [spmem:s2], $0x20, s0, s9, $0xb8;
	[tilespmem:$0x1B260] =	vst v63  }
0x1b3: {  	_ = 	snop  }
0x1b4: {  	[tilespmem:s11], [sflag:$0x2] =	stream.indirect.gather [spmem:s3], $0x20, s31, s9, $0xb8;
	[tilespmem:$0x1B260] =	vst v63  }
0x1b5: {  	_ =	swait.ge [sflag:s8], $0x3200  }
0x1b6: {  	[sflag:s8] =	ssyncset.done $0x0  }
0x1b7: {  	[sflag:s8] =	ssyncadd.s32 $0xFFFFCE00  }
0x1b8: {  	_ =	swait.ge [sflag:s8], $0x3200  }
0x1b9: {  	s0 =	sld [smem:$0x7C5]  }
0x1ba: {  	[sflag:s8] =	ssyncset.done $0x0  }
0x1bb: {  	s31 =	sld [smem:$0x7C6];
	[sflag:s8] =	ssyncadd.s32 $0xFFFFCE00  }
0x1bc: {  	[hbm4b:s0+s1] =	stream.linear.scatter [tilespmem:s4], [sflag:$0x3], $0x3200, $0x38;
	[tilespmem:$0x1B260] =	vst v63  }
0x1bd: {  	_ = 	snop  }
0x1be: {  	[hbm4b:s31+s1] =	stream.linear.scatter [tilespmem:s5], [sflag:$0x3], $0x3200, $0x38;
	[tilespmem:$0x1B260] =	vst v63  }
0x1bf: {  	_ =	swait.ge [sflag:s6], $0x3200  }
0x1c0: {  	[sflag:s6] =	ssyncset.done $0x0  }
0x1c1: {  	[sflag:s6] =	ssyncadd.s32 $0xFFFFCE00  }
0x1c2: {  	_ =	swait.ge [sflag:s6], $0x3200  }
0x1c3: {  	s0 =	sld [smem:$0x7F9]  }
0x1c4: {  	[sflag:s6] =	ssyncset.done $0x0  }
0x1c5: {  	s31 =	sld [smem:$0x7FA];
	[sflag:s6] =	ssyncadd.s32 $0xFFFFCE00  }
0x1c6: {  	[tilespmem:s4], [sflag:$0x1] =	stream.indirect.gather [spmem:s2], $0x20, s0, s9, $0xb8;
	[tilespmem:$0x1B260] =	vst v63  }
0x1c7: {  	_ = 	snop  }
0x1c8: {  	[tilespmem:s5], [sflag:$0x1] =	stream.indirect.gather [spmem:s3], $0x20, s31, s9, $0xb8;
	[tilespmem:$0x1B260] =	vst v63  }
0x1c9: {  	_ =	swait.ge [sflag:s12], $0x3200  }
0x1ca: {  	[sflag:s12] =	ssyncset.done $0x0  }
0x1cb: {  	[sflag:s12] =	ssyncadd.s32 $0xFFFFCE00  }
0x1cc: {  	_ =	swait.ge [sflag:s12], $0x3200  }
0x1cd: {  	s0 =	sld [smem:$0x7C7]  }
0x1ce: {  	[sflag:s12] =	ssyncset.done $0x0  }
0x1cf: {  	s31 =	sld [smem:$0x7C8];
	[sflag:s12] =	ssyncadd.s32 $0xFFFFCE00  }
0x1d0: {  	[hbm4b:s0+s1] =	stream.linear.scatter [tilespmem:s10], [sflag:$0x4], $0x3200, $0x38;
	[tilespmem:$0x1B260] =	vst v63  }
0x1d1: {  	_ = 	snop  }
0x1d2: {  	[hbm4b:s31+s1] =	stream.linear.scatter [tilespmem:s11], [sflag:$0x4], $0x3200, $0x38;
	[tilespmem:$0x1B260] =	vst v63  }
0x1d3: {  	_ =	swait.ge [sflag:s7], $0x3200  }
0x1d4: {  	[sflag:s7] =	ssyncset.done $0x0  }
0x1d5: {  	[sflag:s7] =	ssyncadd.s32 $0xFFFFCE00  }
0x1d6: {  	_ =	swait.ge [sflag:s7], $0x3200  }
0x1d7: {  	s0 =	sld [smem:$0x7FB]  }
0x1d8: {  	[sflag:s7] =	ssyncset.done $0x0  }
0x1d9: {  	s31 =	sld [smem:$0x7FC];
	[sflag:s7] =	ssyncadd.s32 $0xFFFFCE00  }
0x1da: {  	[tilespmem:s10], [sflag:$0x2] =	stream.indirect.gather [spmem:s2], $0x20, s0, s9, $0xb8;
	[tilespmem:$0x1B260] =	vst v63  }
0x1db: {  	_ = 	snop  }
0x1dc: {  	[tilespmem:s11], [sflag:$0x2] =	stream.indirect.gather [spmem:s3], $0x20, s31, s9, $0xb8;
	[tilespmem:$0x1B260] =	vst v63  }
0x1dd: {  	_ =	swait.ge [sflag:s8], $0x3200  }
0x1de: {  	[sflag:s8] =	ssyncset.done $0x0  }
0x1df: {  	[sflag:s8] =	ssyncadd.s32 $0xFFFFCE00  }
0x1e0: {  	_ =	swait.ge [sflag:s8], $0x3200  }
0x1e1: {  	s0 =	sld [smem:$0x7C9]  }
0x1e2: {  	[sflag:s8] =	ssyncset.done $0x0  }
0x1e3: {  	s31 =	sld [smem:$0x7CA];
	[sflag:s8] =	ssyncadd.s32 $0xFFFFCE00  }
0x1e4: {  	[hbm4b:s0+s1] =	stream.linear.scatter [tilespmem:s4], [sflag:$0x3], $0x3200, $0x38;
	[tilespmem:$0x1B260] =	vst v63  }
0x1e5: {  	_ = 	snop  }
0x1e6: {  	[hbm4b:s31+s1] =	stream.linear.scatter [tilespmem:s5], [sflag:$0x3], $0x3200, $0x38;
	[tilespmem:$0x1B260] =	vst v63  }
0x1e7: {  	_ =	swait.ge [sflag:s6], $0x3200  }
0x1e8: {  	[sflag:s6] =	ssyncset.done $0x0  }
0x1e9: {  	[sflag:s6] =	ssyncadd.s32 $0xFFFFCE00  }
0x1ea: {  	_ =	swait.ge [sflag:s6], $0x3200  }
0x1eb: {  	s0 =	sld [smem:$0x7FD]  }
0x1ec: {  	[sflag:s6] =	ssyncset.done $0x0  }
0x1ed: {  	[sflag:s6] =	ssyncadd.s32 $0xFFFFCE00  }
0x1ee: {  	[tilespmem:s4], [sflag:$0x1] =	stream.indirect.gather [spmem:s2], $0x20, s0, s9, $0xb8;
	[tilespmem:$0x1B260] =	vst v63  }
0x1ef: {  	_ = 	snop  }
0x1f0: {  	[tilespmem:s5], [sflag:$0x1] =	stream.indirect.gather [spmem:s3], $0x20, s21, s9, $0xb8;
	[tilespmem:$0x1B260] =	vst v63  }
0x1f1: {  	_ =	swait.ge [sflag:s12], $0x3200  }
0x1f2: {  	[sflag:s12] =	ssyncset.done $0x0  }
0x1f3: {  	[sflag:s12] =	ssyncadd.s32 $0xFFFFCE00  }
0x1f4: {  	_ =	swait.ge [sflag:s12], $0x3200  }
0x1f5: {  	s21 =	sld [smem:$0x7CB]  }
0x1f6: {  	[sflag:s12] =	ssyncset.done $0x0  }
0x1f7: {  	s31 =	sld [smem:$0x7CC];
	[sflag:s12] =	ssyncadd.s32 $0xFFFFCE00  }
0x1f8: {  	[hbm4b:s21+s1] =	stream.linear.scatter [tilespmem:s10], [sflag:$0x4], $0x3200, $0x38;
	[tilespmem:$0x1B260] =	vst v63  }
0x1f9: {  	_ = 	snop  }
0x1fa: {  	[hbm4b:s31+s1] =	stream.linear.scatter [tilespmem:s11], [sflag:$0x4], $0x3200, $0x38;
	[tilespmem:$0x1B260] =	vst v63  }
0x1fb: {  	_ =	swait.ge [sflag:s7], $0x3200  }
0x1fc: {  	[sflag:s7] =	ssyncset.done $0x0  }
0x1fd: {  	[sflag:s7] =	ssyncadd.s32 $0xFFFFCE00  }
0x1fe: {  	_ =	swait.ge [sflag:s7], $0x3200  }
0x1ff: {  	[sflag:s7] =	ssyncset.done $0x0  }
0x200: {  	[sflag:s7] =	ssyncadd.s32 $0xFFFFCE00  }
0x201: {  	[tilespmem:s10], [sflag:$0x2] =	stream.indirect.gather [spmem:s2], $0x20, s19, s9, $0xb8;
	[tilespmem:$0x1B260] =	vst v63  }
0x202: {  	_ = 	snop  }
0x203: {  	[tilespmem:s11], [sflag:$0x2] =	stream.indirect.gather [spmem:s3], $0x20, s20, s9, $0xb8;
	[tilespmem:$0x1B260] =	vst v63  }
0x204: {  	_ =	swait.ge [sflag:s8], $0x3200  }
0x205: {  	[sflag:s8] =	ssyncset.done $0x0  }
0x206: {  	[sflag:s8] =	ssyncadd.s32 $0xFFFFCE00  }
0x207: {  	_ =	swait.ge [sflag:s8], $0x3200  }
0x208: {  	s21 =	sld [smem:$0x7CD]  }
0x209: {  	[sflag:s8] =	ssyncset.done $0x0  }
0x20a: {  	s31 =	sld [smem:$0x7CE];
	[sflag:s8] =	ssyncadd.s32 $0xFFFFCE00  }
0x20b: {  	[hbm4b:s21+s1] =	stream.linear.scatter [tilespmem:s4], [sflag:$0x3], $0x3200, $0x38;
	[tilespmem:$0x1B260] =	vst v63  }
0x20c: {  	_ = 	snop  }
0x20d: {  	[hbm4b:s31+s1] =	stream.linear.scatter [tilespmem:s5], [sflag:$0x3], $0x3200, $0x38;
	[tilespmem:$0x1B260] =	vst v63  }
0x20e: {  	_ =	swait.ge [sflag:s6], $0x3200  }
0x20f: {  	[sflag:s6] =	ssyncset.done $0x0  }
0x210: {  	[sflag:s6] =	ssyncadd.s32 $0xFFFFCE00  }
0x211: {  	_ =	swait.ge [sflag:s6], $0x3200  }
0x212: {  	[sflag:s6] =	ssyncset.done $0x0  }
0x213: {  	[sflag:s6] =	ssyncadd.s32 $0xFFFFCE00  }
0x214: {  	[tilespmem:s4], [sflag:$0x1] =	stream.indirect.gather [spmem:s2], $0x20, s17, s9, $0xb8;
	[tilespmem:$0x1B260] =	vst v63  }
0x215: {  	_ = 	snop  }
0x216: {  	[tilespmem:s5], [sflag:$0x1] =	stream.indirect.gather [spmem:s3], $0x20, s18, s9, $0xb8;
	[tilespmem:$0x1B260] =	vst v63  }
0x217: {  	_ =	swait.ge [sflag:s12], $0x3200  }
0x218: {  	[sflag:s12] =	ssyncset.done $0x0  }
0x219: {  	[sflag:s12] =	ssyncadd.s32 $0xFFFFCE00  }
0x21a: {  	_ =	swait.ge [sflag:s12], $0x3200  }
0x21b: {  	s17 =	sld [smem:$0x7CF]  }
0x21c: {  	[sflag:s12] =	ssyncset.done $0x0  }
0x21d: {  	s31 =	sld [smem:$0x7D0];
	[sflag:s12] =	ssyncadd.s32 $0xFFFFCE00  }
0x21e: {  	[hbm4b:s17+s1] =	stream.linear.scatter [tilespmem:s10], [sflag:$0x4], $0x3200, $0x38;
	[tilespmem:$0x1B260] =	vst v63  }
0x21f: {  	_ = 	snop  }
0x220: {  	[hbm4b:s31+s1] =	stream.linear.scatter [tilespmem:s11], [sflag:$0x4], $0x3200, $0x38;
	[tilespmem:$0x1B260] =	vst v63  }
0x221: {  	_ =	swait.ge [sflag:s7], $0x3200  }
0x222: {  	[sflag:s7] =	ssyncset.done $0x0  }
0x223: {  	[sflag:s7] =	ssyncadd.s32 $0xFFFFCE00  }
0x224: {  	_ =	swait.ge [sflag:s7], $0x3200  }
0x225: {  	[sflag:s7] =	ssyncset.done $0x0  }
0x226: {  	[sflag:s7] =	ssyncadd.s32 $0xFFFFCE00  }
0x227: {  	[tilespmem:s10], [sflag:$0x2] =	stream.indirect.gather [spmem:s2], $0x20, s15, s9, $0xb8;
	[tilespmem:$0x1B260] =	vst v63  }
0x228: {  	_ = 	snop  }
0x229: {  	[tilespmem:s11], [sflag:$0x2] =	stream.indirect.gather [spmem:s3], $0x20, s16, s9, $0xb8;
	[tilespmem:$0x1B260] =	vst v63  }
0x22a: {  	_ =	swait.ge [sflag:s8], $0x3200  }
0x22b: {  	[sflag:s8] =	ssyncset.done $0x0  }
0x22c: {  	[sflag:s8] =	ssyncadd.s32 $0xFFFFCE00  }
0x22d: {  	_ =	swait.ge [sflag:s8], $0x3200  }
0x22e: {  	s18 =	sld [smem:$0x7D1]  }
0x22f: {  	[sflag:s8] =	ssyncset.done $0x0  }
0x230: {  	s31 =	sld [smem:$0x7D2];
	[sflag:s8] =	ssyncadd.s32 $0xFFFFCE00  }
0x231: {  	[hbm4b:s18+s1] =	stream.linear.scatter [tilespmem:s4], [sflag:$0x3], $0x3200, $0x38;
	[tilespmem:$0x1B260] =	vst v63  }
0x232: {  	_ = 	snop  }
0x233: {  	[hbm4b:s31+s1] =	stream.linear.scatter [tilespmem:s5], [sflag:$0x3], $0x3200, $0x38;
	[tilespmem:$0x1B260] =	vst v63  }
0x234: {  	_ =	swait.ge [sflag:s6], $0x3200  }
0x235: {  	[sflag:s6] =	ssyncset.done $0x0  }
0x236: {  	[sflag:s6] =	ssyncadd.s32 $0xFFFFCE00  }
0x237: {  	_ =	swait.ge [sflag:s6], $0x3200  }
0x238: {  	[sflag:s6] =	ssyncset.done $0x0  }
0x239: {  	s14 =	simm.s32 $0xC1C0;
	[sflag:s6] =	ssyncadd.s32 $0xFFFFCE00  }
0x23a: {  	[tilespmem:s4], [sflag:$0x1] =	stream.indirect.gather [spmem:s2], $0x20, s14, s9, $0xb8;
	[tilespmem:$0x1B260] =	vst v63  }
0x23b: {  	s19 =	simm.s32 $0xE8D0  }
0x23c: {  	[tilespmem:s5], [sflag:$0x1] =	stream.indirect.gather [spmem:s3], $0x20, s19, s9, $0xb8;
	[tilespmem:$0x1B260] =	vst v63  }
0x23d: {  	_ =	swait.ge [sflag:s12], $0x3200  }
0x23e: {  	[sflag:s12] =	ssyncset.done $0x0  }
0x23f: {  	[sflag:s12] =	ssyncadd.s32 $0xFFFFCE00  }
0x240: {  	_ =	swait.ge [sflag:s12], $0x3200  }
0x241: {  	s20 =	sld [smem:$0x7D3]  }
0x242: {  	[sflag:s12] =	ssyncset.done $0x0  }
0x243: {  	s31 =	sld [smem:$0x7D4];
	[sflag:s12] =	ssyncadd.s32 $0xFFFFCE00  }
0x244: {  	[hbm4b:s20+s1] =	stream.linear.scatter [tilespmem:s10], [sflag:$0x4], $0x3200, $0x38;
	[tilespmem:$0x1B260] =	vst v63  }
0x245: {  	_ = 	snop  }
0x246: {  	[hbm4b:s31+s1] =	stream.linear.scatter [tilespmem:s11], [sflag:$0x4], $0x3200, $0x38;
	[tilespmem:$0x1B260] =	vst v63  }
0x247: {  	_ =	swait.ge [sflag:s8], $0x3200  }
0x248: {  	[sflag:s8] =	ssyncset.done $0x0  }
0x249: {  	[sflag:s8] =	ssyncadd.s32 $0xFFFFCE00  }
0x24a: {  	_ =	swait.ge [sflag:s8], $0x3200  }
0x24b: {  	s21 =	sld [smem:$0x7D5]  }
0x24c: {  	[sflag:s8] =	ssyncset.done $0x0  }
0x24d: {  	s31 =	sld [smem:$0x7D6];
	[sflag:s8] =	ssyncadd.s32 $0xFFFFCE00  }
0x24e: {  	[hbm4b:s21+s1] =	stream.linear.scatter [tilespmem:s4], [sflag:$0x3], $0x3200, $0x38;
	[tilespmem:$0x1B260] =	vst v63  }
0x24f: {  	_ = 	snop  }
0x250: {  	[hbm4b:s31+s1] =	stream.linear.scatter [tilespmem:s5], [sflag:$0x3], $0x3200, $0x38;
	[tilespmem:$0x1B260] =	vst v63  }
0x251: {  	_ =	swait.ge [sflag:s7], $0x3200  }
0x252: {  	[sflag:s7] =	ssyncset.done $0x0  }
0x253: {  	[sflag:s7] =	ssyncadd.s32 $0xFFFFCE00  }
0x254: {  	_ =	swait.ge [sflag:s7], $0x3200  }
0x255: {  	s31 =	sadd.s32 $0xFFFFFFFF, s13;
	[sflag:s7] =	ssyncset.done $0x0  }
0x256: {  	p1 =	por $0x1, $0x1;
	p2 =	sne.s32 s31, $0x0;
	[sflag:s7] =	ssyncadd.s32 $0xFFFFCE00  }
.Ltmp1:
0x257: {  	s17 =	simm.s32 $0xE740;
	_ =	swait.ge [sflag:s6], $0x3200;
	(pc) =	sbr.rel @!p2 .LBB2_3-.Ltmp1, $4  }
0x258: {  	s15 =	simm.s32 $0xE290;
	s16 =	simm.s32 $0xC030;
	[sflag:s6] =	ssyncset.done $0x0  }
0x259: {  	s18 =	simm.s32 $0xBEA0;
	s14 =	simm.s32 $0xC1C0;
	[sflag:s6] =	ssyncadd.s32 $0xFFFFCE00  }
0x25a: {  	s19 =	simm.s32 $0xE5B0;
	s20 =	simm.s32 $0xBD10;
	_ =	swait.ge [sflag:s6], $0x3200  }
0x25b: {  	s21 =	simm.s32 $0xE420;
	s0 =	rddreg [dreg:$0x5];
	[sflag:s6] =	ssyncset.done $0x0  }
.LBB2_4:
0x25c: {  	[sflag:s6] =	ssyncadd.s32 $0xFFFFCE00  }
0x25d: {  	[spmem:s28], [sflag:s29] =	dma.local @!p0 [hbm:s0], $0x9C40  }
0x25e: {  	_ =	swait.ge @!p0 [sflag:s30], $0x9C40  }
0x25f: {  	[sflag:s30] =	ssyncset.done @!p0 $0x0  }
0x260: {  	s0 =	rddreg [dreg:$0x6];
	[sflag:s30] =	ssyncadd.s32 @!p0 $0xFFFF63C0  }
0x261: {  	[spmem:s26], [sflag:s29] =	dma.local @!p0 [hbm:s0], $0x9C40  }
0x262: {  	_ =	swait.ge @!p0 [sflag:s30], $0x9C40  }
0x263: {  	[sflag:s30] =	ssyncset.done @!p0 $0x0  }
0x264: {  	[sflag:s30] =	ssyncadd.s32 @!p0 $0xFFFF63C0  }
0x265: {  	[tilespmem:s23], [sflag:$0x5] =	stream.linear.gather [hbm4b:s22+s1], $0x2710, $0x38;
	[tilespmem:$0x1B260] =	vst v63  }
0x266: {  	_ =	swait.ge [sflag:s25], $0x2710  }
0x267: {  	[sflag:s25] =	ssyncset.done $0x0  }
0x268: {  	s13 =	rddreg [dreg:$0x7];
	[sflag:s25] =	ssyncadd.s32 $0xFFFFD8F0  }
0x269: {  	[tilespmem:s24], [sflag:$0x5] =	stream.linear.gather [hbm4b:s13+s1], $0x2710, $0x38;
	[tilespmem:$0x1B260] =	vst v63  }
0x26a: {  	_ =	swait.ge [sflag:s25], $0x2710  }
0x26b: {  	[sflag:s25] =	ssyncset.done $0x0  }
0x26c: {  	[sflag:s25] =	ssyncadd.s32 $0xFFFFD8F0  }
0x26d: {  	[bflag:$0x0] =	sbarrier.arrive $0xFFFF  }
0x26e: {  	[tilespmem:s4], [sflag:$0x1] =	stream.indirect.gather [spmem:s2], $0x20, s23, s9, $0xb8;
	[tilespmem:$0x1B260] =	vst v63  }
0x26f: {  	s0 =	sld [smem:$0x7D7]  }
0x270: {  	[tilespmem:s5], [sflag:$0x1] =	stream.indirect.gather [spmem:s3], $0x20, s24, s9, $0xb8;
	[tilespmem:$0x1B260] =	vst v63  }
0x271: {  	s13 =	sld [smem:$0x7D8]  }
0x272: {  	[tilespmem:s10], [sflag:$0x2] =	stream.indirect.gather [spmem:s2], $0x20, s0, s9, $0xb8;
	[tilespmem:$0x1B260] =	vst v63  }
0x273: {  	_ = 	snop  }
0x274: {  	[tilespmem:s11], [sflag:$0x2] =	stream.indirect.gather [spmem:s3], $0x20, s13, s9, $0xb8;
	[tilespmem:$0x1B260] =	vst v63  }
0x275: {  	_ =	swait.ge [sflag:s8], $0x3200  }
0x276: {  	[sflag:s8] =	ssyncset.done $0x0  }
0x277: {  	[sflag:s8] =	ssyncadd.s32 $0xFFFFCE00  }
0x278: {  	_ =	swait.ge [sflag:s8], $0x3200  }
0x279: {  	[sflag:s8] =	ssyncset.done $0x0  }
0x27a: {  	s0 =	rddreg [dreg:$0x8];
	[sflag:s8] =	ssyncadd.s32 $0xFFFFCE00  }
0x27b: {  	[hbm4b:s0+s1] =	stream.linear.scatter [tilespmem:s4], [sflag:$0x3], $0x3200, $0x38;
	[tilespmem:$0x1B260] =	vst v63  }
0x27c: {  	s13 =	rddreg [dreg:$0x9]  }
0x27d: {  	[hbm4b:s13+s1] =	stream.linear.scatter [tilespmem:s5], [sflag:$0x3], $0x3200, $0x38;
	[tilespmem:$0x1B260] =	vst v63  }
0x27e: {  	_ =	swait.ge [sflag:s6], $0x3200  }
0x27f: {  	[sflag:s6] =	ssyncset.done $0x0  }
0x280: {  	[sflag:s6] =	ssyncadd.s32 $0xFFFFCE00  }
0x281: {  	_ =	swait.ge [sflag:s6], $0x3200  }
0x282: {  	s0 =	sld [smem:$0x7D9]  }
0x283: {  	[sflag:s6] =	ssyncset.done $0x0  }
0x284: {  	s13 =	sld [smem:$0x7DA];
	[sflag:s6] =	ssyncadd.s32 $0xFFFFCE00  }
0x285: {  	[tilespmem:s4], [sflag:$0x1] =	stream.indirect.gather [spmem:s2], $0x20, s0, s9, $0xb8;
	[tilespmem:$0x1B260] =	vst v63  }
0x286: {  	_ = 	snop  }
0x287: {  	[tilespmem:s5], [sflag:$0x1] =	stream.indirect.gather [spmem:s3], $0x20, s13, s9, $0xb8;
	[tilespmem:$0x1B260] =	vst v63  }
0x288: {  	_ =	swait.ge [sflag:s12], $0x3200  }
0x289: {  	[sflag:s12] =	ssyncset.done $0x0  }
0x28a: {  	[sflag:s12] =	ssyncadd.s32 $0xFFFFCE00  }
0x28b: {  	_ =	swait.ge [sflag:s12], $0x3200  }
0x28c: {  	[sflag:s12] =	ssyncset.done $0x0  }
0x28d: {  	s0 =	rddreg [dreg:$0xa];
	[sflag:s12] =	ssyncadd.s32 $0xFFFFCE00  }
0x28e: {  	[hbm4b:s0+s1] =	stream.linear.scatter [tilespmem:s10], [sflag:$0x4], $0x3200, $0x38;
	[tilespmem:$0x1B260] =	vst v63  }
0x28f: {  	s13 =	rddreg [dreg:$0xb]  }
0x290: {  	[hbm4b:s13+s1] =	stream.linear.scatter [tilespmem:s11], [sflag:$0x4], $0x3200, $0x38;
	[tilespmem:$0x1B260] =	vst v63  }
0x291: {  	_ =	swait.ge [sflag:s7], $0x3200  }
0x292: {  	[sflag:s7] =	ssyncset.done $0x0  }
0x293: {  	[sflag:s7] =	ssyncadd.s32 $0xFFFFCE00  }
0x294: {  	_ =	swait.ge [sflag:s7], $0x3200  }
0x295: {  	s0 =	sld [smem:$0x7DB]  }
0x296: {  	[sflag:s7] =	ssyncset.done $0x0  }
0x297: {  	s13 =	sld [smem:$0x7DC];
	[sflag:s7] =	ssyncadd.s32 $0xFFFFCE00  }
0x298: {  	[tilespmem:s10], [sflag:$0x2] =	stream.indirect.gather [spmem:s2], $0x20, s0, s9, $0xb8;
	[tilespmem:$0x1B260] =	vst v63  }
0x299: {  	_ = 	snop  }
0x29a: {  	[tilespmem:s11], [sflag:$0x2] =	stream.indirect.gather [spmem:s3], $0x20, s13, s9, $0xb8;
	[tilespmem:$0x1B260] =	vst v63  }
0x29b: {  	_ =	swait.ge [sflag:s8], $0x3200  }
0x29c: {  	[sflag:s8] =	ssyncset.done $0x0  }
0x29d: {  	[sflag:s8] =	ssyncadd.s32 $0xFFFFCE00  }
0x29e: {  	_ =	swait.ge [sflag:s8], $0x3200  }
0x29f: {  	[sflag:s8] =	ssyncset.done $0x0  }
0x2a0: {  	s0 =	rddreg [dreg:$0xc];
	[sflag:s8] =	ssyncadd.s32 $0xFFFFCE00  }
0x2a1: {  	[hbm4b:s0+s1] =	stream.linear.scatter [tilespmem:s4], [sflag:$0x3], $0x3200, $0x38;
	[tilespmem:$0x1B260] =	vst v63  }
0x2a2: {  	s13 =	rddreg [dreg:$0xd]  }
0x2a3: {  	[hbm4b:s13+s1] =	stream.linear.scatter [tilespmem:s5], [sflag:$0x3], $0x3200, $0x38;
	[tilespmem:$0x1B260] =	vst v63  }
0x2a4: {  	_ =	swait.ge [sflag:s6], $0x3200  }
0x2a5: {  	[sflag:s6] =	ssyncset.done $0x0  }
0x2a6: {  	[sflag:s6] =	ssyncadd.s32 $0xFFFFCE00  }
0x2a7: {  	_ =	swait.ge [sflag:s6], $0x3200  }
0x2a8: {  	s0 =	sld [smem:$0x7DD]  }
0x2a9: {  	[sflag:s6] =	ssyncset.done $0x0  }
0x2aa: {  	s13 =	sld [smem:$0x7DE];
	[sflag:s6] =	ssyncadd.s32 $0xFFFFCE00  }
0x2ab: {  	[tilespmem:s4], [sflag:$0x1] =	stream.indirect.gather [spmem:s2], $0x20, s0, s9, $0xb8;
	[tilespmem:$0x1B260] =	vst v63  }
0x2ac: {  	_ = 	snop  }
0x2ad: {  	[tilespmem:s5], [sflag:$0x1] =	stream.indirect.gather [spmem:s3], $0x20, s13, s9, $0xb8;
	[tilespmem:$0x1B260] =	vst v63  }
0x2ae: {  	_ =	swait.ge [sflag:s12], $0x3200  }
0x2af: {  	[sflag:s12] =	ssyncset.done $0x0  }
0x2b0: {  	[sflag:s12] =	ssyncadd.s32 $0xFFFFCE00  }
0x2b1: {  	_ =	swait.ge [sflag:s12], $0x3200  }
0x2b2: {  	[sflag:s12] =	ssyncset.done $0x0  }
0x2b3: {  	s0 =	rddreg [dreg:$0xe];
	[sflag:s12] =	ssyncadd.s32 $0xFFFFCE00  }
0x2b4: {  	[hbm4b:s0+s1] =	stream.linear.scatter [tilespmem:s10], [sflag:$0x4], $0x3200, $0x38;
	[tilespmem:$0x1B260] =	vst v63  }
0x2b5: {  	s13 =	rddreg [dreg:$0xf]  }
0x2b6: {  	[hbm4b:s13+s1] =	stream.linear.scatter [tilespmem:s11], [sflag:$0x4], $0x3200, $0x38;
	[tilespmem:$0x1B260] =	vst v63  }
0x2b7: {  	_ =	swait.ge [sflag:s7], $0x3200  }
0x2b8: {  	[sflag:s7] =	ssyncset.done $0x0  }
0x2b9: {  	[sflag:s7] =	ssyncadd.s32 $0xFFFFCE00  }
0x2ba: {  	_ =	swait.ge [sflag:s7], $0x3200  }
0x2bb: {  	s0 =	sld [smem:$0x7DF]  }
0x2bc: {  	[sflag:s7] =	ssyncset.done $0x0  }
0x2bd: {  	s13 =	sld [smem:$0x7E0];
	[sflag:s7] =	ssyncadd.s32 $0xFFFFCE00  }
0x2be: {  	[tilespmem:s10], [sflag:$0x2] =	stream.indirect.gather [spmem:s2], $0x20, s0, s9, $0xb8;
	[tilespmem:$0x1B260] =	vst v63  }
0x2bf: {  	_ = 	snop  }
0x2c0: {  	[tilespmem:s11], [sflag:$0x2] =	stream.indirect.gather [spmem:s3], $0x20, s13, s9, $0xb8;
	[tilespmem:$0x1B260] =	vst v63  }
0x2c1: {  	_ =	swait.ge [sflag:s8], $0x3200  }
0x2c2: {  	[sflag:s8] =	ssyncset.done $0x0  }
0x2c3: {  	[sflag:s8] =	ssyncadd.s32 $0xFFFFCE00  }
0x2c4: {  	_ =	swait.ge [sflag:s8], $0x3200  }
0x2c5: {  	[sflag:s8] =	ssyncset.done $0x0  }
0x2c6: {  	s0 =	rddreg [dreg:$0x10];
	[sflag:s8] =	ssyncadd.s32 $0xFFFFCE00  }
0x2c7: {  	[hbm4b:s0+s1] =	stream.linear.scatter [tilespmem:s4], [sflag:$0x3], $0x3200, $0x38;
	[tilespmem:$0x1B260] =	vst v63  }
0x2c8: {  	s13 =	rddreg [dreg:$0x11]  }
0x2c9: {  	[hbm4b:s13+s1] =	stream.linear.scatter [tilespmem:s5], [sflag:$0x3], $0x3200, $0x38;
	[tilespmem:$0x1B260] =	vst v63  }
0x2ca: {  	_ =	swait.ge [sflag:s6], $0x3200  }
0x2cb: {  	[sflag:s6] =	ssyncset.done $0x0  }
0x2cc: {  	[sflag:s6] =	ssyncadd.s32 $0xFFFFCE00  }
0x2cd: {  	_ =	swait.ge [sflag:s6], $0x3200  }
0x2ce: {  	s0 =	sld [smem:$0x7E1]  }
0x2cf: {  	[sflag:s6] =	ssyncset.done $0x0  }
0x2d0: {  	s13 =	sld [smem:$0x7E2];
	[sflag:s6] =	ssyncadd.s32 $0xFFFFCE00  }
0x2d1: {  	[tilespmem:s4], [sflag:$0x1] =	stream.indirect.gather [spmem:s2], $0x20, s0, s9, $0xb8;
	[tilespmem:$0x1B260] =	vst v63  }
0x2d2: {  	_ = 	snop  }
0x2d3: {  	[tilespmem:s5], [sflag:$0x1] =	stream.indirect.gather [spmem:s3], $0x20, s13, s9, $0xb8;
	[tilespmem:$0x1B260] =	vst v63  }
0x2d4: {  	_ =	swait.ge [sflag:s12], $0x3200  }
0x2d5: {  	[sflag:s12] =	ssyncset.done $0x0  }
0x2d6: {  	[sflag:s12] =	ssyncadd.s32 $0xFFFFCE00  }
0x2d7: {  	_ =	swait.ge [sflag:s12], $0x3200  }
0x2d8: {  	[sflag:s12] =	ssyncset.done $0x0  }
0x2d9: {  	s0 =	rddreg [dreg:$0x12];
	[sflag:s12] =	ssyncadd.s32 $0xFFFFCE00  }
0x2da: {  	[hbm4b:s0+s1] =	stream.linear.scatter [tilespmem:s10], [sflag:$0x4], $0x3200, $0x38;
	[tilespmem:$0x1B260] =	vst v63  }
0x2db: {  	s13 =	rddreg [dreg:$0x13]  }
0x2dc: {  	[hbm4b:s13+s1] =	stream.linear.scatter [tilespmem:s11], [sflag:$0x4], $0x3200, $0x38;
	[tilespmem:$0x1B260] =	vst v63  }
0x2dd: {  	_ =	swait.ge [sflag:s7], $0x3200  }
0x2de: {  	[sflag:s7] =	ssyncset.done $0x0  }
0x2df: {  	[sflag:s7] =	ssyncadd.s32 $0xFFFFCE00  }
0x2e0: {  	_ =	swait.ge [sflag:s7], $0x3200  }
0x2e1: {  	s0 =	sld [smem:$0x7E3]  }
0x2e2: {  	[sflag:s7] =	ssyncset.done $0x0  }
0x2e3: {  	s13 =	sld [smem:$0x7E4];
	[sflag:s7] =	ssyncadd.s32 $0xFFFFCE00  }
0x2e4: {  	[tilespmem:s10], [sflag:$0x2] =	stream.indirect.gather [spmem:s2], $0x20, s0, s9, $0xb8;
	[tilespmem:$0x1B260] =	vst v63  }
0x2e5: {  	_ = 	snop  }
0x2e6: {  	[tilespmem:s11], [sflag:$0x2] =	stream.indirect.gather [spmem:s3], $0x20, s13, s9, $0xb8;
	[tilespmem:$0x1B260] =	vst v63  }
0x2e7: {  	_ =	swait.ge [sflag:s8], $0x3200  }
0x2e8: {  	[sflag:s8] =	ssyncset.done $0x0  }
0x2e9: {  	[sflag:s8] =	ssyncadd.s32 $0xFFFFCE00  }
0x2ea: {  	_ =	swait.ge [sflag:s8], $0x3200  }
0x2eb: {  	[sflag:s8] =	ssyncset.done $0x0  }
0x2ec: {  	s0 =	rddreg [dreg:$0x14];
	[sflag:s8] =	ssyncadd.s32 $0xFFFFCE00  }
0x2ed: {  	[hbm4b:s0+s1] =	stream.linear.scatter [tilespmem:s4], [sflag:$0x3], $0x3200, $0x38;
	[tilespmem:$0x1B260] =	vst v63  }
0x2ee: {  	s13 =	rddreg [dreg:$0x15]  }
0x2ef: {  	[hbm4b:s13+s1] =	stream.linear.scatter [tilespmem:s5], [sflag:$0x3], $0x3200, $0x38;
	[tilespmem:$0x1B260] =	vst v63  }
0x2f0: {  	_ =	swait.ge [sflag:s6], $0x3200  }
0x2f1: {  	[sflag:s6] =	ssyncset.done $0x0  }
0x2f2: {  	[sflag:s6] =	ssyncadd.s32 $0xFFFFCE00  }
0x2f3: {  	_ =	swait.ge [sflag:s6], $0x3200  }
0x2f4: {  	s0 =	sld [smem:$0x7E5]  }
0x2f5: {  	[sflag:s6] =	ssyncset.done $0x0  }
0x2f6: {  	s13 =	sld [smem:$0x7E6];
	[sflag:s6] =	ssyncadd.s32 $0xFFFFCE00  }
0x2f7: {  	[tilespmem:s4], [sflag:$0x1] =	stream.indirect.gather [spmem:s2], $0x20, s0, s9, $0xb8;
	[tilespmem:$0x1B260] =	vst v63  }
0x2f8: {  	_ = 	snop  }
0x2f9: {  	[tilespmem:s5], [sflag:$0x1] =	stream.indirect.gather [spmem:s3], $0x20, s13, s9, $0xb8;
	[tilespmem:$0x1B260] =	vst v63  }
0x2fa: {  	_ =	swait.ge [sflag:s12], $0x3200  }
0x2fb: {  	[sflag:s12] =	ssyncset.done $0x0  }
0x2fc: {  	[sflag:s12] =	ssyncadd.s32 $0xFFFFCE00  }
0x2fd: {  	_ =	swait.ge [sflag:s12], $0x3200  }
0x2fe: {  	[sflag:s12] =	ssyncset.done $0x0  }
0x2ff: {  	s0 =	rddreg [dreg:$0x16];
	[sflag:s12] =	ssyncadd.s32 $0xFFFFCE00  }
0x300: {  	[hbm4b:s0+s1] =	stream.linear.scatter [tilespmem:s10], [sflag:$0x4], $0x3200, $0x38;
	[tilespmem:$0x1B260] =	vst v63  }
0x301: {  	s13 =	rddreg [dreg:$0x17]  }
0x302: {  	[hbm4b:s13+s1] =	stream.linear.scatter [tilespmem:s11], [sflag:$0x4], $0x3200, $0x38;
	[tilespmem:$0x1B260] =	vst v63  }
0x303: {  	_ =	swait.ge [sflag:s7], $0x3200  }
0x304: {  	[sflag:s7] =	ssyncset.done $0x0  }
0x305: {  	[sflag:s7] =	ssyncadd.s32 $0xFFFFCE00  }
0x306: {  	_ =	swait.ge [sflag:s7], $0x3200  }
0x307: {  	s0 =	sld [smem:$0x7E7]  }
0x308: {  	[sflag:s7] =	ssyncset.done $0x0  }
0x309: {  	s13 =	sld [smem:$0x7E8];
	[sflag:s7] =	ssyncadd.s32 $0xFFFFCE00  }
0x30a: {  	[tilespmem:s10], [sflag:$0x2] =	stream.indirect.gather [spmem:s2], $0x20, s0, s9, $0xb8;
	[tilespmem:$0x1B260] =	vst v63  }
0x30b: {  	_ = 	snop  }
0x30c: {  	[tilespmem:s11], [sflag:$0x2] =	stream.indirect.gather [spmem:s3], $0x20, s13, s9, $0xb8;
	[tilespmem:$0x1B260] =	vst v63  }
0x30d: {  	_ =	swait.ge [sflag:s8], $0x3200  }
0x30e: {  	[sflag:s8] =	ssyncset.done $0x0  }
0x30f: {  	[sflag:s8] =	ssyncadd.s32 $0xFFFFCE00  }
0x310: {  	_ =	swait.ge [sflag:s8], $0x3200  }
0x311: {  	[sflag:s8] =	ssyncset.done $0x0  }
0x312: {  	s0 =	rddreg [dreg:$0x18];
	[sflag:s8] =	ssyncadd.s32 $0xFFFFCE00  }
0x313: {  	[hbm4b:s0+s1] =	stream.linear.scatter [tilespmem:s4], [sflag:$0x3], $0x3200, $0x38;
	[tilespmem:$0x1B260] =	vst v63  }
0x314: {  	s13 =	rddreg [dreg:$0x19]  }
0x315: {  	[hbm4b:s13+s1] =	stream.linear.scatter [tilespmem:s5], [sflag:$0x3], $0x3200, $0x38;
	[tilespmem:$0x1B260] =	vst v63  }
0x316: {  	_ =	swait.ge [sflag:s6], $0x3200  }
0x317: {  	[sflag:s6] =	ssyncset.done $0x0  }
0x318: {  	[sflag:s6] =	ssyncadd.s32 $0xFFFFCE00  }
0x319: {  	_ =	swait.ge [sflag:s6], $0x3200  }
0x31a: {  	s0 =	sld [smem:$0x7E9]  }
0x31b: {  	[sflag:s6] =	ssyncset.done $0x0  }
0x31c: {  	s13 =	sld [smem:$0x7EA];
	[sflag:s6] =	ssyncadd.s32 $0xFFFFCE00  }
0x31d: {  	[tilespmem:s4], [sflag:$0x1] =	stream.indirect.gather [spmem:s2], $0x20, s0, s9, $0xb8;
	[tilespmem:$0x1B260] =	vst v63  }
0x31e: {  	_ = 	snop  }
0x31f: {  	[tilespmem:s5], [sflag:$0x1] =	stream.indirect.gather [spmem:s3], $0x20, s13, s9, $0xb8;
	[tilespmem:$0x1B260] =	vst v63  }
0x320: {  	_ =	swait.ge [sflag:s12], $0x3200  }
0x321: {  	[sflag:s12] =	ssyncset.done $0x0  }
0x322: {  	[sflag:s12] =	ssyncadd.s32 $0xFFFFCE00  }
0x323: {  	_ =	swait.ge [sflag:s12], $0x3200  }
0x324: {  	[sflag:s12] =	ssyncset.done $0x0  }
0x325: {  	s0 =	rddreg [dreg:$0x1a];
	[sflag:s12] =	ssyncadd.s32 $0xFFFFCE00  }
0x326: {  	[hbm4b:s0+s1] =	stream.linear.scatter [tilespmem:s10], [sflag:$0x4], $0x3200, $0x38;
	[tilespmem:$0x1B260] =	vst v63  }
0x327: {  	s13 =	rddreg [dreg:$0x1b]  }
0x328: {  	[hbm4b:s13+s1] =	stream.linear.scatter [tilespmem:s11], [sflag:$0x4], $0x3200, $0x38;
	[tilespmem:$0x1B260] =	vst v63  }
0x329: {  	_ =	swait.ge [sflag:s7], $0x3200  }
0x32a: {  	[sflag:s7] =	ssyncset.done $0x0  }
0x32b: {  	[sflag:s7] =	ssyncadd.s32 $0xFFFFCE00  }
0x32c: {  	_ =	swait.ge [sflag:s7], $0x3200  }
0x32d: {  	s0 =	sld [smem:$0x7EB]  }
0x32e: {  	[sflag:s7] =	ssyncset.done $0x0  }
0x32f: {  	s13 =	sld [smem:$0x7EC];
	[sflag:s7] =	ssyncadd.s32 $0xFFFFCE00  }
0x330: {  	[tilespmem:s10], [sflag:$0x2] =	stream.indirect.gather [spmem:s2], $0x20, s0, s9, $0xb8;
	[tilespmem:$0x1B260] =	vst v63  }
0x331: {  	_ = 	snop  }
0x332: {  	[tilespmem:s11], [sflag:$0x2] =	stream.indirect.gather [spmem:s3], $0x20, s13, s9, $0xb8;
	[tilespmem:$0x1B260] =	vst v63  }
0x333: {  	_ =	swait.ge [sflag:s8], $0x3200  }
0x334: {  	[sflag:s8] =	ssyncset.done $0x0  }
0x335: {  	[sflag:s8] =	ssyncadd.s32 $0xFFFFCE00  }
0x336: {  	_ =	swait.ge [sflag:s8], $0x3200  }
0x337: {  	[sflag:s8] =	ssyncset.done $0x0  }
0x338: {  	s0 =	rddreg [dreg:$0x1c];
	[sflag:s8] =	ssyncadd.s32 $0xFFFFCE00  }
0x339: {  	[hbm4b:s0+s1] =	stream.linear.scatter [tilespmem:s4], [sflag:$0x3], $0x3200, $0x38;
	[tilespmem:$0x1B260] =	vst v63  }
0x33a: {  	s13 =	rddreg [dreg:$0x1d]  }
0x33b: {  	[hbm4b:s13+s1] =	stream.linear.scatter [tilespmem:s5], [sflag:$0x3], $0x3200, $0x38;
	[tilespmem:$0x1B260] =	vst v63  }
0x33c: {  	_ =	swait.ge [sflag:s6], $0x3200  }
0x33d: {  	[sflag:s6] =	ssyncset.done $0x0  }
0x33e: {  	[sflag:s6] =	ssyncadd.s32 $0xFFFFCE00  }
0x33f: {  	_ =	swait.ge [sflag:s6], $0x3200  }
0x340: {  	s0 =	sld [smem:$0x7ED]  }
0x341: {  	[sflag:s6] =	ssyncset.done $0x0  }
0x342: {  	s13 =	sld [smem:$0x7EE];
	[sflag:s6] =	ssyncadd.s32 $0xFFFFCE00  }
0x343: {  	[tilespmem:s4], [sflag:$0x1] =	stream.indirect.gather [spmem:s2], $0x20, s0, s9, $0xb8;
	[tilespmem:$0x1B260] =	vst v63  }
0x344: {  	_ = 	snop  }
0x345: {  	[tilespmem:s5], [sflag:$0x1] =	stream.indirect.gather [spmem:s3], $0x20, s13, s9, $0xb8;
	[tilespmem:$0x1B260] =	vst v63  }
0x346: {  	_ =	swait.ge [sflag:s12], $0x3200  }
0x347: {  	[sflag:s12] =	ssyncset.done $0x0  }
0x348: {  	[sflag:s12] =	ssyncadd.s32 $0xFFFFCE00  }
0x349: {  	_ =	swait.ge [sflag:s12], $0x3200  }
0x34a: {  	[sflag:s12] =	ssyncset.done $0x0  }
0x34b: {  	s0 =	rddreg [dreg:$0x1e];
	[sflag:s12] =	ssyncadd.s32 $0xFFFFCE00  }
0x34c: {  	[hbm4b:s0+s1] =	stream.linear.scatter [tilespmem:s10], [sflag:$0x4], $0x3200, $0x38;
	[tilespmem:$0x1B260] =	vst v63  }
0x34d: {  	s13 =	rddreg [dreg:$0x1f]  }
0x34e: {  	[hbm4b:s13+s1] =	stream.linear.scatter [tilespmem:s11], [sflag:$0x4], $0x3200, $0x38;
	[tilespmem:$0x1B260] =	vst v63  }
0x34f: {  	_ =	swait.ge [sflag:s7], $0x3200  }
0x350: {  	[sflag:s7] =	ssyncset.done $0x0  }
0x351: {  	[sflag:s7] =	ssyncadd.s32 $0xFFFFCE00  }
0x352: {  	_ =	swait.ge [sflag:s7], $0x3200  }
0x353: {  	s0 =	sld [smem:$0x7EF]  }
0x354: {  	[sflag:s7] =	ssyncset.done $0x0  }
0x355: {  	s13 =	sld [smem:$0x7F0];
	[sflag:s7] =	ssyncadd.s32 $0xFFFFCE00  }
0x356: {  	[tilespmem:s10], [sflag:$0x2] =	stream.indirect.gather [spmem:s2], $0x20, s0, s9, $0xb8;
	[tilespmem:$0x1B260] =	vst v63  }
0x357: {  	_ = 	snop  }
0x358: {  	[tilespmem:s11], [sflag:$0x2] =	stream.indirect.gather [spmem:s3], $0x20, s13, s9, $0xb8;
	[tilespmem:$0x1B260] =	vst v63  }
0x359: {  	_ =	swait.ge [sflag:s8], $0x3200  }
0x35a: {  	[sflag:s8] =	ssyncset.done $0x0  }
0x35b: {  	[sflag:s8] =	ssyncadd.s32 $0xFFFFCE00  }
0x35c: {  	_ =	swait.ge [sflag:s8], $0x3200  }
0x35d: {  	s0 =	sld [smem:$0x7BD]  }
0x35e: {  	[sflag:s8] =	ssyncset.done $0x0  }
0x35f: {  	s13 =	sld [smem:$0x7BE];
	[sflag:s8] =	ssyncadd.s32 $0xFFFFCE00  }
0x360: {  	[hbm4b:s0+s1] =	stream.linear.scatter [tilespmem:s4], [sflag:$0x3], $0x3200, $0x38;
	[tilespmem:$0x1B260] =	vst v63  }
0x361: {  	_ = 	snop  }
0x362: {  	[hbm4b:s13+s1] =	stream.linear.scatter [tilespmem:s5], [sflag:$0x3], $0x3200, $0x38;
	[tilespmem:$0x1B260] =	vst v63  }
0x363: {  	_ =	swait.ge [sflag:s6], $0x3200  }
0x364: {  	[sflag:s6] =	ssyncset.done $0x0  }
0x365: {  	[sflag:s6] =	ssyncadd.s32 $0xFFFFCE00  }
0x366: {  	_ =	swait.ge [sflag:s6], $0x3200  }
0x367: {  	s0 =	sld [smem:$0x7F1]  }
0x368: {  	[sflag:s6] =	ssyncset.done $0x0  }
0x369: {  	s13 =	sld [smem:$0x7F2];
	[sflag:s6] =	ssyncadd.s32 $0xFFFFCE00  }
0x36a: {  	[tilespmem:s4], [sflag:$0x1] =	stream.indirect.gather [spmem:s2], $0x20, s0, s9, $0xb8;
	[tilespmem:$0x1B260] =	vst v63  }
0x36b: {  	_ = 	snop  }
0x36c: {  	[tilespmem:s5], [sflag:$0x1] =	stream.indirect.gather [spmem:s3], $0x20, s13, s9, $0xb8;
	[tilespmem:$0x1B260] =	vst v63  }
0x36d: {  	_ =	swait.ge [sflag:s12], $0x3200  }
0x36e: {  	[sflag:s12] =	ssyncset.done $0x0  }
0x36f: {  	[sflag:s12] =	ssyncadd.s32 $0xFFFFCE00  }
0x370: {  	_ =	swait.ge [sflag:s12], $0x3200  }
0x371: {  	s0 =	sld [smem:$0x7BF]  }
0x372: {  	[sflag:s12] =	ssyncset.done $0x0  }
0x373: {  	s13 =	sld [smem:$0x7C0];
	[sflag:s12] =	ssyncadd.s32 $0xFFFFCE00  }
0x374: {  	[hbm4b:s0+s1] =	stream.linear.scatter [tilespmem:s10], [sflag:$0x4], $0x3200, $0x38;
	[tilespmem:$0x1B260] =	vst v63  }
0x375: {  	_ = 	snop  }
0x376: {  	[hbm4b:s13+s1] =	stream.linear.scatter [tilespmem:s11], [sflag:$0x4], $0x3200, $0x38;
	[tilespmem:$0x1B260] =	vst v63  }
0x377: {  	_ =	swait.ge [sflag:s7], $0x3200  }
0x378: {  	[sflag:s7] =	ssyncset.done $0x0  }
0x379: {  	[sflag:s7] =	ssyncadd.s32 $0xFFFFCE00  }
0x37a: {  	_ =	swait.ge [sflag:s7], $0x3200  }
0x37b: {  	s0 =	sld [smem:$0x7F3]  }
0x37c: {  	[sflag:s7] =	ssyncset.done $0x0  }
0x37d: {  	s13 =	sld [smem:$0x7F4];
	[sflag:s7] =	ssyncadd.s32 $0xFFFFCE00  }
0x37e: {  	[tilespmem:s10], [sflag:$0x2] =	stream.indirect.gather [spmem:s2], $0x20, s0, s9, $0xb8;
	[tilespmem:$0x1B260] =	vst v63  }
0x37f: {  	_ = 	snop  }
0x380: {  	[tilespmem:s11], [sflag:$0x2] =	stream.indirect.gather [spmem:s3], $0x20, s13, s9, $0xb8;
	[tilespmem:$0x1B260] =	vst v63  }
0x381: {  	_ =	swait.ge [sflag:s8], $0x3200  }
0x382: {  	[sflag:s8] =	ssyncset.done $0x0  }
0x383: {  	[sflag:s8] =	ssyncadd.s32 $0xFFFFCE00  }
0x384: {  	_ =	swait.ge [sflag:s8], $0x3200  }
0x385: {  	s0 =	sld [smem:$0x7C1]  }
0x386: {  	[sflag:s8] =	ssyncset.done $0x0  }
0x387: {  	s13 =	sld [smem:$0x7C2];
	[sflag:s8] =	ssyncadd.s32 $0xFFFFCE00  }
0x388: {  	[hbm4b:s0+s1] =	stream.linear.scatter [tilespmem:s4], [sflag:$0x3], $0x3200, $0x38;
	[tilespmem:$0x1B260] =	vst v63  }
0x389: {  	_ = 	snop  }
0x38a: {  	[hbm4b:s13+s1] =	stream.linear.scatter [tilespmem:s5], [sflag:$0x3], $0x3200, $0x38;
	[tilespmem:$0x1B260] =	vst v63  }
0x38b: {  	_ =	swait.ge [sflag:s6], $0x3200  }
0x38c: {  	[sflag:s6] =	ssyncset.done $0x0  }
0x38d: {  	[sflag:s6] =	ssyncadd.s32 $0xFFFFCE00  }
0x38e: {  	_ =	swait.ge [sflag:s6], $0x3200  }
0x38f: {  	s0 =	sld [smem:$0x7F5]  }
0x390: {  	[sflag:s6] =	ssyncset.done $0x0  }
0x391: {  	s13 =	sld [smem:$0x7F6];
	[sflag:s6] =	ssyncadd.s32 $0xFFFFCE00  }
0x392: {  	[tilespmem:s4], [sflag:$0x1] =	stream.indirect.gather [spmem:s2], $0x20, s0, s9, $0xb8;
	[tilespmem:$0x1B260] =	vst v63  }
0x393: {  	_ = 	snop  }
0x394: {  	[tilespmem:s5], [sflag:$0x1] =	stream.indirect.gather [spmem:s3], $0x20, s13, s9, $0xb8;
	[tilespmem:$0x1B260] =	vst v63  }
0x395: {  	_ =	swait.ge [sflag:s12], $0x3200  }
0x396: {  	[sflag:s12] =	ssyncset.done $0x0  }
0x397: {  	[sflag:s12] =	ssyncadd.s32 $0xFFFFCE00  }
0x398: {  	_ =	swait.ge [sflag:s12], $0x3200  }
0x399: {  	s0 =	sld [smem:$0x7C3]  }
0x39a: {  	[sflag:s12] =	ssyncset.done $0x0  }
0x39b: {  	s13 =	sld [smem:$0x7C4];
	[sflag:s12] =	ssyncadd.s32 $0xFFFFCE00  }
0x39c: {  	[hbm4b:s0+s1] =	stream.linear.scatter [tilespmem:s10], [sflag:$0x4], $0x3200, $0x38;
	[tilespmem:$0x1B260] =	vst v63  }
0x39d: {  	_ = 	snop  }
0x39e: {  	[hbm4b:s13+s1] =	stream.linear.scatter [tilespmem:s11], [sflag:$0x4], $0x3200, $0x38;
	[tilespmem:$0x1B260] =	vst v63  }
0x39f: {  	_ =	swait.ge [sflag:s7], $0x3200  }
0x3a0: {  	[sflag:s7] =	ssyncset.done $0x0  }
0x3a1: {  	[sflag:s7] =	ssyncadd.s32 $0xFFFFCE00  }
0x3a2: {  	_ =	swait.ge [sflag:s7], $0x3200  }
0x3a3: {  	s0 =	sld [smem:$0x7F7]  }
0x3a4: {  	[sflag:s7] =	ssyncset.done $0x0  }
0x3a5: {  	s13 =	sld [smem:$0x7F8];
	[sflag:s7] =	ssyncadd.s32 $0xFFFFCE00  }
0x3a6: {  	[tilespmem:s10], [sflag:$0x2] =	stream.indirect.gather [spmem:s2], $0x20, s0, s9, $0xb8;
	[tilespmem:$0x1B260] =	vst v63  }
0x3a7: {  	_ = 	snop  }
0x3a8: {  	[tilespmem:s11], [sflag:$0x2] =	stream.indirect.gather [spmem:s3], $0x20, s13, s9, $0xb8;
	[tilespmem:$0x1B260] =	vst v63  }
0x3a9: {  	_ =	swait.ge [sflag:s8], $0x3200  }
0x3aa: {  	[sflag:s8] =	ssyncset.done $0x0  }
0x3ab: {  	[sflag:s8] =	ssyncadd.s32 $0xFFFFCE00  }
0x3ac: {  	_ =	swait.ge [sflag:s8], $0x3200  }
0x3ad: {  	s0 =	sld [smem:$0x7C5]  }
0x3ae: {  	[sflag:s8] =	ssyncset.done $0x0  }
0x3af: {  	s13 =	sld [smem:$0x7C6];
	[sflag:s8] =	ssyncadd.s32 $0xFFFFCE00  }
0x3b0: {  	[hbm4b:s0+s1] =	stream.linear.scatter [tilespmem:s4], [sflag:$0x3], $0x3200, $0x38;
	[tilespmem:$0x1B260] =	vst v63  }
0x3b1: {  	_ = 	snop  }
0x3b2: {  	[hbm4b:s13+s1] =	stream.linear.scatter [tilespmem:s5], [sflag:$0x3], $0x3200, $0x38;
	[tilespmem:$0x1B260] =	vst v63  }
0x3b3: {  	_ =	swait.ge [sflag:s6], $0x3200  }
0x3b4: {  	[sflag:s6] =	ssyncset.done $0x0  }
0x3b5: {  	[sflag:s6] =	ssyncadd.s32 $0xFFFFCE00  }
0x3b6: {  	_ =	swait.ge [sflag:s6], $0x3200  }
0x3b7: {  	s0 =	sld [smem:$0x7F9]  }
0x3b8: {  	[sflag:s6] =	ssyncset.done $0x0  }
0x3b9: {  	s13 =	sld [smem:$0x7FA];
	[sflag:s6] =	ssyncadd.s32 $0xFFFFCE00  }
0x3ba: {  	[tilespmem:s4], [sflag:$0x1] =	stream.indirect.gather [spmem:s2], $0x20, s0, s9, $0xb8;
	[tilespmem:$0x1B260] =	vst v63  }
0x3bb: {  	_ = 	snop  }
0x3bc: {  	[tilespmem:s5], [sflag:$0x1] =	stream.indirect.gather [spmem:s3], $0x20, s13, s9, $0xb8;
	[tilespmem:$0x1B260] =	vst v63  }
0x3bd: {  	_ =	swait.ge [sflag:s12], $0x3200  }
0x3be: {  	[sflag:s12] =	ssyncset.done $0x0  }
0x3bf: {  	[sflag:s12] =	ssyncadd.s32 $0xFFFFCE00  }
0x3c0: {  	_ =	swait.ge [sflag:s12], $0x3200  }
0x3c1: {  	s0 =	sld [smem:$0x7C7]  }
0x3c2: {  	[sflag:s12] =	ssyncset.done $0x0  }
0x3c3: {  	s13 =	sld [smem:$0x7C8];
	[sflag:s12] =	ssyncadd.s32 $0xFFFFCE00  }
0x3c4: {  	[hbm4b:s0+s1] =	stream.linear.scatter [tilespmem:s10], [sflag:$0x4], $0x3200, $0x38;
	[tilespmem:$0x1B260] =	vst v63  }
0x3c5: {  	_ = 	snop  }
0x3c6: {  	[hbm4b:s13+s1] =	stream.linear.scatter [tilespmem:s11], [sflag:$0x4], $0x3200, $0x38;
	[tilespmem:$0x1B260] =	vst v63  }
0x3c7: {  	_ =	swait.ge [sflag:s7], $0x3200  }
0x3c8: {  	[sflag:s7] =	ssyncset.done $0x0  }
0x3c9: {  	[sflag:s7] =	ssyncadd.s32 $0xFFFFCE00  }
0x3ca: {  	_ =	swait.ge [sflag:s7], $0x3200  }
0x3cb: {  	s0 =	sld [smem:$0x7FB]  }
0x3cc: {  	[sflag:s7] =	ssyncset.done $0x0  }
0x3cd: {  	s13 =	sld [smem:$0x7FC];
	[sflag:s7] =	ssyncadd.s32 $0xFFFFCE00  }
0x3ce: {  	[tilespmem:s10], [sflag:$0x2] =	stream.indirect.gather [spmem:s2], $0x20, s0, s9, $0xb8;
	[tilespmem:$0x1B260] =	vst v63  }
0x3cf: {  	_ = 	snop  }
0x3d0: {  	[tilespmem:s11], [sflag:$0x2] =	stream.indirect.gather [spmem:s3], $0x20, s13, s9, $0xb8;
	[tilespmem:$0x1B260] =	vst v63  }
0x3d1: {  	_ =	swait.ge [sflag:s8], $0x3200  }
0x3d2: {  	[sflag:s8] =	ssyncset.done $0x0  }
0x3d3: {  	[sflag:s8] =	ssyncadd.s32 $0xFFFFCE00  }
0x3d4: {  	_ =	swait.ge [sflag:s8], $0x3200  }
0x3d5: {  	s0 =	sld [smem:$0x7C9]  }
0x3d6: {  	[sflag:s8] =	ssyncset.done $0x0  }
0x3d7: {  	s13 =	sld [smem:$0x7CA];
	[sflag:s8] =	ssyncadd.s32 $0xFFFFCE00  }
0x3d8: {  	[hbm4b:s0+s1] =	stream.linear.scatter [tilespmem:s4], [sflag:$0x3], $0x3200, $0x38;
	[tilespmem:$0x1B260] =	vst v63  }
0x3d9: {  	_ = 	snop  }
0x3da: {  	[hbm4b:s13+s1] =	stream.linear.scatter [tilespmem:s5], [sflag:$0x3], $0x3200, $0x38;
	[tilespmem:$0x1B260] =	vst v63  }
0x3db: {  	_ =	swait.ge [sflag:s6], $0x3200  }
0x3dc: {  	[sflag:s6] =	ssyncset.done $0x0  }
0x3dd: {  	[sflag:s6] =	ssyncadd.s32 $0xFFFFCE00  }
0x3de: {  	_ =	swait.ge [sflag:s6], $0x3200  }
0x3df: {  	s13 =	sld [smem:$0x7FD]  }
0x3e0: {  	[sflag:s6] =	ssyncset.done $0x0  }
0x3e1: {  	[sflag:s6] =	ssyncadd.s32 $0xFFFFCE00  }
0x3e2: {  	[tilespmem:s4], [sflag:$0x1] =	stream.indirect.gather [spmem:s2], $0x20, s13, s9, $0xb8;
	[tilespmem:$0x1B260] =	vst v63  }
0x3e3: {  	_ = 	snop  }
0x3e4: {  	[tilespmem:s5], [sflag:$0x1] =	stream.indirect.gather [spmem:s3], $0x20, s15, s9, $0xb8;
	[tilespmem:$0x1B260] =	vst v63  }
0x3e5: {  	_ =	swait.ge [sflag:s12], $0x3200  }
0x3e6: {  	[sflag:s12] =	ssyncset.done $0x0  }
0x3e7: {  	[sflag:s12] =	ssyncadd.s32 $0xFFFFCE00  }
0x3e8: {  	_ =	swait.ge [sflag:s12], $0x3200  }
0x3e9: {  	s0 =	sld [smem:$0x7CB]  }
0x3ea: {  	[sflag:s12] =	ssyncset.done $0x0  }
0x3eb: {  	s13 =	sld [smem:$0x7CC];
	[sflag:s12] =	ssyncadd.s32 $0xFFFFCE00  }
0x3ec: {  	[hbm4b:s0+s1] =	stream.linear.scatter [tilespmem:s10], [sflag:$0x4], $0x3200, $0x38;
	[tilespmem:$0x1B260] =	vst v63  }
0x3ed: {  	_ = 	snop  }
0x3ee: {  	[hbm4b:s13+s1] =	stream.linear.scatter [tilespmem:s11], [sflag:$0x4], $0x3200, $0x38;
	[tilespmem:$0x1B260] =	vst v63  }
0x3ef: {  	_ =	swait.ge [sflag:s7], $0x3200  }
0x3f0: {  	[sflag:s7] =	ssyncset.done $0x0  }
0x3f1: {  	[sflag:s7] =	ssyncadd.s32 $0xFFFFCE00  }
0x3f2: {  	_ =	swait.ge [sflag:s7], $0x3200  }
0x3f3: {  	[sflag:s7] =	ssyncset.done $0x0  }
0x3f4: {  	[sflag:s7] =	ssyncadd.s32 $0xFFFFCE00  }
0x3f5: {  	[tilespmem:s10], [sflag:$0x2] =	stream.indirect.gather [spmem:s2], $0x20, s20, s9, $0xb8;
	[tilespmem:$0x1B260] =	vst v63  }
0x3f6: {  	_ = 	snop  }
0x3f7: {  	[tilespmem:s11], [sflag:$0x2] =	stream.indirect.gather [spmem:s3], $0x20, s21, s9, $0xb8;
	[tilespmem:$0x1B260] =	vst v63  }
0x3f8: {  	_ =	swait.ge [sflag:s8], $0x3200  }
0x3f9: {  	[sflag:s8] =	ssyncset.done $0x0  }
0x3fa: {  	[sflag:s8] =	ssyncadd.s32 $0xFFFFCE00  }
0x3fb: {  	_ =	swait.ge [sflag:s8], $0x3200  }
0x3fc: {  	s0 =	sld [smem:$0x7CD]  }
0x3fd: {  	[sflag:s8] =	ssyncset.done $0x0  }
0x3fe: {  	s13 =	sld [smem:$0x7CE];
	[sflag:s8] =	ssyncadd.s32 $0xFFFFCE00  }
0x3ff: {  	[hbm4b:s0+s1] =	stream.linear.scatter [tilespmem:s4], [sflag:$0x3], $0x3200, $0x38;
	[tilespmem:$0x1B260] =	vst v63  }
0x400: {  	_ = 	snop  }
0x401: {  	[hbm4b:s13+s1] =	stream.linear.scatter [tilespmem:s5], [sflag:$0x3], $0x3200, $0x38;
	[tilespmem:$0x1B260] =	vst v63  }
0x402: {  	_ =	swait.ge [sflag:s6], $0x3200  }
0x403: {  	[sflag:s6] =	ssyncset.done $0x0  }
0x404: {  	[sflag:s6] =	ssyncadd.s32 $0xFFFFCE00  }
0x405: {  	_ =	swait.ge [sflag:s6], $0x3200  }
0x406: {  	[sflag:s6] =	ssyncset.done $0x0  }
0x407: {  	[sflag:s6] =	ssyncadd.s32 $0xFFFFCE00  }
0x408: {  	[tilespmem:s4], [sflag:$0x1] =	stream.indirect.gather [spmem:s2], $0x20, s18, s9, $0xb8;
	[tilespmem:$0x1B260] =	vst v63  }
0x409: {  	_ = 	snop  }
0x40a: {  	[tilespmem:s5], [sflag:$0x1] =	stream.indirect.gather [spmem:s3], $0x20, s19, s9, $0xb8;
	[tilespmem:$0x1B260] =	vst v63  }
0x40b: {  	_ =	swait.ge [sflag:s12], $0x3200  }
0x40c: {  	[sflag:s12] =	ssyncset.done $0x0  }
0x40d: {  	[sflag:s12] =	ssyncadd.s32 $0xFFFFCE00  }
0x40e: {  	_ =	swait.ge [sflag:s12], $0x3200  }
0x40f: {  	s0 =	sld [smem:$0x7CF]  }
0x410: {  	[sflag:s12] =	ssyncset.done $0x0  }
0x411: {  	s13 =	sld [smem:$0x7D0];
	[sflag:s12] =	ssyncadd.s32 $0xFFFFCE00  }
0x412: {  	[hbm4b:s0+s1] =	stream.linear.scatter [tilespmem:s10], [sflag:$0x4], $0x3200, $0x38;
	[tilespmem:$0x1B260] =	vst v63  }
0x413: {  	_ = 	snop  }
0x414: {  	[hbm4b:s13+s1] =	stream.linear.scatter [tilespmem:s11], [sflag:$0x4], $0x3200, $0x38;
	[tilespmem:$0x1B260] =	vst v63  }
0x415: {  	_ =	swait.ge [sflag:s7], $0x3200  }
0x416: {  	[sflag:s7] =	ssyncset.done $0x0  }
0x417: {  	[sflag:s7] =	ssyncadd.s32 $0xFFFFCE00  }
0x418: {  	_ =	swait.ge [sflag:s7], $0x3200  }
0x419: {  	[sflag:s7] =	ssyncset.done $0x0  }
0x41a: {  	[sflag:s7] =	ssyncadd.s32 $0xFFFFCE00  }
0x41b: {  	[tilespmem:s10], [sflag:$0x2] =	stream.indirect.gather [spmem:s2], $0x20, s16, s9, $0xb8;
	[tilespmem:$0x1B260] =	vst v63  }
0x41c: {  	_ = 	snop  }
0x41d: {  	[tilespmem:s11], [sflag:$0x2] =	stream.indirect.gather [spmem:s3], $0x20, s17, s9, $0xb8;
	[tilespmem:$0x1B260] =	vst v63  }
0x41e: {  	_ =	swait.ge [sflag:s8], $0x3200  }
0x41f: {  	[sflag:s8] =	ssyncset.done $0x0  }
0x420: {  	[sflag:s8] =	ssyncadd.s32 $0xFFFFCE00  }
0x421: {  	_ =	swait.ge [sflag:s8], $0x3200  }
0x422: {  	s0 =	sld [smem:$0x7D1]  }
0x423: {  	[sflag:s8] =	ssyncset.done $0x0  }
0x424: {  	s13 =	sld [smem:$0x7D2];
	[sflag:s8] =	ssyncadd.s32 $0xFFFFCE00  }
0x425: {  	[hbm4b:s0+s1] =	stream.linear.scatter [tilespmem:s4], [sflag:$0x3], $0x3200, $0x38;
	[tilespmem:$0x1B260] =	vst v63  }
0x426: {  	_ = 	snop  }
0x427: {  	[hbm4b:s13+s1] =	stream.linear.scatter [tilespmem:s5], [sflag:$0x3], $0x3200, $0x38;
	[tilespmem:$0x1B260] =	vst v63  }
0x428: {  	_ =	swait.ge [sflag:s6], $0x3200  }
0x429: {  	[sflag:s6] =	ssyncset.done $0x0  }
0x42a: {  	[sflag:s6] =	ssyncadd.s32 $0xFFFFCE00  }
0x42b: {  	_ =	swait.ge [sflag:s6], $0x3200  }
0x42c: {  	[sflag:s6] =	ssyncset.done $0x0  }
0x42d: {  	[sflag:s6] =	ssyncadd.s32 $0xFFFFCE00  }
0x42e: {  	[tilespmem:s4], [sflag:$0x1] =	stream.indirect.gather [spmem:s2], $0x20, s14, s9, $0xb8;
	[tilespmem:$0x1B260] =	vst v63  }
0x42f: {  	s13 =	simm.s32 $0xE8D0  }
0x430: {  	[tilespmem:s5], [sflag:$0x1] =	stream.indirect.gather [spmem:s3], $0x20, s13, s9, $0xb8;
	[tilespmem:$0x1B260] =	vst v63  }
0x431: {  	_ =	swait.ge [sflag:s12], $0x3200  }
0x432: {  	[sflag:s12] =	ssyncset.done $0x0  }
0x433: {  	[sflag:s12] =	ssyncadd.s32 $0xFFFFCE00  }
0x434: {  	_ =	swait.ge [sflag:s12], $0x3200  }
0x435: {  	s0 =	sld [smem:$0x7D3]  }
0x436: {  	[sflag:s12] =	ssyncset.done $0x0  }
0x437: {  	s13 =	sld [smem:$0x7D4];
	[sflag:s12] =	ssyncadd.s32 $0xFFFFCE00  }
0x438: {  	[hbm4b:s0+s1] =	stream.linear.scatter [tilespmem:s10], [sflag:$0x4], $0x3200, $0x38;
	[tilespmem:$0x1B260] =	vst v63  }
0x439: {  	_ = 	snop  }
0x43a: {  	[hbm4b:s13+s1] =	stream.linear.scatter [tilespmem:s11], [sflag:$0x4], $0x3200, $0x38;
	[tilespmem:$0x1B260] =	vst v63  }
0x43b: {  	_ =	swait.ge [sflag:s8], $0x3200  }
0x43c: {  	[sflag:s8] =	ssyncset.done $0x0  }
0x43d: {  	[sflag:s8] =	ssyncadd.s32 $0xFFFFCE00  }
0x43e: {  	_ =	swait.ge [sflag:s8], $0x3200  }
0x43f: {  	s0 =	sld [smem:$0x7D5]  }
0x440: {  	[sflag:s8] =	ssyncset.done $0x0  }
0x441: {  	s13 =	sld [smem:$0x7D6];
	[sflag:s8] =	ssyncadd.s32 $0xFFFFCE00  }
0x442: {  	[hbm4b:s0+s1] =	stream.linear.scatter [tilespmem:s4], [sflag:$0x3], $0x3200, $0x38;
	[tilespmem:$0x1B260] =	vst v63  }
0x443: {  	_ = 	snop  }
0x444: {  	[hbm4b:s13+s1] =	stream.linear.scatter [tilespmem:s5], [sflag:$0x3], $0x3200, $0x38;
	[tilespmem:$0x1B260] =	vst v63  }
0x445: {  	_ =	swait.ge [sflag:s7], $0x3200  }
0x446: {  	[sflag:s7] =	ssyncset.done $0x0  }
0x447: {  	[sflag:s7] =	ssyncadd.s32 $0xFFFFCE00  }
0x448: {  	_ =	swait.ge [sflag:s7], $0x3200  }
0x449: {  	s31 =	sadd.s32 $0xFFFFFFFF, s31;
	[sflag:s7] =	ssyncset.done $0x0  }
0x44a: {  	p2 =	sne.s32 s31, $0x0;
	[sflag:s7] =	ssyncadd.s32 $0xFFFFCE00  }
.Ltmp2:
0x44b: {  	_ =	swait.ge [sflag:s6], $0x3200;
	(pc) =	sbr.rel @p2 .LBB2_4-.Ltmp2, $4  }
0x44c: {  	[sflag:s6] =	ssyncset.done $0x0  }
0x44d: {  	[sflag:s6] =	ssyncadd.s32 $0xFFFFCE00  }
0x44e: {  	_ =	swait.ge [sflag:s6], $0x3200  }
0x44f: {  	s0 =	rddreg [dreg:$0x5];
	[sflag:s6] =	ssyncset.done $0x0  }
0x450: {  	s30 =	simm.s32 $0xE290  }
0x451: {  	s21 =	simm.s32 $0xE420;
	s20 =	simm.s32 $0xBD10;
	s19 =	simm.s32 $0xE5B0  }
0x452: {  	s18 =	simm.s32 $0xBEA0;
	s17 =	simm.s32 $0xE740;
	s16 =	simm.s32 $0xC030  }
0x453: {  	s15 =	simm.s32 $0xE8D0;
	s14 =	simm.s32 $0xC1C0;
	s29 =	rddreg [dreg:$0x4]  }
.LBB2_6:
0x454: {  	[sflag:s6] =	ssyncadd.s32 @p1 $0xFFFFCE00;
	s13 =	simm.s32 @!p0 $0x1C05  }
0x455: {  	[spmem:s28], [sflag:s13] =	dma.local @!p0 [hbm:s0], $0x9C40  }
0x456: {  	s0 =	simm.s32 @!p0 $0x5  }
0x457: {  	_ =	swait.ge @!p0 [sflag:s0], $0x9C40  }
0x458: {  	[sflag:s0] =	ssyncset.done @!p0 $0x0  }
0x459: {  	s28 =	rddreg [dreg:$0x6];
	[sflag:s0] =	ssyncadd.s32 @!p0 $0xFFFF63C0  }
0x45a: {  	[spmem:s26], [sflag:s13] =	dma.local @!p0 [hbm:s28], $0x9C40  }
0x45b: {  	_ =	swait.ge @!p0 [sflag:s0], $0x9C40  }
0x45c: {  	[sflag:s0] =	ssyncset.done @!p0 $0x0  }
0x45d: {  	[sflag:s0] =	ssyncadd.s32 @!p0 $0xFFFF63C0  }
0x45e: {  	[tilespmem:s23], [sflag:$0x5] =	stream.linear.gather [hbm4b:s22+s1], $0x2710, $0x38;
	[tilespmem:$0x1B260] =	vst v63  }
0x45f: {  	_ =	swait.ge [sflag:s25], $0x2710  }
0x460: {  	[sflag:s25] =	ssyncset.done $0x0  }
0x461: {  	s22 =	rddreg [dreg:$0x7];
	[sflag:s25] =	ssyncadd.s32 $0xFFFFD8F0  }
0x462: {  	[tilespmem:s24], [sflag:$0x5] =	stream.linear.gather [hbm4b:s22+s1], $0x2710, $0x38;
	[tilespmem:$0x1B260] =	vst v63  }
0x463: {  	_ =	swait.ge [sflag:s25], $0x2710  }
0x464: {  	[sflag:s25] =	ssyncset.done $0x0  }
0x465: {  	[sflag:s25] =	ssyncadd.s32 $0xFFFFD8F0  }
0x466: {  	[bflag:$0x0] =	sbarrier.arrive $0xFFFF  }
0x467: {  	[tilespmem:s4], [sflag:$0x1] =	stream.indirect.gather [spmem:s2], $0x20, s23, s9, $0xb8;
	[tilespmem:$0x1B260] =	vst v63  }
0x468: {  	s23 =	sld [smem:$0x7D7]  }
0x469: {  	[tilespmem:s5], [sflag:$0x1] =	stream.indirect.gather [spmem:s3], $0x20, s24, s9, $0xb8;
	[tilespmem:$0x1B260] =	vst v63  }
0x46a: {  	s24 =	sld [smem:$0x7D8]  }
0x46b: {  	[tilespmem:s10], [sflag:$0x2] =	stream.indirect.gather [spmem:s2], $0x20, s23, s9, $0xb8;
	[tilespmem:$0x1B260] =	vst v63  }
0x46c: {  	_ = 	snop  }
0x46d: {  	[tilespmem:s11], [sflag:$0x2] =	stream.indirect.gather [spmem:s3], $0x20, s24, s9, $0xb8;
	[tilespmem:$0x1B260] =	vst v63  }
0x46e: {  	_ =	swait.ge [sflag:s8], $0x3200  }
0x46f: {  	[sflag:s8] =	ssyncset.done $0x0  }
0x470: {  	[sflag:s8] =	ssyncadd.s32 $0xFFFFCE00  }
0x471: {  	_ =	swait.ge [sflag:s8], $0x3200  }
0x472: {  	[sflag:s8] =	ssyncset.done $0x0  }
0x473: {  	s25 =	rddreg [dreg:$0x8];
	[sflag:s8] =	ssyncadd.s32 $0xFFFFCE00  }
0x474: {  	[hbm4b:s25+s1] =	stream.linear.scatter [tilespmem:s4], [sflag:$0x3], $0x3200, $0x38;
	[tilespmem:$0x1B260] =	vst v63  }
0x475: {  	s26 =	rddreg [dreg:$0x9]  }
0x476: {  	[hbm4b:s26+s1] =	stream.linear.scatter [tilespmem:s5], [sflag:$0x3], $0x3200, $0x38;
	[tilespmem:$0x1B260] =	vst v63  }
0x477: {  	_ =	swait.ge [sflag:s6], $0x3200  }
0x478: {  	[sflag:s6] =	ssyncset.done $0x0  }
0x479: {  	[sflag:s6] =	ssyncadd.s32 $0xFFFFCE00  }
0x47a: {  	_ =	swait.ge [sflag:s6], $0x3200  }
0x47b: {  	s28 =	sld [smem:$0x7D9]  }
0x47c: {  	[sflag:s6] =	ssyncset.done $0x0  }
0x47d: {  	s31 =	sld [smem:$0x7DA];
	[sflag:s6] =	ssyncadd.s32 $0xFFFFCE00  }
0x47e: {  	[tilespmem:s4], [sflag:$0x1] =	stream.indirect.gather [spmem:s2], $0x20, s28, s9, $0xb8;
	[tilespmem:$0x1B260] =	vst v63  }
0x47f: {  	_ = 	snop  }
0x480: {  	[tilespmem:s5], [sflag:$0x1] =	stream.indirect.gather [spmem:s3], $0x20, s31, s9, $0xb8;
	[tilespmem:$0x1B260] =	vst v63  }
0x481: {  	_ =	swait.ge [sflag:s12], $0x3200  }
0x482: {  	[sflag:s12] =	ssyncset.done $0x0  }
0x483: {  	[sflag:s12] =	ssyncadd.s32 $0xFFFFCE00  }
0x484: {  	_ =	swait.ge [sflag:s12], $0x3200  }
0x485: {  	[sflag:s12] =	ssyncset.done $0x0  }
0x486: {  	s13 =	rddreg [dreg:$0xa];
	[sflag:s12] =	ssyncadd.s32 $0xFFFFCE00  }
0x487: {  	[hbm4b:s13+s1] =	stream.linear.scatter [tilespmem:s10], [sflag:$0x4], $0x3200, $0x38;
	[tilespmem:$0x1B260] =	vst v63  }
0x488: {  	s22 =	rddreg [dreg:$0xb]  }
0x489: {  	[hbm4b:s22+s1] =	stream.linear.scatter [tilespmem:s11], [sflag:$0x4], $0x3200, $0x38;
	[tilespmem:$0x1B260] =	vst v63  }
0x48a: {  	_ =	swait.ge [sflag:s7], $0x3200  }
0x48b: {  	[sflag:s7] =	ssyncset.done $0x0  }
0x48c: {  	[sflag:s7] =	ssyncadd.s32 $0xFFFFCE00  }
0x48d: {  	_ =	swait.ge [sflag:s7], $0x3200  }
0x48e: {  	s23 =	sld [smem:$0x7DB]  }
0x48f: {  	[sflag:s7] =	ssyncset.done $0x0  }
0x490: {  	s24 =	sld [smem:$0x7DC];
	[sflag:s7] =	ssyncadd.s32 $0xFFFFCE00  }
0x491: {  	[tilespmem:s10], [sflag:$0x2] =	stream.indirect.gather [spmem:s2], $0x20, s23, s9, $0xb8;
	[tilespmem:$0x1B260] =	vst v63  }
0x492: {  	_ = 	snop  }
0x493: {  	[tilespmem:s11], [sflag:$0x2] =	stream.indirect.gather [spmem:s3], $0x20, s24, s9, $0xb8;
	[tilespmem:$0x1B260] =	vst v63  }
0x494: {  	_ =	swait.ge [sflag:s8], $0x3200  }
0x495: {  	[sflag:s8] =	ssyncset.done $0x0  }
0x496: {  	[sflag:s8] =	ssyncadd.s32 $0xFFFFCE00  }
0x497: {  	_ =	swait.ge [sflag:s8], $0x3200  }
0x498: {  	[sflag:s8] =	ssyncset.done $0x0  }
0x499: {  	s25 =	rddreg [dreg:$0xc];
	[sflag:s8] =	ssyncadd.s32 $0xFFFFCE00  }
0x49a: {  	[hbm4b:s25+s1] =	stream.linear.scatter [tilespmem:s4], [sflag:$0x3], $0x3200, $0x38;
	[tilespmem:$0x1B260] =	vst v63  }
0x49b: {  	s26 =	rddreg [dreg:$0xd]  }
0x49c: {  	[hbm4b:s26+s1] =	stream.linear.scatter [tilespmem:s5], [sflag:$0x3], $0x3200, $0x38;
	[tilespmem:$0x1B260] =	vst v63  }
0x49d: {  	_ =	swait.ge [sflag:s6], $0x3200  }
0x49e: {  	[sflag:s6] =	ssyncset.done $0x0  }
0x49f: {  	[sflag:s6] =	ssyncadd.s32 $0xFFFFCE00  }
0x4a0: {  	_ =	swait.ge [sflag:s6], $0x3200  }
0x4a1: {  	s28 =	sld [smem:$0x7DD]  }
0x4a2: {  	[sflag:s6] =	ssyncset.done $0x0  }
0x4a3: {  	s31 =	sld [smem:$0x7DE];
	[sflag:s6] =	ssyncadd.s32 $0xFFFFCE00  }
0x4a4: {  	[tilespmem:s4], [sflag:$0x1] =	stream.indirect.gather [spmem:s2], $0x20, s28, s9, $0xb8;
	[tilespmem:$0x1B260] =	vst v63  }
0x4a5: {  	_ = 	snop  }
0x4a6: {  	[tilespmem:s5], [sflag:$0x1] =	stream.indirect.gather [spmem:s3], $0x20, s31, s9, $0xb8;
	[tilespmem:$0x1B260] =	vst v63  }
0x4a7: {  	_ =	swait.ge [sflag:s12], $0x3200  }
0x4a8: {  	[sflag:s12] =	ssyncset.done $0x0  }
0x4a9: {  	[sflag:s12] =	ssyncadd.s32 $0xFFFFCE00  }
0x4aa: {  	_ =	swait.ge [sflag:s12], $0x3200  }
0x4ab: {  	[sflag:s12] =	ssyncset.done $0x0  }
0x4ac: {  	s13 =	rddreg [dreg:$0xe];
	[sflag:s12] =	ssyncadd.s32 $0xFFFFCE00  }
0x4ad: {  	[hbm4b:s13+s1] =	stream.linear.scatter [tilespmem:s10], [sflag:$0x4], $0x3200, $0x38;
	[tilespmem:$0x1B260] =	vst v63  }
0x4ae: {  	s22 =	rddreg [dreg:$0xf]  }
0x4af: {  	[hbm4b:s22+s1] =	stream.linear.scatter [tilespmem:s11], [sflag:$0x4], $0x3200, $0x38;
	[tilespmem:$0x1B260] =	vst v63  }
0x4b0: {  	_ =	swait.ge [sflag:s7], $0x3200  }
0x4b1: {  	[sflag:s7] =	ssyncset.done $0x0  }
0x4b2: {  	[sflag:s7] =	ssyncadd.s32 $0xFFFFCE00  }
0x4b3: {  	_ =	swait.ge [sflag:s7], $0x3200  }
0x4b4: {  	s23 =	sld [smem:$0x7DF]  }
0x4b5: {  	[sflag:s7] =	ssyncset.done $0x0  }
0x4b6: {  	s24 =	sld [smem:$0x7E0];
	[sflag:s7] =	ssyncadd.s32 $0xFFFFCE00  }
0x4b7: {  	[tilespmem:s10], [sflag:$0x2] =	stream.indirect.gather [spmem:s2], $0x20, s23, s9, $0xb8;
	[tilespmem:$0x1B260] =	vst v63  }
0x4b8: {  	_ = 	snop  }
0x4b9: {  	[tilespmem:s11], [sflag:$0x2] =	stream.indirect.gather [spmem:s3], $0x20, s24, s9, $0xb8;
	[tilespmem:$0x1B260] =	vst v63  }
0x4ba: {  	_ =	swait.ge [sflag:s8], $0x3200  }
0x4bb: {  	[sflag:s8] =	ssyncset.done $0x0  }
0x4bc: {  	[sflag:s8] =	ssyncadd.s32 $0xFFFFCE00  }
0x4bd: {  	_ =	swait.ge [sflag:s8], $0x3200  }
0x4be: {  	[sflag:s8] =	ssyncset.done $0x0  }
0x4bf: {  	s25 =	rddreg [dreg:$0x10];
	[sflag:s8] =	ssyncadd.s32 $0xFFFFCE00  }
0x4c0: {  	[hbm4b:s25+s1] =	stream.linear.scatter [tilespmem:s4], [sflag:$0x3], $0x3200, $0x38;
	[tilespmem:$0x1B260] =	vst v63  }
0x4c1: {  	s26 =	rddreg [dreg:$0x11]  }
0x4c2: {  	[hbm4b:s26+s1] =	stream.linear.scatter [tilespmem:s5], [sflag:$0x3], $0x3200, $0x38;
	[tilespmem:$0x1B260] =	vst v63  }
0x4c3: {  	_ =	swait.ge [sflag:s6], $0x3200  }
0x4c4: {  	[sflag:s6] =	ssyncset.done $0x0  }
0x4c5: {  	[sflag:s6] =	ssyncadd.s32 $0xFFFFCE00  }
0x4c6: {  	_ =	swait.ge [sflag:s6], $0x3200  }
0x4c7: {  	s28 =	sld [smem:$0x7E1]  }
0x4c8: {  	[sflag:s6] =	ssyncset.done $0x0  }
0x4c9: {  	s31 =	sld [smem:$0x7E2];
	[sflag:s6] =	ssyncadd.s32 $0xFFFFCE00  }
0x4ca: {  	[tilespmem:s4], [sflag:$0x1] =	stream.indirect.gather [spmem:s2], $0x20, s28, s9, $0xb8;
	[tilespmem:$0x1B260] =	vst v63  }
0x4cb: {  	_ = 	snop  }
0x4cc: {  	[tilespmem:s5], [sflag:$0x1] =	stream.indirect.gather [spmem:s3], $0x20, s31, s9, $0xb8;
	[tilespmem:$0x1B260] =	vst v63  }
0x4cd: {  	_ =	swait.ge [sflag:s12], $0x3200  }
0x4ce: {  	[sflag:s12] =	ssyncset.done $0x0  }
0x4cf: {  	[sflag:s12] =	ssyncadd.s32 $0xFFFFCE00  }
0x4d0: {  	_ =	swait.ge [sflag:s12], $0x3200  }
0x4d1: {  	[sflag:s12] =	ssyncset.done $0x0  }
0x4d2: {  	s13 =	rddreg [dreg:$0x12];
	[sflag:s12] =	ssyncadd.s32 $0xFFFFCE00  }
0x4d3: {  	[hbm4b:s13+s1] =	stream.linear.scatter [tilespmem:s10], [sflag:$0x4], $0x3200, $0x38;
	[tilespmem:$0x1B260] =	vst v63  }
0x4d4: {  	s22 =	rddreg [dreg:$0x13]  }
0x4d5: {  	[hbm4b:s22+s1] =	stream.linear.scatter [tilespmem:s11], [sflag:$0x4], $0x3200, $0x38;
	[tilespmem:$0x1B260] =	vst v63  }
0x4d6: {  	_ =	swait.ge [sflag:s7], $0x3200  }
0x4d7: {  	[sflag:s7] =	ssyncset.done $0x0  }
0x4d8: {  	[sflag:s7] =	ssyncadd.s32 $0xFFFFCE00  }
0x4d9: {  	_ =	swait.ge [sflag:s7], $0x3200  }
0x4da: {  	s23 =	sld [smem:$0x7E3]  }
0x4db: {  	[sflag:s7] =	ssyncset.done $0x0  }
0x4dc: {  	s24 =	sld [smem:$0x7E4];
	[sflag:s7] =	ssyncadd.s32 $0xFFFFCE00  }
0x4dd: {  	[tilespmem:s10], [sflag:$0x2] =	stream.indirect.gather [spmem:s2], $0x20, s23, s9, $0xb8;
	[tilespmem:$0x1B260] =	vst v63  }
0x4de: {  	_ = 	snop  }
0x4df: {  	[tilespmem:s11], [sflag:$0x2] =	stream.indirect.gather [spmem:s3], $0x20, s24, s9, $0xb8;
	[tilespmem:$0x1B260] =	vst v63  }
0x4e0: {  	_ =	swait.ge [sflag:s8], $0x3200  }
0x4e1: {  	[sflag:s8] =	ssyncset.done $0x0  }
0x4e2: {  	[sflag:s8] =	ssyncadd.s32 $0xFFFFCE00  }
0x4e3: {  	_ =	swait.ge [sflag:s8], $0x3200  }
0x4e4: {  	[sflag:s8] =	ssyncset.done $0x0  }
0x4e5: {  	s25 =	rddreg [dreg:$0x14];
	[sflag:s8] =	ssyncadd.s32 $0xFFFFCE00  }
0x4e6: {  	[hbm4b:s25+s1] =	stream.linear.scatter [tilespmem:s4], [sflag:$0x3], $0x3200, $0x38;
	[tilespmem:$0x1B260] =	vst v63  }
0x4e7: {  	s26 =	rddreg [dreg:$0x15]  }
0x4e8: {  	[hbm4b:s26+s1] =	stream.linear.scatter [tilespmem:s5], [sflag:$0x3], $0x3200, $0x38;
	[tilespmem:$0x1B260] =	vst v63  }
0x4e9: {  	_ =	swait.ge [sflag:s6], $0x3200  }
0x4ea: {  	[sflag:s6] =	ssyncset.done $0x0  }
0x4eb: {  	[sflag:s6] =	ssyncadd.s32 $0xFFFFCE00  }
0x4ec: {  	_ =	swait.ge [sflag:s6], $0x3200  }
0x4ed: {  	s28 =	sld [smem:$0x7E5]  }
0x4ee: {  	[sflag:s6] =	ssyncset.done $0x0  }
0x4ef: {  	s31 =	sld [smem:$0x7E6];
	[sflag:s6] =	ssyncadd.s32 $0xFFFFCE00  }
0x4f0: {  	[tilespmem:s4], [sflag:$0x1] =	stream.indirect.gather [spmem:s2], $0x20, s28, s9, $0xb8;
	[tilespmem:$0x1B260] =	vst v63  }
0x4f1: {  	_ = 	snop  }
0x4f2: {  	[tilespmem:s5], [sflag:$0x1] =	stream.indirect.gather [spmem:s3], $0x20, s31, s9, $0xb8;
	[tilespmem:$0x1B260] =	vst v63  }
0x4f3: {  	_ =	swait.ge [sflag:s12], $0x3200  }
0x4f4: {  	[sflag:s12] =	ssyncset.done $0x0  }
0x4f5: {  	[sflag:s12] =	ssyncadd.s32 $0xFFFFCE00  }
0x4f6: {  	_ =	swait.ge [sflag:s12], $0x3200  }
0x4f7: {  	[sflag:s12] =	ssyncset.done $0x0  }
0x4f8: {  	s13 =	rddreg [dreg:$0x16];
	[sflag:s12] =	ssyncadd.s32 $0xFFFFCE00  }
0x4f9: {  	[hbm4b:s13+s1] =	stream.linear.scatter [tilespmem:s10], [sflag:$0x4], $0x3200, $0x38;
	[tilespmem:$0x1B260] =	vst v63  }
0x4fa: {  	s22 =	rddreg [dreg:$0x17]  }
0x4fb: {  	[hbm4b:s22+s1] =	stream.linear.scatter [tilespmem:s11], [sflag:$0x4], $0x3200, $0x38;
	[tilespmem:$0x1B260] =	vst v63  }
0x4fc: {  	_ =	swait.ge [sflag:s7], $0x3200  }
0x4fd: {  	[sflag:s7] =	ssyncset.done $0x0  }
0x4fe: {  	[sflag:s7] =	ssyncadd.s32 $0xFFFFCE00  }
0x4ff: {  	_ =	swait.ge [sflag:s7], $0x3200  }
0x500: {  	s23 =	sld [smem:$0x7E7]  }
0x501: {  	[sflag:s7] =	ssyncset.done $0x0  }
0x502: {  	s24 =	sld [smem:$0x7E8];
	[sflag:s7] =	ssyncadd.s32 $0xFFFFCE00  }
0x503: {  	[tilespmem:s10], [sflag:$0x2] =	stream.indirect.gather [spmem:s2], $0x20, s23, s9, $0xb8;
	[tilespmem:$0x1B260] =	vst v63  }
0x504: {  	_ = 	snop  }
0x505: {  	[tilespmem:s11], [sflag:$0x2] =	stream.indirect.gather [spmem:s3], $0x20, s24, s9, $0xb8;
	[tilespmem:$0x1B260] =	vst v63  }
0x506: {  	_ =	swait.ge [sflag:s8], $0x3200  }
0x507: {  	[sflag:s8] =	ssyncset.done $0x0  }
0x508: {  	[sflag:s8] =	ssyncadd.s32 $0xFFFFCE00  }
0x509: {  	_ =	swait.ge [sflag:s8], $0x3200  }
0x50a: {  	[sflag:s8] =	ssyncset.done $0x0  }
0x50b: {  	s25 =	rddreg [dreg:$0x18];
	[sflag:s8] =	ssyncadd.s32 $0xFFFFCE00  }
0x50c: {  	[hbm4b:s25+s1] =	stream.linear.scatter [tilespmem:s4], [sflag:$0x3], $0x3200, $0x38;
	[tilespmem:$0x1B260] =	vst v63  }
0x50d: {  	s26 =	rddreg [dreg:$0x19]  }
0x50e: {  	[hbm4b:s26+s1] =	stream.linear.scatter [tilespmem:s5], [sflag:$0x3], $0x3200, $0x38;
	[tilespmem:$0x1B260] =	vst v63  }
0x50f: {  	_ =	swait.ge [sflag:s6], $0x3200  }
0x510: {  	[sflag:s6] =	ssyncset.done $0x0  }
0x511: {  	[sflag:s6] =	ssyncadd.s32 $0xFFFFCE00  }
0x512: {  	_ =	swait.ge [sflag:s6], $0x3200  }
0x513: {  	s28 =	sld [smem:$0x7E9]  }
0x514: {  	[sflag:s6] =	ssyncset.done $0x0  }
0x515: {  	s31 =	sld [smem:$0x7EA];
	[sflag:s6] =	ssyncadd.s32 $0xFFFFCE00  }
0x516: {  	[tilespmem:s4], [sflag:$0x1] =	stream.indirect.gather [spmem:s2], $0x20, s28, s9, $0xb8;
	[tilespmem:$0x1B260] =	vst v63  }
0x517: {  	_ = 	snop  }
0x518: {  	[tilespmem:s5], [sflag:$0x1] =	stream.indirect.gather [spmem:s3], $0x20, s31, s9, $0xb8;
	[tilespmem:$0x1B260] =	vst v63  }
0x519: {  	_ =	swait.ge [sflag:s12], $0x3200  }
0x51a: {  	[sflag:s12] =	ssyncset.done $0x0  }
0x51b: {  	[sflag:s12] =	ssyncadd.s32 $0xFFFFCE00  }
0x51c: {  	_ =	swait.ge [sflag:s12], $0x3200  }
0x51d: {  	[sflag:s12] =	ssyncset.done $0x0  }
0x51e: {  	s13 =	rddreg [dreg:$0x1a];
	[sflag:s12] =	ssyncadd.s32 $0xFFFFCE00  }
0x51f: {  	[hbm4b:s13+s1] =	stream.linear.scatter [tilespmem:s10], [sflag:$0x4], $0x3200, $0x38;
	[tilespmem:$0x1B260] =	vst v63  }
0x520: {  	s22 =	rddreg [dreg:$0x1b]  }
0x521: {  	[hbm4b:s22+s1] =	stream.linear.scatter [tilespmem:s11], [sflag:$0x4], $0x3200, $0x38;
	[tilespmem:$0x1B260] =	vst v63  }
0x522: {  	_ =	swait.ge [sflag:s7], $0x3200  }
0x523: {  	[sflag:s7] =	ssyncset.done $0x0  }
0x524: {  	[sflag:s7] =	ssyncadd.s32 $0xFFFFCE00  }
0x525: {  	_ =	swait.ge [sflag:s7], $0x3200  }
0x526: {  	s23 =	sld [smem:$0x7EB]  }
0x527: {  	[sflag:s7] =	ssyncset.done $0x0  }
0x528: {  	s24 =	sld [smem:$0x7EC];
	[sflag:s7] =	ssyncadd.s32 $0xFFFFCE00  }
0x529: {  	[tilespmem:s10], [sflag:$0x2] =	stream.indirect.gather [spmem:s2], $0x20, s23, s9, $0xb8;
	[tilespmem:$0x1B260] =	vst v63  }
0x52a: {  	_ = 	snop  }
0x52b: {  	[tilespmem:s11], [sflag:$0x2] =	stream.indirect.gather [spmem:s3], $0x20, s24, s9, $0xb8;
	[tilespmem:$0x1B260] =	vst v63  }
0x52c: {  	_ =	swait.ge [sflag:s8], $0x3200  }
0x52d: {  	[sflag:s8] =	ssyncset.done $0x0  }
0x52e: {  	[sflag:s8] =	ssyncadd.s32 $0xFFFFCE00  }
0x52f: {  	_ =	swait.ge [sflag:s8], $0x3200  }
0x530: {  	[sflag:s8] =	ssyncset.done $0x0  }
0x531: {  	s25 =	rddreg [dreg:$0x1c];
	[sflag:s8] =	ssyncadd.s32 $0xFFFFCE00  }
0x532: {  	[hbm4b:s25+s1] =	stream.linear.scatter [tilespmem:s4], [sflag:$0x3], $0x3200, $0x38;
	[tilespmem:$0x1B260] =	vst v63  }
0x533: {  	s26 =	rddreg [dreg:$0x1d]  }
0x534: {  	[hbm4b:s26+s1] =	stream.linear.scatter [tilespmem:s5], [sflag:$0x3], $0x3200, $0x38;
	[tilespmem:$0x1B260] =	vst v63  }
0x535: {  	_ =	swait.ge [sflag:s6], $0x3200  }
0x536: {  	[sflag:s6] =	ssyncset.done $0x0  }
0x537: {  	[sflag:s6] =	ssyncadd.s32 $0xFFFFCE00  }
0x538: {  	_ =	swait.ge [sflag:s6], $0x3200  }
0x539: {  	s28 =	sld [smem:$0x7ED]  }
0x53a: {  	[sflag:s6] =	ssyncset.done $0x0  }
0x53b: {  	s31 =	sld [smem:$0x7EE];
	[sflag:s6] =	ssyncadd.s32 $0xFFFFCE00  }
0x53c: {  	[tilespmem:s4], [sflag:$0x1] =	stream.indirect.gather [spmem:s2], $0x20, s28, s9, $0xb8;
	[tilespmem:$0x1B260] =	vst v63  }
0x53d: {  	_ = 	snop  }
0x53e: {  	[tilespmem:s5], [sflag:$0x1] =	stream.indirect.gather [spmem:s3], $0x20, s31, s9, $0xb8;
	[tilespmem:$0x1B260] =	vst v63  }
0x53f: {  	_ =	swait.ge [sflag:s12], $0x3200  }
0x540: {  	[sflag:s12] =	ssyncset.done $0x0  }
0x541: {  	[sflag:s12] =	ssyncadd.s32 $0xFFFFCE00  }
0x542: {  	_ =	swait.ge [sflag:s12], $0x3200  }
0x543: {  	[sflag:s12] =	ssyncset.done $0x0  }
0x544: {  	s13 =	rddreg [dreg:$0x1e];
	[sflag:s12] =	ssyncadd.s32 $0xFFFFCE00  }
0x545: {  	[hbm4b:s13+s1] =	stream.linear.scatter [tilespmem:s10], [sflag:$0x4], $0x3200, $0x38;
	[tilespmem:$0x1B260] =	vst v63  }
0x546: {  	s22 =	rddreg [dreg:$0x1f]  }
0x547: {  	[hbm4b:s22+s1] =	stream.linear.scatter [tilespmem:s11], [sflag:$0x4], $0x3200, $0x38;
	[tilespmem:$0x1B260] =	vst v63  }
0x548: {  	_ =	swait.ge [sflag:s7], $0x3200  }
0x549: {  	[sflag:s7] =	ssyncset.done $0x0  }
0x54a: {  	[sflag:s7] =	ssyncadd.s32 $0xFFFFCE00  }
0x54b: {  	_ =	swait.ge [sflag:s7], $0x3200  }
0x54c: {  	s23 =	sld [smem:$0x7EF]  }
0x54d: {  	[sflag:s7] =	ssyncset.done $0x0  }
0x54e: {  	s24 =	sld [smem:$0x7F0];
	[sflag:s7] =	ssyncadd.s32 $0xFFFFCE00  }
0x54f: {  	[tilespmem:s10], [sflag:$0x2] =	stream.indirect.gather [spmem:s2], $0x20, s23, s9, $0xb8;
	[tilespmem:$0x1B260] =	vst v63  }
0x550: {  	_ = 	snop  }
0x551: {  	[tilespmem:s11], [sflag:$0x2] =	stream.indirect.gather [spmem:s3], $0x20, s24, s9, $0xb8;
	[tilespmem:$0x1B260] =	vst v63  }
0x552: {  	_ =	swait.ge [sflag:s8], $0x3200  }
0x553: {  	[sflag:s8] =	ssyncset.done $0x0  }
0x554: {  	[sflag:s8] =	ssyncadd.s32 $0xFFFFCE00  }
0x555: {  	_ =	swait.ge [sflag:s8], $0x3200  }
0x556: {  	s25 =	sld [smem:$0x7BD]  }
0x557: {  	[sflag:s8] =	ssyncset.done $0x0  }
0x558: {  	s26 =	sld [smem:$0x7BE];
	[sflag:s8] =	ssyncadd.s32 $0xFFFFCE00  }
0x559: {  	[hbm4b:s25+s1] =	stream.linear.scatter [tilespmem:s4], [sflag:$0x3], $0x3200, $0x38;
	[tilespmem:$0x1B260] =	vst v63  }
0x55a: {  	_ = 	snop  }
0x55b: {  	[hbm4b:s26+s1] =	stream.linear.scatter [tilespmem:s5], [sflag:$0x3], $0x3200, $0x38;
	[tilespmem:$0x1B260] =	vst v63  }
0x55c: {  	_ =	swait.ge [sflag:s6], $0x3200  }
0x55d: {  	[sflag:s6] =	ssyncset.done $0x0  }
0x55e: {  	[sflag:s6] =	ssyncadd.s32 $0xFFFFCE00  }
0x55f: {  	_ =	swait.ge [sflag:s6], $0x3200  }
0x560: {  	s28 =	sld [smem:$0x7F1]  }
0x561: {  	[sflag:s6] =	ssyncset.done $0x0  }
0x562: {  	s31 =	sld [smem:$0x7F2];
	[sflag:s6] =	ssyncadd.s32 $0xFFFFCE00  }
0x563: {  	[tilespmem:s4], [sflag:$0x1] =	stream.indirect.gather [spmem:s2], $0x20, s28, s9, $0xb8;
	[tilespmem:$0x1B260] =	vst v63  }
0x564: {  	_ = 	snop  }
0x565: {  	[tilespmem:s5], [sflag:$0x1] =	stream.indirect.gather [spmem:s3], $0x20, s31, s9, $0xb8;
	[tilespmem:$0x1B260] =	vst v63  }
0x566: {  	_ =	swait.ge [sflag:s12], $0x3200  }
0x567: {  	[sflag:s12] =	ssyncset.done $0x0  }
0x568: {  	[sflag:s12] =	ssyncadd.s32 $0xFFFFCE00  }
0x569: {  	_ =	swait.ge [sflag:s12], $0x3200  }
0x56a: {  	s13 =	sld [smem:$0x7BF]  }
0x56b: {  	[sflag:s12] =	ssyncset.done $0x0  }
0x56c: {  	s22 =	sld [smem:$0x7C0];
	[sflag:s12] =	ssyncadd.s32 $0xFFFFCE00  }
0x56d: {  	[hbm4b:s13+s1] =	stream.linear.scatter [tilespmem:s10], [sflag:$0x4], $0x3200, $0x38;
	[tilespmem:$0x1B260] =	vst v63  }
0x56e: {  	_ = 	snop  }
0x56f: {  	[hbm4b:s22+s1] =	stream.linear.scatter [tilespmem:s11], [sflag:$0x4], $0x3200, $0x38;
	[tilespmem:$0x1B260] =	vst v63  }
0x570: {  	_ =	swait.ge [sflag:s7], $0x3200  }
0x571: {  	[sflag:s7] =	ssyncset.done $0x0  }
0x572: {  	[sflag:s7] =	ssyncadd.s32 $0xFFFFCE00  }
0x573: {  	_ =	swait.ge [sflag:s7], $0x3200  }
0x574: {  	s23 =	sld [smem:$0x7F3]  }
0x575: {  	[sflag:s7] =	ssyncset.done $0x0  }
0x576: {  	s24 =	sld [smem:$0x7F4];
	[sflag:s7] =	ssyncadd.s32 $0xFFFFCE00  }
0x577: {  	[tilespmem:s10], [sflag:$0x2] =	stream.indirect.gather [spmem:s2], $0x20, s23, s9, $0xb8;
	[tilespmem:$0x1B260] =	vst v63  }
0x578: {  	_ = 	snop  }
0x579: {  	[tilespmem:s11], [sflag:$0x2] =	stream.indirect.gather [spmem:s3], $0x20, s24, s9, $0xb8;
	[tilespmem:$0x1B260] =	vst v63  }
0x57a: {  	_ =	swait.ge [sflag:s8], $0x3200  }
0x57b: {  	[sflag:s8] =	ssyncset.done $0x0  }
0x57c: {  	[sflag:s8] =	ssyncadd.s32 $0xFFFFCE00  }
0x57d: {  	_ =	swait.ge [sflag:s8], $0x3200  }
0x57e: {  	s25 =	sld [smem:$0x7C1]  }
0x57f: {  	[sflag:s8] =	ssyncset.done $0x0  }
0x580: {  	s26 =	sld [smem:$0x7C2];
	[sflag:s8] =	ssyncadd.s32 $0xFFFFCE00  }
0x581: {  	[hbm4b:s25+s1] =	stream.linear.scatter [tilespmem:s4], [sflag:$0x3], $0x3200, $0x38;
	[tilespmem:$0x1B260] =	vst v63  }
0x582: {  	_ = 	snop  }
0x583: {  	[hbm4b:s26+s1] =	stream.linear.scatter [tilespmem:s5], [sflag:$0x3], $0x3200, $0x38;
	[tilespmem:$0x1B260] =	vst v63  }
0x584: {  	_ =	swait.ge [sflag:s6], $0x3200  }
0x585: {  	[sflag:s6] =	ssyncset.done $0x0  }
0x586: {  	[sflag:s6] =	ssyncadd.s32 $0xFFFFCE00  }
0x587: {  	_ =	swait.ge [sflag:s6], $0x3200  }
0x588: {  	s28 =	sld [smem:$0x7F5]  }
0x589: {  	[sflag:s6] =	ssyncset.done $0x0  }
0x58a: {  	s31 =	sld [smem:$0x7F6];
	[sflag:s6] =	ssyncadd.s32 $0xFFFFCE00  }
0x58b: {  	[tilespmem:s4], [sflag:$0x1] =	stream.indirect.gather [spmem:s2], $0x20, s28, s9, $0xb8;
	[tilespmem:$0x1B260] =	vst v63  }
0x58c: {  	_ = 	snop  }
0x58d: {  	[tilespmem:s5], [sflag:$0x1] =	stream.indirect.gather [spmem:s3], $0x20, s31, s9, $0xb8;
	[tilespmem:$0x1B260] =	vst v63  }
0x58e: {  	_ =	swait.ge [sflag:s12], $0x3200  }
0x58f: {  	[sflag:s12] =	ssyncset.done $0x0  }
0x590: {  	[sflag:s12] =	ssyncadd.s32 $0xFFFFCE00  }
0x591: {  	_ =	swait.ge [sflag:s12], $0x3200  }
0x592: {  	s13 =	sld [smem:$0x7C3]  }
0x593: {  	[sflag:s12] =	ssyncset.done $0x0  }
0x594: {  	s22 =	sld [smem:$0x7C4];
	[sflag:s12] =	ssyncadd.s32 $0xFFFFCE00  }
0x595: {  	[hbm4b:s13+s1] =	stream.linear.scatter [tilespmem:s10], [sflag:$0x4], $0x3200, $0x38;
	[tilespmem:$0x1B260] =	vst v63  }
0x596: {  	_ = 	snop  }
0x597: {  	[hbm4b:s22+s1] =	stream.linear.scatter [tilespmem:s11], [sflag:$0x4], $0x3200, $0x38;
	[tilespmem:$0x1B260] =	vst v63  }
0x598: {  	_ =	swait.ge [sflag:s7], $0x3200  }
0x599: {  	[sflag:s7] =	ssyncset.done $0x0  }
0x59a: {  	[sflag:s7] =	ssyncadd.s32 $0xFFFFCE00  }
0x59b: {  	_ =	swait.ge [sflag:s7], $0x3200  }
0x59c: {  	s23 =	sld [smem:$0x7F7]  }
0x59d: {  	[sflag:s7] =	ssyncset.done $0x0  }
0x59e: {  	s24 =	sld [smem:$0x7F8];
	[sflag:s7] =	ssyncadd.s32 $0xFFFFCE00  }
0x59f: {  	[tilespmem:s10], [sflag:$0x2] =	stream.indirect.gather [spmem:s2], $0x20, s23, s9, $0xb8;
	[tilespmem:$0x1B260] =	vst v63  }
0x5a0: {  	_ = 	snop  }
0x5a1: {  	[tilespmem:s11], [sflag:$0x2] =	stream.indirect.gather [spmem:s3], $0x20, s24, s9, $0xb8;
	[tilespmem:$0x1B260] =	vst v63  }
0x5a2: {  	_ =	swait.ge [sflag:s8], $0x3200  }
0x5a3: {  	[sflag:s8] =	ssyncset.done $0x0  }
0x5a4: {  	[sflag:s8] =	ssyncadd.s32 $0xFFFFCE00  }
0x5a5: {  	_ =	swait.ge [sflag:s8], $0x3200  }
0x5a6: {  	s25 =	sld [smem:$0x7C5]  }
0x5a7: {  	[sflag:s8] =	ssyncset.done $0x0  }
0x5a8: {  	s26 =	sld [smem:$0x7C6];
	[sflag:s8] =	ssyncadd.s32 $0xFFFFCE00  }
0x5a9: {  	[hbm4b:s25+s1] =	stream.linear.scatter [tilespmem:s4], [sflag:$0x3], $0x3200, $0x38;
	[tilespmem:$0x1B260] =	vst v63  }
0x5aa: {  	_ = 	snop  }
0x5ab: {  	[hbm4b:s26+s1] =	stream.linear.scatter [tilespmem:s5], [sflag:$0x3], $0x3200, $0x38;
	[tilespmem:$0x1B260] =	vst v63  }
0x5ac: {  	_ =	swait.ge [sflag:s6], $0x3200  }
0x5ad: {  	[sflag:s6] =	ssyncset.done $0x0  }
0x5ae: {  	[sflag:s6] =	ssyncadd.s32 $0xFFFFCE00  }
0x5af: {  	_ =	swait.ge [sflag:s6], $0x3200  }
0x5b0: {  	s28 =	sld [smem:$0x7F9]  }
0x5b1: {  	[sflag:s6] =	ssyncset.done $0x0  }
0x5b2: {  	s31 =	sld [smem:$0x7FA];
	[sflag:s6] =	ssyncadd.s32 $0xFFFFCE00  }
0x5b3: {  	[tilespmem:s4], [sflag:$0x1] =	stream.indirect.gather [spmem:s2], $0x20, s28, s9, $0xb8;
	[tilespmem:$0x1B260] =	vst v63  }
0x5b4: {  	_ = 	snop  }
0x5b5: {  	[tilespmem:s5], [sflag:$0x1] =	stream.indirect.gather [spmem:s3], $0x20, s31, s9, $0xb8;
	[tilespmem:$0x1B260] =	vst v63  }
0x5b6: {  	_ =	swait.ge [sflag:s12], $0x3200  }
0x5b7: {  	[sflag:s12] =	ssyncset.done $0x0  }
0x5b8: {  	[sflag:s12] =	ssyncadd.s32 $0xFFFFCE00  }
0x5b9: {  	_ =	swait.ge [sflag:s12], $0x3200  }
0x5ba: {  	s13 =	sld [smem:$0x7C7]  }
0x5bb: {  	[sflag:s12] =	ssyncset.done $0x0  }
0x5bc: {  	s22 =	sld [smem:$0x7C8];
	[sflag:s12] =	ssyncadd.s32 $0xFFFFCE00  }
0x5bd: {  	[hbm4b:s13+s1] =	stream.linear.scatter [tilespmem:s10], [sflag:$0x4], $0x3200, $0x38;
	[tilespmem:$0x1B260] =	vst v63  }
0x5be: {  	_ = 	snop  }
0x5bf: {  	[hbm4b:s22+s1] =	stream.linear.scatter [tilespmem:s11], [sflag:$0x4], $0x3200, $0x38;
	[tilespmem:$0x1B260] =	vst v63  }
0x5c0: {  	_ =	swait.ge [sflag:s7], $0x3200  }
0x5c1: {  	[sflag:s7] =	ssyncset.done $0x0  }
0x5c2: {  	[sflag:s7] =	ssyncadd.s32 $0xFFFFCE00  }
0x5c3: {  	_ =	swait.ge [sflag:s7], $0x3200  }
0x5c4: {  	s23 =	sld [smem:$0x7FB]  }
0x5c5: {  	[sflag:s7] =	ssyncset.done $0x0  }
0x5c6: {  	s24 =	sld [smem:$0x7FC];
	[sflag:s7] =	ssyncadd.s32 $0xFFFFCE00  }
0x5c7: {  	[tilespmem:s10], [sflag:$0x2] =	stream.indirect.gather [spmem:s2], $0x20, s23, s9, $0xb8;
	[tilespmem:$0x1B260] =	vst v63  }
0x5c8: {  	_ = 	snop  }
0x5c9: {  	[tilespmem:s11], [sflag:$0x2] =	stream.indirect.gather [spmem:s3], $0x20, s24, s9, $0xb8;
	[tilespmem:$0x1B260] =	vst v63  }
0x5ca: {  	_ =	swait.ge [sflag:s8], $0x3200  }
0x5cb: {  	[sflag:s8] =	ssyncset.done $0x0  }
0x5cc: {  	[sflag:s8] =	ssyncadd.s32 $0xFFFFCE00  }
0x5cd: {  	_ =	swait.ge [sflag:s8], $0x3200  }
0x5ce: {  	s25 =	sld [smem:$0x7C9]  }
0x5cf: {  	[sflag:s8] =	ssyncset.done $0x0  }
0x5d0: {  	s26 =	sld [smem:$0x7CA];
	[sflag:s8] =	ssyncadd.s32 $0xFFFFCE00  }
0x5d1: {  	[hbm4b:s25+s1] =	stream.linear.scatter [tilespmem:s4], [sflag:$0x3], $0x3200, $0x38;
	[tilespmem:$0x1B260] =	vst v63  }
0x5d2: {  	_ = 	snop  }
0x5d3: {  	[hbm4b:s26+s1] =	stream.linear.scatter [tilespmem:s5], [sflag:$0x3], $0x3200, $0x38;
	[tilespmem:$0x1B260] =	vst v63  }
0x5d4: {  	_ =	swait.ge [sflag:s6], $0x3200  }
0x5d5: {  	[sflag:s6] =	ssyncset.done $0x0  }
0x5d6: {  	[sflag:s6] =	ssyncadd.s32 $0xFFFFCE00  }
0x5d7: {  	_ =	swait.ge [sflag:s6], $0x3200  }
0x5d8: {  	s28 =	sld [smem:$0x7FD]  }
0x5d9: {  	[sflag:s6] =	ssyncset.done $0x0  }
0x5da: {  	[sflag:s6] =	ssyncadd.s32 $0xFFFFCE00  }
0x5db: {  	[tilespmem:s4], [sflag:$0x1] =	stream.indirect.gather [spmem:s2], $0x20, s28, s9, $0xb8;
	[tilespmem:$0x1B260] =	vst v63  }
0x5dc: {  	_ = 	snop  }
0x5dd: {  	[tilespmem:s5], [sflag:$0x1] =	stream.indirect.gather [spmem:s3], $0x20, s30, s9, $0xb8;
	[tilespmem:$0x1B260] =	vst v63  }
0x5de: {  	_ =	swait.ge [sflag:s12], $0x3200  }
0x5df: {  	[sflag:s12] =	ssyncset.done $0x0  }
0x5e0: {  	[sflag:s12] =	ssyncadd.s32 $0xFFFFCE00  }
0x5e1: {  	_ =	swait.ge [sflag:s12], $0x3200  }
0x5e2: {  	s30 =	sld [smem:$0x7CB]  }
0x5e3: {  	[sflag:s12] =	ssyncset.done $0x0  }
0x5e4: {  	s31 =	sld [smem:$0x7CC];
	[sflag:s12] =	ssyncadd.s32 $0xFFFFCE00  }
0x5e5: {  	[hbm4b:s30+s1] =	stream.linear.scatter [tilespmem:s10], [sflag:$0x4], $0x3200, $0x38;
	[tilespmem:$0x1B260] =	vst v63  }
0x5e6: {  	_ = 	snop  }
0x5e7: {  	[hbm4b:s31+s1] =	stream.linear.scatter [tilespmem:s11], [sflag:$0x4], $0x3200, $0x38;
	[tilespmem:$0x1B260] =	vst v63  }
0x5e8: {  	_ =	swait.ge [sflag:s7], $0x3200  }
0x5e9: {  	[sflag:s7] =	ssyncset.done $0x0  }
0x5ea: {  	[sflag:s7] =	ssyncadd.s32 $0xFFFFCE00  }
0x5eb: {  	_ =	swait.ge [sflag:s7], $0x3200  }
0x5ec: {  	[sflag:s7] =	ssyncset.done $0x0  }
0x5ed: {  	[sflag:s7] =	ssyncadd.s32 $0xFFFFCE00  }
0x5ee: {  	[tilespmem:s10], [sflag:$0x2] =	stream.indirect.gather [spmem:s2], $0x20, s20, s9, $0xb8;
	[tilespmem:$0x1B260] =	vst v63  }
0x5ef: {  	_ = 	snop  }
0x5f0: {  	[tilespmem:s11], [sflag:$0x2] =	stream.indirect.gather [spmem:s3], $0x20, s21, s9, $0xb8;
	[tilespmem:$0x1B260] =	vst v63  }
0x5f1: {  	_ =	swait.ge [sflag:s8], $0x3200  }
0x5f2: {  	[sflag:s8] =	ssyncset.done $0x0  }
0x5f3: {  	[sflag:s8] =	ssyncadd.s32 $0xFFFFCE00  }
0x5f4: {  	_ =	swait.ge [sflag:s8], $0x3200  }
0x5f5: {  	s20 =	sld [smem:$0x7CD]  }
0x5f6: {  	[sflag:s8] =	ssyncset.done $0x0  }
0x5f7: {  	s21 =	sld [smem:$0x7CE];
	[sflag:s8] =	ssyncadd.s32 $0xFFFFCE00  }
0x5f8: {  	[hbm4b:s20+s1] =	stream.linear.scatter [tilespmem:s4], [sflag:$0x3], $0x3200, $0x38;
	[tilespmem:$0x1B260] =	vst v63  }
0x5f9: {  	_ = 	snop  }
0x5fa: {  	[hbm4b:s21+s1] =	stream.linear.scatter [tilespmem:s5], [sflag:$0x3], $0x3200, $0x38;
	[tilespmem:$0x1B260] =	vst v63  }
0x5fb: {  	_ =	swait.ge [sflag:s6], $0x3200  }
0x5fc: {  	[sflag:s6] =	ssyncset.done $0x0  }
0x5fd: {  	[sflag:s6] =	ssyncadd.s32 $0xFFFFCE00  }
0x5fe: {  	_ =	swait.ge [sflag:s6], $0x3200  }
0x5ff: {  	[sflag:s6] =	ssyncset.done $0x0  }
0x600: {  	[sflag:s6] =	ssyncadd.s32 $0xFFFFCE00  }
0x601: {  	[tilespmem:s4], [sflag:$0x1] =	stream.indirect.gather [spmem:s2], $0x20, s18, s9, $0xb8;
	[tilespmem:$0x1B260] =	vst v63  }
0x602: {  	_ = 	snop  }
0x603: {  	[tilespmem:s5], [sflag:$0x1] =	stream.indirect.gather [spmem:s3], $0x20, s19, s9, $0xb8;
	[tilespmem:$0x1B260] =	vst v63  }
0x604: {  	_ =	swait.ge [sflag:s12], $0x3200  }
0x605: {  	[sflag:s12] =	ssyncset.done $0x0  }
0x606: {  	[sflag:s12] =	ssyncadd.s32 $0xFFFFCE00  }
0x607: {  	_ =	swait.ge [sflag:s12], $0x3200  }
0x608: {  	s22 =	sld [smem:$0x7CF]  }
0x609: {  	[sflag:s12] =	ssyncset.done $0x0  }
0x60a: {  	s23 =	sld [smem:$0x7D0];
	[sflag:s12] =	ssyncadd.s32 $0xFFFFCE00  }
0x60b: {  	[hbm4b:s22+s1] =	stream.linear.scatter [tilespmem:s10], [sflag:$0x4], $0x3200, $0x38;
	[tilespmem:$0x1B260] =	vst v63  }
0x60c: {  	_ = 	snop  }
0x60d: {  	[hbm4b:s23+s1] =	stream.linear.scatter [tilespmem:s11], [sflag:$0x4], $0x3200, $0x38;
	[tilespmem:$0x1B260] =	vst v63  }
0x60e: {  	_ =	swait.ge [sflag:s7], $0x3200  }
0x60f: {  	[sflag:s7] =	ssyncset.done $0x0  }
0x610: {  	[sflag:s7] =	ssyncadd.s32 $0xFFFFCE00  }
0x611: {  	_ =	swait.ge [sflag:s7], $0x3200  }
0x612: {  	[sflag:s7] =	ssyncset.done $0x0  }
0x613: {  	[sflag:s7] =	ssyncadd.s32 $0xFFFFCE00  }
0x614: {  	[tilespmem:s10], [sflag:$0x2] =	stream.indirect.gather [spmem:s2], $0x20, s16, s9, $0xb8;
	[tilespmem:$0x1B260] =	vst v63  }
0x615: {  	_ = 	snop  }
0x616: {  	[tilespmem:s11], [sflag:$0x2] =	stream.indirect.gather [spmem:s3], $0x20, s17, s9, $0xb8;
	[tilespmem:$0x1B260] =	vst v63  }
0x617: {  	_ =	swait.ge [sflag:s8], $0x3200  }
0x618: {  	[sflag:s8] =	ssyncset.done $0x0  }
0x619: {  	[sflag:s8] =	ssyncadd.s32 $0xFFFFCE00  }
0x61a: {  	_ =	swait.ge [sflag:s8], $0x3200  }
0x61b: {  	s24 =	sld [smem:$0x7D1]  }
0x61c: {  	[sflag:s8] =	ssyncset.done $0x0  }
0x61d: {  	s25 =	sld [smem:$0x7D2];
	[sflag:s8] =	ssyncadd.s32 $0xFFFFCE00  }
0x61e: {  	[hbm4b:s24+s1] =	stream.linear.scatter [tilespmem:s4], [sflag:$0x3], $0x3200, $0x38;
	[tilespmem:$0x1B260] =	vst v63  }
0x61f: {  	_ = 	snop  }
0x620: {  	[hbm4b:s25+s1] =	stream.linear.scatter [tilespmem:s5], [sflag:$0x3], $0x3200, $0x38;
	[tilespmem:$0x1B260] =	vst v63  }
0x621: {  	_ =	swait.ge [sflag:s6], $0x3200  }
0x622: {  	[sflag:s6] =	ssyncset.done $0x0  }
0x623: {  	[sflag:s6] =	ssyncadd.s32 $0xFFFFCE00  }
0x624: {  	_ =	swait.ge [sflag:s6], $0x3200  }
0x625: {  	[sflag:s6] =	ssyncset.done $0x0  }
0x626: {  	[sflag:s6] =	ssyncadd.s32 $0xFFFFCE00  }
0x627: {  	[tilespmem:s4], [sflag:$0x1] =	stream.indirect.gather [spmem:s2], $0x20, s14, s9, $0xb8;
	[tilespmem:$0x1B260] =	vst v63  }
0x628: {  	_ = 	snop  }
0x629: {  	[tilespmem:s5], [sflag:$0x1] =	stream.indirect.gather [spmem:s3], $0x20, s15, s9, $0xb8;
	[tilespmem:$0x1B260] =	vst v63  }
0x62a: {  	_ =	swait.ge [sflag:s12], $0x3200  }
0x62b: {  	[sflag:s12] =	ssyncset.done $0x0  }
0x62c: {  	[sflag:s12] =	ssyncadd.s32 $0xFFFFCE00  }
0x62d: {  	_ =	swait.ge [sflag:s12], $0x3200  }
0x62e: {  	s26 =	sld [smem:$0x7D3]  }
0x62f: {  	[sflag:s12] =	ssyncset.done $0x0  }
0x630: {  	s28 =	sld [smem:$0x7D4];
	[sflag:s12] =	ssyncadd.s32 $0xFFFFCE00  }
0x631: {  	[hbm4b:s26+s1] =	stream.linear.scatter [tilespmem:s10], [sflag:$0x4], $0x3200, $0x38;
	[tilespmem:$0x1B260] =	vst v63  }
0x632: {  	_ = 	snop  }
0x633: {  	[hbm4b:s28+s1] =	stream.linear.scatter [tilespmem:s11], [sflag:$0x4], $0x3200, $0x38;
	[tilespmem:$0x1B260] =	vst v63  }
0x634: {  	_ =	swait.ge [sflag:s8], $0x3200  }
0x635: {  	[sflag:s8] =	ssyncset.done $0x0  }
0x636: {  	[sflag:s8] =	ssyncadd.s32 $0xFFFFCE00  }
0x637: {  	_ =	swait.ge [sflag:s8], $0x3200  }
0x638: {  	s30 =	sld [smem:$0x7D5]  }
0x639: {  	[sflag:s8] =	ssyncset.done $0x0  }
0x63a: {  	s31 =	sld [smem:$0x7D6];
	[sflag:s8] =	ssyncadd.s32 $0xFFFFCE00  }
0x63b: {  	[hbm4b:s30+s1] =	stream.linear.scatter [tilespmem:s4], [sflag:$0x3], $0x3200, $0x38;
	[tilespmem:$0x1B260] =	vst v63  }
0x63c: {  	_ = 	snop  }
0x63d: {  	[hbm4b:s31+s1] =	stream.linear.scatter [tilespmem:s5], [sflag:$0x3], $0x3200, $0x38;
	[tilespmem:$0x1B260] =	vst v63  }
0x63e: {  	_ =	swait.ge [sflag:s7], $0x3200  }
0x63f: {  	[sflag:s7] =	ssyncset.done $0x0  }
0x640: {  	[sflag:s7] =	ssyncadd.s32 $0xFFFFCE00  }
0x641: {  	_ =	swait.ge [sflag:s7], $0x3200  }
0x642: {  	[sflag:s7] =	ssyncset.done $0x0  }
0x643: {  	[sflag:s7] =	ssyncadd.s32 $0xFFFFCE00  }
0x644: {  	_ =	swait.ge [sflag:s6], $0x3200  }
0x645: {  	[sflag:s6] =	ssyncset.done $0x0  }
0x646: {  	[sflag:s6] =	ssyncadd.s32 $0xFFFFCE00  }
0x647: {  	_ =	swait.ge [sflag:s6], $0x3200  }
0x648: {  	[sflag:s6] =	ssyncset.done $0x0  }
0x649: {  	[sflag:s6] =	ssyncadd.s32 $0xFFFFCE00  }
0x64a: {  	_ =	sfence.sel $0x180000  }
0x64b: {  	[bflag:$0x0] =	sbarrier.arrive $0xFFFF  }
0x64c: {  	_ =	strace $0x90000047  }
0x64d: {  	s0 =	sadd.s32 @!p0 $0x100000, s29;
	[bflag:$0x2] =	sbarrier.arrive $0xFFFF  }
0x64e: {  	[sflag:s0] =	ssyncadd.tile.s32 @!p0 $0x1;
	_ =	shalt  }
.LBB2_1:
.Ltmp3:
0x64f: {  	(pc) =	sbr.rel .LBB2_6-.Ltmp3, $4  }
0x650: {  	_ = 	snop  }
0x651: {  	s30 =	simm.s32 $0xE290;
	s21 =	simm.s32 $0xE420;
	s20 =	simm.s32 $0xBD10  }
0x652: {  	s19 =	simm.s32 $0xE5B0;
	s18 =	simm.s32 $0xBEA0;
	s17 =	simm.s32 $0xE740  }
0x653: {  	s16 =	simm.s32 $0xC030;
	s15 =	simm.s32 $0xE8D0;
	s14 =	simm.s32 $0xC1C0  }
.LBB2_3:
.Ltmp4:
0x654: {  	(pc) =	sbr.rel .LBB2_6-.Ltmp4, $4  }
0x655: {  	s30 =	simm.s32 $0xE290  }
0x656: {  	s21 =	simm.s32 $0xE420;
	s20 =	simm.s32 $0xBD10;
	s19 =	simm.s32 $0xE5B0  }
0x657: {  	s18 =	simm.s32 $0xBEA0;
	s17 =	simm.s32 $0xE740;
	s16 =	simm.s32 $0xC030  }
0x658: {  	s15 =	simm.s32 $0xE8D0;
	s14 =	simm.s32 $0xC1C0;
	s29 =	rddreg [dreg:$0x4]  }
.Lfunc_end2:
_tile_overlayer_lowered:
.L_overlay_start_2:
0x659: {  	(tag) =	ssettag $0x2  }
0x65a: {  	s0 =	rddreg [dreg:$0x0];
	s2 =	stileid.u32  }
0x65b: {  	s1 =	rddreg [dreg:$0x1];
	p0 =	sne.s32 s2, $0x0  }
0x65c: {  	s3 =	rddreg [dreg:$0x2];
	[bflag:$0x3] =	sbarrier.arrive $0xFFFF;
	s2 =	simm.s32 @!p0 $0x1C05  }
0x65d: {  	[timem:s3], [sflag:s2] =	dma.local @!p0 [hbm:s0], s1  }
0x65e: {  	s0 =	simm.s32 @!p0 $0x5  }
0x65f: {  	_ =	swait.ge @!p0 [sflag:s0], s1  }
0x660: {  	s1 =	ssub.s32 @!p0 $0x0, s1;
	[sflag:s0] =	ssyncset.done @!p0 $0x0  }
0x661: {  	[sflag:s0] =	ssyncadd.s32 @!p0 s1  }
0x662: {  	[bflag:$0x3] =	sbarrier.arrive $0xFFFF  }
0x663: {  	_ =	shalt  }

</sc_bundles>
